<compile_context>
chip_gen: v7x
topology: tpu7x:2x2x1
jax: 0.10.2.dev20260603
libtpu: 0.0.44.dev20260713+nightly
codegen_flags: <defaults>
</compile_context>

<pallas_src>
import functools

import jax
import jax.numpy as jnp
from jax import lax
from jax.experimental import pallas as pl
from jax.experimental.pallas import tpu as pltpu
from jax.experimental.pallas import tpu_sc as plsc

N = 10000
E = 160000
D = 256
G = 64
GP = 128
OUT = 128

NSLAB = 32
B = 125
K = 40
EP = NSLAB * K * B
NBUF = 2
NP = 10240
STRIPE = NP // 16
R = 1024
NBLK = NP // R


@functools.cache
def _mesh():
    return plsc.VectorSubcoreMesh(core_axis_name="c", subcore_axis_name="s")


@functools.cache
def _make_sc_deg():
    @functools.partial(
        pl.kernel,
        out_type=jax.ShapeDtypeStruct((2, NP), jnp.float32),
        mesh=_mesh(),
        scratch_types=[
            pltpu.VMEM((K, B), jnp.int32),
            pltpu.VMEM((B,), jnp.float32),
            pltpu.VMEM_SHARED((NP,), jnp.float32),
        ],
    )
    def _sc_deg(dst_hbm, zeros_hbm, out_hbm, idx_v, ones_v, acc_sh):
        cid = lax.axis_index("c")
        sid = lax.axis_index("s")
        for i in range(B // 16):
            ones_v[pl.ds(i * 16, 16)] = jnp.ones((16,), jnp.float32)
        ones_v[pl.ds(B - 16, 16)] = jnp.ones((16,), jnp.float32)
        pltpu.sync_copy(zeros_hbm, acc_sh.at[pl.ds(sid * STRIPE, STRIPE)])
        plsc.subcore_barrier()
        slab = cid * 16 + sid
        pltpu.sync_copy(dst_hbm.at[slab], idx_v)

        def body(j, carry):
            pltpu.sync_copy(ones_v, acc_sh.at[idx_v.at[j]], add=True)
            return carry

        lax.fori_loop(0, K, body, 0)
        plsc.subcore_barrier()
        pltpu.sync_copy(acc_sh.at[pl.ds(sid * STRIPE, STRIPE)],
                        out_hbm.at[cid].at[pl.ds(sid * STRIPE, STRIPE)])

    return _sc_deg


@functools.cache
def _make_sc_prop(n_chunks):
    chunks_per_core = n_chunks // 2

    @functools.partial(
        pl.kernel,
        out_type=jax.ShapeDtypeStruct((n_chunks, NP, 128), jnp.float32),
        mesh=_mesh(),
        scratch_types=[
            pltpu.VMEM((K, B), jnp.int32),
            pltpu.VMEM((K, B), jnp.int32),
            pltpu.VMEM((NBUF, B, 128), jnp.float32),
            pltpu.VMEM_SHARED((NP, 128), jnp.float32),
            pltpu.SemaphoreType.DMA,
            pltpu.SemaphoreType.DMA,
        ],
    )
    def _sc_prop(h_hbm, src_hbm, dst_hbm, out_hbm,
                 src_v, dst_v, rows_v, acc_sh, gsem, ssem):
        cid = lax.axis_index("c")
        sid = lax.axis_index("s")
        row0 = sid * STRIPE

        def zbody(r, carry):
            for c in range(128 // 16):
                rows_v[0, r, pl.ds(c * 16, 16)] = jnp.zeros((16,), jnp.float32)
            return carry

        def zero_stripe():
            lax.fori_loop(0, B, zbody, 0)
            nfull = STRIPE // B
            for q in range(nfull):
                pltpu.sync_copy(rows_v.at[0],
                                acc_sh.at[pl.ds(row0 + q * B, B), :])
            rem = STRIPE - nfull * B
            if rem:
                pltpu.sync_copy(rows_v.at[0, pl.ds(0, rem)],
                                acc_sh.at[pl.ds(row0 + nfull * B, rem), :])

        for cc in range(chunks_per_core):
            chunk = cid * chunks_per_core + cc
            zero_stripe()
            plsc.subcore_barrier()
            for half in range(2):
                slab = sid + 16 * half
                pltpu.sync_copy(src_hbm.at[slab], src_v)
                pltpu.sync_copy(dst_hbm.at[slab], dst_v)

                def gather(j):
                    pltpu.async_copy(
                        h_hbm.at[chunk].at[src_v.at[j]],
                        rows_v.at[lax.rem(j, NBUF)], gsem)

                def gather_wait(j):
                    pltpu.make_async_copy(
                        h_hbm.at[chunk].at[src_v.at[j]],
                        rows_v.at[lax.rem(j, NBUF)], gsem).wait()

                def scatter(j):
                    pltpu.async_copy(
                        rows_v.at[lax.rem(j, NBUF)],
                        acc_sh.at[dst_v.at[j]], ssem, add=True)

                def scatter_wait(j):
                    pltpu.make_async_copy(
                        rows_v.at[lax.rem(j, NBUF)],
                        acc_sh.at[dst_v.at[j]], ssem).wait()

                for j in range(NBUF - 1):
                    gather(j)
                gather_wait(0)
                scatter(0)
                gather(NBUF - 1)

                def body(j, carry):
                    gather_wait(j)
                    scatter_wait(j - 1)
                    scatter(j)
                    gather(j + NBUF - 1)
                    return carry

                lax.fori_loop(1, K - NBUF + 1, body, 0)
                for j in range(K - NBUF + 1, K):
                    gather_wait(j)
                    scatter_wait(j - 1)
                    scatter(j)
                scatter_wait(K - 1)
            plsc.subcore_barrier()
            pltpu.sync_copy(acc_sh.at[pl.ds(row0, STRIPE), :],
                            out_hbm.at[chunk].at[pl.ds(row0, STRIPE), :])
            if cc + 1 < chunks_per_core:
                plsc.subcore_barrier()

    return _sc_prop



def _tc_prep_body(degp_ref, x_ref, dinv_ref, h0p_ref):
    deg = degp_ref[0] + degp_ref[1] + 1.0
    d = lax.rsqrt(deg)
    dinv_ref[...] = d
    for c in range(2):
        h0p_ref[c] = d * x_ref[:, c * 128:(c + 1) * 128]


def _tc_prep(degp, x_pad):
    return pl.pallas_call(
        _tc_prep_body,
        grid=(NBLK,),
        in_specs=[
            pl.BlockSpec((2, R, 1), lambda i: (0, i, 0)),
            pl.BlockSpec((R, D), lambda i: (i, 0)),
        ],
        out_specs=[
            pl.BlockSpec((R, 1), lambda i: (i, 0)),
            pl.BlockSpec((2, R, 128), lambda i: (0, i, 0)),
        ],
        out_shape=[
            jax.ShapeDtypeStruct((NP, 1), jnp.float32),
            jax.ShapeDtypeStruct((2, NP, 128), jnp.float32),
        ],
    )(degp, x_pad)


def _tc_gcn1_body(s_ref, hp_ref, dinv_ref, w_ref, b_ref, out_ref):
    d = dinv_ref[...]
    acc = b_ref[...].astype(jnp.float32)
    for c in range(2):
        p = d * (s_ref[c] + hp_ref[c])
        acc = acc + jnp.dot(p, w_ref[c], preferred_element_type=jnp.float32)
    h1 = d * jax.nn.relu(acc)
    for c in range(4):
        out_ref[c] = h1[:, c * 128:(c + 1) * 128]


def _tc_gcn1(s0, h0p, dinv, w, b):
    return pl.pallas_call(
        _tc_gcn1_body,
        grid=(NBLK,),
        in_specs=[
            pl.BlockSpec((2, R, 128), lambda i: (0, i, 0)),
            pl.BlockSpec((2, R, 128), lambda i: (0, i, 0)),
            pl.BlockSpec((R, 1), lambda i: (i, 0)),
            pl.BlockSpec((2, 128, 512), lambda i: (0, 0, 0)),
            pl.BlockSpec((1, 512), lambda i: (0, 0)),
        ],
        out_specs=pl.BlockSpec((4, R, 128), lambda i: (0, i, 0)),
        out_shape=jax.ShapeDtypeStruct((4, NP, 128), jnp.float32),
    )(s0, h0p, dinv, w, b)


def _tc_tail_body(s_ref, hp_ref, dinv_ref, batch_ref,
                  wg_ref, bg_ref, wf0_ref, bf0_ref, wf1_ref, bf1_ref,
                  wfc_ref, bfc_ref, out_ref, pool_acc, cnt_acc):
    i = pl.program_id(0)

    @pl.when(i == 0)
    def _():
        pool_acc[...] = jnp.zeros_like(pool_acc)
        cnt_acc[...] = jnp.zeros_like(cnt_acc)

    d = dinv_ref[...]
    acc = bg_ref[...].astype(jnp.float32)
    for c in range(4):
        p = d * (s_ref[c] + hp_ref[c])
        acc = acc + jnp.dot(p, wg_ref[c], preferred_element_type=jnp.float32)
    h2 = jax.nn.relu(acc)
    h3 = jax.nn.relu(jnp.dot(h2, wf0_ref[...],
                             preferred_element_type=jnp.float32) + bf0_ref[...])
    h4 = jax.nn.relu(jnp.dot(h3, wf1_ref[...],
                             preferred_element_type=jnp.float32) + bf1_ref[...])
    gids = lax.broadcasted_iota(jnp.int32, (R, GP), 1)
    oh = (batch_ref[...] == gids).astype(jnp.float32)
    dn = (((0,), (0,)), ((), ()))
    pool_acc[...] += lax.dot_general(oh, h4, dn,
                                     preferred_element_type=jnp.float32)
    cnt_acc[...] += lax.dot_general(oh, jnp.ones((R, 1), jnp.float32), dn,
                                    preferred_element_type=jnp.float32)

    @pl.when(i == pl.num_programs(0) - 1)
    def _():
        pooled = pool_acc[0:G, :] / jnp.maximum(cnt_acc[0:G, :], 1.0)
        out_ref[...] = jnp.dot(pooled, wfc_ref[...],
                               preferred_element_type=jnp.float32) + bfc_ref[...]


def _tc_tail(s1, h1p, dinv, batch_pad, wg, bg, wf0, bf0, wf1, bf1, wfc, bfc):
    return pl.pallas_call(
        _tc_tail_body,
        grid=(NBLK,),
        in_specs=[
            pl.BlockSpec((4, R, 128), lambda i: (0, i, 0)),
            pl.BlockSpec((4, R, 128), lambda i: (0, i, 0)),
            pl.BlockSpec((R, 1), lambda i: (i, 0)),
            pl.BlockSpec((R, 1), lambda i: (i, 0)),
            pl.BlockSpec((4, 128, 512), lambda i: (0, 0, 0)),
            pl.BlockSpec((1, 512), lambda i: (0, 0)),
            pl.BlockSpec((512, 512), lambda i: (0, 0)),
            pl.BlockSpec((1, 512), lambda i: (0, 0)),
            pl.BlockSpec((512, 256), lambda i: (0, 0)),
            pl.BlockSpec((1, 256), lambda i: (0, 0)),
            pl.BlockSpec((256, 128), lambda i: (0, 0)),
            pl.BlockSpec((1, 128), lambda i: (0, 0)),
        ],
        out_specs=pl.BlockSpec((G, OUT), lambda i: (0, 0)),
        out_shape=jax.ShapeDtypeStruct((G, OUT), jnp.float32),
        scratch_shapes=[
            pltpu.VMEM((GP, 256), jnp.float32),
            pltpu.VMEM((GP, 1), jnp.float32),
        ],
        compiler_params=pltpu.CompilerParams(
            dimension_semantics=("arbitrary",)),
    )(s1, h1p, dinv, batch_pad, wg, bg, wf0, bf0, wf1, bf1, wfc, bfc)



def kernel(x, edge_index, batch, W_g0, b_g0, W_g1, b_g1,
           W_f0, b_f0, W_f1, b_f1, W_fc, b_fc):
    x_pad = jnp.zeros((NP, D), jnp.float32).at[:N].set(x)
    src = edge_index[0].reshape(NSLAB, K, B)
    dst = edge_index[1].reshape(NSLAB, K, B)
    batch_pad = jnp.full((NP,), G, jnp.int32).at[:N].set(batch).reshape(NP, 1)
    zvec = jnp.zeros((STRIPE,), jnp.float32)

    degp = _make_sc_deg()(dst, zvec)
    dinv, h0p = _tc_prep(degp.reshape(2, NP, 1), x_pad)
    s0 = _make_sc_prop(2)(h0p, src, dst)
    h1p = _tc_gcn1(s0, h0p, dinv,
                   W_g0.reshape(2, 128, 512), b_g0.reshape(1, 512))
    s1 = _make_sc_prop(4)(h1p, src, dst)
    out = _tc_tail(s1, h1p, dinv, batch_pad,
                   W_g1.reshape(4, 128, 512), b_g1.reshape(1, 512),
                   W_f0, b_f0.reshape(1, 512),
                   W_f1, b_f1.reshape(1, 256),
                   W_fc, b_fc.reshape(1, 128))
    return out

# --- scband reference (transcript-rebuilt; emitter-appended) ---
"""Pipeline reference for scband-encoder-gnnmodel-68015102099529 (READ-ONLY COPY).

The authoritative reference and input builder live on the scoring server;
editing this copy changes nothing except your own understanding.
"""

import jax, jax.numpy as jnp
import numpy as np

N = 10000
E = 160000
D = 256
G = 64
GH = [512, 512]
FH = [512, 256]
OUT = 128


def setup_inputs(seed=0) -> dict:
    key = jax.random.key(seed)
    ks = jax.random.split(key, 16)
    inp = {}
    inp["x"] = jax.random.normal(ks[0], (N, D), dtype=jnp.float32)
    inp["edge_index"] = jax.random.randint(ks[1], (2, E), 0, N, dtype=jnp.int32)
    inp["batch"] = jnp.sort(jax.random.randint(ks[2], (N,), 0, G, dtype=jnp.int32))
    def w(k, fan_in, shape):
        bound = 1.0 / np.sqrt(fan_in)
        return jax.random.uniform(k, shape, dtype=jnp.float32, minval=-bound, maxval=bound)
    # GCN layer params (W: [in, out], b: [out])
    inp["W_g0"] = w(ks[3], D, (D, GH[0]))
    inp["b_g0"] = w(ks[4], D, (GH[0],))
    inp["W_g1"] = w(ks[5], GH[0], (GH[0], GH[1]))
    inp["b_g1"] = w(ks[6], GH[0], (GH[1],))
    # FCN params
    inp["W_f0"] = w(ks[7], GH[1], (GH[1], FH[0]))
    inp["b_f0"] = w(ks[8], GH[1], (FH[0],))
    inp["W_f1"] = w(ks[9], FH[0], (FH[0], FH[1]))
    inp["b_f1"] = w(ks[10], FH[0], (FH[1],))
    inp["W_fc"] = w(ks[11], FH[1], (FH[1], OUT))
    inp["b_fc"] = w(ks[12], FH[1], (OUT,))
    return inp


def _gcn_conv(x, edge_index, W, b):
    n = x.shape[0]
    loop = jnp.arange(n, dtype=edge_index.dtype)
    src = jnp.concatenate([edge_index[0], loop])
    dst = jnp.concatenate([edge_index[1], loop])
    deg = jnp.zeros((n,), dtype=x.dtype).at[dst].add(1.0)
    dinv = jnp.where(deg > 0, jax.lax.rsqrt(jnp.maximum(deg, 1e-12)), 0.0)
    norm = dinv[src] * dinv[dst]
    h = x @ W
    msg = h[src] * norm[:, None]
    out = jnp.zeros_like(h).at[dst].add(msg)
    return out + b


def reference(x, edge_index, batch, W_g0, b_g0, W_g1, b_g1, W_f0, b_f0, W_f1, b_f1, W_fc, b_fc):
    h = _gcn_conv(x, edge_index, W_g0, b_g0)
    h = jax.nn.relu(h)
    h = _gcn_conv(h, edge_index, W_g1, b_g1)
    h = jax.nn.relu(h)
    h = jax.nn.relu(h @ W_f0 + b_f0)
    h = jax.nn.relu(h @ W_f1 + b_f1)
    # global_mean_pool over graph assignment `batch`
    sums = jax.ops.segment_sum(h, batch, num_segments=G)
    counts = jnp.zeros((G,), dtype=h.dtype).at[batch].add(1.0)
    pooled = sums / jnp.maximum(counts, 1.0)[:, None]
    return pooled @ W_fc + b_fc

if __name__ == "__main__":
    import jax
    _d = setup_inputs()
    print(jax.jit(kernel)(*tuple(_d.values())))

</pallas_src>

<mosaic_0001>
#map = affine_map<(d0, d1) -> (0, 0, 0)>
#map1 = affine_map<(d0, d1) -> (0)>
#map2 = affine_map<(d0, d1) -> (0, 0)>
module attributes {stable_mosaic.version = 14 : i64} {
  func.func @_sc_deg(%arg0: i32, %arg1: i32, %arg2: memref<32x40x125xi32, #tpu.memory_space<hbm>>, %arg3: memref<640xf32, #tpu.memory_space<hbm>>, %arg4: memref<2x10240xf32, #tpu.memory_space<hbm>>, %arg5: memref<40x125xi32, #tpu.memory_space<vmem>>, %arg6: memref<125xf32, #tpu.memory_space<vmem>>, %arg7: memref<10240xf32, #tpu.memory_space<vmem_shared>>) attributes {dimension_semantics = [#tpu.dimension_semantics<core_parallel>, #tpu.dimension_semantics<subcore_parallel>], iteration_bounds = array<i64: 2, 16>, scalar_prefetch = 0 : i64, scratch_operands = 3 : i64, tpu.core_type = #tpu.core_type<sc_vector_subcore>, window_params = [{transform_indices = #map}, {transform_indices = #map1}, {transform_indices = #map2}]} {
    %broadcast_in_dim3A = arith.constant 1.000000e+00 : f32
    %broadcast_in_dim3A_0 = vector.broadcast %broadcast_in_dim3A : f32 to vector<16xf32>
    %swap3A = arith.constant 0 : index
    %swap3A_1 = tpu.vector_load %arg6[%swap3A] {strides = array<i32>} : memref<125xf32, #tpu.memory_space<vmem>>, vector<16xf32>,
    %swap3A_2 = vector.shape_cast %swap3A_1 : vector<16xf32> to vector<16xf32>
    %swap3A_3 = vector.shape_cast %broadcast_in_dim3A_0 : vector<16xf32> to vector<16xf32>
    tpu.vector_store %arg6[%swap3A], %swap3A_3 {strides = array<i32>} : memref<125xf32, #tpu.memory_space<vmem>>, vector<16xf32>,
    %broadcast_in_dim3A_4 = arith.constant 1.000000e+00 : f32
    %broadcast_in_dim3A_5 = vector.broadcast %broadcast_in_dim3A_4 : f32 to vector<16xf32>
    %swap3A_6 = arith.constant 16 : index
    %swap3A_7 = tpu.vector_load %arg6[%swap3A_6] {strides = array<i32>} : memref<125xf32, #tpu.memory_space<vmem>>, vector<16xf32>,
    %swap3A_8 = vector.shape_cast %swap3A_7 : vector<16xf32> to vector<16xf32>
    %swap3A_9 = vector.shape_cast %broadcast_in_dim3A_5 : vector<16xf32> to vector<16xf32>
    tpu.vector_store %arg6[%swap3A_6], %swap3A_9 {strides = array<i32>} : memref<125xf32, #tpu.memory_space<vmem>>, vector<16xf32>,
    %broadcast_in_dim3A_10 = arith.constant 1.000000e+00 : f32
    %broadcast_in_dim3A_11 = vector.broadcast %broadcast_in_dim3A_10 : f32 to vector<16xf32>
    %swap3A_12 = arith.constant 32 : index
    %swap3A_13 = tpu.vector_load %arg6[%swap3A_12] {strides = array<i32>} : memref<125xf32, #tpu.memory_space<vmem>>, vector<16xf32>,
    %swap3A_14 = vector.shape_cast %swap3A_13 : vector<16xf32> to vector<16xf32>
    %swap3A_15 = vector.shape_cast %broadcast_in_dim3A_11 : vector<16xf32> to vector<16xf32>
    tpu.vector_store %arg6[%swap3A_12], %swap3A_15 {strides = array<i32>} : memref<125xf32, #tpu.memory_space<vmem>>, vector<16xf32>,
    %broadcast_in_dim3A_16 = arith.constant 1.000000e+00 : f32
    %broadcast_in_dim3A_17 = vector.broadcast %broadcast_in_dim3A_16 : f32 to vector<16xf32>
    %swap3A_18 = arith.constant 48 : index
    %swap3A_19 = tpu.vector_load %arg6[%swap3A_18] {strides = array<i32>} : memref<125xf32, #tpu.memory_space<vmem>>, vector<16xf32>,
    %swap3A_20 = vector.shape_cast %swap3A_19 : vector<16xf32> to vector<16xf32>
    %swap3A_21 = vector.shape_cast %broadcast_in_dim3A_17 : vector<16xf32> to vector<16xf32>
    tpu.vector_store %arg6[%swap3A_18], %swap3A_21 {strides = array<i32>} : memref<125xf32, #tpu.memory_space<vmem>>, vector<16xf32>,
    %broadcast_in_dim3A_22 = arith.constant 1.000000e+00 : f32
    %broadcast_in_dim3A_23 = vector.broadcast %broadcast_in_dim3A_22 : f32 to vector<16xf32>
    %swap3A_24 = arith.constant 64 : index
    %swap3A_25 = tpu.vector_load %arg6[%swap3A_24] {strides = array<i32>} : memref<125xf32, #tpu.memory_space<vmem>>, vector<16xf32>,
    %swap3A_26 = vector.shape_cast %swap3A_25 : vector<16xf32> to vector<16xf32>
    %swap3A_27 = vector.shape_cast %broadcast_in_dim3A_23 : vector<16xf32> to vector<16xf32>
    tpu.vector_store %arg6[%swap3A_24], %swap3A_27 {strides = array<i32>} : memref<125xf32, #tpu.memory_space<vmem>>, vector<16xf32>,
    %broadcast_in_dim3A_28 = arith.constant 1.000000e+00 : f32
    %broadcast_in_dim3A_29 = vector.broadcast %broadcast_in_dim3A_28 : f32 to vector<16xf32>
    %swap3A_30 = arith.constant 80 : index
    %swap3A_31 = tpu.vector_load %arg6[%swap3A_30] {strides = array<i32>} : memref<125xf32, #tpu.memory_space<vmem>>, vector<16xf32>,
    %swap3A_32 = vector.shape_cast %swap3A_31 : vector<16xf32> to vector<16xf32>
    %swap3A_33 = vector.shape_cast %broadcast_in_dim3A_29 : vector<16xf32> to vector<16xf32>
    tpu.vector_store %arg6[%swap3A_30], %swap3A_33 {strides = array<i32>} : memref<125xf32, #tpu.memory_space<vmem>>, vector<16xf32>,
    %broadcast_in_dim3A_34 = arith.constant 1.000000e+00 : f32
    %broadcast_in_dim3A_35 = vector.broadcast %broadcast_in_dim3A_34 : f32 to vector<16xf32>
    %swap3A_36 = arith.constant 96 : index
    %swap3A_37 = tpu.vector_load %arg6[%swap3A_36] {strides = array<i32>} : memref<125xf32, #tpu.memory_space<vmem>>, vector<16xf32>,
    %swap3A_38 = vector.shape_cast %swap3A_37 : vector<16xf32> to vector<16xf32>
    %swap3A_39 = vector.shape_cast %broadcast_in_dim3A_35 : vector<16xf32> to vector<16xf32>
    tpu.vector_store %arg6[%swap3A_36], %swap3A_39 {strides = array<i32>} : memref<125xf32, #tpu.memory_space<vmem>>, vector<16xf32>,
    %broadcast_in_dim3A_40 = arith.constant 1.000000e+00 : f32
    %broadcast_in_dim3A_41 = vector.broadcast %broadcast_in_dim3A_40 : f32 to vector<16xf32>
    %swap3A_42 = arith.constant 109 : index
    %swap3A_43 = tpu.vector_load %arg6[%swap3A_42] {strides = array<i32>} : memref<125xf32, #tpu.memory_space<vmem>>, vector<16xf32>,
    %swap3A_44 = vector.shape_cast %swap3A_43 : vector<16xf32> to vector<16xf32>
    %swap3A_45 = vector.shape_cast %broadcast_in_dim3A_41 : vector<16xf32> to vector<16xf32>
    tpu.vector_store %arg6[%swap3A_42], %swap3A_45 {strides = array<i32>} : memref<125xf32, #tpu.memory_space<vmem>>, vector<16xf32>,
    %mul3A = arith.constant 640 : i32
    %mul3A_46 = arith.muli %arg1, %mul3A : i32
    "tpu.region"() ({
      %run_scoped3A = tpu.sem_alloc : memref<!tpu.dma_semaphore, #tpu.memory_space<semaphore_mem>>
      %dma_start3A = tpu.memref_slice %arg7[%mul3A_46] : memref<10240xf32, #tpu.memory_space<vmem_shared>> -> memref<640xf32, #tpu.memory_space<vmem_shared>>
      tpu.enqueue_dma source(%arg3 : memref<640xf32, #tpu.memory_space<hbm>>) target(%dma_start3A : memref<640xf32, #tpu.memory_space<vmem_shared>>) target_semaphore(%run_scoped3A : memref<!tpu.dma_semaphore, #tpu.memory_space<semaphore_mem>>)
      %dma_wait3A = tpu.memref_slice %arg7[%mul3A_46] : memref<10240xf32, #tpu.memory_space<vmem_shared>> -> memref<640xf32, #tpu.memory_space<vmem_shared>>
      tpu.wait_dma2 semaphore(%run_scoped3A : memref<!tpu.dma_semaphore, #tpu.memory_space<semaphore_mem>>) src(%arg3 : memref<640xf32, #tpu.memory_space<hbm>>) dst(%dma_wait3A : memref<640xf32, #tpu.memory_space<vmem_shared>>)
      tpu.yield
    }) : () -> ()
    %barrier3A = arith.constant 0 : index
    tpu.barrier barrier_id(%barrier3A)
    %mul3A_47 = arith.constant 16 : i32
    %mul3A_48 = arith.muli %arg0, %mul3A_47 : i32
    %add3A = arith.addi %mul3A_48, %arg1 : i32
    "tpu.region"() ({
      %run_scoped3A = tpu.sem_alloc : memref<!tpu.dma_semaphore, #tpu.memory_space<semaphore_mem>>
      %dma_start3A = arith.constant 0 : i32
      %dma_start3A_59 = arith.constant 0 : i32
      %dma_start3A_60 = tpu.memref_slice %arg2[%add3A, %dma_start3A, %dma_start3A_59] : memref<32x40x125xi32, #tpu.memory_space<hbm>> -> memref<1x40x125xi32, #tpu.memory_space<hbm>>
      %dma_start3A_61 = tpu.memref_squeeze %dma_start3A_60 : memref<1x40x125xi32, #tpu.memory_space<hbm>> -> memref<40x125xi32, #tpu.memory_space<hbm>>
      %dma_start3A_62 = arith.constant 0 : i32
      %dma_start3A_63 = arith.constant 0 : i32
      %dma_start3A_64 = tpu.memref_slice %arg2[%add3A, %dma_start3A_62, %dma_start3A_63] : memref<32x40x125xi32, #tpu.memory_space<hbm>> -> memref<1x40x125xi32, #tpu.memory_space<hbm>>
      %dma_start3A_65 = tpu.memref_squeeze %dma_start3A_64 : memref<1x40x125xi32, #tpu.memory_space<hbm>> -> memref<40x125xi32, #tpu.memory_space<hbm>>
      tpu.enqueue_dma source(%dma_start3A_65 : memref<40x125xi32, #tpu.memory_space<hbm>>) target(%arg5 : memref<40x125xi32, #tpu.memory_space<vmem>>) target_semaphore(%run_scoped3A : memref<!tpu.dma_semaphore, #tpu.memory_space<semaphore_mem>>)
      %dma_wait3A = arith.constant 0 : i32
      %dma_wait3A_66 = arith.constant 0 : i32
      %dma_wait3A_67 = tpu.memref_slice %arg2[%add3A, %dma_wait3A, %dma_wait3A_66] : memref<32x40x125xi32, #tpu.memory_space<hbm>> -> memref<1x40x125xi32, #tpu.memory_space<hbm>>
      %dma_wait3A_68 = tpu.memref_squeeze %dma_wait3A_67 : memref<1x40x125xi32, #tpu.memory_space<hbm>> -> memref<40x125xi32, #tpu.memory_space<hbm>>
      %dma_wait3A_69 = arith.constant 0 : i32
      %dma_wait3A_70 = arith.constant 0 : i32
      %dma_wait3A_71 = tpu.memref_slice %arg2[%add3A, %dma_wait3A_69, %dma_wait3A_70] : memref<32x40x125xi32, #tpu.memory_space<hbm>> -> memref<1x40x125xi32, #tpu.memory_space<hbm>>
      %dma_wait3A_72 = tpu.memref_squeeze %dma_wait3A_71 : memref<1x40x125xi32, #tpu.memory_space<hbm>> -> memref<40x125xi32, #tpu.memory_space<hbm>>
      tpu.wait_dma2 semaphore(%run_scoped3A : memref<!tpu.dma_semaphore, #tpu.memory_space<semaphore_mem>>) src(%dma_wait3A_72 : memref<40x125xi32, #tpu.memory_space<hbm>>) dst(%arg5 : memref<40x125xi32, #tpu.memory_space<vmem>>)
      tpu.yield
    }) : () -> ()
    %scan3A = arith.constant 0 : i32
    %scan3A_49 = arith.constant 0 : i32
    %scan3A_50 = arith.constant 40 : i32
    %scan3A_51 = arith.addi %scan3A_49, %scan3A_50 : i32
    %scan3A_52 = arith.constant 1 : i32
    scf.for %scan3A_59 = %scan3A_49 to %scan3A_51 step %scan3A_52  : i32 {
      "tpu.region"() ({
        %run_scoped3A = tpu.sem_alloc : memref<!tpu.dma_semaphore, #tpu.memory_space<semaphore_mem>>
        %dma_start3A = arith.constant 0 : i32
        %dma_start3A_60 = tpu.memref_slice %arg5[%scan3A_59, %dma_start3A] : memref<40x125xi32, #tpu.memory_space<vmem>> -> memref<1x125xi32, #tpu.memory_space<vmem>>
        %dma_start3A_61 = tpu.memref_squeeze %dma_start3A_60 : memref<1x125xi32, #tpu.memory_space<vmem>> -> memref<125xi32, #tpu.memory_space<vmem>>
        %dma_start3A_62 = arith.constant 0 : i32
        %dma_start3A_63 = tpu.memref_slice %arg7[%dma_start3A_62] : memref<10240xf32, #tpu.memory_space<vmem_shared>> -> memref<10240xf32, #tpu.memory_space<vmem_shared>>
        tpu.enqueue_indirect_dma source(%arg6 : memref<125xf32, #tpu.memory_space<vmem>>) target(%dma_start3A_63 : memref<10240xf32, #tpu.memory_space<vmem_shared>>) offsets(%dma_start3A_61 : memref<125xi32, #tpu.memory_space<vmem>>) semaphore(%run_scoped3A : memref<!tpu.dma_semaphore, #tpu.memory_space<semaphore_mem>>) {add = true}
        %dma_wait3A = arith.constant 0 : i32
        %dma_wait3A_64 = tpu.memref_slice %arg5[%scan3A_59, %dma_wait3A] : memref<40x125xi32, #tpu.memory_space<vmem>> -> memref<1x125xi32, #tpu.memory_space<vmem>>
        %dma_wait3A_65 = tpu.memref_squeeze %dma_wait3A_64 : memref<1x125xi32, #tpu.memory_space<vmem>> -> memref<125xi32, #tpu.memory_space<vmem>>
        %dma_wait3A_66 = arith.constant 0 : i32
        %dma_wait3A_67 = tpu.memref_slice %arg7[%dma_wait3A_66] : memref<10240xf32, #tpu.memory_space<vmem_shared>> -> memref<10240xf32, #tpu.memory_space<vmem_shared>>
        tpu.wait_indirect_dma semaphore(%run_scoped3A : memref<!tpu.dma_semaphore, #tpu.memory_space<semaphore_mem>>) src(%arg6 : memref<125xf32, #tpu.memory_space<vmem>>) dst(%dma_wait3A_67 : memref<10240xf32, #tpu.memory_space<vmem_shared>>)
        tpu.yield
      }) : () -> ()
    }
    %scan3A_53 = arith.constant 40 : i32
    %barrier3A_54 = arith.constant 0 : index
    tpu.barrier barrier_id(%barrier3A_54)
    %mul3A_55 = arith.constant 640 : i32
    %mul3A_56 = arith.muli %arg1, %mul3A_55 : i32
    %mul3A_57 = arith.constant 640 : i32
    %mul3A_58 = arith.muli %arg1, %mul3A_57 : i32
    "tpu.region"() ({
      %run_scoped3A = tpu.sem_alloc : memref<!tpu.dma_semaphore, #tpu.memory_space<semaphore_mem>>
      %dma_start3A = arith.constant 0 : i32
      %dma_start3A_59 = tpu.memref_slice %arg4[%arg0, %dma_start3A] : memref<2x10240xf32, #tpu.memory_space<hbm>> -> memref<1x10240xf32, #tpu.memory_space<hbm>>
      %dma_start3A_60 = tpu.memref_squeeze %dma_start3A_59 : memref<1x10240xf32, #tpu.memory_space<hbm>> -> memref<10240xf32, #tpu.memory_space<hbm>>
      %dma_start3A_61 = tpu.memref_slice %dma_start3A_60[%mul3A_58] : memref<10240xf32, #tpu.memory_space<hbm>> -> memref<640xf32, #tpu.memory_space<hbm>>
      %dma_start3A_62 = tpu.memref_slice %arg7[%mul3A_56] : memref<10240xf32, #tpu.memory_space<vmem_shared>> -> memref<640xf32, #tpu.memory_space<vmem_shared>>
      tpu.enqueue_dma source(%dma_start3A_62 : memref<640xf32, #tpu.memory_space<vmem_shared>>) target(%dma_start3A_61 : memref<640xf32, #tpu.memory_space<hbm>>) target_semaphore(%run_scoped3A : memref<!tpu.dma_semaphore, #tpu.memory_space<semaphore_mem>>)
      %dma_wait3A = arith.constant 0 : i32
      %dma_wait3A_63 = tpu.memref_slice %arg4[%arg0, %dma_wait3A] : memref<2x10240xf32, #tpu.memory_space<hbm>> -> memref<1x10240xf32, #tpu.memory_space<hbm>>
      %dma_wait3A_64 = tpu.memref_squeeze %dma_wait3A_63 : memref<1x10240xf32, #tpu.memory_space<hbm>> -> memref<10240xf32, #tpu.memory_space<hbm>>
      %dma_wait3A_65 = tpu.memref_slice %dma_wait3A_64[%mul3A_58] : memref<10240xf32, #tpu.memory_space<hbm>> -> memref<640xf32, #tpu.memory_space<hbm>>
      %dma_wait3A_66 = tpu.memref_slice %arg7[%mul3A_56] : memref<10240xf32, #tpu.memory_space<vmem_shared>> -> memref<640xf32, #tpu.memory_space<vmem_shared>>
      tpu.wait_dma2 semaphore(%run_scoped3A : memref<!tpu.dma_semaphore, #tpu.memory_space<semaphore_mem>>) src(%dma_wait3A_66 : memref<640xf32, #tpu.memory_space<vmem_shared>>) dst(%dma_wait3A_65 : memref<640xf32, #tpu.memory_space<hbm>>)
      tpu.yield
    }) : () -> ()
    return
  }
}

#map = affine_map<(d0, d1) -> (0, 0, 0)>
module attributes {stable_mosaic.version = 14 : i64} {
  func.func @_sc_prop(%arg0: i32, %arg1: i32, %arg2: memref<4x10240x128xf32, #tpu.memory_space<hbm>>, %arg3: memref<32x40x125xi32, #tpu.memory_space<hbm>>, %arg4: memref<32x40x125xi32, #tpu.memory_space<hbm>>, %arg5: memref<4x10240x128xf32, #tpu.memory_space<hbm>>, %arg6: memref<40x125xi32, #tpu.memory_space<vmem>>, %arg7: memref<40x125xi32, #tpu.memory_space<vmem>>, %arg8: memref<2x125x128xf32, #tpu.memory_space<vmem>>, %arg9: memref<10240x128xf32, #tpu.memory_space<vmem_shared>>, %arg10: memref<!tpu.dma_semaphore, #tpu.memory_space<semaphore_mem>>, %arg11: memref<!tpu.dma_semaphore, #tpu.memory_space<semaphore_mem>>) attributes {dimension_semantics = [#tpu.dimension_semantics<core_parallel>, #tpu.dimension_semantics<subcore_parallel>], iteration_bounds = array<i64: 2, 16>, scalar_prefetch = 0 : i64, scratch_operands = 6 : i64, tpu.core_type = #tpu.core_type<sc_vector_subcore>, window_params = [{transform_indices = #map}, {transform_indices = #map}, {transform_indices = #map}, {transform_indices = #map}]} {
    %mul3A = arith.constant 640 : i32
    %mul3A_0 = arith.muli %arg1, %mul3A : i32
    %mul3A_1 = arith.constant 2 : i32
    %mul3A_2 = arith.muli %arg0, %mul3A_1 : i32
    %add3A = arith.constant 0 : i32
    %add3A_3 = arith.addi %mul3A_2, %add3A : i32
    %scan3A = arith.constant 0 : i32
    %scan3A_4 = arith.constant 0 : i32
    %scan3A_5 = arith.constant 125 : i32
    %scan3A_6 = arith.addi %scan3A_4, %scan3A_5 : i32
    %scan3A_7 = arith.constant 1 : i32
    scf.for %scan3A_599 = %scan3A_4 to %scan3A_6 step %scan3A_7  : i32 {
      %broadcast_in_dim3A = arith.constant 0.000000e+00 : f32
      %broadcast_in_dim3A_600 = vector.broadcast %broadcast_in_dim3A : f32 to vector<16xf32>
      %swap3A = arith.constant 0 : i32
      %swap3A_601 = arith.index_cast %swap3A : i32 to index
      %swap3A_602 = arith.index_cast %scan3A_599 : i32 to index
      %swap3A_603 = arith.constant 0 : index
      %swap3A_604 = tpu.vector_load %arg8[%swap3A_601, %swap3A_602, %swap3A_603] {strides = array<i32>} : memref<2x125x128xf32, #tpu.memory_space<vmem>>, vector<1x1x16xf32>,
      %swap3A_605 = vector.shape_cast %swap3A_604 : vector<1x1x16xf32> to vector<16xf32>
      %swap3A_606 = vector.shape_cast %broadcast_in_dim3A_600 : vector<16xf32> to vector<1x1x16xf32>
      tpu.vector_store %arg8[%swap3A_601, %swap3A_602, %swap3A_603], %swap3A_606 {strides = array<i32>} : memref<2x125x128xf32, #tpu.memory_space<vmem>>, vector<1x1x16xf32>,
      %broadcast_in_dim3A_607 = arith.constant 0.000000e+00 : f32
      %broadcast_in_dim3A_608 = vector.broadcast %broadcast_in_dim3A_607 : f32 to vector<16xf32>
      %swap3A_609 = arith.constant 0 : i32
      %swap3A_610 = arith.index_cast %swap3A_609 : i32 to index
      %swap3A_611 = arith.index_cast %scan3A_599 : i32 to index
      %swap3A_612 = arith.constant 16 : index
      %swap3A_613 = tpu.vector_load %arg8[%swap3A_610, %swap3A_611, %swap3A_612] {strides = array<i32>} : memref<2x125x128xf32, #tpu.memory_space<vmem>>, vector<1x1x16xf32>,
      %swap3A_614 = vector.shape_cast %swap3A_613 : vector<1x1x16xf32> to vector<16xf32>
      %swap3A_615 = vector.shape_cast %broadcast_in_dim3A_608 : vector<16xf32> to vector<1x1x16xf32>
      tpu.vector_store %arg8[%swap3A_610, %swap3A_611, %swap3A_612], %swap3A_615 {strides = array<i32>} : memref<2x125x128xf32, #tpu.memory_space<vmem>>, vector<1x1x16xf32>,
      %broadcast_in_dim3A_616 = arith.constant 0.000000e+00 : f32
      %broadcast_in_dim3A_617 = vector.broadcast %broadcast_in_dim3A_616 : f32 to vector<16xf32>
      %swap3A_618 = arith.constant 0 : i32
      %swap3A_619 = arith.index_cast %swap3A_618 : i32 to index
      %swap3A_620 = arith.index_cast %scan3A_599 : i32 to index
      %swap3A_621 = arith.constant 32 : index
      %swap3A_622 = tpu.vector_load %arg8[%swap3A_619, %swap3A_620, %swap3A_621] {strides = array<i32>} : memref<2x125x128xf32, #tpu.memory_space<vmem>>, vector<1x1x16xf32>,
      %swap3A_623 = vector.shape_cast %swap3A_622 : vector<1x1x16xf32> to vector<16xf32>
      %swap3A_624 = vector.shape_cast %broadcast_in_dim3A_617 : vector<16xf32> to vector<1x1x16xf32>
      tpu.vector_store %arg8[%swap3A_619, %swap3A_620, %swap3A_621], %swap3A_624 {strides = array<i32>} : memref<2x125x128xf32, #tpu.memory_space<vmem>>, vector<1x1x16xf32>,
      %broadcast_in_dim3A_625 = arith.constant 0.000000e+00 : f32
      %broadcast_in_dim3A_626 = vector.broadcast %broadcast_in_dim3A_625 : f32 to vector<16xf32>
      %swap3A_627 = arith.constant 0 : i32
      %swap3A_628 = arith.index_cast %swap3A_627 : i32 to index
      %swap3A_629 = arith.index_cast %scan3A_599 : i32 to index
      %swap3A_630 = arith.constant 48 : index
      %swap3A_631 = tpu.vector_load %arg8[%swap3A_628, %swap3A_629, %swap3A_630] {strides = array<i32>} : memref<2x125x128xf32, #tpu.memory_space<vmem>>, vector<1x1x16xf32>,
      %swap3A_632 = vector.shape_cast %swap3A_631 : vector<1x1x16xf32> to vector<16xf32>
      %swap3A_633 = vector.shape_cast %broadcast_in_dim3A_626 : vector<16xf32> to vector<1x1x16xf32>
      tpu.vector_store %arg8[%swap3A_628, %swap3A_629, %swap3A_630], %swap3A_633 {strides = array<i32>} : memref<2x125x128xf32, #tpu.memory_space<vmem>>, vector<1x1x16xf32>,
      %broadcast_in_dim3A_634 = arith.constant 0.000000e+00 : f32
      %broadcast_in_dim3A_635 = vector.broadcast %broadcast_in_dim3A_634 : f32 to vector<16xf32>
      %swap3A_636 = arith.constant 0 : i32
      %swap3A_637 = arith.index_cast %swap3A_636 : i32 to index
      %swap3A_638 = arith.index_cast %scan3A_599 : i32 to index
      %swap3A_639 = arith.constant 64 : index
      %swap3A_640 = tpu.vector_load %arg8[%swap3A_637, %swap3A_638, %swap3A_639] {strides = array<i32>} : memref<2x125x128xf32, #tpu.memory_space<vmem>>, vector<1x1x16xf32>,
      %swap3A_641 = vector.shape_cast %swap3A_640 : vector<1x1x16xf32> to vector<16xf32>
      %swap3A_642 = vector.shape_cast %broadcast_in_dim3A_635 : vector<16xf32> to vector<1x1x16xf32>
      tpu.vector_store %arg8[%swap3A_637, %swap3A_638, %swap3A_639], %swap3A_642 {strides = array<i32>} : memref<2x125x128xf32, #tpu.memory_space<vmem>>, vector<1x1x16xf32>,
      %broadcast_in_dim3A_643 = arith.constant 0.000000e+00 : f32
      %broadcast_in_dim3A_644 = vector.broadcast %broadcast_in_dim3A_643 : f32 to vector<16xf32>
      %swap3A_645 = arith.constant 0 : i32
      %swap3A_646 = arith.index_cast %swap3A_645 : i32 to index
      %swap3A_647 = arith.index_cast %scan3A_599 : i32 to index
      %swap3A_648 = arith.constant 80 : index
      %swap3A_649 = tpu.vector_load %arg8[%swap3A_646, %swap3A_647, %swap3A_648] {strides = array<i32>} : memref<2x125x128xf32, #tpu.memory_space<vmem>>, vector<1x1x16xf32>,
      %swap3A_650 = vector.shape_cast %swap3A_649 : vector<1x1x16xf32> to vector<16xf32>
      %swap3A_651 = vector.shape_cast %broadcast_in_dim3A_644 : vector<16xf32> to vector<1x1x16xf32>
      tpu.vector_store %arg8[%swap3A_646, %swap3A_647, %swap3A_648], %swap3A_651 {strides = array<i32>} : memref<2x125x128xf32, #tpu.memory_space<vmem>>, vector<1x1x16xf32>,
      %broadcast_in_dim3A_652 = arith.constant 0.000000e+00 : f32
      %broadcast_in_dim3A_653 = vector.broadcast %broadcast_in_dim3A_652 : f32 to vector<16xf32>
      %swap3A_654 = arith.constant 0 : i32
      %swap3A_655 = arith.index_cast %swap3A_654 : i32 to index
      %swap3A_656 = arith.index_cast %scan3A_599 : i32 to index
      %swap3A_657 = arith.constant 96 : index
      %swap3A_658 = tpu.vector_load %arg8[%swap3A_655, %swap3A_656, %swap3A_657] {strides = array<i32>} : memref<2x125x128xf32, #tpu.memory_space<vmem>>, vector<1x1x16xf32>,
      %swap3A_659 = vector.shape_cast %swap3A_658 : vector<1x1x16xf32> to vector<16xf32>
      %swap3A_660 = vector.shape_cast %broadcast_in_dim3A_653 : vector<16xf32> to vector<1x1x16xf32>
      tpu.vector_store %arg8[%swap3A_655, %swap3A_656, %swap3A_657], %swap3A_660 {strides = array<i32>} : memref<2x125x128xf32, #tpu.memory_space<vmem>>, vector<1x1x16xf32>,
      %broadcast_in_dim3A_661 = arith.constant 0.000000e+00 : f32
      %broadcast_in_dim3A_662 = vector.broadcast %broadcast_in_dim3A_661 : f32 to vector<16xf32>
      %swap3A_663 = arith.constant 0 : i32
      %swap3A_664 = arith.index_cast %swap3A_663 : i32 to index
      %swap3A_665 = arith.index_cast %scan3A_599 : i32 to index
      %swap3A_666 = arith.constant 112 : index
      %swap3A_667 = tpu.vector_load %arg8[%swap3A_664, %swap3A_665, %swap3A_666] {strides = array<i32>} : memref<2x125x128xf32, #tpu.memory_space<vmem>>, vector<1x1x16xf32>,
      %swap3A_668 = vector.shape_cast %swap3A_667 : vector<1x1x16xf32> to vector<16xf32>
      %swap3A_669 = vector.shape_cast %broadcast_in_dim3A_662 : vector<16xf32> to vector<1x1x16xf32>
      tpu.vector_store %arg8[%swap3A_664, %swap3A_665, %swap3A_666], %swap3A_669 {strides = array<i32>} : memref<2x125x128xf32, #tpu.memory_space<vmem>>, vector<1x1x16xf32>,
    }
    %scan3A_8 = arith.constant 125 : i32
    %add3A_9 = arith.constant 0 : i32
    %add3A_10 = arith.addi %mul3A_0, %add3A_9 : i32
    %run_scoped3A = arith.constant 0 : i32
    "tpu.region"() ({
      %run_scoped3A_599 = tpu.sem_alloc : memref<!tpu.dma_semaphore, #tpu.memory_space<semaphore_mem>>
      %dma_start3A_600 = arith.constant 0 : i32
      %dma_start3A_601 = arith.constant 0 : i32
      %dma_start3A_602 = tpu.memref_slice %arg8[%run_scoped3A, %dma_start3A_600, %dma_start3A_601] : memref<2x125x128xf32, #tpu.memory_space<vmem>> -> memref<1x125x128xf32, #tpu.memory_space<vmem>>
      %dma_start3A_603 = tpu.memref_squeeze %dma_start3A_602 : memref<1x125x128xf32, #tpu.memory_space<vmem>> -> memref<125x128xf32, #tpu.memory_space<vmem>>
      %dma_start3A_604 = arith.constant 0 : i32
      %dma_start3A_605 = tpu.memref_slice %arg9[%add3A_10, %dma_start3A_604] : memref<10240x128xf32, #tpu.memory_space<vmem_shared>> -> memref<125x128xf32, #tpu.memory_space<vmem_shared>>
      %dma_start3A_606 = arith.constant 0 : i32
      %dma_start3A_607 = tpu.memref_slice %arg9[%add3A_10, %dma_start3A_606] : memref<10240x128xf32, #tpu.memory_space<vmem_shared>> -> memref<125x128xf32, #tpu.memory_space<vmem_shared>>
      %dma_start3A_608 = arith.constant 0 : i32
      %dma_start3A_609 = arith.constant 0 : i32
      %dma_start3A_610 = tpu.memref_slice %arg8[%run_scoped3A, %dma_start3A_608, %dma_start3A_609] : memref<2x125x128xf32, #tpu.memory_space<vmem>> -> memref<1x125x128xf32, #tpu.memory_space<vmem>>
      %dma_start3A_611 = tpu.memref_squeeze %dma_start3A_610 : memref<1x125x128xf32, #tpu.memory_space<vmem>> -> memref<125x128xf32, #tpu.memory_space<vmem>>
      tpu.enqueue_dma source(%dma_start3A_611 : memref<125x128xf32, #tpu.memory_space<vmem>>) target(%dma_start3A_607 : memref<125x128xf32, #tpu.memory_space<vmem_shared>>) target_semaphore(%run_scoped3A_599 : memref<!tpu.dma_semaphore, #tpu.memory_space<semaphore_mem>>)
      %dma_wait3A_612 = arith.constant 0 : i32
      %dma_wait3A_613 = arith.constant 0 : i32
      %dma_wait3A_614 = tpu.memref_slice %arg8[%run_scoped3A, %dma_wait3A_612, %dma_wait3A_613] : memref<2x125x128xf32, #tpu.memory_space<vmem>> -> memref<1x125x128xf32, #tpu.memory_space<vmem>>
      %dma_wait3A_615 = tpu.memref_squeeze %dma_wait3A_614 : memref<1x125x128xf32, #tpu.memory_space<vmem>> -> memref<125x128xf32, #tpu.memory_space<vmem>>
      %dma_wait3A_616 = arith.constant 0 : i32
      %dma_wait3A_617 = tpu.memref_slice %arg9[%add3A_10, %dma_wait3A_616] : memref<10240x128xf32, #tpu.memory_space<vmem_shared>> -> memref<125x128xf32, #tpu.memory_space<vmem_shared>>
      %dma_wait3A_618 = arith.constant 0 : i32
      %dma_wait3A_619 = tpu.memref_slice %arg9[%add3A_10, %dma_wait3A_618] : memref<10240x128xf32, #tpu.memory_space<vmem_shared>> -> memref<125x128xf32, #tpu.memory_space<vmem_shared>>
      %dma_wait3A_620 = arith.constant 0 : i32
      %dma_wait3A_621 = arith.constant 0 : i32
      %dma_wait3A_622 = tpu.memref_slice %arg8[%run_scoped3A, %dma_wait3A_620, %dma_wait3A_621] : memref<2x125x128xf32, #tpu.memory_space<vmem>> -> memref<1x125x128xf32, #tpu.memory_space<vmem>>
      %dma_wait3A_623 = tpu.memref_squeeze %dma_wait3A_622 : memref<1x125x128xf32, #tpu.memory_space<vmem>> -> memref<125x128xf32, #tpu.memory_space<vmem>>
      tpu.wait_dma2 semaphore(%run_scoped3A_599 : memref<!tpu.dma_semaphore, #tpu.memory_space<semaphore_mem>>) src(%dma_wait3A_623 : memref<125x128xf32, #tpu.memory_space<vmem>>) dst(%dma_wait3A_619 : memref<125x128xf32, #tpu.memory_space<vmem_shared>>)
      tpu.yield
    }) : () -> ()
    %add3A_11 = arith.constant 125 : i32
    %add3A_12 = arith.addi %mul3A_0, %add3A_11 : i32
    %run_scoped3A_13 = arith.constant 0 : i32
    "tpu.region"() ({
      %run_scoped3A_599 = tpu.sem_alloc : memref<!tpu.dma_semaphore, #tpu.memory_space<semaphore_mem>>
      %dma_start3A_600 = arith.constant 0 : i32
      %dma_start3A_601 = arith.constant 0 : i32
      %dma_start3A_602 = tpu.memref_slice %arg8[%run_scoped3A_13, %dma_start3A_600, %dma_start3A_601] : memref<2x125x128xf32, #tpu.memory_space<vmem>> -> memref<1x125x128xf32, #tpu.memory_space<vmem>>
      %dma_start3A_603 = tpu.memref_squeeze %dma_start3A_602 : memref<1x125x128xf32, #tpu.memory_space<vmem>> -> memref<125x128xf32, #tpu.memory_space<vmem>>
      %dma_start3A_604 = arith.constant 0 : i32
      %dma_start3A_605 = tpu.memref_slice %arg9[%add3A_12, %dma_start3A_604] : memref<10240x128xf32, #tpu.memory_space<vmem_shared>> -> memref<125x128xf32, #tpu.memory_space<vmem_shared>>
      %dma_start3A_606 = arith.constant 0 : i32
      %dma_start3A_607 = tpu.memref_slice %arg9[%add3A_12, %dma_start3A_606] : memref<10240x128xf32, #tpu.memory_space<vmem_shared>> -> memref<125x128xf32, #tpu.memory_space<vmem_shared>>
      %dma_start3A_608 = arith.constant 0 : i32
      %dma_start3A_609 = arith.constant 0 : i32
      %dma_start3A_610 = tpu.memref_slice %arg8[%run_scoped3A_13, %dma_start3A_608, %dma_start3A_609] : memref<2x125x128xf32, #tpu.memory_space<vmem>> -> memref<1x125x128xf32, #tpu.memory_space<vmem>>
      %dma_start3A_611 = tpu.memref_squeeze %dma_start3A_610 : memref<1x125x128xf32, #tpu.memory_space<vmem>> -> memref<125x128xf32, #tpu.memory_space<vmem>>
      tpu.enqueue_dma source(%dma_start3A_611 : memref<125x128xf32, #tpu.memory_space<vmem>>) target(%dma_start3A_607 : memref<125x128xf32, #tpu.memory_space<vmem_shared>>) target_semaphore(%run_scoped3A_599 : memref<!tpu.dma_semaphore, #tpu.memory_space<semaphore_mem>>)
      %dma_wait3A_612 = arith.constant 0 : i32
      %dma_wait3A_613 = arith.constant 0 : i32
      %dma_wait3A_614 = tpu.memref_slice %arg8[%run_scoped3A_13, %dma_wait3A_612, %dma_wait3A_613] : memref<2x125x128xf32, #tpu.memory_space<vmem>> -> memref<1x125x128xf32, #tpu.memory_space<vmem>>
      %dma_wait3A_615 = tpu.memref_squeeze %dma_wait3A_614 : memref<1x125x128xf32, #tpu.memory_space<vmem>> -> memref<125x128xf32, #tpu.memory_space<vmem>>
      %dma_wait3A_616 = arith.constant 0 : i32
      %dma_wait3A_617 = tpu.memref_slice %arg9[%add3A_12, %dma_wait3A_616] : memref<10240x128xf32, #tpu.memory_space<vmem_shared>> -> memref<125x128xf32, #tpu.memory_space<vmem_shared>>
      %dma_wait3A_618 = arith.constant 0 : i32
      %dma_wait3A_619 = tpu.memref_slice %arg9[%add3A_12, %dma_wait3A_618] : memref<10240x128xf32, #tpu.memory_space<vmem_shared>> -> memref<125x128xf32, #tpu.memory_space<vmem_shared>>
      %dma_wait3A_620 = arith.constant 0 : i32
      %dma_wait3A_621 = arith.constant 0 : i32
      %dma_wait3A_622 = tpu.memref_slice %arg8[%run_scoped3A_13, %dma_wait3A_620, %dma_wait3A_621] : memref<2x125x128xf32, #tpu.memory_space<vmem>> -> memref<1x125x128xf32, #tpu.memory_space<vmem>>
      %dma_wait3A_623 = tpu.memref_squeeze %dma_wait3A_622 : memref<1x125x128xf32, #tpu.memory_space<vmem>> -> memref<125x128xf32, #tpu.memory_space<vmem>>
      tpu.wait_dma2 semaphore(%run_scoped3A_599 : memref<!tpu.dma_semaphore, #tpu.memory_space<semaphore_mem>>) src(%dma_wait3A_623 : memref<125x128xf32, #tpu.memory_space<vmem>>) dst(%dma_wait3A_619 : memref<125x128xf32, #tpu.memory_space<vmem_shared>>)
      tpu.yield
    }) : () -> ()
    %add3A_14 = arith.constant 250 : i32
    %add3A_15 = arith.addi %mul3A_0, %add3A_14 : i32
    %run_scoped3A_16 = arith.constant 0 : i32
    "tpu.region"() ({
      %run_scoped3A_599 = tpu.sem_alloc : memref<!tpu.dma_semaphore, #tpu.memory_space<semaphore_mem>>
      %dma_start3A_600 = arith.constant 0 : i32
      %dma_start3A_601 = arith.constant 0 : i32
      %dma_start3A_602 = tpu.memref_slice %arg8[%run_scoped3A_16, %dma_start3A_600, %dma_start3A_601] : memref<2x125x128xf32, #tpu.memory_space<vmem>> -> memref<1x125x128xf32, #tpu.memory_space<vmem>>
      %dma_start3A_603 = tpu.memref_squeeze %dma_start3A_602 : memref<1x125x128xf32, #tpu.memory_space<vmem>> -> memref<125x128xf32, #tpu.memory_space<vmem>>
      %dma_start3A_604 = arith.constant 0 : i32
      %dma_start3A_605 = tpu.memref_slice %arg9[%add3A_15, %dma_start3A_604] : memref<10240x128xf32, #tpu.memory_space<vmem_shared>> -> memref<125x128xf32, #tpu.memory_space<vmem_shared>>
      %dma_start3A_606 = arith.constant 0 : i32
      %dma_start3A_607 = tpu.memref_slice %arg9[%add3A_15, %dma_start3A_606] : memref<10240x128xf32, #tpu.memory_space<vmem_shared>> -> memref<125x128xf32, #tpu.memory_space<vmem_shared>>
      %dma_start3A_608 = arith.constant 0 : i32
      %dma_start3A_609 = arith.constant 0 : i32
      %dma_start3A_610 = tpu.memref_slice %arg8[%run_scoped3A_16, %dma_start3A_608, %dma_start3A_609] : memref<2x125x128xf32, #tpu.memory_space<vmem>> -> memref<1x125x128xf32, #tpu.memory_space<vmem>>
      %dma_start3A_611 = tpu.memref_squeeze %dma_start3A_610 : memref<1x125x128xf32, #tpu.memory_space<vmem>> -> memref<125x128xf32, #tpu.memory_space<vmem>>
      tpu.enqueue_dma source(%dma_start3A_611 : memref<125x128xf32, #tpu.memory_space<vmem>>) target(%dma_start3A_607 : memref<125x128xf32, #tpu.memory_space<vmem_shared>>) target_semaphore(%run_scoped3A_599 : memref<!tpu.dma_semaphore, #tpu.memory_space<semaphore_mem>>)
      %dma_wait3A_612 = arith.constant 0 : i32
      %dma_wait3A_613 = arith.constant 0 : i32
      %dma_wait3A_614 = tpu.memref_slice %arg8[%run_scoped3A_16, %dma_wait3A_612, %dma_wait3A_613] : memref<2x125x128xf32, #tpu.memory_space<vmem>> -> memref<1x125x128xf32, #tpu.memory_space<vmem>>
      %dma_wait3A_615 = tpu.memref_squeeze %dma_wait3A_614 : memref<1x125x128xf32, #tpu.memory_space<vmem>> -> memref<125x128xf32, #tpu.memory_space<vmem>>
      %dma_wait3A_616 = arith.constant 0 : i32
      %dma_wait3A_617 = tpu.memref_slice %arg9[%add3A_15, %dma_wait3A_616] : memref<10240x128xf32, #tpu.memory_space<vmem_shared>> -> memref<125x128xf32, #tpu.memory_space<vmem_shared>>
      %dma_wait3A_618 = arith.constant 0 : i32
      %dma_wait3A_619 = tpu.memref_slice %arg9[%add3A_15, %dma_wait3A_618] : memref<10240x128xf32, #tpu.memory_space<vmem_shared>> -> memref<125x128xf32, #tpu.memory_space<vmem_shared>>
      %dma_wait3A_620 = arith.constant 0 : i32
      %dma_wait3A_621 = arith.constant 0 : i32
      %dma_wait3A_622 = tpu.memref_slice %arg8[%run_scoped3A_16, %dma_wait3A_620, %dma_wait3A_621] : memref<2x125x128xf32, #tpu.memory_space<vmem>> -> memref<1x125x128xf32, #tpu.memory_space<vmem>>
      %dma_wait3A_623 = tpu.memref_squeeze %dma_wait3A_622 : memref<1x125x128xf32, #tpu.memory_space<vmem>> -> memref<125x128xf32, #tpu.memory_space<vmem>>
      tpu.wait_dma2 semaphore(%run_scoped3A_599 : memref<!tpu.dma_semaphore, #tpu.memory_space<semaphore_mem>>) src(%dma_wait3A_623 : memref<125x128xf32, #tpu.memory_space<vmem>>) dst(%dma_wait3A_619 : memref<125x128xf32, #tpu.memory_space<vmem_shared>>)
      tpu.yield
    }) : () -> ()
    %add3A_17 = arith.constant 375 : i32
    %add3A_18 = arith.addi %mul3A_0, %add3A_17 : i32
    %run_scoped3A_19 = arith.constant 0 : i32
    "tpu.region"() ({
      %run_scoped3A_599 = tpu.sem_alloc : memref<!tpu.dma_semaphore, #tpu.memory_space<semaphore_mem>>
      %dma_start3A_600 = arith.constant 0 : i32
      %dma_start3A_601 = arith.constant 0 : i32
      %dma_start3A_602 = tpu.memref_slice %arg8[%run_scoped3A_19, %dma_start3A_600, %dma_start3A_601] : memref<2x125x128xf32, #tpu.memory_space<vmem>> -> memref<1x125x128xf32, #tpu.memory_space<vmem>>
      %dma_start3A_603 = tpu.memref_squeeze %dma_start3A_602 : memref<1x125x128xf32, #tpu.memory_space<vmem>> -> memref<125x128xf32, #tpu.memory_space<vmem>>
      %dma_start3A_604 = arith.constant 0 : i32
      %dma_start3A_605 = tpu.memref_slice %arg9[%add3A_18, %dma_start3A_604] : memref<10240x128xf32, #tpu.memory_space<vmem_shared>> -> memref<125x128xf32, #tpu.memory_space<vmem_shared>>
      %dma_start3A_606 = arith.constant 0 : i32
      %dma_start3A_607 = tpu.memref_slice %arg9[%add3A_18, %dma_start3A_606] : memref<10240x128xf32, #tpu.memory_space<vmem_shared>> -> memref<125x128xf32, #tpu.memory_space<vmem_shared>>
      %dma_start3A_608 = arith.constant 0 : i32
      %dma_start3A_609 = arith.constant 0 : i32
      %dma_start3A_610 = tpu.memref_slice %arg8[%run_scoped3A_19, %dma_start3A_608, %dma_start3A_609] : memref<2x125x128xf32, #tpu.memory_space<vmem>> -> memref<1x125x128xf32, #tpu.memory_space<vmem>>
      %dma_start3A_611 = tpu.memref_squeeze %dma_start3A_610 : memref<1x125x128xf32, #tpu.memory_space<vmem>> -> memref<125x128xf32, #tpu.memory_space<vmem>>
      tpu.enqueue_dma source(%dma_start3A_611 : memref<125x128xf32, #tpu.memory_space<vmem>>) target(%dma_start3A_607 : memref<125x128xf32, #tpu.memory_space<vmem_shared>>) target_semaphore(%run_scoped3A_599 : memref<!tpu.dma_semaphore, #tpu.memory_space<semaphore_mem>>)
      %dma_wait3A_612 = arith.constant 0 : i32
      %dma_wait3A_613 = arith.constant 0 : i32
      %dma_wait3A_614 = tpu.memref_slice %arg8[%run_scoped3A_19, %dma_wait3A_612, %dma_wait3A_613] : memref<2x125x128xf32, #tpu.memory_space<vmem>> -> memref<1x125x128xf32, #tpu.memory_space<vmem>>
      %dma_wait3A_615 = tpu.memref_squeeze %dma_wait3A_614 : memref<1x125x128xf32, #tpu.memory_space<vmem>> -> memref<125x128xf32, #tpu.memory_space<vmem>>
      %dma_wait3A_616 = arith.constant 0 : i32
      %dma_wait3A_617 = tpu.memref_slice %arg9[%add3A_18, %dma_wait3A_616] : memref<10240x128xf32, #tpu.memory_space<vmem_shared>> -> memref<125x128xf32, #tpu.memory_space<vmem_shared>>
      %dma_wait3A_618 = arith.constant 0 : i32
      %dma_wait3A_619 = tpu.memref_slice %arg9[%add3A_18, %dma_wait3A_618] : memref<10240x128xf32, #tpu.memory_space<vmem_shared>> -> memref<125x128xf32, #tpu.memory_space<vmem_shared>>
      %dma_wait3A_620 = arith.constant 0 : i32
      %dma_wait3A_621 = arith.constant 0 : i32
      %dma_wait3A_622 = tpu.memref_slice %arg8[%run_scoped3A_19, %dma_wait3A_620, %dma_wait3A_621] : memref<2x125x128xf32, #tpu.memory_space<vmem>> -> memref<1x125x128xf32, #tpu.memory_space<vmem>>
      %dma_wait3A_623 = tpu.memref_squeeze %dma_wait3A_622 : memref<1x125x128xf32, #tpu.memory_space<vmem>> -> memref<125x128xf32, #tpu.memory_space<vmem>>
      tpu.wait_dma2 semaphore(%run_scoped3A_599 : memref<!tpu.dma_semaphore, #tpu.memory_space<semaphore_mem>>) src(%dma_wait3A_623 : memref<125x128xf32, #tpu.memory_space<vmem>>) dst(%dma_wait3A_619 : memref<125x128xf32, #tpu.memory_space<vmem_shared>>)
      tpu.yield
    }) : () -> ()
    %add3A_20 = arith.constant 500 : i32
    %add3A_21 = arith.addi %mul3A_0, %add3A_20 : i32
    %run_scoped3A_22 = arith.constant 0 : i32
    "tpu.region"() ({
      %run_scoped3A_599 = tpu.sem_alloc : memref<!tpu.dma_semaphore, #tpu.memory_space<semaphore_mem>>
      %dma_start3A_600 = arith.constant 0 : i32
      %dma_start3A_601 = arith.constant 0 : i32
      %dma_start3A_602 = tpu.memref_slice %arg8[%run_scoped3A_22, %dma_start3A_600, %dma_start3A_601] : memref<2x125x128xf32, #tpu.memory_space<vmem>> -> memref<1x125x128xf32, #tpu.memory_space<vmem>>
      %dma_start3A_603 = tpu.memref_squeeze %dma_start3A_602 : memref<1x125x128xf32, #tpu.memory_space<vmem>> -> memref<125x128xf32, #tpu.memory_space<vmem>>
      %dma_start3A_604 = arith.constant 0 : i32
      %dma_start3A_605 = tpu.memref_slice %arg9[%add3A_21, %dma_start3A_604] : memref<10240x128xf32, #tpu.memory_space<vmem_shared>> -> memref<125x128xf32, #tpu.memory_space<vmem_shared>>
      %dma_start3A_606 = arith.constant 0 : i32
      %dma_start3A_607 = tpu.memref_slice %arg9[%add3A_21, %dma_start3A_606] : memref<10240x128xf32, #tpu.memory_space<vmem_shared>> -> memref<125x128xf32, #tpu.memory_space<vmem_shared>>
      %dma_start3A_608 = arith.constant 0 : i32
      %dma_start3A_609 = arith.constant 0 : i32
      %dma_start3A_610 = tpu.memref_slice %arg8[%run_scoped3A_22, %dma_start3A_608, %dma_start3A_609] : memref<2x125x128xf32, #tpu.memory_space<vmem>> -> memref<1x125x128xf32, #tpu.memory_space<vmem>>
      %dma_start3A_611 = tpu.memref_squeeze %dma_start3A_610 : memref<1x125x128xf32, #tpu.memory_space<vmem>> -> memref<125x128xf32, #tpu.memory_space<vmem>>
      tpu.enqueue_dma source(%dma_start3A_611 : memref<125x128xf32, #tpu.memory_space<vmem>>) target(%dma_start3A_607 : memref<125x128xf32, #tpu.memory_space<vmem_shared>>) target_semaphore(%run_scoped3A_599 : memref<!tpu.dma_semaphore, #tpu.memory_space<semaphore_mem>>)
      %dma_wait3A_612 = arith.constant 0 : i32
      %dma_wait3A_613 = arith.constant 0 : i32
      %dma_wait3A_614 = tpu.memref_slice %arg8[%run_scoped3A_22, %dma_wait3A_612, %dma_wait3A_613] : memref<2x125x128xf32, #tpu.memory_space<vmem>> -> memref<1x125x128xf32, #tpu.memory_space<vmem>>
      %dma_wait3A_615 = tpu.memref_squeeze %dma_wait3A_614 : memref<1x125x128xf32, #tpu.memory_space<vmem>> -> memref<125x128xf32, #tpu.memory_space<vmem>>
      %dma_wait3A_616 = arith.constant 0 : i32
      %dma_wait3A_617 = tpu.memref_slice %arg9[%add3A_21, %dma_wait3A_616] : memref<10240x128xf32, #tpu.memory_space<vmem_shared>> -> memref<125x128xf32, #tpu.memory_space<vmem_shared>>
      %dma_wait3A_618 = arith.constant 0 : i32
      %dma_wait3A_619 = tpu.memref_slice %arg9[%add3A_21, %dma_wait3A_618] : memref<10240x128xf32, #tpu.memory_space<vmem_shared>> -> memref<125x128xf32, #tpu.memory_space<vmem_shared>>
      %dma_wait3A_620 = arith.constant 0 : i32
      %dma_wait3A_621 = arith.constant 0 : i32
      %dma_wait3A_622 = tpu.memref_slice %arg8[%run_scoped3A_22, %dma_wait3A_620, %dma_wait3A_621] : memref<2x125x128xf32, #tpu.memory_space<vmem>> -> memref<1x125x128xf32, #tpu.memory_space<vmem>>
      %dma_wait3A_623 = tpu.memref_squeeze %dma_wait3A_622 : memref<1x125x128xf32, #tpu.memory_space<vmem>> -> memref<125x128xf32, #tpu.memory_space<vmem>>
      tpu.wait_dma2 semaphore(%run_scoped3A_599 : memref<!tpu.dma_semaphore, #tpu.memory_space<semaphore_mem>>) src(%dma_wait3A_623 : memref<125x128xf32, #tpu.memory_space<vmem>>) dst(%dma_wait3A_619 : memref<125x128xf32, #tpu.memory_space<vmem_shared>>)
      tpu.yield
    }) : () -> ()
    %add3A_23 = arith.constant 625 : i32
    %add3A_24 = arith.addi %mul3A_0, %add3A_23 : i32
    %run_scoped3A_25 = arith.constant 0 : i32
    "tpu.region"() ({
      %run_scoped3A_599 = tpu.sem_alloc : memref<!tpu.dma_semaphore, #tpu.memory_space<semaphore_mem>>
      %dma_start3A_600 = arith.constant 0 : i32
      %dma_start3A_601 = arith.constant 0 : i32
      %dma_start3A_602 = tpu.memref_slice %arg8[%run_scoped3A_25, %dma_start3A_600, %dma_start3A_601] : memref<2x125x128xf32, #tpu.memory_space<vmem>> -> memref<1x15x128xf32, #tpu.memory_space<vmem>>
      %dma_start3A_603 = tpu.memref_squeeze %dma_start3A_602 : memref<1x15x128xf32, #tpu.memory_space<vmem>> -> memref<15x128xf32, #tpu.memory_space<vmem>>
      %dma_start3A_604 = arith.constant 0 : i32
      %dma_start3A_605 = tpu.memref_slice %arg9[%add3A_24, %dma_start3A_604] : memref<10240x128xf32, #tpu.memory_space<vmem_shared>> -> memref<15x128xf32, #tpu.memory_space<vmem_shared>>
      %dma_start3A_606 = arith.constant 0 : i32
      %dma_start3A_607 = tpu.memref_slice %arg9[%add3A_24, %dma_start3A_606] : memref<10240x128xf32, #tpu.memory_space<vmem_shared>> -> memref<15x128xf32, #tpu.memory_space<vmem_shared>>
      %dma_start3A_608 = arith.constant 0 : i32
      %dma_start3A_609 = arith.constant 0 : i32
      %dma_start3A_610 = tpu.memref_slice %arg8[%run_scoped3A_25, %dma_start3A_608, %dma_start3A_609] : memref<2x125x128xf32, #tpu.memory_space<vmem>> -> memref<1x15x128xf32, #tpu.memory_space<vmem>>
      %dma_start3A_611 = tpu.memref_squeeze %dma_start3A_610 : memref<1x15x128xf32, #tpu.memory_space<vmem>> -> memref<15x128xf32, #tpu.memory_space<vmem>>
      tpu.enqueue_dma source(%dma_start3A_611 : memref<15x128xf32, #tpu.memory_space<vmem>>) target(%dma_start3A_607 : memref<15x128xf32, #tpu.memory_space<vmem_shared>>) target_semaphore(%run_scoped3A_599 : memref<!tpu.dma_semaphore, #tpu.memory_space<semaphore_mem>>)
      %dma_wait3A_612 = arith.constant 0 : i32
      %dma_wait3A_613 = arith.constant 0 : i32
      %dma_wait3A_614 = tpu.memref_slice %arg8[%run_scoped3A_25, %dma_wait3A_612, %dma_wait3A_613] : memref<2x125x128xf32, #tpu.memory_space<vmem>> -> memref<1x15x128xf32, #tpu.memory_space<vmem>>
      %dma_wait3A_615 = tpu.memref_squeeze %dma_wait3A_614 : memref<1x15x128xf32, #tpu.memory_space<vmem>> -> memref<15x128xf32, #tpu.memory_space<vmem>>
      %dma_wait3A_616 = arith.constant 0 : i32
      %dma_wait3A_617 = tpu.memref_slice %arg9[%add3A_24, %dma_wait3A_616] : memref<10240x128xf32, #tpu.memory_space<vmem_shared>> -> memref<15x128xf32, #tpu.memory_space<vmem_shared>>
      %dma_wait3A_618 = arith.constant 0 : i32
      %dma_wait3A_619 = tpu.memref_slice %arg9[%add3A_24, %dma_wait3A_618] : memref<10240x128xf32, #tpu.memory_space<vmem_shared>> -> memref<15x128xf32, #tpu.memory_space<vmem_shared>>
      %dma_wait3A_620 = arith.constant 0 : i32
      %dma_wait3A_621 = arith.constant 0 : i32
      %dma_wait3A_622 = tpu.memref_slice %arg8[%run_scoped3A_25, %dma_wait3A_620, %dma_wait3A_621] : memref<2x125x128xf32, #tpu.memory_space<vmem>> -> memref<1x15x128xf32, #tpu.memory_space<vmem>>
      %dma_wait3A_623 = tpu.memref_squeeze %dma_wait3A_622 : memref<1x15x128xf32, #tpu.memory_space<vmem>> -> memref<15x128xf32, #tpu.memory_space<vmem>>
      tpu.wait_dma2 semaphore(%run_scoped3A_599 : memref<!tpu.dma_semaphore, #tpu.memory_space<semaphore_mem>>) src(%dma_wait3A_623 : memref<15x128xf32, #tpu.memory_space<vmem>>) dst(%dma_wait3A_619 : memref<15x128xf32, #tpu.memory_space<vmem_shared>>)
      tpu.yield
    }) : () -> ()
    %barrier3A = arith.constant 0 : index
    tpu.barrier barrier_id(%barrier3A)
    %add3A_26 = arith.constant 0 : i32
    %add3A_27 = arith.addi %arg1, %add3A_26 : i32
    "tpu.region"() ({
      %run_scoped3A_599 = tpu.sem_alloc : memref<!tpu.dma_semaphore, #tpu.memory_space<semaphore_mem>>
      %dma_start3A_600 = arith.constant 0 : i32
      %dma_start3A_601 = arith.constant 0 : i32
      %dma_start3A_602 = tpu.memref_slice %arg3[%add3A_27, %dma_start3A_600, %dma_start3A_601] : memref<32x40x125xi32, #tpu.memory_space<hbm>> -> memref<1x40x125xi32, #tpu.memory_space<hbm>>
      %dma_start3A_603 = tpu.memref_squeeze %dma_start3A_602 : memref<1x40x125xi32, #tpu.memory_space<hbm>> -> memref<40x125xi32, #tpu.memory_space<hbm>>
      %dma_start3A_604 = arith.constant 0 : i32
      %dma_start3A_605 = arith.constant 0 : i32
      %dma_start3A_606 = tpu.memref_slice %arg3[%add3A_27, %dma_start3A_604, %dma_start3A_605] : memref<32x40x125xi32, #tpu.memory_space<hbm>> -> memref<1x40x125xi32, #tpu.memory_space<hbm>>
      %dma_start3A_607 = tpu.memref_squeeze %dma_start3A_606 : memref<1x40x125xi32, #tpu.memory_space<hbm>> -> memref<40x125xi32, #tpu.memory_space<hbm>>
      tpu.enqueue_dma source(%dma_start3A_607 : memref<40x125xi32, #tpu.memory_space<hbm>>) target(%arg6 : memref<40x125xi32, #tpu.memory_space<vmem>>) target_semaphore(%run_scoped3A_599 : memref<!tpu.dma_semaphore, #tpu.memory_space<semaphore_mem>>)
      %dma_wait3A_608 = arith.constant 0 : i32
      %dma_wait3A_609 = arith.constant 0 : i32
      %dma_wait3A_610 = tpu.memref_slice %arg3[%add3A_27, %dma_wait3A_608, %dma_wait3A_609] : memref<32x40x125xi32, #tpu.memory_space<hbm>> -> memref<1x40x125xi32, #tpu.memory_space<hbm>>
      %dma_wait3A_611 = tpu.memref_squeeze %dma_wait3A_610 : memref<1x40x125xi32, #tpu.memory_space<hbm>> -> memref<40x125xi32, #tpu.memory_space<hbm>>
      %dma_wait3A_612 = arith.constant 0 : i32
      %dma_wait3A_613 = arith.constant 0 : i32
      %dma_wait3A_614 = tpu.memref_slice %arg3[%add3A_27, %dma_wait3A_612, %dma_wait3A_613] : memref<32x40x125xi32, #tpu.memory_space<hbm>> -> memref<1x40x125xi32, #tpu.memory_space<hbm>>
      %dma_wait3A_615 = tpu.memref_squeeze %dma_wait3A_614 : memref<1x40x125xi32, #tpu.memory_space<hbm>> -> memref<40x125xi32, #tpu.memory_space<hbm>>
      tpu.wait_dma2 semaphore(%run_scoped3A_599 : memref<!tpu.dma_semaphore, #tpu.memory_space<semaphore_mem>>) src(%dma_wait3A_615 : memref<40x125xi32, #tpu.memory_space<hbm>>) dst(%arg6 : memref<40x125xi32, #tpu.memory_space<vmem>>)
      tpu.yield
    }) : () -> ()
    "tpu.region"() ({
      %run_scoped3A_599 = tpu.sem_alloc : memref<!tpu.dma_semaphore, #tpu.memory_space<semaphore_mem>>
      %dma_start3A_600 = arith.constant 0 : i32
      %dma_start3A_601 = arith.constant 0 : i32
      %dma_start3A_602 = tpu.memref_slice %arg4[%add3A_27, %dma_start3A_600, %dma_start3A_601] : memref<32x40x125xi32, #tpu.memory_space<hbm>> -> memref<1x40x125xi32, #tpu.memory_space<hbm>>
      %dma_start3A_603 = tpu.memref_squeeze %dma_start3A_602 : memref<1x40x125xi32, #tpu.memory_space<hbm>> -> memref<40x125xi32, #tpu.memory_space<hbm>>
      %dma_start3A_604 = arith.constant 0 : i32
      %dma_start3A_605 = arith.constant 0 : i32
      %dma_start3A_606 = tpu.memref_slice %arg4[%add3A_27, %dma_start3A_604, %dma_start3A_605] : memref<32x40x125xi32, #tpu.memory_space<hbm>> -> memref<1x40x125xi32, #tpu.memory_space<hbm>>
      %dma_start3A_607 = tpu.memref_squeeze %dma_start3A_606 : memref<1x40x125xi32, #tpu.memory_space<hbm>> -> memref<40x125xi32, #tpu.memory_space<hbm>>
      tpu.enqueue_dma source(%dma_start3A_607 : memref<40x125xi32, #tpu.memory_space<hbm>>) target(%arg7 : memref<40x125xi32, #tpu.memory_space<vmem>>) target_semaphore(%run_scoped3A_599 : memref<!tpu.dma_semaphore, #tpu.memory_space<semaphore_mem>>)
      %dma_wait3A_608 = arith.constant 0 : i32
      %dma_wait3A_609 = arith.constant 0 : i32
      %dma_wait3A_610 = tpu.memref_slice %arg4[%add3A_27, %dma_wait3A_608, %dma_wait3A_609] : memref<32x40x125xi32, #tpu.memory_space<hbm>> -> memref<1x40x125xi32, #tpu.memory_space<hbm>>
      %dma_wait3A_611 = tpu.memref_squeeze %dma_wait3A_610 : memref<1x40x125xi32, #tpu.memory_space<hbm>> -> memref<40x125xi32, #tpu.memory_space<hbm>>
      %dma_wait3A_612 = arith.constant 0 : i32
      %dma_wait3A_613 = arith.constant 0 : i32
      %dma_wait3A_614 = tpu.memref_slice %arg4[%add3A_27, %dma_wait3A_612, %dma_wait3A_613] : memref<32x40x125xi32, #tpu.memory_space<hbm>> -> memref<1x40x125xi32, #tpu.memory_space<hbm>>
      %dma_wait3A_615 = tpu.memref_squeeze %dma_wait3A_614 : memref<1x40x125xi32, #tpu.memory_space<hbm>> -> memref<40x125xi32, #tpu.memory_space<hbm>>
      tpu.wait_dma2 semaphore(%run_scoped3A_599 : memref<!tpu.dma_semaphore, #tpu.memory_space<semaphore_mem>>) src(%dma_wait3A_615 : memref<40x125xi32, #tpu.memory_space<hbm>>) dst(%arg7 : memref<40x125xi32, #tpu.memory_space<vmem>>)
      tpu.yield
    }) : () -> ()
    %rem3A = arith.constant 0 : i32
    %rem3A_28 = arith.constant 2 : i32
    %rem3A_29 = arith.remsi %rem3A, %rem3A_28 : i32
    %dma_start3A = arith.constant 0 : i32
    %dma_start3A_30 = arith.constant 0 : i32
    %dma_start3A_31 = arith.constant 0 : i32
    %dma_start3A_32 = tpu.memref_slice %arg8[%rem3A_29, %dma_start3A_30, %dma_start3A_31] : memref<2x125x128xf32, #tpu.memory_space<vmem>> -> memref<1x125x128xf32, #tpu.memory_space<vmem>>
    %dma_start3A_33 = tpu.memref_squeeze %dma_start3A_32 : memref<1x125x128xf32, #tpu.memory_space<vmem>> -> memref<125x128xf32, #tpu.memory_space<vmem>>
    %dma_start3A_34 = arith.constant 0 : i32
    %dma_start3A_35 = tpu.memref_slice %arg6[%dma_start3A, %dma_start3A_34] : memref<40x125xi32, #tpu.memory_space<vmem>> -> memref<1x125xi32, #tpu.memory_space<vmem>>
    %dma_start3A_36 = tpu.memref_squeeze %dma_start3A_35 : memref<1x125xi32, #tpu.memory_space<vmem>> -> memref<125xi32, #tpu.memory_space<vmem>>
    %dma_start3A_37 = arith.constant 0 : i32
    %dma_start3A_38 = arith.constant 0 : i32
    %dma_start3A_39 = tpu.memref_slice %arg2[%add3A_3, %dma_start3A_37, %dma_start3A_38] : memref<4x10240x128xf32, #tpu.memory_space<hbm>> -> memref<1x10240x128xf32, #tpu.memory_space<hbm>>
    %dma_start3A_40 = tpu.memref_squeeze %dma_start3A_39 : memref<1x10240x128xf32, #tpu.memory_space<hbm>> -> memref<10240x128xf32, #tpu.memory_space<hbm>>
    %dma_start3A_41 = arith.constant 0 : i32
    %dma_start3A_42 = arith.constant 0 : i32
    %dma_start3A_43 = tpu.memref_slice %dma_start3A_40[%dma_start3A_41, %dma_start3A_42] : memref<10240x128xf32, #tpu.memory_space<hbm>> -> memref<10240x128xf32, #tpu.memory_space<hbm>>
    tpu.enqueue_indirect_dma source(%dma_start3A_43 : memref<10240x128xf32, #tpu.memory_space<hbm>>) target(%dma_start3A_33 : memref<125x128xf32, #tpu.memory_space<vmem>>) offsets(%dma_start3A_36 : memref<125xi32, #tpu.memory_space<vmem>>) semaphore(%arg10 : memref<!tpu.dma_semaphore, #tpu.memory_space<semaphore_mem>>)
    %rem3A_44 = arith.constant 0 : i32
    %rem3A_45 = arith.constant 2 : i32
    %rem3A_46 = arith.remsi %rem3A_44, %rem3A_45 : i32
    %dma_wait3A = arith.constant 0 : i32
    %dma_wait3A_47 = arith.constant 0 : i32
    %dma_wait3A_48 = arith.constant 0 : i32
    %dma_wait3A_49 = tpu.memref_slice %arg8[%rem3A_46, %dma_wait3A_47, %dma_wait3A_48] : memref<2x125x128xf32, #tpu.memory_space<vmem>> -> memref<1x125x128xf32, #tpu.memory_space<vmem>>
    %dma_wait3A_50 = tpu.memref_squeeze %dma_wait3A_49 : memref<1x125x128xf32, #tpu.memory_space<vmem>> -> memref<125x128xf32, #tpu.memory_space<vmem>>
    %dma_wait3A_51 = arith.constant 0 : i32
    %dma_wait3A_52 = tpu.memref_slice %arg6[%dma_wait3A, %dma_wait3A_51] : memref<40x125xi32, #tpu.memory_space<vmem>> -> memref<1x125xi32, #tpu.memory_space<vmem>>
    %dma_wait3A_53 = tpu.memref_squeeze %dma_wait3A_52 : memref<1x125xi32, #tpu.memory_space<vmem>> -> memref<125xi32, #tpu.memory_space<vmem>>
    %dma_wait3A_54 = arith.constant 0 : i32
    %dma_wait3A_55 = arith.constant 0 : i32
    %dma_wait3A_56 = tpu.memref_slice %arg2[%add3A_3, %dma_wait3A_54, %dma_wait3A_55] : memref<4x10240x128xf32, #tpu.memory_space<hbm>> -> memref<1x10240x128xf32, #tpu.memory_space<hbm>>
    %dma_wait3A_57 = tpu.memref_squeeze %dma_wait3A_56 : memref<1x10240x128xf32, #tpu.memory_space<hbm>> -> memref<10240x128xf32, #tpu.memory_space<hbm>>
    %dma_wait3A_58 = arith.constant 0 : i32
    %dma_wait3A_59 = arith.constant 0 : i32
    %dma_wait3A_60 = tpu.memref_slice %dma_wait3A_57[%dma_wait3A_58, %dma_wait3A_59] : memref<10240x128xf32, #tpu.memory_space<hbm>> -> memref<10240x128xf32, #tpu.memory_space<hbm>>
    tpu.wait_indirect_dma semaphore(%arg10 : memref<!tpu.dma_semaphore, #tpu.memory_space<semaphore_mem>>) src(%dma_wait3A_60 : memref<10240x128xf32, #tpu.memory_space<hbm>>) dst(%dma_wait3A_50 : memref<125x128xf32, #tpu.memory_space<vmem>>)
    %rem3A_61 = arith.constant 0 : i32
    %rem3A_62 = arith.constant 2 : i32
    %rem3A_63 = arith.remsi %rem3A_61, %rem3A_62 : i32
    %dma_start3A_64 = arith.constant 0 : i32
    %dma_start3A_65 = arith.constant 0 : i32
    %dma_start3A_66 = arith.constant 0 : i32
    %dma_start3A_67 = tpu.memref_slice %arg8[%rem3A_63, %dma_start3A_65, %dma_start3A_66] : memref<2x125x128xf32, #tpu.memory_space<vmem>> -> memref<1x125x128xf32, #tpu.memory_space<vmem>>
    %dma_start3A_68 = tpu.memref_squeeze %dma_start3A_67 : memref<1x125x128xf32, #tpu.memory_space<vmem>> -> memref<125x128xf32, #tpu.memory_space<vmem>>
    %dma_start3A_69 = arith.constant 0 : i32
    %dma_start3A_70 = tpu.memref_slice %arg7[%dma_start3A_64, %dma_start3A_69] : memref<40x125xi32, #tpu.memory_space<vmem>> -> memref<1x125xi32, #tpu.memory_space<vmem>>
    %dma_start3A_71 = tpu.memref_squeeze %dma_start3A_70 : memref<1x125xi32, #tpu.memory_space<vmem>> -> memref<125xi32, #tpu.memory_space<vmem>>
    %dma_start3A_72 = arith.constant 0 : i32
    %dma_start3A_73 = arith.constant 0 : i32
    %dma_start3A_74 = tpu.memref_slice %arg9[%dma_start3A_72, %dma_start3A_73] : memref<10240x128xf32, #tpu.memory_space<vmem_shared>> -> memref<10240x128xf32, #tpu.memory_space<vmem_shared>>
    tpu.enqueue_indirect_dma source(%dma_start3A_68 : memref<125x128xf32, #tpu.memory_space<vmem>>) target(%dma_start3A_74 : memref<10240x128xf32, #tpu.memory_space<vmem_shared>>) offsets(%dma_start3A_71 : memref<125xi32, #tpu.memory_space<vmem>>) semaphore(%arg11 : memref<!tpu.dma_semaphore, #tpu.memory_space<semaphore_mem>>) {add = true}
    %rem3A_75 = arith.constant 1 : i32
    %rem3A_76 = arith.constant 2 : i32
    %rem3A_77 = arith.remsi %rem3A_75, %rem3A_76 : i32
    %dma_start3A_78 = arith.constant 1 : i32
    %dma_start3A_79 = arith.constant 0 : i32
    %dma_start3A_80 = arith.constant 0 : i32
    %dma_start3A_81 = tpu.memref_slice %arg8[%rem3A_77, %dma_start3A_79, %dma_start3A_80] : memref<2x125x128xf32, #tpu.memory_space<vmem>> -> memref<1x125x128xf32, #tpu.memory_space<vmem>>
    %dma_start3A_82 = tpu.memref_squeeze %dma_start3A_81 : memref<1x125x128xf32, #tpu.memory_space<vmem>> -> memref<125x128xf32, #tpu.memory_space<vmem>>
    %dma_start3A_83 = arith.constant 0 : i32
    %dma_start3A_84 = tpu.memref_slice %arg6[%dma_start3A_78, %dma_start3A_83] : memref<40x125xi32, #tpu.memory_space<vmem>> -> memref<1x125xi32, #tpu.memory_space<vmem>>
    %dma_start3A_85 = tpu.memref_squeeze %dma_start3A_84 : memref<1x125xi32, #tpu.memory_space<vmem>> -> memref<125xi32, #tpu.memory_space<vmem>>
    %dma_start3A_86 = arith.constant 0 : i32
    %dma_start3A_87 = arith.constant 0 : i32
    %dma_start3A_88 = tpu.memref_slice %arg2[%add3A_3, %dma_start3A_86, %dma_start3A_87] : memref<4x10240x128xf32, #tpu.memory_space<hbm>> -> memref<1x10240x128xf32, #tpu.memory_space<hbm>>
    %dma_start3A_89 = tpu.memref_squeeze %dma_start3A_88 : memref<1x10240x128xf32, #tpu.memory_space<hbm>> -> memref<10240x128xf32, #tpu.memory_space<hbm>>
    %dma_start3A_90 = arith.constant 0 : i32
    %dma_start3A_91 = arith.constant 0 : i32
    %dma_start3A_92 = tpu.memref_slice %dma_start3A_89[%dma_start3A_90, %dma_start3A_91] : memref<10240x128xf32, #tpu.memory_space<hbm>> -> memref<10240x128xf32, #tpu.memory_space<hbm>>
    tpu.enqueue_indirect_dma source(%dma_start3A_92 : memref<10240x128xf32, #tpu.memory_space<hbm>>) target(%dma_start3A_82 : memref<125x128xf32, #tpu.memory_space<vmem>>) offsets(%dma_start3A_85 : memref<125xi32, #tpu.memory_space<vmem>>) semaphore(%arg10 : memref<!tpu.dma_semaphore, #tpu.memory_space<semaphore_mem>>)
    %scan3A_93 = arith.constant 0 : i32
    %scan3A_94 = arith.constant 1 : i32
    %scan3A_95 = arith.constant 38 : i32
    %scan3A_96 = arith.addi %scan3A_94, %scan3A_95 : i32
    %scan3A_97 = arith.constant 1 : i32
    scf.for %scan3A_599 = %scan3A_94 to %scan3A_96 step %scan3A_97  : i32 {
      %rem3A_600 = arith.constant 2 : i32
      %rem3A_601 = arith.remsi %scan3A_599, %rem3A_600 : i32
      %dma_wait3A_602 = arith.constant 0 : i32
      %dma_wait3A_603 = arith.constant 0 : i32
      %dma_wait3A_604 = tpu.memref_slice %arg8[%rem3A_601, %dma_wait3A_602, %dma_wait3A_603] : memref<2x125x128xf32, #tpu.memory_space<vmem>> -> memref<1x125x128xf32, #tpu.memory_space<vmem>>
      %dma_wait3A_605 = tpu.memref_squeeze %dma_wait3A_604 : memref<1x125x128xf32, #tpu.memory_space<vmem>> -> memref<125x128xf32, #tpu.memory_space<vmem>>
      %dma_wait3A_606 = arith.constant 0 : i32
      %dma_wait3A_607 = tpu.memref_slice %arg6[%scan3A_599, %dma_wait3A_606] : memref<40x125xi32, #tpu.memory_space<vmem>> -> memref<1x125xi32, #tpu.memory_space<vmem>>
      %dma_wait3A_608 = tpu.memref_squeeze %dma_wait3A_607 : memref<1x125xi32, #tpu.memory_space<vmem>> -> memref<125xi32, #tpu.memory_space<vmem>>
      %dma_wait3A_609 = arith.constant 0 : i32
      %dma_wait3A_610 = arith.constant 0 : i32
      %dma_wait3A_611 = tpu.memref_slice %arg2[%add3A_3, %dma_wait3A_609, %dma_wait3A_610] : memref<4x10240x128xf32, #tpu.memory_space<hbm>> -> memref<1x10240x128xf32, #tpu.memory_space<hbm>>
      %dma_wait3A_612 = tpu.memref_squeeze %dma_wait3A_611 : memref<1x10240x128xf32, #tpu.memory_space<hbm>> -> memref<10240x128xf32, #tpu.memory_space<hbm>>
      %dma_wait3A_613 = arith.constant 0 : i32
      %dma_wait3A_614 = arith.constant 0 : i32
      %dma_wait3A_615 = tpu.memref_slice %dma_wait3A_612[%dma_wait3A_613, %dma_wait3A_614] : memref<10240x128xf32, #tpu.memory_space<hbm>> -> memref<10240x128xf32, #tpu.memory_space<hbm>>
      tpu.wait_indirect_dma semaphore(%arg10 : memref<!tpu.dma_semaphore, #tpu.memory_space<semaphore_mem>>) src(%dma_wait3A_615 : memref<10240x128xf32, #tpu.memory_space<hbm>>) dst(%dma_wait3A_605 : memref<125x128xf32, #tpu.memory_space<vmem>>)
      %sub3A = arith.constant 1 : i32
      %sub3A_616 = arith.subi %scan3A_599, %sub3A : i32
      %rem3A_617 = arith.constant 2 : i32
      %rem3A_618 = arith.remsi %sub3A_616, %rem3A_617 : i32
      %dma_wait3A_619 = arith.constant 0 : i32
      %dma_wait3A_620 = arith.constant 0 : i32
      %dma_wait3A_621 = tpu.memref_slice %arg8[%rem3A_618, %dma_wait3A_619, %dma_wait3A_620] : memref<2x125x128xf32, #tpu.memory_space<vmem>> -> memref<1x125x128xf32, #tpu.memory_space<vmem>>
      %dma_wait3A_622 = tpu.memref_squeeze %dma_wait3A_621 : memref<1x125x128xf32, #tpu.memory_space<vmem>> -> memref<125x128xf32, #tpu.memory_space<vmem>>
      %dma_wait3A_623 = arith.constant 0 : i32
      %dma_wait3A_624 = tpu.memref_slice %arg7[%sub3A_616, %dma_wait3A_623] : memref<40x125xi32, #tpu.memory_space<vmem>> -> memref<1x125xi32, #tpu.memory_space<vmem>>
      %dma_wait3A_625 = tpu.memref_squeeze %dma_wait3A_624 : memref<1x125xi32, #tpu.memory_space<vmem>> -> memref<125xi32, #tpu.memory_space<vmem>>
      %dma_wait3A_626 = arith.constant 0 : i32
      %dma_wait3A_627 = arith.constant 0 : i32
      %dma_wait3A_628 = tpu.memref_slice %arg9[%dma_wait3A_626, %dma_wait3A_627] : memref<10240x128xf32, #tpu.memory_space<vmem_shared>> -> memref<10240x128xf32, #tpu.memory_space<vmem_shared>>
      tpu.wait_indirect_dma semaphore(%arg11 : memref<!tpu.dma_semaphore, #tpu.memory_space<semaphore_mem>>) src(%dma_wait3A_622 : memref<125x128xf32, #tpu.memory_space<vmem>>) dst(%dma_wait3A_628 : memref<10240x128xf32, #tpu.memory_space<vmem_shared>>)
      %rem3A_629 = arith.constant 2 : i32
      %rem3A_630 = arith.remsi %scan3A_599, %rem3A_629 : i32
      %dma_start3A_631 = arith.constant 0 : i32
      %dma_start3A_632 = arith.constant 0 : i32
      %dma_start3A_633 = tpu.memref_slice %arg8[%rem3A_630, %dma_start3A_631, %dma_start3A_632] : memref<2x125x128xf32, #tpu.memory_space<vmem>> -> memref<1x125x128xf32, #tpu.memory_space<vmem>>
      %dma_start3A_634 = tpu.memref_squeeze %dma_start3A_633 : memref<1x125x128xf32, #tpu.memory_space<vmem>> -> memref<125x128xf32, #tpu.memory_space<vmem>>
      %dma_start3A_635 = arith.constant 0 : i32
      %dma_start3A_636 = tpu.memref_slice %arg7[%scan3A_599, %dma_start3A_635] : memref<40x125xi32, #tpu.memory_space<vmem>> -> memref<1x125xi32, #tpu.memory_space<vmem>>
      %dma_start3A_637 = tpu.memref_squeeze %dma_start3A_636 : memref<1x125xi32, #tpu.memory_space<vmem>> -> memref<125xi32, #tpu.memory_space<vmem>>
      %dma_start3A_638 = arith.constant 0 : i32
      %dma_start3A_639 = arith.constant 0 : i32
      %dma_start3A_640 = tpu.memref_slice %arg9[%dma_start3A_638, %dma_start3A_639] : memref<10240x128xf32, #tpu.memory_space<vmem_shared>> -> memref<10240x128xf32, #tpu.memory_space<vmem_shared>>
      tpu.enqueue_indirect_dma source(%dma_start3A_634 : memref<125x128xf32, #tpu.memory_space<vmem>>) target(%dma_start3A_640 : memref<10240x128xf32, #tpu.memory_space<vmem_shared>>) offsets(%dma_start3A_637 : memref<125xi32, #tpu.memory_space<vmem>>) semaphore(%arg11 : memref<!tpu.dma_semaphore, #tpu.memory_space<semaphore_mem>>) {add = true}
      %add3A_641 = arith.constant 2 : i32
      %add3A_642 = arith.addi %scan3A_599, %add3A_641 : i32
      %sub3A_643 = arith.constant 1 : i32
      %sub3A_644 = arith.subi %add3A_642, %sub3A_643 : i32
      %rem3A_645 = arith.constant 2 : i32
      %rem3A_646 = arith.remsi %sub3A_644, %rem3A_645 : i32
      %dma_start3A_647 = arith.constant 0 : i32
      %dma_start3A_648 = arith.constant 0 : i32
      %dma_start3A_649 = tpu.memref_slice %arg8[%rem3A_646, %dma_start3A_647, %dma_start3A_648] : memref<2x125x128xf32, #tpu.memory_space<vmem>> -> memref<1x125x128xf32, #tpu.memory_space<vmem>>
      %dma_start3A_650 = tpu.memref_squeeze %dma_start3A_649 : memref<1x125x128xf32, #tpu.memory_space<vmem>> -> memref<125x128xf32, #tpu.memory_space<vmem>>
      %dma_start3A_651 = arith.constant 0 : i32
      %dma_start3A_652 = tpu.memref_slice %arg6[%sub3A_644, %dma_start3A_651] : memref<40x125xi32, #tpu.memory_space<vmem>> -> memref<1x125xi32, #tpu.memory_space<vmem>>
      %dma_start3A_653 = tpu.memref_squeeze %dma_start3A_652 : memref<1x125xi32, #tpu.memory_space<vmem>> -> memref<125xi32, #tpu.memory_space<vmem>>
      %dma_start3A_654 = arith.constant 0 : i32
      %dma_start3A_655 = arith.constant 0 : i32
      %dma_start3A_656 = tpu.memref_slice %arg2[%add3A_3, %dma_start3A_654, %dma_start3A_655] : memref<4x10240x128xf32, #tpu.memory_space<hbm>> -> memref<1x10240x128xf32, #tpu.memory_space<hbm>>
      %dma_start3A_657 = tpu.memref_squeeze %dma_start3A_656 : memref<1x10240x128xf32, #tpu.memory_space<hbm>> -> memref<10240x128xf32, #tpu.memory_space<hbm>>
      %dma_start3A_658 = arith.constant 0 : i32
      %dma_start3A_659 = arith.constant 0 : i32
      %dma_start3A_660 = tpu.memref_slice %dma_start3A_657[%dma_start3A_658, %dma_start3A_659] : memref<10240x128xf32, #tpu.memory_space<hbm>> -> memref<10240x128xf32, #tpu.memory_space<hbm>>
      tpu.enqueue_indirect_dma source(%dma_start3A_660 : memref<10240x128xf32, #tpu.memory_space<hbm>>) target(%dma_start3A_650 : memref<125x128xf32, #tpu.memory_space<vmem>>) offsets(%dma_start3A_653 : memref<125xi32, #tpu.memory_space<vmem>>) semaphore(%arg10 : memref<!tpu.dma_semaphore, #tpu.memory_space<semaphore_mem>>)
    }
    %scan3A_98 = arith.constant 38 : i32
    %rem3A_99 = arith.constant 39 : i32
    %rem3A_100 = arith.constant 2 : i32
    %rem3A_101 = arith.remsi %rem3A_99, %rem3A_100 : i32
    %dma_wait3A_102 = arith.constant 39 : i32
    %dma_wait3A_103 = arith.constant 0 : i32
    %dma_wait3A_104 = arith.constant 0 : i32
    %dma_wait3A_105 = tpu.memref_slice %arg8[%rem3A_101, %dma_wait3A_103, %dma_wait3A_104] : memref<2x125x128xf32, #tpu.memory_space<vmem>> -> memref<1x125x128xf32, #tpu.memory_space<vmem>>
    %dma_wait3A_106 = tpu.memref_squeeze %dma_wait3A_105 : memref<1x125x128xf32, #tpu.memory_space<vmem>> -> memref<125x128xf32, #tpu.memory_space<vmem>>
    %dma_wait3A_107 = arith.constant 0 : i32
    %dma_wait3A_108 = tpu.memref_slice %arg6[%dma_wait3A_102, %dma_wait3A_107] : memref<40x125xi32, #tpu.memory_space<vmem>> -> memref<1x125xi32, #tpu.memory_space<vmem>>
    %dma_wait3A_109 = tpu.memref_squeeze %dma_wait3A_108 : memref<1x125xi32, #tpu.memory_space<vmem>> -> memref<125xi32, #tpu.memory_space<vmem>>
    %dma_wait3A_110 = arith.constant 0 : i32
    %dma_wait3A_111 = arith.constant 0 : i32
    %dma_wait3A_112 = tpu.memref_slice %arg2[%add3A_3, %dma_wait3A_110, %dma_wait3A_111] : memref<4x10240x128xf32, #tpu.memory_space<hbm>> -> memref<1x10240x128xf32, #tpu.memory_space<hbm>>
    %dma_wait3A_113 = tpu.memref_squeeze %dma_wait3A_112 : memref<1x10240x128xf32, #tpu.memory_space<hbm>> -> memref<10240x128xf32, #tpu.memory_space<hbm>>
    %dma_wait3A_114 = arith.constant 0 : i32
    %dma_wait3A_115 = arith.constant 0 : i32
    %dma_wait3A_116 = tpu.memref_slice %dma_wait3A_113[%dma_wait3A_114, %dma_wait3A_115] : memref<10240x128xf32, #tpu.memory_space<hbm>> -> memref<10240x128xf32, #tpu.memory_space<hbm>>
    tpu.wait_indirect_dma semaphore(%arg10 : memref<!tpu.dma_semaphore, #tpu.memory_space<semaphore_mem>>) src(%dma_wait3A_116 : memref<10240x128xf32, #tpu.memory_space<hbm>>) dst(%dma_wait3A_106 : memref<125x128xf32, #tpu.memory_space<vmem>>)
    %rem3A_117 = arith.constant 38 : i32
    %rem3A_118 = arith.constant 2 : i32
    %rem3A_119 = arith.remsi %rem3A_117, %rem3A_118 : i32
    %dma_wait3A_120 = arith.constant 38 : i32
    %dma_wait3A_121 = arith.constant 0 : i32
    %dma_wait3A_122 = arith.constant 0 : i32
    %dma_wait3A_123 = tpu.memref_slice %arg8[%rem3A_119, %dma_wait3A_121, %dma_wait3A_122] : memref<2x125x128xf32, #tpu.memory_space<vmem>> -> memref<1x125x128xf32, #tpu.memory_space<vmem>>
    %dma_wait3A_124 = tpu.memref_squeeze %dma_wait3A_123 : memref<1x125x128xf32, #tpu.memory_space<vmem>> -> memref<125x128xf32, #tpu.memory_space<vmem>>
    %dma_wait3A_125 = arith.constant 0 : i32
    %dma_wait3A_126 = tpu.memref_slice %arg7[%dma_wait3A_120, %dma_wait3A_125] : memref<40x125xi32, #tpu.memory_space<vmem>> -> memref<1x125xi32, #tpu.memory_space<vmem>>
    %dma_wait3A_127 = tpu.memref_squeeze %dma_wait3A_126 : memref<1x125xi32, #tpu.memory_space<vmem>> -> memref<125xi32, #tpu.memory_space<vmem>>
    %dma_wait3A_128 = arith.constant 0 : i32
    %dma_wait3A_129 = arith.constant 0 : i32
    %dma_wait3A_130 = tpu.memref_slice %arg9[%dma_wait3A_128, %dma_wait3A_129] : memref<10240x128xf32, #tpu.memory_space<vmem_shared>> -> memref<10240x128xf32, #tpu.memory_space<vmem_shared>>
    tpu.wait_indirect_dma semaphore(%arg11 : memref<!tpu.dma_semaphore, #tpu.memory_space<semaphore_mem>>) src(%dma_wait3A_124 : memref<125x128xf32, #tpu.memory_space<vmem>>) dst(%dma_wait3A_130 : memref<10240x128xf32, #tpu.memory_space<vmem_shared>>)
    %rem3A_131 = arith.constant 39 : i32
    %rem3A_132 = arith.constant 2 : i32
    %rem3A_133 = arith.remsi %rem3A_131, %rem3A_132 : i32
    %dma_start3A_134 = arith.constant 39 : i32
    %dma_start3A_135 = arith.constant 0 : i32
    %dma_start3A_136 = arith.constant 0 : i32
    %dma_start3A_137 = tpu.memref_slice %arg8[%rem3A_133, %dma_start3A_135, %dma_start3A_136] : memref<2x125x128xf32, #tpu.memory_space<vmem>> -> memref<1x125x128xf32, #tpu.memory_space<vmem>>
    %dma_start3A_138 = tpu.memref_squeeze %dma_start3A_137 : memref<1x125x128xf32, #tpu.memory_space<vmem>> -> memref<125x128xf32, #tpu.memory_space<vmem>>
    %dma_start3A_139 = arith.constant 0 : i32
    %dma_start3A_140 = tpu.memref_slice %arg7[%dma_start3A_134, %dma_start3A_139] : memref<40x125xi32, #tpu.memory_space<vmem>> -> memref<1x125xi32, #tpu.memory_space<vmem>>
    %dma_start3A_141 = tpu.memref_squeeze %dma_start3A_140 : memref<1x125xi32, #tpu.memory_space<vmem>> -> memref<125xi32, #tpu.memory_space<vmem>>
    %dma_start3A_142 = arith.constant 0 : i32
    %dma_start3A_143 = arith.constant 0 : i32
    %dma_start3A_144 = tpu.memref_slice %arg9[%dma_start3A_142, %dma_start3A_143] : memref<10240x128xf32, #tpu.memory_space<vmem_shared>> -> memref<10240x128xf32, #tpu.memory_space<vmem_shared>>
    tpu.enqueue_indirect_dma source(%dma_start3A_138 : memref<125x128xf32, #tpu.memory_space<vmem>>) target(%dma_start3A_144 : memref<10240x128xf32, #tpu.memory_space<vmem_shared>>) offsets(%dma_start3A_141 : memref<125xi32, #tpu.memory_space<vmem>>) semaphore(%arg11 : memref<!tpu.dma_semaphore, #tpu.memory_space<semaphore_mem>>) {add = true}
    %rem3A_145 = arith.constant 39 : i32
    %rem3A_146 = arith.constant 2 : i32
    %rem3A_147 = arith.remsi %rem3A_145, %rem3A_146 : i32
    %dma_wait3A_148 = arith.constant 39 : i32
    %dma_wait3A_149 = arith.constant 0 : i32
    %dma_wait3A_150 = arith.constant 0 : i32
    %dma_wait3A_151 = tpu.memref_slice %arg8[%rem3A_147, %dma_wait3A_149, %dma_wait3A_150] : memref<2x125x128xf32, #tpu.memory_space<vmem>> -> memref<1x125x128xf32, #tpu.memory_space<vmem>>
    %dma_wait3A_152 = tpu.memref_squeeze %dma_wait3A_151 : memref<1x125x128xf32, #tpu.memory_space<vmem>> -> memref<125x128xf32, #tpu.memory_space<vmem>>
    %dma_wait3A_153 = arith.constant 0 : i32
    %dma_wait3A_154 = tpu.memref_slice %arg7[%dma_wait3A_148, %dma_wait3A_153] : memref<40x125xi32, #tpu.memory_space<vmem>> -> memref<1x125xi32, #tpu.memory_space<vmem>>
    %dma_wait3A_155 = tpu.memref_squeeze %dma_wait3A_154 : memref<1x125xi32, #tpu.memory_space<vmem>> -> memref<125xi32, #tpu.memory_space<vmem>>
    %dma_wait3A_156 = arith.constant 0 : i32
    %dma_wait3A_157 = arith.constant 0 : i32
    %dma_wait3A_158 = tpu.memref_slice %arg9[%dma_wait3A_156, %dma_wait3A_157] : memref<10240x128xf32, #tpu.memory_space<vmem_shared>> -> memref<10240x128xf32, #tpu.memory_space<vmem_shared>>
    tpu.wait_indirect_dma semaphore(%arg11 : memref<!tpu.dma_semaphore, #tpu.memory_space<semaphore_mem>>) src(%dma_wait3A_152 : memref<125x128xf32, #tpu.memory_space<vmem>>) dst(%dma_wait3A_158 : memref<10240x128xf32, #tpu.memory_space<vmem_shared>>)
    %add3A_159 = arith.constant 16 : i32
    %add3A_160 = arith.addi %arg1, %add3A_159 : i32
    "tpu.region"() ({
      %run_scoped3A_599 = tpu.sem_alloc : memref<!tpu.dma_semaphore, #tpu.memory_space<semaphore_mem>>
      %dma_start3A_600 = arith.constant 0 : i32
      %dma_start3A_601 = arith.constant 0 : i32
      %dma_start3A_602 = tpu.memref_slice %arg3[%add3A_160, %dma_start3A_600, %dma_start3A_601] : memref<32x40x125xi32, #tpu.memory_space<hbm>> -> memref<1x40x125xi32, #tpu.memory_space<hbm>>
      %dma_start3A_603 = tpu.memref_squeeze %dma_start3A_602 : memref<1x40x125xi32, #tpu.memory_space<hbm>> -> memref<40x125xi32, #tpu.memory_space<hbm>>
      %dma_start3A_604 = arith.constant 0 : i32
      %dma_start3A_605 = arith.constant 0 : i32
      %dma_start3A_606 = tpu.memref_slice %arg3[%add3A_160, %dma_start3A_604, %dma_start3A_605] : memref<32x40x125xi32, #tpu.memory_space<hbm>> -> memref<1x40x125xi32, #tpu.memory_space<hbm>>
      %dma_start3A_607 = tpu.memref_squeeze %dma_start3A_606 : memref<1x40x125xi32, #tpu.memory_space<hbm>> -> memref<40x125xi32, #tpu.memory_space<hbm>>
      tpu.enqueue_dma source(%dma_start3A_607 : memref<40x125xi32, #tpu.memory_space<hbm>>) target(%arg6 : memref<40x125xi32, #tpu.memory_space<vmem>>) target_semaphore(%run_scoped3A_599 : memref<!tpu.dma_semaphore, #tpu.memory_space<semaphore_mem>>)
      %dma_wait3A_608 = arith.constant 0 : i32
      %dma_wait3A_609 = arith.constant 0 : i32
      %dma_wait3A_610 = tpu.memref_slice %arg3[%add3A_160, %dma_wait3A_608, %dma_wait3A_609] : memref<32x40x125xi32, #tpu.memory_space<hbm>> -> memref<1x40x125xi32, #tpu.memory_space<hbm>>
      %dma_wait3A_611 = tpu.memref_squeeze %dma_wait3A_610 : memref<1x40x125xi32, #tpu.memory_space<hbm>> -> memref<40x125xi32, #tpu.memory_space<hbm>>
      %dma_wait3A_612 = arith.constant 0 : i32
      %dma_wait3A_613 = arith.constant 0 : i32
      %dma_wait3A_614 = tpu.memref_slice %arg3[%add3A_160, %dma_wait3A_612, %dma_wait3A_613] : memref<32x40x125xi32, #tpu.memory_space<hbm>> -> memref<1x40x125xi32, #tpu.memory_space<hbm>>
      %dma_wait3A_615 = tpu.memref_squeeze %dma_wait3A_614 : memref<1x40x125xi32, #tpu.memory_space<hbm>> -> memref<40x125xi32, #tpu.memory_space<hbm>>
      tpu.wait_dma2 semaphore(%run_scoped3A_599 : memref<!tpu.dma_semaphore, #tpu.memory_space<semaphore_mem>>) src(%dma_wait3A_615 : memref<40x125xi32, #tpu.memory_space<hbm>>) dst(%arg6 : memref<40x125xi32, #tpu.memory_space<vmem>>)
      tpu.yield
    }) : () -> ()
    "tpu.region"() ({
      %run_scoped3A_599 = tpu.sem_alloc : memref<!tpu.dma_semaphore, #tpu.memory_space<semaphore_mem>>
      %dma_start3A_600 = arith.constant 0 : i32
      %dma_start3A_601 = arith.constant 0 : i32
      %dma_start3A_602 = tpu.memref_slice %arg4[%add3A_160, %dma_start3A_600, %dma_start3A_601] : memref<32x40x125xi32, #tpu.memory_space<hbm>> -> memref<1x40x125xi32, #tpu.memory_space<hbm>>
      %dma_start3A_603 = tpu.memref_squeeze %dma_start3A_602 : memref<1x40x125xi32, #tpu.memory_space<hbm>> -> memref<40x125xi32, #tpu.memory_space<hbm>>
      %dma_start3A_604 = arith.constant 0 : i32
      %dma_start3A_605 = arith.constant 0 : i32
      %dma_start3A_606 = tpu.memref_slice %arg4[%add3A_160, %dma_start3A_604, %dma_start3A_605] : memref<32x40x125xi32, #tpu.memory_space<hbm>> -> memref<1x40x125xi32, #tpu.memory_space<hbm>>
      %dma_start3A_607 = tpu.memref_squeeze %dma_start3A_606 : memref<1x40x125xi32, #tpu.memory_space<hbm>> -> memref<40x125xi32, #tpu.memory_space<hbm>>
      tpu.enqueue_dma source(%dma_start3A_607 : memref<40x125xi32, #tpu.memory_space<hbm>>) target(%arg7 : memref<40x125xi32, #tpu.memory_space<vmem>>) target_semaphore(%run_scoped3A_599 : memref<!tpu.dma_semaphore, #tpu.memory_space<semaphore_mem>>)
      %dma_wait3A_608 = arith.constant 0 : i32
      %dma_wait3A_609 = arith.constant 0 : i32
      %dma_wait3A_610 = tpu.memref_slice %arg4[%add3A_160, %dma_wait3A_608, %dma_wait3A_609] : memref<32x40x125xi32, #tpu.memory_space<hbm>> -> memref<1x40x125xi32, #tpu.memory_space<hbm>>
      %dma_wait3A_611 = tpu.memref_squeeze %dma_wait3A_610 : memref<1x40x125xi32, #tpu.memory_space<hbm>> -> memref<40x125xi32, #tpu.memory_space<hbm>>
      %dma_wait3A_612 = arith.constant 0 : i32
      %dma_wait3A_613 = arith.constant 0 : i32
      %dma_wait3A_614 = tpu.memref_slice %arg4[%add3A_160, %dma_wait3A_612, %dma_wait3A_613] : memref<32x40x125xi32, #tpu.memory_space<hbm>> -> memref<1x40x125xi32, #tpu.memory_space<hbm>>
      %dma_wait3A_615 = tpu.memref_squeeze %dma_wait3A_614 : memref<1x40x125xi32, #tpu.memory_space<hbm>> -> memref<40x125xi32, #tpu.memory_space<hbm>>
      tpu.wait_dma2 semaphore(%run_scoped3A_599 : memref<!tpu.dma_semaphore, #tpu.memory_space<semaphore_mem>>) src(%dma_wait3A_615 : memref<40x125xi32, #tpu.memory_space<hbm>>) dst(%arg7 : memref<40x125xi32, #tpu.memory_space<vmem>>)
      tpu.yield
    }) : () -> ()
    %rem3A_161 = arith.constant 0 : i32
    %rem3A_162 = arith.constant 2 : i32
    %rem3A_163 = arith.remsi %rem3A_161, %rem3A_162 : i32
    %dma_start3A_164 = arith.constant 0 : i32
    %dma_start3A_165 = arith.constant 0 : i32
    %dma_start3A_166 = arith.constant 0 : i32
    %dma_start3A_167 = tpu.memref_slice %arg8[%rem3A_163, %dma_start3A_165, %dma_start3A_166] : memref<2x125x128xf32, #tpu.memory_space<vmem>> -> memref<1x125x128xf32, #tpu.memory_space<vmem>>
    %dma_start3A_168 = tpu.memref_squeeze %dma_start3A_167 : memref<1x125x128xf32, #tpu.memory_space<vmem>> -> memref<125x128xf32, #tpu.memory_space<vmem>>
    %dma_start3A_169 = arith.constant 0 : i32
    %dma_start3A_170 = tpu.memref_slice %arg6[%dma_start3A_164, %dma_start3A_169] : memref<40x125xi32, #tpu.memory_space<vmem>> -> memref<1x125xi32, #tpu.memory_space<vmem>>
    %dma_start3A_171 = tpu.memref_squeeze %dma_start3A_170 : memref<1x125xi32, #tpu.memory_space<vmem>> -> memref<125xi32, #tpu.memory_space<vmem>>
    %dma_start3A_172 = arith.constant 0 : i32
    %dma_start3A_173 = arith.constant 0 : i32
    %dma_start3A_174 = tpu.memref_slice %arg2[%add3A_3, %dma_start3A_172, %dma_start3A_173] : memref<4x10240x128xf32, #tpu.memory_space<hbm>> -> memref<1x10240x128xf32, #tpu.memory_space<hbm>>
    %dma_start3A_175 = tpu.memref_squeeze %dma_start3A_174 : memref<1x10240x128xf32, #tpu.memory_space<hbm>> -> memref<10240x128xf32, #tpu.memory_space<hbm>>
    %dma_start3A_176 = arith.constant 0 : i32
    %dma_start3A_177 = arith.constant 0 : i32
    %dma_start3A_178 = tpu.memref_slice %dma_start3A_175[%dma_start3A_176, %dma_start3A_177] : memref<10240x128xf32, #tpu.memory_space<hbm>> -> memref<10240x128xf32, #tpu.memory_space<hbm>>
    tpu.enqueue_indirect_dma source(%dma_start3A_178 : memref<10240x128xf32, #tpu.memory_space<hbm>>) target(%dma_start3A_168 : memref<125x128xf32, #tpu.memory_space<vmem>>) offsets(%dma_start3A_171 : memref<125xi32, #tpu.memory_space<vmem>>) semaphore(%arg10 : memref<!tpu.dma_semaphore, #tpu.memory_space<semaphore_mem>>)
    %rem3A_179 = arith.constant 0 : i32
    %rem3A_180 = arith.constant 2 : i32
    %rem3A_181 = arith.remsi %rem3A_179, %rem3A_180 : i32
    %dma_wait3A_182 = arith.constant 0 : i32
    %dma_wait3A_183 = arith.constant 0 : i32
    %dma_wait3A_184 = arith.constant 0 : i32
    %dma_wait3A_185 = tpu.memref_slice %arg8[%rem3A_181, %dma_wait3A_183, %dma_wait3A_184] : memref<2x125x128xf32, #tpu.memory_space<vmem>> -> memref<1x125x128xf32, #tpu.memory_space<vmem>>
    %dma_wait3A_186 = tpu.memref_squeeze %dma_wait3A_185 : memref<1x125x128xf32, #tpu.memory_space<vmem>> -> memref<125x128xf32, #tpu.memory_space<vmem>>
    %dma_wait3A_187 = arith.constant 0 : i32
    %dma_wait3A_188 = tpu.memref_slice %arg6[%dma_wait3A_182, %dma_wait3A_187] : memref<40x125xi32, #tpu.memory_space<vmem>> -> memref<1x125xi32, #tpu.memory_space<vmem>>
    %dma_wait3A_189 = tpu.memref_squeeze %dma_wait3A_188 : memref<1x125xi32, #tpu.memory_space<vmem>> -> memref<125xi32, #tpu.memory_space<vmem>>
    %dma_wait3A_190 = arith.constant 0 : i32
    %dma_wait3A_191 = arith.constant 0 : i32
    %dma_wait3A_192 = tpu.memref_slice %arg2[%add3A_3, %dma_wait3A_190, %dma_wait3A_191] : memref<4x10240x128xf32, #tpu.memory_space<hbm>> -> memref<1x10240x128xf32, #tpu.memory_space<hbm>>
    %dma_wait3A_193 = tpu.memref_squeeze %dma_wait3A_192 : memref<1x10240x128xf32, #tpu.memory_space<hbm>> -> memref<10240x128xf32, #tpu.memory_space<hbm>>
    %dma_wait3A_194 = arith.constant 0 : i32
    %dma_wait3A_195 = arith.constant 0 : i32
    %dma_wait3A_196 = tpu.memref_slice %dma_wait3A_193[%dma_wait3A_194, %dma_wait3A_195] : memref<10240x128xf32, #tpu.memory_space<hbm>> -> memref<10240x128xf32, #tpu.memory_space<hbm>>
    tpu.wait_indirect_dma semaphore(%arg10 : memref<!tpu.dma_semaphore, #tpu.memory_space<semaphore_mem>>) src(%dma_wait3A_196 : memref<10240x128xf32, #tpu.memory_space<hbm>>) dst(%dma_wait3A_186 : memref<125x128xf32, #tpu.memory_space<vmem>>)
    %rem3A_197 = arith.constant 0 : i32
    %rem3A_198 = arith.constant 2 : i32
    %rem3A_199 = arith.remsi %rem3A_197, %rem3A_198 : i32
    %dma_start3A_200 = arith.constant 0 : i32
    %dma_start3A_201 = arith.constant 0 : i32
    %dma_start3A_202 = arith.constant 0 : i32
    %dma_start3A_203 = tpu.memref_slice %arg8[%rem3A_199, %dma_start3A_201, %dma_start3A_202] : memref<2x125x128xf32, #tpu.memory_space<vmem>> -> memref<1x125x128xf32, #tpu.memory_space<vmem>>
    %dma_start3A_204 = tpu.memref_squeeze %dma_start3A_203 : memref<1x125x128xf32, #tpu.memory_space<vmem>> -> memref<125x128xf32, #tpu.memory_space<vmem>>
    %dma_start3A_205 = arith.constant 0 : i32
    %dma_start3A_206 = tpu.memref_slice %arg7[%dma_start3A_200, %dma_start3A_205] : memref<40x125xi32, #tpu.memory_space<vmem>> -> memref<1x125xi32, #tpu.memory_space<vmem>>
    %dma_start3A_207 = tpu.memref_squeeze %dma_start3A_206 : memref<1x125xi32, #tpu.memory_space<vmem>> -> memref<125xi32, #tpu.memory_space<vmem>>
    %dma_start3A_208 = arith.constant 0 : i32
    %dma_start3A_209 = arith.constant 0 : i32
    %dma_start3A_210 = tpu.memref_slice %arg9[%dma_start3A_208, %dma_start3A_209] : memref<10240x128xf32, #tpu.memory_space<vmem_shared>> -> memref<10240x128xf32, #tpu.memory_space<vmem_shared>>
    tpu.enqueue_indirect_dma source(%dma_start3A_204 : memref<125x128xf32, #tpu.memory_space<vmem>>) target(%dma_start3A_210 : memref<10240x128xf32, #tpu.memory_space<vmem_shared>>) offsets(%dma_start3A_207 : memref<125xi32, #tpu.memory_space<vmem>>) semaphore(%arg11 : memref<!tpu.dma_semaphore, #tpu.memory_space<semaphore_mem>>) {add = true}
    %rem3A_211 = arith.constant 1 : i32
    %rem3A_212 = arith.constant 2 : i32
    %rem3A_213 = arith.remsi %rem3A_211, %rem3A_212 : i32
    %dma_start3A_214 = arith.constant 1 : i32
    %dma_start3A_215 = arith.constant 0 : i32
    %dma_start3A_216 = arith.constant 0 : i32
    %dma_start3A_217 = tpu.memref_slice %arg8[%rem3A_213, %dma_start3A_215, %dma_start3A_216] : memref<2x125x128xf32, #tpu.memory_space<vmem>> -> memref<1x125x128xf32, #tpu.memory_space<vmem>>
    %dma_start3A_218 = tpu.memref_squeeze %dma_start3A_217 : memref<1x125x128xf32, #tpu.memory_space<vmem>> -> memref<125x128xf32, #tpu.memory_space<vmem>>
    %dma_start3A_219 = arith.constant 0 : i32
    %dma_start3A_220 = tpu.memref_slice %arg6[%dma_start3A_214, %dma_start3A_219] : memref<40x125xi32, #tpu.memory_space<vmem>> -> memref<1x125xi32, #tpu.memory_space<vmem>>
    %dma_start3A_221 = tpu.memref_squeeze %dma_start3A_220 : memref<1x125xi32, #tpu.memory_space<vmem>> -> memref<125xi32, #tpu.memory_space<vmem>>
    %dma_start3A_222 = arith.constant 0 : i32
    %dma_start3A_223 = arith.constant 0 : i32
    %dma_start3A_224 = tpu.memref_slice %arg2[%add3A_3, %dma_start3A_222, %dma_start3A_223] : memref<4x10240x128xf32, #tpu.memory_space<hbm>> -> memref<1x10240x128xf32, #tpu.memory_space<hbm>>
    %dma_start3A_225 = tpu.memref_squeeze %dma_start3A_224 : memref<1x10240x128xf32, #tpu.memory_space<hbm>> -> memref<10240x128xf32, #tpu.memory_space<hbm>>
    %dma_start3A_226 = arith.constant 0 : i32
    %dma_start3A_227 = arith.constant 0 : i32
    %dma_start3A_228 = tpu.memref_slice %dma_start3A_225[%dma_start3A_226, %dma_start3A_227] : memref<10240x128xf32, #tpu.memory_space<hbm>> -> memref<10240x128xf32, #tpu.memory_space<hbm>>
    tpu.enqueue_indirect_dma source(%dma_start3A_228 : memref<10240x128xf32, #tpu.memory_space<hbm>>) target(%dma_start3A_218 : memref<125x128xf32, #tpu.memory_space<vmem>>) offsets(%dma_start3A_221 : memref<125xi32, #tpu.memory_space<vmem>>) semaphore(%arg10 : memref<!tpu.dma_semaphore, #tpu.memory_space<semaphore_mem>>)
    %scan3A_229 = arith.constant 0 : i32
    %scan3A_230 = arith.constant 1 : i32
    %scan3A_231 = arith.constant 38 : i32
    %scan3A_232 = arith.addi %scan3A_230, %scan3A_231 : i32
    %scan3A_233 = arith.constant 1 : i32
    scf.for %scan3A_599 = %scan3A_230 to %scan3A_232 step %scan3A_233  : i32 {
      %rem3A_600 = arith.constant 2 : i32
      %rem3A_601 = arith.remsi %scan3A_599, %rem3A_600 : i32
      %dma_wait3A_602 = arith.constant 0 : i32
      %dma_wait3A_603 = arith.constant 0 : i32
      %dma_wait3A_604 = tpu.memref_slice %arg8[%rem3A_601, %dma_wait3A_602, %dma_wait3A_603] : memref<2x125x128xf32, #tpu.memory_space<vmem>> -> memref<1x125x128xf32, #tpu.memory_space<vmem>>
      %dma_wait3A_605 = tpu.memref_squeeze %dma_wait3A_604 : memref<1x125x128xf32, #tpu.memory_space<vmem>> -> memref<125x128xf32, #tpu.memory_space<vmem>>
      %dma_wait3A_606 = arith.constant 0 : i32
      %dma_wait3A_607 = tpu.memref_slice %arg6[%scan3A_599, %dma_wait3A_606] : memref<40x125xi32, #tpu.memory_space<vmem>> -> memref<1x125xi32, #tpu.memory_space<vmem>>
      %dma_wait3A_608 = tpu.memref_squeeze %dma_wait3A_607 : memref<1x125xi32, #tpu.memory_space<vmem>> -> memref<125xi32, #tpu.memory_space<vmem>>
      %dma_wait3A_609 = arith.constant 0 : i32
      %dma_wait3A_610 = arith.constant 0 : i32
      %dma_wait3A_611 = tpu.memref_slice %arg2[%add3A_3, %dma_wait3A_609, %dma_wait3A_610] : memref<4x10240x128xf32, #tpu.memory_space<hbm>> -> memref<1x10240x128xf32, #tpu.memory_space<hbm>>
      %dma_wait3A_612 = tpu.memref_squeeze %dma_wait3A_611 : memref<1x10240x128xf32, #tpu.memory_space<hbm>> -> memref<10240x128xf32, #tpu.memory_space<hbm>>
      %dma_wait3A_613 = arith.constant 0 : i32
      %dma_wait3A_614 = arith.constant 0 : i32
      %dma_wait3A_615 = tpu.memref_slice %dma_wait3A_612[%dma_wait3A_613, %dma_wait3A_614] : memref<10240x128xf32, #tpu.memory_space<hbm>> -> memref<10240x128xf32, #tpu.memory_space<hbm>>
      tpu.wait_indirect_dma semaphore(%arg10 : memref<!tpu.dma_semaphore, #tpu.memory_space<semaphore_mem>>) src(%dma_wait3A_615 : memref<10240x128xf32, #tpu.memory_space<hbm>>) dst(%dma_wait3A_605 : memref<125x128xf32, #tpu.memory_space<vmem>>)
      %sub3A = arith.constant 1 : i32
      %sub3A_616 = arith.subi %scan3A_599, %sub3A : i32
      %rem3A_617 = arith.constant 2 : i32
      %rem3A_618 = arith.remsi %sub3A_616, %rem3A_617 : i32
      %dma_wait3A_619 = arith.constant 0 : i32
      %dma_wait3A_620 = arith.constant 0 : i32
      %dma_wait3A_621 = tpu.memref_slice %arg8[%rem3A_618, %dma_wait3A_619, %dma_wait3A_620] : memref<2x125x128xf32, #tpu.memory_space<vmem>> -> memref<1x125x128xf32, #tpu.memory_space<vmem>>
      %dma_wait3A_622 = tpu.memref_squeeze %dma_wait3A_621 : memref<1x125x128xf32, #tpu.memory_space<vmem>> -> memref<125x128xf32, #tpu.memory_space<vmem>>
      %dma_wait3A_623 = arith.constant 0 : i32
      %dma_wait3A_624 = tpu.memref_slice %arg7[%sub3A_616, %dma_wait3A_623] : memref<40x125xi32, #tpu.memory_space<vmem>> -> memref<1x125xi32, #tpu.memory_space<vmem>>
      %dma_wait3A_625 = tpu.memref_squeeze %dma_wait3A_624 : memref<1x125xi32, #tpu.memory_space<vmem>> -> memref<125xi32, #tpu.memory_space<vmem>>
      %dma_wait3A_626 = arith.constant 0 : i32
      %dma_wait3A_627 = arith.constant 0 : i32
      %dma_wait3A_628 = tpu.memref_slice %arg9[%dma_wait3A_626, %dma_wait3A_627] : memref<10240x128xf32, #tpu.memory_space<vmem_shared>> -> memref<10240x128xf32, #tpu.memory_space<vmem_shared>>
      tpu.wait_indirect_dma semaphore(%arg11 : memref<!tpu.dma_semaphore, #tpu.memory_space<semaphore_mem>>) src(%dma_wait3A_622 : memref<125x128xf32, #tpu.memory_space<vmem>>) dst(%dma_wait3A_628 : memref<10240x128xf32, #tpu.memory_space<vmem_shared>>)
      %rem3A_629 = arith.constant 2 : i32
      %rem3A_630 = arith.remsi %scan3A_599, %rem3A_629 : i32
      %dma_start3A_631 = arith.constant 0 : i32
      %dma_start3A_632 = arith.constant 0 : i32
      %dma_start3A_633 = tpu.memref_slice %arg8[%rem3A_630, %dma_start3A_631, %dma_start3A_632] : memref<2x125x128xf32, #tpu.memory_space<vmem>> -> memref<1x125x128xf32, #tpu.memory_space<vmem>>
      %dma_start3A_634 = tpu.memref_squeeze %dma_start3A_633 : memref<1x125x128xf32, #tpu.memory_space<vmem>> -> memref<125x128xf32, #tpu.memory_space<vmem>>
      %dma_start3A_635 = arith.constant 0 : i32
      %dma_start3A_636 = tpu.memref_slice %arg7[%scan3A_599, %dma_start3A_635] : memref<40x125xi32, #tpu.memory_space<vmem>> -> memref<1x125xi32, #tpu.memory_space<vmem>>
      %dma_start3A_637 = tpu.memref_squeeze %dma_start3A_636 : memref<1x125xi32, #tpu.memory_space<vmem>> -> memref<125xi32, #tpu.memory_space<vmem>>
      %dma_start3A_638 = arith.constant 0 : i32
      %dma_start3A_639 = arith.constant 0 : i32
      %dma_start3A_640 = tpu.memref_slice %arg9[%dma_start3A_638, %dma_start3A_639] : memref<10240x128xf32, #tpu.memory_space<vmem_shared>> -> memref<10240x128xf32, #tpu.memory_space<vmem_shared>>
      tpu.enqueue_indirect_dma source(%dma_start3A_634 : memref<125x128xf32, #tpu.memory_space<vmem>>) target(%dma_start3A_640 : memref<10240x128xf32, #tpu.memory_space<vmem_shared>>) offsets(%dma_start3A_637 : memref<125xi32, #tpu.memory_space<vmem>>) semaphore(%arg11 : memref<!tpu.dma_semaphore, #tpu.memory_space<semaphore_mem>>) {add = true}
      %add3A_641 = arith.constant 2 : i32
      %add3A_642 = arith.addi %scan3A_599, %add3A_641 : i32
      %sub3A_643 = arith.constant 1 : i32
      %sub3A_644 = arith.subi %add3A_642, %sub3A_643 : i32
      %rem3A_645 = arith.constant 2 : i32
      %rem3A_646 = arith.remsi %sub3A_644, %rem3A_645 : i32
      %dma_start3A_647 = arith.constant 0 : i32
      %dma_start3A_648 = arith.constant 0 : i32
      %dma_start3A_649 = tpu.memref_slice %arg8[%rem3A_646, %dma_start3A_647, %dma_start3A_648] : memref<2x125x128xf32, #tpu.memory_space<vmem>> -> memref<1x125x128xf32, #tpu.memory_space<vmem>>
      %dma_start3A_650 = tpu.memref_squeeze %dma_start3A_649 : memref<1x125x128xf32, #tpu.memory_space<vmem>> -> memref<125x128xf32, #tpu.memory_space<vmem>>
      %dma_start3A_651 = arith.constant 0 : i32
      %dma_start3A_652 = tpu.memref_slice %arg6[%sub3A_644, %dma_start3A_651] : memref<40x125xi32, #tpu.memory_space<vmem>> -> memref<1x125xi32, #tpu.memory_space<vmem>>
      %dma_start3A_653 = tpu.memref_squeeze %dma_start3A_652 : memref<1x125xi32, #tpu.memory_space<vmem>> -> memref<125xi32, #tpu.memory_space<vmem>>
      %dma_start3A_654 = arith.constant 0 : i32
      %dma_start3A_655 = arith.constant 0 : i32
      %dma_start3A_656 = tpu.memref_slice %arg2[%add3A_3, %dma_start3A_654, %dma_start3A_655] : memref<4x10240x128xf32, #tpu.memory_space<hbm>> -> memref<1x10240x128xf32, #tpu.memory_space<hbm>>
      %dma_start3A_657 = tpu.memref_squeeze %dma_start3A_656 : memref<1x10240x128xf32, #tpu.memory_space<hbm>> -> memref<10240x128xf32, #tpu.memory_space<hbm>>
      %dma_start3A_658 = arith.constant 0 : i32
      %dma_start3A_659 = arith.constant 0 : i32
      %dma_start3A_660 = tpu.memref_slice %dma_start3A_657[%dma_start3A_658, %dma_start3A_659] : memref<10240x128xf32, #tpu.memory_space<hbm>> -> memref<10240x128xf32, #tpu.memory_space<hbm>>
      tpu.enqueue_indirect_dma source(%dma_start3A_660 : memref<10240x128xf32, #tpu.memory_space<hbm>>) target(%dma_start3A_650 : memref<125x128xf32, #tpu.memory_space<vmem>>) offsets(%dma_start3A_653 : memref<125xi32, #tpu.memory_space<vmem>>) semaphore(%arg10 : memref<!tpu.dma_semaphore, #tpu.memory_space<semaphore_mem>>)
    }
    %scan3A_234 = arith.constant 38 : i32
    %rem3A_235 = arith.constant 39 : i32
    %rem3A_236 = arith.constant 2 : i32
    %rem3A_237 = arith.remsi %rem3A_235, %rem3A_236 : i32
    %dma_wait3A_238 = arith.constant 39 : i32
    %dma_wait3A_239 = arith.constant 0 : i32
    %dma_wait3A_240 = arith.constant 0 : i32
    %dma_wait3A_241 = tpu.memref_slice %arg8[%rem3A_237, %dma_wait3A_239, %dma_wait3A_240] : memref<2x125x128xf32, #tpu.memory_space<vmem>> -> memref<1x125x128xf32, #tpu.memory_space<vmem>>
    %dma_wait3A_242 = tpu.memref_squeeze %dma_wait3A_241 : memref<1x125x128xf32, #tpu.memory_space<vmem>> -> memref<125x128xf32, #tpu.memory_space<vmem>>
    %dma_wait3A_243 = arith.constant 0 : i32
    %dma_wait3A_244 = tpu.memref_slice %arg6[%dma_wait3A_238, %dma_wait3A_243] : memref<40x125xi32, #tpu.memory_space<vmem>> -> memref<1x125xi32, #tpu.memory_space<vmem>>
    %dma_wait3A_245 = tpu.memref_squeeze %dma_wait3A_244 : memref<1x125xi32, #tpu.memory_space<vmem>> -> memref<125xi32, #tpu.memory_space<vmem>>
    %dma_wait3A_246 = arith.constant 0 : i32
    %dma_wait3A_247 = arith.constant 0 : i32
    %dma_wait3A_248 = tpu.memref_slice %arg2[%add3A_3, %dma_wait3A_246, %dma_wait3A_247] : memref<4x10240x128xf32, #tpu.memory_space<hbm>> -> memref<1x10240x128xf32, #tpu.memory_space<hbm>>
    %dma_wait3A_249 = tpu.memref_squeeze %dma_wait3A_248 : memref<1x10240x128xf32, #tpu.memory_space<hbm>> -> memref<10240x128xf32, #tpu.memory_space<hbm>>
    %dma_wait3A_250 = arith.constant 0 : i32
    %dma_wait3A_251 = arith.constant 0 : i32
    %dma_wait3A_252 = tpu.memref_slice %dma_wait3A_249[%dma_wait3A_250, %dma_wait3A_251] : memref<10240x128xf32, #tpu.memory_space<hbm>> -> memref<10240x128xf32, #tpu.memory_space<hbm>>
    tpu.wait_indirect_dma semaphore(%arg10 : memref<!tpu.dma_semaphore, #tpu.memory_space<semaphore_mem>>) src(%dma_wait3A_252 : memref<10240x128xf32, #tpu.memory_space<hbm>>) dst(%dma_wait3A_242 : memref<125x128xf32, #tpu.memory_space<vmem>>)
    %rem3A_253 = arith.constant 38 : i32
    %rem3A_254 = arith.constant 2 : i32
    %rem3A_255 = arith.remsi %rem3A_253, %rem3A_254 : i32
    %dma_wait3A_256 = arith.constant 38 : i32
    %dma_wait3A_257 = arith.constant 0 : i32
    %dma_wait3A_258 = arith.constant 0 : i32
    %dma_wait3A_259 = tpu.memref_slice %arg8[%rem3A_255, %dma_wait3A_257, %dma_wait3A_258] : memref<2x125x128xf32, #tpu.memory_space<vmem>> -> memref<1x125x128xf32, #tpu.memory_space<vmem>>
    %dma_wait3A_260 = tpu.memref_squeeze %dma_wait3A_259 : memref<1x125x128xf32, #tpu.memory_space<vmem>> -> memref<125x128xf32, #tpu.memory_space<vmem>>
    %dma_wait3A_261 = arith.constant 0 : i32
    %dma_wait3A_262 = tpu.memref_slice %arg7[%dma_wait3A_256, %dma_wait3A_261] : memref<40x125xi32, #tpu.memory_space<vmem>> -> memref<1x125xi32, #tpu.memory_space<vmem>>
    %dma_wait3A_263 = tpu.memref_squeeze %dma_wait3A_262 : memref<1x125xi32, #tpu.memory_space<vmem>> -> memref<125xi32, #tpu.memory_space<vmem>>
    %dma_wait3A_264 = arith.constant 0 : i32
    %dma_wait3A_265 = arith.constant 0 : i32
    %dma_wait3A_266 = tpu.memref_slice %arg9[%dma_wait3A_264, %dma_wait3A_265] : memref<10240x128xf32, #tpu.memory_space<vmem_shared>> -> memref<10240x128xf32, #tpu.memory_space<vmem_shared>>
    tpu.wait_indirect_dma semaphore(%arg11 : memref<!tpu.dma_semaphore, #tpu.memory_space<semaphore_mem>>) src(%dma_wait3A_260 : memref<125x128xf32, #tpu.memory_space<vmem>>) dst(%dma_wait3A_266 : memref<10240x128xf32, #tpu.memory_space<vmem_shared>>)
    %rem3A_267 = arith.constant 39 : i32
    %rem3A_268 = arith.constant 2 : i32
    %rem3A_269 = arith.remsi %rem3A_267, %rem3A_268 : i32
    %dma_start3A_270 = arith.constant 39 : i32
    %dma_start3A_271 = arith.constant 0 : i32
    %dma_start3A_272 = arith.constant 0 : i32
    %dma_start3A_273 = tpu.memref_slice %arg8[%rem3A_269, %dma_start3A_271, %dma_start3A_272] : memref<2x125x128xf32, #tpu.memory_space<vmem>> -> memref<1x125x128xf32, #tpu.memory_space<vmem>>
    %dma_start3A_274 = tpu.memref_squeeze %dma_start3A_273 : memref<1x125x128xf32, #tpu.memory_space<vmem>> -> memref<125x128xf32, #tpu.memory_space<vmem>>
    %dma_start3A_275 = arith.constant 0 : i32
    %dma_start3A_276 = tpu.memref_slice %arg7[%dma_start3A_270, %dma_start3A_275] : memref<40x125xi32, #tpu.memory_space<vmem>> -> memref<1x125xi32, #tpu.memory_space<vmem>>
    %dma_start3A_277 = tpu.memref_squeeze %dma_start3A_276 : memref<1x125xi32, #tpu.memory_space<vmem>> -> memref<125xi32, #tpu.memory_space<vmem>>
    %dma_start3A_278 = arith.constant 0 : i32
    %dma_start3A_279 = arith.constant 0 : i32
    %dma_start3A_280 = tpu.memref_slice %arg9[%dma_start3A_278, %dma_start3A_279] : memref<10240x128xf32, #tpu.memory_space<vmem_shared>> -> memref<10240x128xf32, #tpu.memory_space<vmem_shared>>
    tpu.enqueue_indirect_dma source(%dma_start3A_274 : memref<125x128xf32, #tpu.memory_space<vmem>>) target(%dma_start3A_280 : memref<10240x128xf32, #tpu.memory_space<vmem_shared>>) offsets(%dma_start3A_277 : memref<125xi32, #tpu.memory_space<vmem>>) semaphore(%arg11 : memref<!tpu.dma_semaphore, #tpu.memory_space<semaphore_mem>>) {add = true}
    %rem3A_281 = arith.constant 39 : i32
    %rem3A_282 = arith.constant 2 : i32
    %rem3A_283 = arith.remsi %rem3A_281, %rem3A_282 : i32
    %dma_wait3A_284 = arith.constant 39 : i32
    %dma_wait3A_285 = arith.constant 0 : i32
    %dma_wait3A_286 = arith.constant 0 : i32
    %dma_wait3A_287 = tpu.memref_slice %arg8[%rem3A_283, %dma_wait3A_285, %dma_wait3A_286] : memref<2x125x128xf32, #tpu.memory_space<vmem>> -> memref<1x125x128xf32, #tpu.memory_space<vmem>>
    %dma_wait3A_288 = tpu.memref_squeeze %dma_wait3A_287 : memref<1x125x128xf32, #tpu.memory_space<vmem>> -> memref<125x128xf32, #tpu.memory_space<vmem>>
    %dma_wait3A_289 = arith.constant 0 : i32
    %dma_wait3A_290 = tpu.memref_slice %arg7[%dma_wait3A_284, %dma_wait3A_289] : memref<40x125xi32, #tpu.memory_space<vmem>> -> memref<1x125xi32, #tpu.memory_space<vmem>>
    %dma_wait3A_291 = tpu.memref_squeeze %dma_wait3A_290 : memref<1x125xi32, #tpu.memory_space<vmem>> -> memref<125xi32, #tpu.memory_space<vmem>>
    %dma_wait3A_292 = arith.constant 0 : i32
    %dma_wait3A_293 = arith.constant 0 : i32
    %dma_wait3A_294 = tpu.memref_slice %arg9[%dma_wait3A_292, %dma_wait3A_293] : memref<10240x128xf32, #tpu.memory_space<vmem_shared>> -> memref<10240x128xf32, #tpu.memory_space<vmem_shared>>
    tpu.wait_indirect_dma semaphore(%arg11 : memref<!tpu.dma_semaphore, #tpu.memory_space<semaphore_mem>>) src(%dma_wait3A_288 : memref<125x128xf32, #tpu.memory_space<vmem>>) dst(%dma_wait3A_294 : memref<10240x128xf32, #tpu.memory_space<vmem_shared>>)
    %barrier3A_295 = arith.constant 0 : index
    tpu.barrier barrier_id(%barrier3A_295)
    "tpu.region"() ({
      %run_scoped3A_599 = tpu.sem_alloc : memref<!tpu.dma_semaphore, #tpu.memory_space<semaphore_mem>>
      %dma_start3A_600 = arith.constant 0 : i32
      %dma_start3A_601 = arith.constant 0 : i32
      %dma_start3A_602 = tpu.memref_slice %arg5[%add3A_3, %dma_start3A_600, %dma_start3A_601] : memref<4x10240x128xf32, #tpu.memory_space<hbm>> -> memref<1x10240x128xf32, #tpu.memory_space<hbm>>
      %dma_start3A_603 = tpu.memref_squeeze %dma_start3A_602 : memref<1x10240x128xf32, #tpu.memory_space<hbm>> -> memref<10240x128xf32, #tpu.memory_space<hbm>>
      %dma_start3A_604 = arith.constant 0 : i32
      %dma_start3A_605 = tpu.memref_slice %dma_start3A_603[%mul3A_0, %dma_start3A_604] : memref<10240x128xf32, #tpu.memory_space<hbm>> -> memref<640x128xf32, #tpu.memory_space<hbm>>
      %dma_start3A_606 = arith.constant 0 : i32
      %dma_start3A_607 = tpu.memref_slice %arg9[%mul3A_0, %dma_start3A_606] : memref<10240x128xf32, #tpu.memory_space<vmem_shared>> -> memref<640x128xf32, #tpu.memory_space<vmem_shared>>
      tpu.enqueue_dma source(%dma_start3A_607 : memref<640x128xf32, #tpu.memory_space<vmem_shared>>) target(%dma_start3A_605 : memref<640x128xf32, #tpu.memory_space<hbm>>) target_semaphore(%run_scoped3A_599 : memref<!tpu.dma_semaphore, #tpu.memory_space<semaphore_mem>>)
      %dma_wait3A_608 = arith.constant 0 : i32
      %dma_wait3A_609 = arith.constant 0 : i32
      %dma_wait3A_610 = tpu.memref_slice %arg5[%add3A_3, %dma_wait3A_608, %dma_wait3A_609] : memref<4x10240x128xf32, #tpu.memory_space<hbm>> -> memref<1x10240x128xf32, #tpu.memory_space<hbm>>
      %dma_wait3A_611 = tpu.memref_squeeze %dma_wait3A_610 : memref<1x10240x128xf32, #tpu.memory_space<hbm>> -> memref<10240x128xf32, #tpu.memory_space<hbm>>
      %dma_wait3A_612 = arith.constant 0 : i32
      %dma_wait3A_613 = tpu.memref_slice %dma_wait3A_611[%mul3A_0, %dma_wait3A_612] : memref<10240x128xf32, #tpu.memory_space<hbm>> -> memref<640x128xf32, #tpu.memory_space<hbm>>
      %dma_wait3A_614 = arith.constant 0 : i32
      %dma_wait3A_615 = tpu.memref_slice %arg9[%mul3A_0, %dma_wait3A_614] : memref<10240x128xf32, #tpu.memory_space<vmem_shared>> -> memref<640x128xf32, #tpu.memory_space<vmem_shared>>
      tpu.wait_dma2 semaphore(%run_scoped3A_599 : memref<!tpu.dma_semaphore, #tpu.memory_space<semaphore_mem>>) src(%dma_wait3A_615 : memref<640x128xf32, #tpu.memory_space<vmem_shared>>) dst(%dma_wait3A_613 : memref<640x128xf32, #tpu.memory_space<hbm>>)
      tpu.yield
    }) : () -> ()
    %barrier3A_296 = arith.constant 0 : index
    tpu.barrier barrier_id(%barrier3A_296)
    %mul3A_297 = arith.constant 2 : i32
    %mul3A_298 = arith.muli %arg0, %mul3A_297 : i32
    %add3A_299 = arith.constant 1 : i32
    %add3A_300 = arith.addi %mul3A_298, %add3A_299 : i32
    %scan3A_301 = arith.constant 0 : i32
    %scan3A_302 = arith.constant 0 : i32
    %scan3A_303 = arith.constant 125 : i32
    %scan3A_304 = arith.addi %scan3A_302, %scan3A_303 : i32
    %scan3A_305 = arith.constant 1 : i32
    scf.for %scan3A_599 = %scan3A_302 to %scan3A_304 step %scan3A_305  : i32 {
      %broadcast_in_dim3A = arith.constant 0.000000e+00 : f32
      %broadcast_in_dim3A_600 = vector.broadcast %broadcast_in_dim3A : f32 to vector<16xf32>
      %swap3A = arith.constant 0 : i32
      %swap3A_601 = arith.index_cast %swap3A : i32 to index
      %swap3A_602 = arith.index_cast %scan3A_599 : i32 to index
      %swap3A_603 = arith.constant 0 : index
      %swap3A_604 = tpu.vector_load %arg8[%swap3A_601, %swap3A_602, %swap3A_603] {strides = array<i32>} : memref<2x125x128xf32, #tpu.memory_space<vmem>>, vector<1x1x16xf32>,
      %swap3A_605 = vector.shape_cast %swap3A_604 : vector<1x1x16xf32> to vector<16xf32>
      %swap3A_606 = vector.shape_cast %broadcast_in_dim3A_600 : vector<16xf32> to vector<1x1x16xf32>
      tpu.vector_store %arg8[%swap3A_601, %swap3A_602, %swap3A_603], %swap3A_606 {strides = array<i32>} : memref<2x125x128xf32, #tpu.memory_space<vmem>>, vector<1x1x16xf32>,
      %broadcast_in_dim3A_607 = arith.constant 0.000000e+00 : f32
      %broadcast_in_dim3A_608 = vector.broadcast %broadcast_in_dim3A_607 : f32 to vector<16xf32>
      %swap3A_609 = arith.constant 0 : i32
      %swap3A_610 = arith.index_cast %swap3A_609 : i32 to index
      %swap3A_611 = arith.index_cast %scan3A_599 : i32 to index
      %swap3A_612 = arith.constant 16 : index
      %swap3A_613 = tpu.vector_load %arg8[%swap3A_610, %swap3A_611, %swap3A_612] {strides = array<i32>} : memref<2x125x128xf32, #tpu.memory_space<vmem>>, vector<1x1x16xf32>,
      %swap3A_614 = vector.shape_cast %swap3A_613 : vector<1x1x16xf32> to vector<16xf32>
      %swap3A_615 = vector.shape_cast %broadcast_in_dim3A_608 : vector<16xf32> to vector<1x1x16xf32>
      tpu.vector_store %arg8[%swap3A_610, %swap3A_611, %swap3A_612], %swap3A_615 {strides = array<i32>} : memref<2x125x128xf32, #tpu.memory_space<vmem>>, vector<1x1x16xf32>,
      %broadcast_in_dim3A_616 = arith.constant 0.000000e+00 : f32
      %broadcast_in_dim3A_617 = vector.broadcast %broadcast_in_dim3A_616 : f32 to vector<16xf32>
      %swap3A_618 = arith.constant 0 : i32
      %swap3A_619 = arith.index_cast %swap3A_618 : i32 to index
      %swap3A_620 = arith.index_cast %scan3A_599 : i32 to index
      %swap3A_621 = arith.constant 32 : index
      %swap3A_622 = tpu.vector_load %arg8[%swap3A_619, %swap3A_620, %swap3A_621] {strides = array<i32>} : memref<2x125x128xf32, #tpu.memory_space<vmem>>, vector<1x1x16xf32>,
      %swap3A_623 = vector.shape_cast %swap3A_622 : vector<1x1x16xf32> to vector<16xf32>
      %swap3A_624 = vector.shape_cast %broadcast_in_dim3A_617 : vector<16xf32> to vector<1x1x16xf32>
      tpu.vector_store %arg8[%swap3A_619, %swap3A_620, %swap3A_621], %swap3A_624 {strides = array<i32>} : memref<2x125x128xf32, #tpu.memory_space<vmem>>, vector<1x1x16xf32>,
      %broadcast_in_dim3A_625 = arith.constant 0.000000e+00 : f32
      %broadcast_in_dim3A_626 = vector.broadcast %broadcast_in_dim3A_625 : f32 to vector<16xf32>
      %swap3A_627 = arith.constant 0 : i32
      %swap3A_628 = arith.index_cast %swap3A_627 : i32 to index
      %swap3A_629 = arith.index_cast %scan3A_599 : i32 to index
      %swap3A_630 = arith.constant 48 : index
      %swap3A_631 = tpu.vector_load %arg8[%swap3A_628, %swap3A_629, %swap3A_630] {strides = array<i32>} : memref<2x125x128xf32, #tpu.memory_space<vmem>>, vector<1x1x16xf32>,
      %swap3A_632 = vector.shape_cast %swap3A_631 : vector<1x1x16xf32> to vector<16xf32>
      %swap3A_633 = vector.shape_cast %broadcast_in_dim3A_626 : vector<16xf32> to vector<1x1x16xf32>
      tpu.vector_store %arg8[%swap3A_628, %swap3A_629, %swap3A_630], %swap3A_633 {strides = array<i32>} : memref<2x125x128xf32, #tpu.memory_space<vmem>>, vector<1x1x16xf32>,
      %broadcast_in_dim3A_634 = arith.constant 0.000000e+00 : f32
      %broadcast_in_dim3A_635 = vector.broadcast %broadcast_in_dim3A_634 : f32 to vector<16xf32>
      %swap3A_636 = arith.constant 0 : i32
      %swap3A_637 = arith.index_cast %swap3A_636 : i32 to index
      %swap3A_638 = arith.index_cast %scan3A_599 : i32 to index
      %swap3A_639 = arith.constant 64 : index
      %swap3A_640 = tpu.vector_load %arg8[%swap3A_637, %swap3A_638, %swap3A_639] {strides = array<i32>} : memref<2x125x128xf32, #tpu.memory_space<vmem>>, vector<1x1x16xf32>,
      %swap3A_641 = vector.shape_cast %swap3A_640 : vector<1x1x16xf32> to vector<16xf32>
      %swap3A_642 = vector.shape_cast %broadcast_in_dim3A_635 : vector<16xf32> to vector<1x1x16xf32>
      tpu.vector_store %arg8[%swap3A_637, %swap3A_638, %swap3A_639], %swap3A_642 {strides = array<i32>} : memref<2x125x128xf32, #tpu.memory_space<vmem>>, vector<1x1x16xf32>,
      %broadcast_in_dim3A_643 = arith.constant 0.000000e+00 : f32
      %broadcast_in_dim3A_644 = vector.broadcast %broadcast_in_dim3A_643 : f32 to vector<16xf32>
      %swap3A_645 = arith.constant 0 : i32
      %swap3A_646 = arith.index_cast %swap3A_645 : i32 to index
      %swap3A_647 = arith.index_cast %scan3A_599 : i32 to index
      %swap3A_648 = arith.constant 80 : index
      %swap3A_649 = tpu.vector_load %arg8[%swap3A_646, %swap3A_647, %swap3A_648] {strides = array<i32>} : memref<2x125x128xf32, #tpu.memory_space<vmem>>, vector<1x1x16xf32>,
      %swap3A_650 = vector.shape_cast %swap3A_649 : vector<1x1x16xf32> to vector<16xf32>
      %swap3A_651 = vector.shape_cast %broadcast_in_dim3A_644 : vector<16xf32> to vector<1x1x16xf32>
      tpu.vector_store %arg8[%swap3A_646, %swap3A_647, %swap3A_648], %swap3A_651 {strides = array<i32>} : memref<2x125x128xf32, #tpu.memory_space<vmem>>, vector<1x1x16xf32>,
      %broadcast_in_dim3A_652 = arith.constant 0.000000e+00 : f32
      %broadcast_in_dim3A_653 = vector.broadcast %broadcast_in_dim3A_652 : f32 to vector<16xf32>
      %swap3A_654 = arith.constant 0 : i32
      %swap3A_655 = arith.index_cast %swap3A_654 : i32 to index
      %swap3A_656 = arith.index_cast %scan3A_599 : i32 to index
      %swap3A_657 = arith.constant 96 : index
      %swap3A_658 = tpu.vector_load %arg8[%swap3A_655, %swap3A_656, %swap3A_657] {strides = array<i32>} : memref<2x125x128xf32, #tpu.memory_space<vmem>>, vector<1x1x16xf32>,
      %swap3A_659 = vector.shape_cast %swap3A_658 : vector<1x1x16xf32> to vector<16xf32>
      %swap3A_660 = vector.shape_cast %broadcast_in_dim3A_653 : vector<16xf32> to vector<1x1x16xf32>
      tpu.vector_store %arg8[%swap3A_655, %swap3A_656, %swap3A_657], %swap3A_660 {strides = array<i32>} : memref<2x125x128xf32, #tpu.memory_space<vmem>>, vector<1x1x16xf32>,
      %broadcast_in_dim3A_661 = arith.constant 0.000000e+00 : f32
      %broadcast_in_dim3A_662 = vector.broadcast %broadcast_in_dim3A_661 : f32 to vector<16xf32>
      %swap3A_663 = arith.constant 0 : i32
      %swap3A_664 = arith.index_cast %swap3A_663 : i32 to index
      %swap3A_665 = arith.index_cast %scan3A_599 : i32 to index
      %swap3A_666 = arith.constant 112 : index
      %swap3A_667 = tpu.vector_load %arg8[%swap3A_664, %swap3A_665, %swap3A_666] {strides = array<i32>} : memref<2x125x128xf32, #tpu.memory_space<vmem>>, vector<1x1x16xf32>,
      %swap3A_668 = vector.shape_cast %swap3A_667 : vector<1x1x16xf32> to vector<16xf32>
      %swap3A_669 = vector.shape_cast %broadcast_in_dim3A_662 : vector<16xf32> to vector<1x1x16xf32>
      tpu.vector_store %arg8[%swap3A_664, %swap3A_665, %swap3A_666], %swap3A_669 {strides = array<i32>} : memref<2x125x128xf32, #tpu.memory_space<vmem>>, vector<1x1x16xf32>,
    }
    %scan3A_306 = arith.constant 125 : i32
    %add3A_307 = arith.constant 0 : i32
    %add3A_308 = arith.addi %mul3A_0, %add3A_307 : i32
    %run_scoped3A_309 = arith.constant 0 : i32
    "tpu.region"() ({
      %run_scoped3A_599 = tpu.sem_alloc : memref<!tpu.dma_semaphore, #tpu.memory_space<semaphore_mem>>
      %dma_start3A_600 = arith.constant 0 : i32
      %dma_start3A_601 = arith.constant 0 : i32
      %dma_start3A_602 = tpu.memref_slice %arg8[%run_scoped3A_309, %dma_start3A_600, %dma_start3A_601] : memref<2x125x128xf32, #tpu.memory_space<vmem>> -> memref<1x125x128xf32, #tpu.memory_space<vmem>>
      %dma_start3A_603 = tpu.memref_squeeze %dma_start3A_602 : memref<1x125x128xf32, #tpu.memory_space<vmem>> -> memref<125x128xf32, #tpu.memory_space<vmem>>
      %dma_start3A_604 = arith.constant 0 : i32
      %dma_start3A_605 = tpu.memref_slice %arg9[%add3A_308, %dma_start3A_604] : memref<10240x128xf32, #tpu.memory_space<vmem_shared>> -> memref<125x128xf32, #tpu.memory_space<vmem_shared>>
      %dma_start3A_606 = arith.constant 0 : i32
      %dma_start3A_607 = tpu.memref_slice %arg9[%add3A_308, %dma_start3A_606] : memref<10240x128xf32, #tpu.memory_space<vmem_shared>> -> memref<125x128xf32, #tpu.memory_space<vmem_shared>>
      %dma_start3A_608 = arith.constant 0 : i32
      %dma_start3A_609 = arith.constant 0 : i32
      %dma_start3A_610 = tpu.memref_slice %arg8[%run_scoped3A_309, %dma_start3A_608, %dma_start3A_609] : memref<2x125x128xf32, #tpu.memory_space<vmem>> -> memref<1x125x128xf32, #tpu.memory_space<vmem>>
      %dma_start3A_611 = tpu.memref_squeeze %dma_start3A_610 : memref<1x125x128xf32, #tpu.memory_space<vmem>> -> memref<125x128xf32, #tpu.memory_space<vmem>>
      tpu.enqueue_dma source(%dma_start3A_611 : memref<125x128xf32, #tpu.memory_space<vmem>>) target(%dma_start3A_607 : memref<125x128xf32, #tpu.memory_space<vmem_shared>>) target_semaphore(%run_scoped3A_599 : memref<!tpu.dma_semaphore, #tpu.memory_space<semaphore_mem>>)
      %dma_wait3A_612 = arith.constant 0 : i32
      %dma_wait3A_613 = arith.constant 0 : i32
      %dma_wait3A_614 = tpu.memref_slice %arg8[%run_scoped3A_309, %dma_wait3A_612, %dma_wait3A_613] : memref<2x125x128xf32, #tpu.memory_space<vmem>> -> memref<1x125x128xf32, #tpu.memory_space<vmem>>
      %dma_wait3A_615 = tpu.memref_squeeze %dma_wait3A_614 : memref<1x125x128xf32, #tpu.memory_space<vmem>> -> memref<125x128xf32, #tpu.memory_space<vmem>>
      %dma_wait3A_616 = arith.constant 0 : i32
      %dma_wait3A_617 = tpu.memref_slice %arg9[%add3A_308, %dma_wait3A_616] : memref<10240x128xf32, #tpu.memory_space<vmem_shared>> -> memref<125x128xf32, #tpu.memory_space<vmem_shared>>
      %dma_wait3A_618 = arith.constant 0 : i32
      %dma_wait3A_619 = tpu.memref_slice %arg9[%add3A_308, %dma_wait3A_618] : memref<10240x128xf32, #tpu.memory_space<vmem_shared>> -> memref<125x128xf32, #tpu.memory_space<vmem_shared>>
      %dma_wait3A_620 = arith.constant 0 : i32
      %dma_wait3A_621 = arith.constant 0 : i32
      %dma_wait3A_622 = tpu.memref_slice %arg8[%run_scoped3A_309, %dma_wait3A_620, %dma_wait3A_621] : memref<2x125x128xf32, #tpu.memory_space<vmem>> -> memref<1x125x128xf32, #tpu.memory_space<vmem>>
      %dma_wait3A_623 = tpu.memref_squeeze %dma_wait3A_622 : memref<1x125x128xf32, #tpu.memory_space<vmem>> -> memref<125x128xf32, #tpu.memory_space<vmem>>
      tpu.wait_dma2 semaphore(%run_scoped3A_599 : memref<!tpu.dma_semaphore, #tpu.memory_space<semaphore_mem>>) src(%dma_wait3A_623 : memref<125x128xf32, #tpu.memory_space<vmem>>) dst(%dma_wait3A_619 : memref<125x128xf32, #tpu.memory_space<vmem_shared>>)
      tpu.yield
    }) : () -> ()
    %add3A_310 = arith.constant 125 : i32
    %add3A_311 = arith.addi %mul3A_0, %add3A_310 : i32
    %run_scoped3A_312 = arith.constant 0 : i32
    "tpu.region"() ({
      %run_scoped3A_599 = tpu.sem_alloc : memref<!tpu.dma_semaphore, #tpu.memory_space<semaphore_mem>>
      %dma_start3A_600 = arith.constant 0 : i32
      %dma_start3A_601 = arith.constant 0 : i32
      %dma_start3A_602 = tpu.memref_slice %arg8[%run_scoped3A_312, %dma_start3A_600, %dma_start3A_601] : memref<2x125x128xf32, #tpu.memory_space<vmem>> -> memref<1x125x128xf32, #tpu.memory_space<vmem>>
      %dma_start3A_603 = tpu.memref_squeeze %dma_start3A_602 : memref<1x125x128xf32, #tpu.memory_space<vmem>> -> memref<125x128xf32, #tpu.memory_space<vmem>>
      %dma_start3A_604 = arith.constant 0 : i32
      %dma_start3A_605 = tpu.memref_slice %arg9[%add3A_311, %dma_start3A_604] : memref<10240x128xf32, #tpu.memory_space<vmem_shared>> -> memref<125x128xf32, #tpu.memory_space<vmem_shared>>
      %dma_start3A_606 = arith.constant 0 : i32
      %dma_start3A_607 = tpu.memref_slice %arg9[%add3A_311, %dma_start3A_606] : memref<10240x128xf32, #tpu.memory_space<vmem_shared>> -> memref<125x128xf32, #tpu.memory_space<vmem_shared>>
      %dma_start3A_608 = arith.constant 0 : i32
      %dma_start3A_609 = arith.constant 0 : i32
      %dma_start3A_610 = tpu.memref_slice %arg8[%run_scoped3A_312, %dma_start3A_608, %dma_start3A_609] : memref<2x125x128xf32, #tpu.memory_space<vmem>> -> memref<1x125x128xf32, #tpu.memory_space<vmem>>
      %dma_start3A_611 = tpu.memref_squeeze %dma_start3A_610 : memref<1x125x128xf32, #tpu.memory_space<vmem>> -> memref<125x128xf32, #tpu.memory_space<vmem>>
      tpu.enqueue_dma source(%dma_start3A_611 : memref<125x128xf32, #tpu.memory_space<vmem>>) target(%dma_start3A_607 : memref<125x128xf32, #tpu.memory_space<vmem_shared>>) target_semaphore(%run_scoped3A_599 : memref<!tpu.dma_semaphore, #tpu.memory_space<semaphore_mem>>)
      %dma_wait3A_612 = arith.constant 0 : i32
      %dma_wait3A_613 = arith.constant 0 : i32
      %dma_wait3A_614 = tpu.memref_slice %arg8[%run_scoped3A_312, %dma_wait3A_612, %dma_wait3A_613] : memref<2x125x128xf32, #tpu.memory_space<vmem>> -> memref<1x125x128xf32, #tpu.memory_space<vmem>>
      %dma_wait3A_615 = tpu.memref_squeeze %dma_wait3A_614 : memref<1x125x128xf32, #tpu.memory_space<vmem>> -> memref<125x128xf32, #tpu.memory_space<vmem>>
      %dma_wait3A_616 = arith.constant 0 : i32
      %dma_wait3A_617 = tpu.memref_slice %arg9[%add3A_311, %dma_wait3A_616] : memref<10240x128xf32, #tpu.memory_space<vmem_shared>> -> memref<125x128xf32, #tpu.memory_space<vmem_shared>>
      %dma_wait3A_618 = arith.constant 0 : i32
      %dma_wait3A_619 = tpu.memref_slice %arg9[%add3A_311, %dma_wait3A_618] : memref<10240x128xf32, #tpu.memory_space<vmem_shared>> -> memref<125x128xf32, #tpu.memory_space<vmem_shared>>
      %dma_wait3A_620 = arith.constant 0 : i32
      %dma_wait3A_621 = arith.constant 0 : i32
      %dma_wait3A_622 = tpu.memref_slice %arg8[%run_scoped3A_312, %dma_wait3A_620, %dma_wait3A_621] : memref<2x125x128xf32, #tpu.memory_space<vmem>> -> memref<1x125x128xf32, #tpu.memory_space<vmem>>
      %dma_wait3A_623 = tpu.memref_squeeze %dma_wait3A_622 : memref<1x125x128xf32, #tpu.memory_space<vmem>> -> memref<125x128xf32, #tpu.memory_space<vmem>>
      tpu.wait_dma2 semaphore(%run_scoped3A_599 : memref<!tpu.dma_semaphore, #tpu.memory_space<semaphore_mem>>) src(%dma_wait3A_623 : memref<125x128xf32, #tpu.memory_space<vmem>>) dst(%dma_wait3A_619 : memref<125x128xf32, #tpu.memory_space<vmem_shared>>)
      tpu.yield
    }) : () -> ()
    %add3A_313 = arith.constant 250 : i32
    %add3A_314 = arith.addi %mul3A_0, %add3A_313 : i32
    %run_scoped3A_315 = arith.constant 0 : i32
    "tpu.region"() ({
      %run_scoped3A_599 = tpu.sem_alloc : memref<!tpu.dma_semaphore, #tpu.memory_space<semaphore_mem>>
      %dma_start3A_600 = arith.constant 0 : i32
      %dma_start3A_601 = arith.constant 0 : i32
      %dma_start3A_602 = tpu.memref_slice %arg8[%run_scoped3A_315, %dma_start3A_600, %dma_start3A_601] : memref<2x125x128xf32, #tpu.memory_space<vmem>> -> memref<1x125x128xf32, #tpu.memory_space<vmem>>
      %dma_start3A_603 = tpu.memref_squeeze %dma_start3A_602 : memref<1x125x128xf32, #tpu.memory_space<vmem>> -> memref<125x128xf32, #tpu.memory_space<vmem>>
      %dma_start3A_604 = arith.constant 0 : i32
      %dma_start3A_605 = tpu.memref_slice %arg9[%add3A_314, %dma_start3A_604] : memref<10240x128xf32, #tpu.memory_space<vmem_shared>> -> memref<125x128xf32, #tpu.memory_space<vmem_shared>>
      %dma_start3A_606 = arith.constant 0 : i32
      %dma_start3A_607 = tpu.memref_slice %arg9[%add3A_314, %dma_start3A_606] : memref<10240x128xf32, #tpu.memory_space<vmem_shared>> -> memref<125x128xf32, #tpu.memory_space<vmem_shared>>
      %dma_start3A_608 = arith.constant 0 : i32
      %dma_start3A_609 = arith.constant 0 : i32
      %dma_start3A_610 = tpu.memref_slice %arg8[%run_scoped3A_315, %dma_start3A_608, %dma_start3A_609] : memref<2x125x128xf32, #tpu.memory_space<vmem>> -> memref<1x125x128xf32, #tpu.memory_space<vmem>>
      %dma_start3A_611 = tpu.memref_squeeze %dma_start3A_610 : memref<1x125x128xf32, #tpu.memory_space<vmem>> -> memref<125x128xf32, #tpu.memory_space<vmem>>
      tpu.enqueue_dma source(%dma_start3A_611 : memref<125x128xf32, #tpu.memory_space<vmem>>) target(%dma_start3A_607 : memref<125x128xf32, #tpu.memory_space<vmem_shared>>) target_semaphore(%run_scoped3A_599 : memref<!tpu.dma_semaphore, #tpu.memory_space<semaphore_mem>>)
      %dma_wait3A_612 = arith.constant 0 : i32
      %dma_wait3A_613 = arith.constant 0 : i32
      %dma_wait3A_614 = tpu.memref_slice %arg8[%run_scoped3A_315, %dma_wait3A_612, %dma_wait3A_613] : memref<2x125x128xf32, #tpu.memory_space<vmem>> -> memref<1x125x128xf32, #tpu.memory_space<vmem>>
      %dma_wait3A_615 = tpu.memref_squeeze %dma_wait3A_614 : memref<1x125x128xf32, #tpu.memory_space<vmem>> -> memref<125x128xf32, #tpu.memory_space<vmem>>
      %dma_wait3A_616 = arith.constant 0 : i32
      %dma_wait3A_617 = tpu.memref_slice %arg9[%add3A_314, %dma_wait3A_616] : memref<10240x128xf32, #tpu.memory_space<vmem_shared>> -> memref<125x128xf32, #tpu.memory_space<vmem_shared>>
      %dma_wait3A_618 = arith.constant 0 : i32
      %dma_wait3A_619 = tpu.memref_slice %arg9[%add3A_314, %dma_wait3A_618] : memref<10240x128xf32, #tpu.memory_space<vmem_shared>> -> memref<125x128xf32, #tpu.memory_space<vmem_shared>>
      %dma_wait3A_620 = arith.constant 0 : i32
      %dma_wait3A_621 = arith.constant 0 : i32
      %dma_wait3A_622 = tpu.memref_slice %arg8[%run_scoped3A_315, %dma_wait3A_620, %dma_wait3A_621] : memref<2x125x128xf32, #tpu.memory_space<vmem>> -> memref<1x125x128xf32, #tpu.memory_space<vmem>>
      %dma_wait3A_623 = tpu.memref_squeeze %dma_wait3A_622 : memref<1x125x128xf32, #tpu.memory_space<vmem>> -> memref<125x128xf32, #tpu.memory_space<vmem>>
      tpu.wait_dma2 semaphore(%run_scoped3A_599 : memref<!tpu.dma_semaphore, #tpu.memory_space<semaphore_mem>>) src(%dma_wait3A_623 : memref<125x128xf32, #tpu.memory_space<vmem>>) dst(%dma_wait3A_619 : memref<125x128xf32, #tpu.memory_space<vmem_shared>>)
      tpu.yield
    }) : () -> ()
    %add3A_316 = arith.constant 375 : i32
    %add3A_317 = arith.addi %mul3A_0, %add3A_316 : i32
    %run_scoped3A_318 = arith.constant 0 : i32
    "tpu.region"() ({
      %run_scoped3A_599 = tpu.sem_alloc : memref<!tpu.dma_semaphore, #tpu.memory_space<semaphore_mem>>
      %dma_start3A_600 = arith.constant 0 : i32
      %dma_start3A_601 = arith.constant 0 : i32
      %dma_start3A_602 = tpu.memref_slice %arg8[%run_scoped3A_318, %dma_start3A_600, %dma_start3A_601] : memref<2x125x128xf32, #tpu.memory_space<vmem>> -> memref<1x125x128xf32, #tpu.memory_space<vmem>>
      %dma_start3A_603 = tpu.memref_squeeze %dma_start3A_602 : memref<1x125x128xf32, #tpu.memory_space<vmem>> -> memref<125x128xf32, #tpu.memory_space<vmem>>
      %dma_start3A_604 = arith.constant 0 : i32
      %dma_start3A_605 = tpu.memref_slice %arg9[%add3A_317, %dma_start3A_604] : memref<10240x128xf32, #tpu.memory_space<vmem_shared>> -> memref<125x128xf32, #tpu.memory_space<vmem_shared>>
      %dma_start3A_606 = arith.constant 0 : i32
      %dma_start3A_607 = tpu.memref_slice %arg9[%add3A_317, %dma_start3A_606] : memref<10240x128xf32, #tpu.memory_space<vmem_shared>> -> memref<125x128xf32, #tpu.memory_space<vmem_shared>>
      %dma_start3A_608 = arith.constant 0 : i32
      %dma_start3A_609 = arith.constant 0 : i32
      %dma_start3A_610 = tpu.memref_slice %arg8[%run_scoped3A_318, %dma_start3A_608, %dma_start3A_609] : memref<2x125x128xf32, #tpu.memory_space<vmem>> -> memref<1x125x128xf32, #tpu.memory_space<vmem>>
      %dma_start3A_611 = tpu.memref_squeeze %dma_start3A_610 : memref<1x125x128xf32, #tpu.memory_space<vmem>> -> memref<125x128xf32, #tpu.memory_space<vmem>>
      tpu.enqueue_dma source(%dma_start3A_611 : memref<125x128xf32, #tpu.memory_space<vmem>>) target(%dma_start3A_607 : memref<125x128xf32, #tpu.memory_space<vmem_shared>>) target_semaphore(%run_scoped3A_599 : memref<!tpu.dma_semaphore, #tpu.memory_space<semaphore_mem>>)
      %dma_wait3A_612 = arith.constant 0 : i32
      %dma_wait3A_613 = arith.constant 0 : i32
      %dma_wait3A_614 = tpu.memref_slice %arg8[%run_scoped3A_318, %dma_wait3A_612, %dma_wait3A_613] : memref<2x125x128xf32, #tpu.memory_space<vmem>> -> memref<1x125x128xf32, #tpu.memory_space<vmem>>
      %dma_wait3A_615 = tpu.memref_squeeze %dma_wait3A_614 : memref<1x125x128xf32, #tpu.memory_space<vmem>> -> memref<125x128xf32, #tpu.memory_space<vmem>>
      %dma_wait3A_616 = arith.constant 0 : i32
      %dma_wait3A_617 = tpu.memref_slice %arg9[%add3A_317, %dma_wait3A_616] : memref<10240x128xf32, #tpu.memory_space<vmem_shared>> -> memref<125x128xf32, #tpu.memory_space<vmem_shared>>
      %dma_wait3A_618 = arith.constant 0 : i32
      %dma_wait3A_619 = tpu.memref_slice %arg9[%add3A_317, %dma_wait3A_618] : memref<10240x128xf32, #tpu.memory_space<vmem_shared>> -> memref<125x128xf32, #tpu.memory_space<vmem_shared>>
      %dma_wait3A_620 = arith.constant 0 : i32
      %dma_wait3A_621 = arith.constant 0 : i32
      %dma_wait3A_622 = tpu.memref_slice %arg8[%run_scoped3A_318, %dma_wait3A_620, %dma_wait3A_621] : memref<2x125x128xf32, #tpu.memory_space<vmem>> -> memref<1x125x128xf32, #tpu.memory_space<vmem>>
      %dma_wait3A_623 = tpu.memref_squeeze %dma_wait3A_622 : memref<1x125x128xf32, #tpu.memory_space<vmem>> -> memref<125x128xf32, #tpu.memory_space<vmem>>
      tpu.wait_dma2 semaphore(%run_scoped3A_599 : memref<!tpu.dma_semaphore, #tpu.memory_space<semaphore_mem>>) src(%dma_wait3A_623 : memref<125x128xf32, #tpu.memory_space<vmem>>) dst(%dma_wait3A_619 : memref<125x128xf32, #tpu.memory_space<vmem_shared>>)
      tpu.yield
    }) : () -> ()
    %add3A_319 = arith.constant 500 : i32
    %add3A_320 = arith.addi %mul3A_0, %add3A_319 : i32
    %run_scoped3A_321 = arith.constant 0 : i32
    "tpu.region"() ({
      %run_scoped3A_599 = tpu.sem_alloc : memref<!tpu.dma_semaphore, #tpu.memory_space<semaphore_mem>>
      %dma_start3A_600 = arith.constant 0 : i32
      %dma_start3A_601 = arith.constant 0 : i32
      %dma_start3A_602 = tpu.memref_slice %arg8[%run_scoped3A_321, %dma_start3A_600, %dma_start3A_601] : memref<2x125x128xf32, #tpu.memory_space<vmem>> -> memref<1x125x128xf32, #tpu.memory_space<vmem>>
      %dma_start3A_603 = tpu.memref_squeeze %dma_start3A_602 : memref<1x125x128xf32, #tpu.memory_space<vmem>> -> memref<125x128xf32, #tpu.memory_space<vmem>>
      %dma_start3A_604 = arith.constant 0 : i32
      %dma_start3A_605 = tpu.memref_slice %arg9[%add3A_320, %dma_start3A_604] : memref<10240x128xf32, #tpu.memory_space<vmem_shared>> -> memref<125x128xf32, #tpu.memory_space<vmem_shared>>
      %dma_start3A_606 = arith.constant 0 : i32
      %dma_start3A_607 = tpu.memref_slice %arg9[%add3A_320, %dma_start3A_606] : memref<10240x128xf32, #tpu.memory_space<vmem_shared>> -> memref<125x128xf32, #tpu.memory_space<vmem_shared>>
      %dma_start3A_608 = arith.constant 0 : i32
      %dma_start3A_609 = arith.constant 0 : i32
      %dma_start3A_610 = tpu.memref_slice %arg8[%run_scoped3A_321, %dma_start3A_608, %dma_start3A_609] : memref<2x125x128xf32, #tpu.memory_space<vmem>> -> memref<1x125x128xf32, #tpu.memory_space<vmem>>
      %dma_start3A_611 = tpu.memref_squeeze %dma_start3A_610 : memref<1x125x128xf32, #tpu.memory_space<vmem>> -> memref<125x128xf32, #tpu.memory_space<vmem>>
      tpu.enqueue_dma source(%dma_start3A_611 : memref<125x128xf32, #tpu.memory_space<vmem>>) target(%dma_start3A_607 : memref<125x128xf32, #tpu.memory_space<vmem_shared>>) target_semaphore(%run_scoped3A_599 : memref<!tpu.dma_semaphore, #tpu.memory_space<semaphore_mem>>)
      %dma_wait3A_612 = arith.constant 0 : i32
      %dma_wait3A_613 = arith.constant 0 : i32
      %dma_wait3A_614 = tpu.memref_slice %arg8[%run_scoped3A_321, %dma_wait3A_612, %dma_wait3A_613] : memref<2x125x128xf32, #tpu.memory_space<vmem>> -> memref<1x125x128xf32, #tpu.memory_space<vmem>>
      %dma_wait3A_615 = tpu.memref_squeeze %dma_wait3A_614 : memref<1x125x128xf32, #tpu.memory_space<vmem>> -> memref<125x128xf32, #tpu.memory_space<vmem>>
      %dma_wait3A_616 = arith.constant 0 : i32
      %dma_wait3A_617 = tpu.memref_slice %arg9[%add3A_320, %dma_wait3A_616] : memref<10240x128xf32, #tpu.memory_space<vmem_shared>> -> memref<125x128xf32, #tpu.memory_space<vmem_shared>>
      %dma_wait3A_618 = arith.constant 0 : i32
      %dma_wait3A_619 = tpu.memref_slice %arg9[%add3A_320, %dma_wait3A_618] : memref<10240x128xf32, #tpu.memory_space<vmem_shared>> -> memref<125x128xf32, #tpu.memory_space<vmem_shared>>
      %dma_wait3A_620 = arith.constant 0 : i32
      %dma_wait3A_621 = arith.constant 0 : i32
      %dma_wait3A_622 = tpu.memref_slice %arg8[%run_scoped3A_321, %dma_wait3A_620, %dma_wait3A_621] : memref<2x125x128xf32, #tpu.memory_space<vmem>> -> memref<1x125x128xf32, #tpu.memory_space<vmem>>
      %dma_wait3A_623 = tpu.memref_squeeze %dma_wait3A_622 : memref<1x125x128xf32, #tpu.memory_space<vmem>> -> memref<125x128xf32, #tpu.memory_space<vmem>>
      tpu.wait_dma2 semaphore(%run_scoped3A_599 : memref<!tpu.dma_semaphore, #tpu.memory_space<semaphore_mem>>) src(%dma_wait3A_623 : memref<125x128xf32, #tpu.memory_space<vmem>>) dst(%dma_wait3A_619 : memref<125x128xf32, #tpu.memory_space<vmem_shared>>)
      tpu.yield
    }) : () -> ()
    %add3A_322 = arith.constant 625 : i32
    %add3A_323 = arith.addi %mul3A_0, %add3A_322 : i32
    %run_scoped3A_324 = arith.constant 0 : i32
    "tpu.region"() ({
      %run_scoped3A_599 = tpu.sem_alloc : memref<!tpu.dma_semaphore, #tpu.memory_space<semaphore_mem>>
      %dma_start3A_600 = arith.constant 0 : i32
      %dma_start3A_601 = arith.constant 0 : i32
      %dma_start3A_602 = tpu.memref_slice %arg8[%run_scoped3A_324, %dma_start3A_600, %dma_start3A_601] : memref<2x125x128xf32, #tpu.memory_space<vmem>> -> memref<1x15x128xf32, #tpu.memory_space<vmem>>
      %dma_start3A_603 = tpu.memref_squeeze %dma_start3A_602 : memref<1x15x128xf32, #tpu.memory_space<vmem>> -> memref<15x128xf32, #tpu.memory_space<vmem>>
      %dma_start3A_604 = arith.constant 0 : i32
      %dma_start3A_605 = tpu.memref_slice %arg9[%add3A_323, %dma_start3A_604] : memref<10240x128xf32, #tpu.memory_space<vmem_shared>> -> memref<15x128xf32, #tpu.memory_space<vmem_shared>>
      %dma_start3A_606 = arith.constant 0 : i32
      %dma_start3A_607 = tpu.memref_slice %arg9[%add3A_323, %dma_start3A_606] : memref<10240x128xf32, #tpu.memory_space<vmem_shared>> -> memref<15x128xf32, #tpu.memory_space<vmem_shared>>
      %dma_start3A_608 = arith.constant 0 : i32
      %dma_start3A_609 = arith.constant 0 : i32
      %dma_start3A_610 = tpu.memref_slice %arg8[%run_scoped3A_324, %dma_start3A_608, %dma_start3A_609] : memref<2x125x128xf32, #tpu.memory_space<vmem>> -> memref<1x15x128xf32, #tpu.memory_space<vmem>>
      %dma_start3A_611 = tpu.memref_squeeze %dma_start3A_610 : memref<1x15x128xf32, #tpu.memory_space<vmem>> -> memref<15x128xf32, #tpu.memory_space<vmem>>
      tpu.enqueue_dma source(%dma_start3A_611 : memref<15x128xf32, #tpu.memory_space<vmem>>) target(%dma_start3A_607 : memref<15x128xf32, #tpu.memory_space<vmem_shared>>) target_semaphore(%run_scoped3A_599 : memref<!tpu.dma_semaphore, #tpu.memory_space<semaphore_mem>>)
      %dma_wait3A_612 = arith.constant 0 : i32
      %dma_wait3A_613 = arith.constant 0 : i32
      %dma_wait3A_614 = tpu.memref_slice %arg8[%run_scoped3A_324, %dma_wait3A_612, %dma_wait3A_613] : memref<2x125x128xf32, #tpu.memory_space<vmem>> -> memref<1x15x128xf32, #tpu.memory_space<vmem>>
      %dma_wait3A_615 = tpu.memref_squeeze %dma_wait3A_614 : memref<1x15x128xf32, #tpu.memory_space<vmem>> -> memref<15x128xf32, #tpu.memory_space<vmem>>
      %dma_wait3A_616 = arith.constant 0 : i32
      %dma_wait3A_617 = tpu.memref_slice %arg9[%add3A_323, %dma_wait3A_616] : memref<10240x128xf32, #tpu.memory_space<vmem_shared>> -> memref<15x128xf32, #tpu.memory_space<vmem_shared>>
      %dma_wait3A_618 = arith.constant 0 : i32
      %dma_wait3A_619 = tpu.memref_slice %arg9[%add3A_323, %dma_wait3A_618] : memref<10240x128xf32, #tpu.memory_space<vmem_shared>> -> memref<15x128xf32, #tpu.memory_space<vmem_shared>>
      %dma_wait3A_620 = arith.constant 0 : i32
      %dma_wait3A_621 = arith.constant 0 : i32
      %dma_wait3A_622 = tpu.memref_slice %arg8[%run_scoped3A_324, %dma_wait3A_620, %dma_wait3A_621] : memref<2x125x128xf32, #tpu.memory_space<vmem>> -> memref<1x15x128xf32, #tpu.memory_space<vmem>>
      %dma_wait3A_623 = tpu.memref_squeeze %dma_wait3A_622 : memref<1x15x128xf32, #tpu.memory_space<vmem>> -> memref<15x128xf32, #tpu.memory_space<vmem>>
      tpu.wait_dma2 semaphore(%run_scoped3A_599 : memref<!tpu.dma_semaphore, #tpu.memory_space<semaphore_mem>>) src(%dma_wait3A_623 : memref<15x128xf32, #tpu.memory_space<vmem>>) dst(%dma_wait3A_619 : memref<15x128xf32, #tpu.memory_space<vmem_shared>>)
      tpu.yield
    }) : () -> ()
    %barrier3A_325 = arith.constant 0 : index
    tpu.barrier barrier_id(%barrier3A_325)
    %add3A_326 = arith.constant 0 : i32
    %add3A_327 = arith.addi %arg1, %add3A_326 : i32
    "tpu.region"() ({
      %run_scoped3A_599 = tpu.sem_alloc : memref<!tpu.dma_semaphore, #tpu.memory_space<semaphore_mem>>
      %dma_start3A_600 = arith.constant 0 : i32
      %dma_start3A_601 = arith.constant 0 : i32
      %dma_start3A_602 = tpu.memref_slice %arg3[%add3A_327, %dma_start3A_600, %dma_start3A_601] : memref<32x40x125xi32, #tpu.memory_space<hbm>> -> memref<1x40x125xi32, #tpu.memory_space<hbm>>
      %dma_start3A_603 = tpu.memref_squeeze %dma_start3A_602 : memref<1x40x125xi32, #tpu.memory_space<hbm>> -> memref<40x125xi32, #tpu.memory_space<hbm>>
      %dma_start3A_604 = arith.constant 0 : i32
      %dma_start3A_605 = arith.constant 0 : i32
      %dma_start3A_606 = tpu.memref_slice %arg3[%add3A_327, %dma_start3A_604, %dma_start3A_605] : memref<32x40x125xi32, #tpu.memory_space<hbm>> -> memref<1x40x125xi32, #tpu.memory_space<hbm>>
      %dma_start3A_607 = tpu.memref_squeeze %dma_start3A_606 : memref<1x40x125xi32, #tpu.memory_space<hbm>> -> memref<40x125xi32, #tpu.memory_space<hbm>>
      tpu.enqueue_dma source(%dma_start3A_607 : memref<40x125xi32, #tpu.memory_space<hbm>>) target(%arg6 : memref<40x125xi32, #tpu.memory_space<vmem>>) target_semaphore(%run_scoped3A_599 : memref<!tpu.dma_semaphore, #tpu.memory_space<semaphore_mem>>)
      %dma_wait3A_608 = arith.constant 0 : i32
      %dma_wait3A_609 = arith.constant 0 : i32
      %dma_wait3A_610 = tpu.memref_slice %arg3[%add3A_327, %dma_wait3A_608, %dma_wait3A_609] : memref<32x40x125xi32, #tpu.memory_space<hbm>> -> memref<1x40x125xi32, #tpu.memory_space<hbm>>
      %dma_wait3A_611 = tpu.memref_squeeze %dma_wait3A_610 : memref<1x40x125xi32, #tpu.memory_space<hbm>> -> memref<40x125xi32, #tpu.memory_space<hbm>>
      %dma_wait3A_612 = arith.constant 0 : i32
      %dma_wait3A_613 = arith.constant 0 : i32
      %dma_wait3A_614 = tpu.memref_slice %arg3[%add3A_327, %dma_wait3A_612, %dma_wait3A_613] : memref<32x40x125xi32, #tpu.memory_space<hbm>> -> memref<1x40x125xi32, #tpu.memory_space<hbm>>
      %dma_wait3A_615 = tpu.memref_squeeze %dma_wait3A_614 : memref<1x40x125xi32, #tpu.memory_space<hbm>> -> memref<40x125xi32, #tpu.memory_space<hbm>>
      tpu.wait_dma2 semaphore(%run_scoped3A_599 : memref<!tpu.dma_semaphore, #tpu.memory_space<semaphore_mem>>) src(%dma_wait3A_615 : memref<40x125xi32, #tpu.memory_space<hbm>>) dst(%arg6 : memref<40x125xi32, #tpu.memory_space<vmem>>)
      tpu.yield
    }) : () -> ()
    "tpu.region"() ({
      %run_scoped3A_599 = tpu.sem_alloc : memref<!tpu.dma_semaphore, #tpu.memory_space<semaphore_mem>>
      %dma_start3A_600 = arith.constant 0 : i32
      %dma_start3A_601 = arith.constant 0 : i32
      %dma_start3A_602 = tpu.memref_slice %arg4[%add3A_327, %dma_start3A_600, %dma_start3A_601] : memref<32x40x125xi32, #tpu.memory_space<hbm>> -> memref<1x40x125xi32, #tpu.memory_space<hbm>>
      %dma_start3A_603 = tpu.memref_squeeze %dma_start3A_602 : memref<1x40x125xi32, #tpu.memory_space<hbm>> -> memref<40x125xi32, #tpu.memory_space<hbm>>
      %dma_start3A_604 = arith.constant 0 : i32
      %dma_start3A_605 = arith.constant 0 : i32
      %dma_start3A_606 = tpu.memref_slice %arg4[%add3A_327, %dma_start3A_604, %dma_start3A_605] : memref<32x40x125xi32, #tpu.memory_space<hbm>> -> memref<1x40x125xi32, #tpu.memory_space<hbm>>
      %dma_start3A_607 = tpu.memref_squeeze %dma_start3A_606 : memref<1x40x125xi32, #tpu.memory_space<hbm>> -> memref<40x125xi32, #tpu.memory_space<hbm>>
      tpu.enqueue_dma source(%dma_start3A_607 : memref<40x125xi32, #tpu.memory_space<hbm>>) target(%arg7 : memref<40x125xi32, #tpu.memory_space<vmem>>) target_semaphore(%run_scoped3A_599 : memref<!tpu.dma_semaphore, #tpu.memory_space<semaphore_mem>>)
      %dma_wait3A_608 = arith.constant 0 : i32
      %dma_wait3A_609 = arith.constant 0 : i32
      %dma_wait3A_610 = tpu.memref_slice %arg4[%add3A_327, %dma_wait3A_608, %dma_wait3A_609] : memref<32x40x125xi32, #tpu.memory_space<hbm>> -> memref<1x40x125xi32, #tpu.memory_space<hbm>>
      %dma_wait3A_611 = tpu.memref_squeeze %dma_wait3A_610 : memref<1x40x125xi32, #tpu.memory_space<hbm>> -> memref<40x125xi32, #tpu.memory_space<hbm>>
      %dma_wait3A_612 = arith.constant 0 : i32
      %dma_wait3A_613 = arith.constant 0 : i32
      %dma_wait3A_614 = tpu.memref_slice %arg4[%add3A_327, %dma_wait3A_612, %dma_wait3A_613] : memref<32x40x125xi32, #tpu.memory_space<hbm>> -> memref<1x40x125xi32, #tpu.memory_space<hbm>>
      %dma_wait3A_615 = tpu.memref_squeeze %dma_wait3A_614 : memref<1x40x125xi32, #tpu.memory_space<hbm>> -> memref<40x125xi32, #tpu.memory_space<hbm>>
      tpu.wait_dma2 semaphore(%run_scoped3A_599 : memref<!tpu.dma_semaphore, #tpu.memory_space<semaphore_mem>>) src(%dma_wait3A_615 : memref<40x125xi32, #tpu.memory_space<hbm>>) dst(%arg7 : memref<40x125xi32, #tpu.memory_space<vmem>>)
      tpu.yield
    }) : () -> ()
    %rem3A_328 = arith.constant 0 : i32
    %rem3A_329 = arith.constant 2 : i32
    %rem3A_330 = arith.remsi %rem3A_328, %rem3A_329 : i32
    %dma_start3A_331 = arith.constant 0 : i32
    %dma_start3A_332 = arith.constant 0 : i32
    %dma_start3A_333 = arith.constant 0 : i32
    %dma_start3A_334 = tpu.memref_slice %arg8[%rem3A_330, %dma_start3A_332, %dma_start3A_333] : memref<2x125x128xf32, #tpu.memory_space<vmem>> -> memref<1x125x128xf32, #tpu.memory_space<vmem>>
    %dma_start3A_335 = tpu.memref_squeeze %dma_start3A_334 : memref<1x125x128xf32, #tpu.memory_space<vmem>> -> memref<125x128xf32, #tpu.memory_space<vmem>>
    %dma_start3A_336 = arith.constant 0 : i32
    %dma_start3A_337 = tpu.memref_slice %arg6[%dma_start3A_331, %dma_start3A_336] : memref<40x125xi32, #tpu.memory_space<vmem>> -> memref<1x125xi32, #tpu.memory_space<vmem>>
    %dma_start3A_338 = tpu.memref_squeeze %dma_start3A_337 : memref<1x125xi32, #tpu.memory_space<vmem>> -> memref<125xi32, #tpu.memory_space<vmem>>
    %dma_start3A_339 = arith.constant 0 : i32
    %dma_start3A_340 = arith.constant 0 : i32
    %dma_start3A_341 = tpu.memref_slice %arg2[%add3A_300, %dma_start3A_339, %dma_start3A_340] : memref<4x10240x128xf32, #tpu.memory_space<hbm>> -> memref<1x10240x128xf32, #tpu.memory_space<hbm>>
    %dma_start3A_342 = tpu.memref_squeeze %dma_start3A_341 : memref<1x10240x128xf32, #tpu.memory_space<hbm>> -> memref<10240x128xf32, #tpu.memory_space<hbm>>
    %dma_start3A_343 = arith.constant 0 : i32
    %dma_start3A_344 = arith.constant 0 : i32
    %dma_start3A_345 = tpu.memref_slice %dma_start3A_342[%dma_start3A_343, %dma_start3A_344] : memref<10240x128xf32, #tpu.memory_space<hbm>> -> memref<10240x128xf32, #tpu.memory_space<hbm>>
    tpu.enqueue_indirect_dma source(%dma_start3A_345 : memref<10240x128xf32, #tpu.memory_space<hbm>>) target(%dma_start3A_335 : memref<125x128xf32, #tpu.memory_space<vmem>>) offsets(%dma_start3A_338 : memref<125xi32, #tpu.memory_space<vmem>>) semaphore(%arg10 : memref<!tpu.dma_semaphore, #tpu.memory_space<semaphore_mem>>)
    %rem3A_346 = arith.constant 0 : i32
    %rem3A_347 = arith.constant 2 : i32
    %rem3A_348 = arith.remsi %rem3A_346, %rem3A_347 : i32
    %dma_wait3A_349 = arith.constant 0 : i32
    %dma_wait3A_350 = arith.constant 0 : i32
    %dma_wait3A_351 = arith.constant 0 : i32
    %dma_wait3A_352 = tpu.memref_slice %arg8[%rem3A_348, %dma_wait3A_350, %dma_wait3A_351] : memref<2x125x128xf32, #tpu.memory_space<vmem>> -> memref<1x125x128xf32, #tpu.memory_space<vmem>>
    %dma_wait3A_353 = tpu.memref_squeeze %dma_wait3A_352 : memref<1x125x128xf32, #tpu.memory_space<vmem>> -> memref<125x128xf32, #tpu.memory_space<vmem>>
    %dma_wait3A_354 = arith.constant 0 : i32
    %dma_wait3A_355 = tpu.memref_slice %arg6[%dma_wait3A_349, %dma_wait3A_354] : memref<40x125xi32, #tpu.memory_space<vmem>> -> memref<1x125xi32, #tpu.memory_space<vmem>>
    %dma_wait3A_356 = tpu.memref_squeeze %dma_wait3A_355 : memref<1x125xi32, #tpu.memory_space<vmem>> -> memref<125xi32, #tpu.memory_space<vmem>>
    %dma_wait3A_357 = arith.constant 0 : i32
    %dma_wait3A_358 = arith.constant 0 : i32
    %dma_wait3A_359 = tpu.memref_slice %arg2[%add3A_300, %dma_wait3A_357, %dma_wait3A_358] : memref<4x10240x128xf32, #tpu.memory_space<hbm>> -> memref<1x10240x128xf32, #tpu.memory_space<hbm>>
    %dma_wait3A_360 = tpu.memref_squeeze %dma_wait3A_359 : memref<1x10240x128xf32, #tpu.memory_space<hbm>> -> memref<10240x128xf32, #tpu.memory_space<hbm>>
    %dma_wait3A_361 = arith.constant 0 : i32
    %dma_wait3A_362 = arith.constant 0 : i32
    %dma_wait3A_363 = tpu.memref_slice %dma_wait3A_360[%dma_wait3A_361, %dma_wait3A_362] : memref<10240x128xf32, #tpu.memory_space<hbm>> -> memref<10240x128xf32, #tpu.memory_space<hbm>>
    tpu.wait_indirect_dma semaphore(%arg10 : memref<!tpu.dma_semaphore, #tpu.memory_space<semaphore_mem>>) src(%dma_wait3A_363 : memref<10240x128xf32, #tpu.memory_space<hbm>>) dst(%dma_wait3A_353 : memref<125x128xf32, #tpu.memory_space<vmem>>)
    %rem3A_364 = arith.constant 0 : i32
    %rem3A_365 = arith.constant 2 : i32
    %rem3A_366 = arith.remsi %rem3A_364, %rem3A_365 : i32
    %dma_start3A_367 = arith.constant 0 : i32
    %dma_start3A_368 = arith.constant 0 : i32
    %dma_start3A_369 = arith.constant 0 : i32
    %dma_start3A_370 = tpu.memref_slice %arg8[%rem3A_366, %dma_start3A_368, %dma_start3A_369] : memref<2x125x128xf32, #tpu.memory_space<vmem>> -> memref<1x125x128xf32, #tpu.memory_space<vmem>>
    %dma_start3A_371 = tpu.memref_squeeze %dma_start3A_370 : memref<1x125x128xf32, #tpu.memory_space<vmem>> -> memref<125x128xf32, #tpu.memory_space<vmem>>
    %dma_start3A_372 = arith.constant 0 : i32
    %dma_start3A_373 = tpu.memref_slice %arg7[%dma_start3A_367, %dma_start3A_372] : memref<40x125xi32, #tpu.memory_space<vmem>> -> memref<1x125xi32, #tpu.memory_space<vmem>>
    %dma_start3A_374 = tpu.memref_squeeze %dma_start3A_373 : memref<1x125xi32, #tpu.memory_space<vmem>> -> memref<125xi32, #tpu.memory_space<vmem>>
    %dma_start3A_375 = arith.constant 0 : i32
    %dma_start3A_376 = arith.constant 0 : i32
    %dma_start3A_377 = tpu.memref_slice %arg9[%dma_start3A_375, %dma_start3A_376] : memref<10240x128xf32, #tpu.memory_space<vmem_shared>> -> memref<10240x128xf32, #tpu.memory_space<vmem_shared>>
    tpu.enqueue_indirect_dma source(%dma_start3A_371 : memref<125x128xf32, #tpu.memory_space<vmem>>) target(%dma_start3A_377 : memref<10240x128xf32, #tpu.memory_space<vmem_shared>>) offsets(%dma_start3A_374 : memref<125xi32, #tpu.memory_space<vmem>>) semaphore(%arg11 : memref<!tpu.dma_semaphore, #tpu.memory_space<semaphore_mem>>) {add = true}
    %rem3A_378 = arith.constant 1 : i32
    %rem3A_379 = arith.constant 2 : i32
    %rem3A_380 = arith.remsi %rem3A_378, %rem3A_379 : i32
    %dma_start3A_381 = arith.constant 1 : i32
    %dma_start3A_382 = arith.constant 0 : i32
    %dma_start3A_383 = arith.constant 0 : i32
    %dma_start3A_384 = tpu.memref_slice %arg8[%rem3A_380, %dma_start3A_382, %dma_start3A_383] : memref<2x125x128xf32, #tpu.memory_space<vmem>> -> memref<1x125x128xf32, #tpu.memory_space<vmem>>
    %dma_start3A_385 = tpu.memref_squeeze %dma_start3A_384 : memref<1x125x128xf32, #tpu.memory_space<vmem>> -> memref<125x128xf32, #tpu.memory_space<vmem>>
    %dma_start3A_386 = arith.constant 0 : i32
    %dma_start3A_387 = tpu.memref_slice %arg6[%dma_start3A_381, %dma_start3A_386] : memref<40x125xi32, #tpu.memory_space<vmem>> -> memref<1x125xi32, #tpu.memory_space<vmem>>
    %dma_start3A_388 = tpu.memref_squeeze %dma_start3A_387 : memref<1x125xi32, #tpu.memory_space<vmem>> -> memref<125xi32, #tpu.memory_space<vmem>>
    %dma_start3A_389 = arith.constant 0 : i32
    %dma_start3A_390 = arith.constant 0 : i32
    %dma_start3A_391 = tpu.memref_slice %arg2[%add3A_300, %dma_start3A_389, %dma_start3A_390] : memref<4x10240x128xf32, #tpu.memory_space<hbm>> -> memref<1x10240x128xf32, #tpu.memory_space<hbm>>
    %dma_start3A_392 = tpu.memref_squeeze %dma_start3A_391 : memref<1x10240x128xf32, #tpu.memory_space<hbm>> -> memref<10240x128xf32, #tpu.memory_space<hbm>>
    %dma_start3A_393 = arith.constant 0 : i32
    %dma_start3A_394 = arith.constant 0 : i32
    %dma_start3A_395 = tpu.memref_slice %dma_start3A_392[%dma_start3A_393, %dma_start3A_394] : memref<10240x128xf32, #tpu.memory_space<hbm>> -> memref<10240x128xf32, #tpu.memory_space<hbm>>
    tpu.enqueue_indirect_dma source(%dma_start3A_395 : memref<10240x128xf32, #tpu.memory_space<hbm>>) target(%dma_start3A_385 : memref<125x128xf32, #tpu.memory_space<vmem>>) offsets(%dma_start3A_388 : memref<125xi32, #tpu.memory_space<vmem>>) semaphore(%arg10 : memref<!tpu.dma_semaphore, #tpu.memory_space<semaphore_mem>>)
    %scan3A_396 = arith.constant 0 : i32
    %scan3A_397 = arith.constant 1 : i32
    %scan3A_398 = arith.constant 38 : i32
    %scan3A_399 = arith.addi %scan3A_397, %scan3A_398 : i32
    %scan3A_400 = arith.constant 1 : i32
    scf.for %scan3A_599 = %scan3A_397 to %scan3A_399 step %scan3A_400  : i32 {
      %rem3A_600 = arith.constant 2 : i32
      %rem3A_601 = arith.remsi %scan3A_599, %rem3A_600 : i32
      %dma_wait3A_602 = arith.constant 0 : i32
      %dma_wait3A_603 = arith.constant 0 : i32
      %dma_wait3A_604 = tpu.memref_slice %arg8[%rem3A_601, %dma_wait3A_602, %dma_wait3A_603] : memref<2x125x128xf32, #tpu.memory_space<vmem>> -> memref<1x125x128xf32, #tpu.memory_space<vmem>>
      %dma_wait3A_605 = tpu.memref_squeeze %dma_wait3A_604 : memref<1x125x128xf32, #tpu.memory_space<vmem>> -> memref<125x128xf32, #tpu.memory_space<vmem>>
      %dma_wait3A_606 = arith.constant 0 : i32
      %dma_wait3A_607 = tpu.memref_slice %arg6[%scan3A_599, %dma_wait3A_606] : memref<40x125xi32, #tpu.memory_space<vmem>> -> memref<1x125xi32, #tpu.memory_space<vmem>>
      %dma_wait3A_608 = tpu.memref_squeeze %dma_wait3A_607 : memref<1x125xi32, #tpu.memory_space<vmem>> -> memref<125xi32, #tpu.memory_space<vmem>>
      %dma_wait3A_609 = arith.constant 0 : i32
      %dma_wait3A_610 = arith.constant 0 : i32
      %dma_wait3A_611 = tpu.memref_slice %arg2[%add3A_300, %dma_wait3A_609, %dma_wait3A_610] : memref<4x10240x128xf32, #tpu.memory_space<hbm>> -> memref<1x10240x128xf32, #tpu.memory_space<hbm>>
      %dma_wait3A_612 = tpu.memref_squeeze %dma_wait3A_611 : memref<1x10240x128xf32, #tpu.memory_space<hbm>> -> memref<10240x128xf32, #tpu.memory_space<hbm>>
      %dma_wait3A_613 = arith.constant 0 : i32
      %dma_wait3A_614 = arith.constant 0 : i32
      %dma_wait3A_615 = tpu.memref_slice %dma_wait3A_612[%dma_wait3A_613, %dma_wait3A_614] : memref<10240x128xf32, #tpu.memory_space<hbm>> -> memref<10240x128xf32, #tpu.memory_space<hbm>>
      tpu.wait_indirect_dma semaphore(%arg10 : memref<!tpu.dma_semaphore, #tpu.memory_space<semaphore_mem>>) src(%dma_wait3A_615 : memref<10240x128xf32, #tpu.memory_space<hbm>>) dst(%dma_wait3A_605 : memref<125x128xf32, #tpu.memory_space<vmem>>)
      %sub3A = arith.constant 1 : i32
      %sub3A_616 = arith.subi %scan3A_599, %sub3A : i32
      %rem3A_617 = arith.constant 2 : i32
      %rem3A_618 = arith.remsi %sub3A_616, %rem3A_617 : i32
      %dma_wait3A_619 = arith.constant 0 : i32
      %dma_wait3A_620 = arith.constant 0 : i32
      %dma_wait3A_621 = tpu.memref_slice %arg8[%rem3A_618, %dma_wait3A_619, %dma_wait3A_620] : memref<2x125x128xf32, #tpu.memory_space<vmem>> -> memref<1x125x128xf32, #tpu.memory_space<vmem>>
      %dma_wait3A_622 = tpu.memref_squeeze %dma_wait3A_621 : memref<1x125x128xf32, #tpu.memory_space<vmem>> -> memref<125x128xf32, #tpu.memory_space<vmem>>
      %dma_wait3A_623 = arith.constant 0 : i32
      %dma_wait3A_624 = tpu.memref_slice %arg7[%sub3A_616, %dma_wait3A_623] : memref<40x125xi32, #tpu.memory_space<vmem>> -> memref<1x125xi32, #tpu.memory_space<vmem>>
      %dma_wait3A_625 = tpu.memref_squeeze %dma_wait3A_624 : memref<1x125xi32, #tpu.memory_space<vmem>> -> memref<125xi32, #tpu.memory_space<vmem>>
      %dma_wait3A_626 = arith.constant 0 : i32
      %dma_wait3A_627 = arith.constant 0 : i32
      %dma_wait3A_628 = tpu.memref_slice %arg9[%dma_wait3A_626, %dma_wait3A_627] : memref<10240x128xf32, #tpu.memory_space<vmem_shared>> -> memref<10240x128xf32, #tpu.memory_space<vmem_shared>>
      tpu.wait_indirect_dma semaphore(%arg11 : memref<!tpu.dma_semaphore, #tpu.memory_space<semaphore_mem>>) src(%dma_wait3A_622 : memref<125x128xf32, #tpu.memory_space<vmem>>) dst(%dma_wait3A_628 : memref<10240x128xf32, #tpu.memory_space<vmem_shared>>)
      %rem3A_629 = arith.constant 2 : i32
      %rem3A_630 = arith.remsi %scan3A_599, %rem3A_629 : i32
      %dma_start3A_631 = arith.constant 0 : i32
      %dma_start3A_632 = arith.constant 0 : i32
      %dma_start3A_633 = tpu.memref_slice %arg8[%rem3A_630, %dma_start3A_631, %dma_start3A_632] : memref<2x125x128xf32, #tpu.memory_space<vmem>> -> memref<1x125x128xf32, #tpu.memory_space<vmem>>
      %dma_start3A_634 = tpu.memref_squeeze %dma_start3A_633 : memref<1x125x128xf32, #tpu.memory_space<vmem>> -> memref<125x128xf32, #tpu.memory_space<vmem>>
      %dma_start3A_635 = arith.constant 0 : i32
      %dma_start3A_636 = tpu.memref_slice %arg7[%scan3A_599, %dma_start3A_635] : memref<40x125xi32, #tpu.memory_space<vmem>> -> memref<1x125xi32, #tpu.memory_space<vmem>>
      %dma_start3A_637 = tpu.memref_squeeze %dma_start3A_636 : memref<1x125xi32, #tpu.memory_space<vmem>> -> memref<125xi32, #tpu.memory_space<vmem>>
      %dma_start3A_638 = arith.constant 0 : i32
      %dma_start3A_639 = arith.constant 0 : i32
      %dma_start3A_640 = tpu.memref_slice %arg9[%dma_start3A_638, %dma_start3A_639] : memref<10240x128xf32, #tpu.memory_space<vmem_shared>> -> memref<10240x128xf32, #tpu.memory_space<vmem_shared>>
      tpu.enqueue_indirect_dma source(%dma_start3A_634 : memref<125x128xf32, #tpu.memory_space<vmem>>) target(%dma_start3A_640 : memref<10240x128xf32, #tpu.memory_space<vmem_shared>>) offsets(%dma_start3A_637 : memref<125xi32, #tpu.memory_space<vmem>>) semaphore(%arg11 : memref<!tpu.dma_semaphore, #tpu.memory_space<semaphore_mem>>) {add = true}
      %add3A_641 = arith.constant 2 : i32
      %add3A_642 = arith.addi %scan3A_599, %add3A_641 : i32
      %sub3A_643 = arith.constant 1 : i32
      %sub3A_644 = arith.subi %add3A_642, %sub3A_643 : i32
      %rem3A_645 = arith.constant 2 : i32
      %rem3A_646 = arith.remsi %sub3A_644, %rem3A_645 : i32
      %dma_start3A_647 = arith.constant 0 : i32
      %dma_start3A_648 = arith.constant 0 : i32
      %dma_start3A_649 = tpu.memref_slice %arg8[%rem3A_646, %dma_start3A_647, %dma_start3A_648] : memref<2x125x128xf32, #tpu.memory_space<vmem>> -> memref<1x125x128xf32, #tpu.memory_space<vmem>>
      %dma_start3A_650 = tpu.memref_squeeze %dma_start3A_649 : memref<1x125x128xf32, #tpu.memory_space<vmem>> -> memref<125x128xf32, #tpu.memory_space<vmem>>
      %dma_start3A_651 = arith.constant 0 : i32
      %dma_start3A_652 = tpu.memref_slice %arg6[%sub3A_644, %dma_start3A_651] : memref<40x125xi32, #tpu.memory_space<vmem>> -> memref<1x125xi32, #tpu.memory_space<vmem>>
      %dma_start3A_653 = tpu.memref_squeeze %dma_start3A_652 : memref<1x125xi32, #tpu.memory_space<vmem>> -> memref<125xi32, #tpu.memory_space<vmem>>
      %dma_start3A_654 = arith.constant 0 : i32
      %dma_start3A_655 = arith.constant 0 : i32
      %dma_start3A_656 = tpu.memref_slice %arg2[%add3A_300, %dma_start3A_654, %dma_start3A_655] : memref<4x10240x128xf32, #tpu.memory_space<hbm>> -> memref<1x10240x128xf32, #tpu.memory_space<hbm>>
      %dma_start3A_657 = tpu.memref_squeeze %dma_start3A_656 : memref<1x10240x128xf32, #tpu.memory_space<hbm>> -> memref<10240x128xf32, #tpu.memory_space<hbm>>
      %dma_start3A_658 = arith.constant 0 : i32
      %dma_start3A_659 = arith.constant 0 : i32
      %dma_start3A_660 = tpu.memref_slice %dma_start3A_657[%dma_start3A_658, %dma_start3A_659] : memref<10240x128xf32, #tpu.memory_space<hbm>> -> memref<10240x128xf32, #tpu.memory_space<hbm>>
      tpu.enqueue_indirect_dma source(%dma_start3A_660 : memref<10240x128xf32, #tpu.memory_space<hbm>>) target(%dma_start3A_650 : memref<125x128xf32, #tpu.memory_space<vmem>>) offsets(%dma_start3A_653 : memref<125xi32, #tpu.memory_space<vmem>>) semaphore(%arg10 : memref<!tpu.dma_semaphore, #tpu.memory_space<semaphore_mem>>)
    }
    %scan3A_401 = arith.constant 38 : i32
    %rem3A_402 = arith.constant 39 : i32
    %rem3A_403 = arith.constant 2 : i32
    %rem3A_404 = arith.remsi %rem3A_402, %rem3A_403 : i32
    %dma_wait3A_405 = arith.constant 39 : i32
    %dma_wait3A_406 = arith.constant 0 : i32
    %dma_wait3A_407 = arith.constant 0 : i32
    %dma_wait3A_408 = tpu.memref_slice %arg8[%rem3A_404, %dma_wait3A_406, %dma_wait3A_407] : memref<2x125x128xf32, #tpu.memory_space<vmem>> -> memref<1x125x128xf32, #tpu.memory_space<vmem>>
    %dma_wait3A_409 = tpu.memref_squeeze %dma_wait3A_408 : memref<1x125x128xf32, #tpu.memory_space<vmem>> -> memref<125x128xf32, #tpu.memory_space<vmem>>
    %dma_wait3A_410 = arith.constant 0 : i32
    %dma_wait3A_411 = tpu.memref_slice %arg6[%dma_wait3A_405, %dma_wait3A_410] : memref<40x125xi32, #tpu.memory_space<vmem>> -> memref<1x125xi32, #tpu.memory_space<vmem>>
    %dma_wait3A_412 = tpu.memref_squeeze %dma_wait3A_411 : memref<1x125xi32, #tpu.memory_space<vmem>> -> memref<125xi32, #tpu.memory_space<vmem>>
    %dma_wait3A_413 = arith.constant 0 : i32
    %dma_wait3A_414 = arith.constant 0 : i32
    %dma_wait3A_415 = tpu.memref_slice %arg2[%add3A_300, %dma_wait3A_413, %dma_wait3A_414] : memref<4x10240x128xf32, #tpu.memory_space<hbm>> -> memref<1x10240x128xf32, #tpu.memory_space<hbm>>
    %dma_wait3A_416 = tpu.memref_squeeze %dma_wait3A_415 : memref<1x10240x128xf32, #tpu.memory_space<hbm>> -> memref<10240x128xf32, #tpu.memory_space<hbm>>
    %dma_wait3A_417 = arith.constant 0 : i32
    %dma_wait3A_418 = arith.constant 0 : i32
    %dma_wait3A_419 = tpu.memref_slice %dma_wait3A_416[%dma_wait3A_417, %dma_wait3A_418] : memref<10240x128xf32, #tpu.memory_space<hbm>> -> memref<10240x128xf32, #tpu.memory_space<hbm>>
    tpu.wait_indirect_dma semaphore(%arg10 : memref<!tpu.dma_semaphore, #tpu.memory_space<semaphore_mem>>) src(%dma_wait3A_419 : memref<10240x128xf32, #tpu.memory_space<hbm>>) dst(%dma_wait3A_409 : memref<125x128xf32, #tpu.memory_space<vmem>>)
    %rem3A_420 = arith.constant 38 : i32
    %rem3A_421 = arith.constant 2 : i32
    %rem3A_422 = arith.remsi %rem3A_420, %rem3A_421 : i32
    %dma_wait3A_423 = arith.constant 38 : i32
    %dma_wait3A_424 = arith.constant 0 : i32
    %dma_wait3A_425 = arith.constant 0 : i32
    %dma_wait3A_426 = tpu.memref_slice %arg8[%rem3A_422, %dma_wait3A_424, %dma_wait3A_425] : memref<2x125x128xf32, #tpu.memory_space<vmem>> -> memref<1x125x128xf32, #tpu.memory_space<vmem>>
    %dma_wait3A_427 = tpu.memref_squeeze %dma_wait3A_426 : memref<1x125x128xf32, #tpu.memory_space<vmem>> -> memref<125x128xf32, #tpu.memory_space<vmem>>
    %dma_wait3A_428 = arith.constant 0 : i32
    %dma_wait3A_429 = tpu.memref_slice %arg7[%dma_wait3A_423, %dma_wait3A_428] : memref<40x125xi32, #tpu.memory_space<vmem>> -> memref<1x125xi32, #tpu.memory_space<vmem>>
    %dma_wait3A_430 = tpu.memref_squeeze %dma_wait3A_429 : memref<1x125xi32, #tpu.memory_space<vmem>> -> memref<125xi32, #tpu.memory_space<vmem>>
    %dma_wait3A_431 = arith.constant 0 : i32
    %dma_wait3A_432 = arith.constant 0 : i32
    %dma_wait3A_433 = tpu.memref_slice %arg9[%dma_wait3A_431, %dma_wait3A_432] : memref<10240x128xf32, #tpu.memory_space<vmem_shared>> -> memref<10240x128xf32, #tpu.memory_space<vmem_shared>>
    tpu.wait_indirect_dma semaphore(%arg11 : memref<!tpu.dma_semaphore, #tpu.memory_space<semaphore_mem>>) src(%dma_wait3A_427 : memref<125x128xf32, #tpu.memory_space<vmem>>) dst(%dma_wait3A_433 : memref<10240x128xf32, #tpu.memory_space<vmem_shared>>)
    %rem3A_434 = arith.constant 39 : i32
    %rem3A_435 = arith.constant 2 : i32
    %rem3A_436 = arith.remsi %rem3A_434, %rem3A_435 : i32
    %dma_start3A_437 = arith.constant 39 : i32
    %dma_start3A_438 = arith.constant 0 : i32
    %dma_start3A_439 = arith.constant 0 : i32
    %dma_start3A_440 = tpu.memref_slice %arg8[%rem3A_436, %dma_start3A_438, %dma_start3A_439] : memref<2x125x128xf32, #tpu.memory_space<vmem>> -> memref<1x125x128xf32, #tpu.memory_space<vmem>>
    %dma_start3A_441 = tpu.memref_squeeze %dma_start3A_440 : memref<1x125x128xf32, #tpu.memory_space<vmem>> -> memref<125x128xf32, #tpu.memory_space<vmem>>
    %dma_start3A_442 = arith.constant 0 : i32
    %dma_start3A_443 = tpu.memref_slice %arg7[%dma_start3A_437, %dma_start3A_442] : memref<40x125xi32, #tpu.memory_space<vmem>> -> memref<1x125xi32, #tpu.memory_space<vmem>>
    %dma_start3A_444 = tpu.memref_squeeze %dma_start3A_443 : memref<1x125xi32, #tpu.memory_space<vmem>> -> memref<125xi32, #tpu.memory_space<vmem>>
    %dma_start3A_445 = arith.constant 0 : i32
    %dma_start3A_446 = arith.constant 0 : i32
    %dma_start3A_447 = tpu.memref_slice %arg9[%dma_start3A_445, %dma_start3A_446] : memref<10240x128xf32, #tpu.memory_space<vmem_shared>> -> memref<10240x128xf32, #tpu.memory_space<vmem_shared>>
    tpu.enqueue_indirect_dma source(%dma_start3A_441 : memref<125x128xf32, #tpu.memory_space<vmem>>) target(%dma_start3A_447 : memref<10240x128xf32, #tpu.memory_space<vmem_shared>>) offsets(%dma_start3A_444 : memref<125xi32, #tpu.memory_space<vmem>>) semaphore(%arg11 : memref<!tpu.dma_semaphore, #tpu.memory_space<semaphore_mem>>) {add = true}
    %rem3A_448 = arith.constant 39 : i32
    %rem3A_449 = arith.constant 2 : i32
    %rem3A_450 = arith.remsi %rem3A_448, %rem3A_449 : i32
    %dma_wait3A_451 = arith.constant 39 : i32
    %dma_wait3A_452 = arith.constant 0 : i32
    %dma_wait3A_453 = arith.constant 0 : i32
    %dma_wait3A_454 = tpu.memref_slice %arg8[%rem3A_450, %dma_wait3A_452, %dma_wait3A_453] : memref<2x125x128xf32, #tpu.memory_space<vmem>> -> memref<1x125x128xf32, #tpu.memory_space<vmem>>
    %dma_wait3A_455 = tpu.memref_squeeze %dma_wait3A_454 : memref<1x125x128xf32, #tpu.memory_space<vmem>> -> memref<125x128xf32, #tpu.memory_space<vmem>>
    %dma_wait3A_456 = arith.constant 0 : i32
    %dma_wait3A_457 = tpu.memref_slice %arg7[%dma_wait3A_451, %dma_wait3A_456] : memref<40x125xi32, #tpu.memory_space<vmem>> -> memref<1x125xi32, #tpu.memory_space<vmem>>
    %dma_wait3A_458 = tpu.memref_squeeze %dma_wait3A_457 : memref<1x125xi32, #tpu.memory_space<vmem>> -> memref<125xi32, #tpu.memory_space<vmem>>
    %dma_wait3A_459 = arith.constant 0 : i32
    %dma_wait3A_460 = arith.constant 0 : i32
    %dma_wait3A_461 = tpu.memref_slice %arg9[%dma_wait3A_459, %dma_wait3A_460] : memref<10240x128xf32, #tpu.memory_space<vmem_shared>> -> memref<10240x128xf32, #tpu.memory_space<vmem_shared>>
    tpu.wait_indirect_dma semaphore(%arg11 : memref<!tpu.dma_semaphore, #tpu.memory_space<semaphore_mem>>) src(%dma_wait3A_455 : memref<125x128xf32, #tpu.memory_space<vmem>>) dst(%dma_wait3A_461 : memref<10240x128xf32, #tpu.memory_space<vmem_shared>>)
    %add3A_462 = arith.constant 16 : i32
    %add3A_463 = arith.addi %arg1, %add3A_462 : i32
    "tpu.region"() ({
      %run_scoped3A_599 = tpu.sem_alloc : memref<!tpu.dma_semaphore, #tpu.memory_space<semaphore_mem>>
      %dma_start3A_600 = arith.constant 0 : i32
      %dma_start3A_601 = arith.constant 0 : i32
      %dma_start3A_602 = tpu.memref_slice %arg3[%add3A_463, %dma_start3A_600, %dma_start3A_601] : memref<32x40x125xi32, #tpu.memory_space<hbm>> -> memref<1x40x125xi32, #tpu.memory_space<hbm>>
      %dma_start3A_603 = tpu.memref_squeeze %dma_start3A_602 : memref<1x40x125xi32, #tpu.memory_space<hbm>> -> memref<40x125xi32, #tpu.memory_space<hbm>>
      %dma_start3A_604 = arith.constant 0 : i32
      %dma_start3A_605 = arith.constant 0 : i32
      %dma_start3A_606 = tpu.memref_slice %arg3[%add3A_463, %dma_start3A_604, %dma_start3A_605] : memref<32x40x125xi32, #tpu.memory_space<hbm>> -> memref<1x40x125xi32, #tpu.memory_space<hbm>>
      %dma_start3A_607 = tpu.memref_squeeze %dma_start3A_606 : memref<1x40x125xi32, #tpu.memory_space<hbm>> -> memref<40x125xi32, #tpu.memory_space<hbm>>
      tpu.enqueue_dma source(%dma_start3A_607 : memref<40x125xi32, #tpu.memory_space<hbm>>) target(%arg6 : memref<40x125xi32, #tpu.memory_space<vmem>>) target_semaphore(%run_scoped3A_599 : memref<!tpu.dma_semaphore, #tpu.memory_space<semaphore_mem>>)
      %dma_wait3A_608 = arith.constant 0 : i32
      %dma_wait3A_609 = arith.constant 0 : i32
      %dma_wait3A_610 = tpu.memref_slice %arg3[%add3A_463, %dma_wait3A_608, %dma_wait3A_609] : memref<32x40x125xi32, #tpu.memory_space<hbm>> -> memref<1x40x125xi32, #tpu.memory_space<hbm>>
      %dma_wait3A_611 = tpu.memref_squeeze %dma_wait3A_610 : memref<1x40x125xi32, #tpu.memory_space<hbm>> -> memref<40x125xi32, #tpu.memory_space<hbm>>
      %dma_wait3A_612 = arith.constant 0 : i32
      %dma_wait3A_613 = arith.constant 0 : i32
      %dma_wait3A_614 = tpu.memref_slice %arg3[%add3A_463, %dma_wait3A_612, %dma_wait3A_613] : memref<32x40x125xi32, #tpu.memory_space<hbm>> -> memref<1x40x125xi32, #tpu.memory_space<hbm>>
      %dma_wait3A_615 = tpu.memref_squeeze %dma_wait3A_614 : memref<1x40x125xi32, #tpu.memory_space<hbm>> -> memref<40x125xi32, #tpu.memory_space<hbm>>
      tpu.wait_dma2 semaphore(%run_scoped3A_599 : memref<!tpu.dma_semaphore, #tpu.memory_space<semaphore_mem>>) src(%dma_wait3A_615 : memref<40x125xi32, #tpu.memory_space<hbm>>) dst(%arg6 : memref<40x125xi32, #tpu.memory_space<vmem>>)
      tpu.yield
    }) : () -> ()
    "tpu.region"() ({
      %run_scoped3A_599 = tpu.sem_alloc : memref<!tpu.dma_semaphore, #tpu.memory_space<semaphore_mem>>
      %dma_start3A_600 = arith.constant 0 : i32
      %dma_start3A_601 = arith.constant 0 : i32
      %dma_start3A_602 = tpu.memref_slice %arg4[%add3A_463, %dma_start3A_600, %dma_start3A_601] : memref<32x40x125xi32, #tpu.memory_space<hbm>> -> memref<1x40x125xi32, #tpu.memory_space<hbm>>
      %dma_start3A_603 = tpu.memref_squeeze %dma_start3A_602 : memref<1x40x125xi32, #tpu.memory_space<hbm>> -> memref<40x125xi32, #tpu.memory_space<hbm>>
      %dma_start3A_604 = arith.constant 0 : i32
      %dma_start3A_605 = arith.constant 0 : i32
      %dma_start3A_606 = tpu.memref_slice %arg4[%add3A_463, %dma_start3A_604, %dma_start3A_605] : memref<32x40x125xi32, #tpu.memory_space<hbm>> -> memref<1x40x125xi32, #tpu.memory_space<hbm>>
      %dma_start3A_607 = tpu.memref_squeeze %dma_start3A_606 : memref<1x40x125xi32, #tpu.memory_space<hbm>> -> memref<40x125xi32, #tpu.memory_space<hbm>>
      tpu.enqueue_dma source(%dma_start3A_607 : memref<40x125xi32, #tpu.memory_space<hbm>>) target(%arg7 : memref<40x125xi32, #tpu.memory_space<vmem>>) target_semaphore(%run_scoped3A_599 : memref<!tpu.dma_semaphore, #tpu.memory_space<semaphore_mem>>)
      %dma_wait3A_608 = arith.constant 0 : i32
      %dma_wait3A_609 = arith.constant 0 : i32
      %dma_wait3A_610 = tpu.memref_slice %arg4[%add3A_463, %dma_wait3A_608, %dma_wait3A_609] : memref<32x40x125xi32, #tpu.memory_space<hbm>> -> memref<1x40x125xi32, #tpu.memory_space<hbm>>
      %dma_wait3A_611 = tpu.memref_squeeze %dma_wait3A_610 : memref<1x40x125xi32, #tpu.memory_space<hbm>> -> memref<40x125xi32, #tpu.memory_space<hbm>>
      %dma_wait3A_612 = arith.constant 0 : i32
      %dma_wait3A_613 = arith.constant 0 : i32
      %dma_wait3A_614 = tpu.memref_slice %arg4[%add3A_463, %dma_wait3A_612, %dma_wait3A_613] : memref<32x40x125xi32, #tpu.memory_space<hbm>> -> memref<1x40x125xi32, #tpu.memory_space<hbm>>
      %dma_wait3A_615 = tpu.memref_squeeze %dma_wait3A_614 : memref<1x40x125xi32, #tpu.memory_space<hbm>> -> memref<40x125xi32, #tpu.memory_space<hbm>>
      tpu.wait_dma2 semaphore(%run_scoped3A_599 : memref<!tpu.dma_semaphore, #tpu.memory_space<semaphore_mem>>) src(%dma_wait3A_615 : memref<40x125xi32, #tpu.memory_space<hbm>>) dst(%arg7 : memref<40x125xi32, #tpu.memory_space<vmem>>)
      tpu.yield
    }) : () -> ()
    %rem3A_464 = arith.constant 0 : i32
    %rem3A_465 = arith.constant 2 : i32
    %rem3A_466 = arith.remsi %rem3A_464, %rem3A_465 : i32
    %dma_start3A_467 = arith.constant 0 : i32
    %dma_start3A_468 = arith.constant 0 : i32
    %dma_start3A_469 = arith.constant 0 : i32
    %dma_start3A_470 = tpu.memref_slice %arg8[%rem3A_466, %dma_start3A_468, %dma_start3A_469] : memref<2x125x128xf32, #tpu.memory_space<vmem>> -> memref<1x125x128xf32, #tpu.memory_space<vmem>>
    %dma_start3A_471 = tpu.memref_squeeze %dma_start3A_470 : memref<1x125x128xf32, #tpu.memory_space<vmem>> -> memref<125x128xf32, #tpu.memory_space<vmem>>
    %dma_start3A_472 = arith.constant 0 : i32
    %dma_start3A_473 = tpu.memref_slice %arg6[%dma_start3A_467, %dma_start3A_472] : memref<40x125xi32, #tpu.memory_space<vmem>> -> memref<1x125xi32, #tpu.memory_space<vmem>>
    %dma_start3A_474 = tpu.memref_squeeze %dma_start3A_473 : memref<1x125xi32, #tpu.memory_space<vmem>> -> memref<125xi32, #tpu.memory_space<vmem>>
    %dma_start3A_475 = arith.constant 0 : i32
    %dma_start3A_476 = arith.constant 0 : i32
    %dma_start3A_477 = tpu.memref_slice %arg2[%add3A_300, %dma_start3A_475, %dma_start3A_476] : memref<4x10240x128xf32, #tpu.memory_space<hbm>> -> memref<1x10240x128xf32, #tpu.memory_space<hbm>>
    %dma_start3A_478 = tpu.memref_squeeze %dma_start3A_477 : memref<1x10240x128xf32, #tpu.memory_space<hbm>> -> memref<10240x128xf32, #tpu.memory_space<hbm>>
    %dma_start3A_479 = arith.constant 0 : i32
    %dma_start3A_480 = arith.constant 0 : i32
    %dma_start3A_481 = tpu.memref_slice %dma_start3A_478[%dma_start3A_479, %dma_start3A_480] : memref<10240x128xf32, #tpu.memory_space<hbm>> -> memref<10240x128xf32, #tpu.memory_space<hbm>>
    tpu.enqueue_indirect_dma source(%dma_start3A_481 : memref<10240x128xf32, #tpu.memory_space<hbm>>) target(%dma_start3A_471 : memref<125x128xf32, #tpu.memory_space<vmem>>) offsets(%dma_start3A_474 : memref<125xi32, #tpu.memory_space<vmem>>) semaphore(%arg10 : memref<!tpu.dma_semaphore, #tpu.memory_space<semaphore_mem>>)
    %rem3A_482 = arith.constant 0 : i32
    %rem3A_483 = arith.constant 2 : i32
    %rem3A_484 = arith.remsi %rem3A_482, %rem3A_483 : i32
    %dma_wait3A_485 = arith.constant 0 : i32
    %dma_wait3A_486 = arith.constant 0 : i32
    %dma_wait3A_487 = arith.constant 0 : i32
    %dma_wait3A_488 = tpu.memref_slice %arg8[%rem3A_484, %dma_wait3A_486, %dma_wait3A_487] : memref<2x125x128xf32, #tpu.memory_space<vmem>> -> memref<1x125x128xf32, #tpu.memory_space<vmem>>
    %dma_wait3A_489 = tpu.memref_squeeze %dma_wait3A_488 : memref<1x125x128xf32, #tpu.memory_space<vmem>> -> memref<125x128xf32, #tpu.memory_space<vmem>>
    %dma_wait3A_490 = arith.constant 0 : i32
    %dma_wait3A_491 = tpu.memref_slice %arg6[%dma_wait3A_485, %dma_wait3A_490] : memref<40x125xi32, #tpu.memory_space<vmem>> -> memref<1x125xi32, #tpu.memory_space<vmem>>
    %dma_wait3A_492 = tpu.memref_squeeze %dma_wait3A_491 : memref<1x125xi32, #tpu.memory_space<vmem>> -> memref<125xi32, #tpu.memory_space<vmem>>
    %dma_wait3A_493 = arith.constant 0 : i32
    %dma_wait3A_494 = arith.constant 0 : i32
    %dma_wait3A_495 = tpu.memref_slice %arg2[%add3A_300, %dma_wait3A_493, %dma_wait3A_494] : memref<4x10240x128xf32, #tpu.memory_space<hbm>> -> memref<1x10240x128xf32, #tpu.memory_space<hbm>>
    %dma_wait3A_496 = tpu.memref_squeeze %dma_wait3A_495 : memref<1x10240x128xf32, #tpu.memory_space<hbm>> -> memref<10240x128xf32, #tpu.memory_space<hbm>>
    %dma_wait3A_497 = arith.constant 0 : i32
    %dma_wait3A_498 = arith.constant 0 : i32
    %dma_wait3A_499 = tpu.memref_slice %dma_wait3A_496[%dma_wait3A_497, %dma_wait3A_498] : memref<10240x128xf32, #tpu.memory_space<hbm>> -> memref<10240x128xf32, #tpu.memory_space<hbm>>
    tpu.wait_indirect_dma semaphore(%arg10 : memref<!tpu.dma_semaphore, #tpu.memory_space<semaphore_mem>>) src(%dma_wait3A_499 : memref<10240x128xf32, #tpu.memory_space<hbm>>) dst(%dma_wait3A_489 : memref<125x128xf32, #tpu.memory_space<vmem>>)
    %rem3A_500 = arith.constant 0 : i32
    %rem3A_501 = arith.constant 2 : i32
    %rem3A_502 = arith.remsi %rem3A_500, %rem3A_501 : i32
    %dma_start3A_503 = arith.constant 0 : i32
    %dma_start3A_504 = arith.constant 0 : i32
    %dma_start3A_505 = arith.constant 0 : i32
    %dma_start3A_506 = tpu.memref_slice %arg8[%rem3A_502, %dma_start3A_504, %dma_start3A_505] : memref<2x125x128xf32, #tpu.memory_space<vmem>> -> memref<1x125x128xf32, #tpu.memory_space<vmem>>
    %dma_start3A_507 = tpu.memref_squeeze %dma_start3A_506 : memref<1x125x128xf32, #tpu.memory_space<vmem>> -> memref<125x128xf32, #tpu.memory_space<vmem>>
    %dma_start3A_508 = arith.constant 0 : i32
    %dma_start3A_509 = tpu.memref_slice %arg7[%dma_start3A_503, %dma_start3A_508] : memref<40x125xi32, #tpu.memory_space<vmem>> -> memref<1x125xi32, #tpu.memory_space<vmem>>
    %dma_start3A_510 = tpu.memref_squeeze %dma_start3A_509 : memref<1x125xi32, #tpu.memory_space<vmem>> -> memref<125xi32, #tpu.memory_space<vmem>>
    %dma_start3A_511 = arith.constant 0 : i32
    %dma_start3A_512 = arith.constant 0 : i32
    %dma_start3A_513 = tpu.memref_slice %arg9[%dma_start3A_511, %dma_start3A_512] : memref<10240x128xf32, #tpu.memory_space<vmem_shared>> -> memref<10240x128xf32, #tpu.memory_space<vmem_shared>>
    tpu.enqueue_indirect_dma source(%dma_start3A_507 : memref<125x128xf32, #tpu.memory_space<vmem>>) target(%dma_start3A_513 : memref<10240x128xf32, #tpu.memory_space<vmem_shared>>) offsets(%dma_start3A_510 : memref<125xi32, #tpu.memory_space<vmem>>) semaphore(%arg11 : memref<!tpu.dma_semaphore, #tpu.memory_space<semaphore_mem>>) {add = true}
    %rem3A_514 = arith.constant 1 : i32
    %rem3A_515 = arith.constant 2 : i32
    %rem3A_516 = arith.remsi %rem3A_514, %rem3A_515 : i32
    %dma_start3A_517 = arith.constant 1 : i32
    %dma_start3A_518 = arith.constant 0 : i32
    %dma_start3A_519 = arith.constant 0 : i32
    %dma_start3A_520 = tpu.memref_slice %arg8[%rem3A_516, %dma_start3A_518, %dma_start3A_519] : memref<2x125x128xf32, #tpu.memory_space<vmem>> -> memref<1x125x128xf32, #tpu.memory_space<vmem>>
    %dma_start3A_521 = tpu.memref_squeeze %dma_start3A_520 : memref<1x125x128xf32, #tpu.memory_space<vmem>> -> memref<125x128xf32, #tpu.memory_space<vmem>>
    %dma_start3A_522 = arith.constant 0 : i32
    %dma_start3A_523 = tpu.memref_slice %arg6[%dma_start3A_517, %dma_start3A_522] : memref<40x125xi32, #tpu.memory_space<vmem>> -> memref<1x125xi32, #tpu.memory_space<vmem>>
    %dma_start3A_524 = tpu.memref_squeeze %dma_start3A_523 : memref<1x125xi32, #tpu.memory_space<vmem>> -> memref<125xi32, #tpu.memory_space<vmem>>
    %dma_start3A_525 = arith.constant 0 : i32
    %dma_start3A_526 = arith.constant 0 : i32
    %dma_start3A_527 = tpu.memref_slice %arg2[%add3A_300, %dma_start3A_525, %dma_start3A_526] : memref<4x10240x128xf32, #tpu.memory_space<hbm>> -> memref<1x10240x128xf32, #tpu.memory_space<hbm>>
    %dma_start3A_528 = tpu.memref_squeeze %dma_start3A_527 : memref<1x10240x128xf32, #tpu.memory_space<hbm>> -> memref<10240x128xf32, #tpu.memory_space<hbm>>
    %dma_start3A_529 = arith.constant 0 : i32
    %dma_start3A_530 = arith.constant 0 : i32
    %dma_start3A_531 = tpu.memref_slice %dma_start3A_528[%dma_start3A_529, %dma_start3A_530] : memref<10240x128xf32, #tpu.memory_space<hbm>> -> memref<10240x128xf32, #tpu.memory_space<hbm>>
    tpu.enqueue_indirect_dma source(%dma_start3A_531 : memref<10240x128xf32, #tpu.memory_space<hbm>>) target(%dma_start3A_521 : memref<125x128xf32, #tpu.memory_space<vmem>>) offsets(%dma_start3A_524 : memref<125xi32, #tpu.memory_space<vmem>>) semaphore(%arg10 : memref<!tpu.dma_semaphore, #tpu.memory_space<semaphore_mem>>)
    %scan3A_532 = arith.constant 0 : i32
    %scan3A_533 = arith.constant 1 : i32
    %scan3A_534 = arith.constant 38 : i32
    %scan3A_535 = arith.addi %scan3A_533, %scan3A_534 : i32
    %scan3A_536 = arith.constant 1 : i32
    scf.for %scan3A_599 = %scan3A_533 to %scan3A_535 step %scan3A_536  : i32 {
      %rem3A_600 = arith.constant 2 : i32
      %rem3A_601 = arith.remsi %scan3A_599, %rem3A_600 : i32
      %dma_wait3A_602 = arith.constant 0 : i32
      %dma_wait3A_603 = arith.constant 0 : i32
      %dma_wait3A_604 = tpu.memref_slice %arg8[%rem3A_601, %dma_wait3A_602, %dma_wait3A_603] : memref<2x125x128xf32, #tpu.memory_space<vmem>> -> memref<1x125x128xf32, #tpu.memory_space<vmem>>
      %dma_wait3A_605 = tpu.memref_squeeze %dma_wait3A_604 : memref<1x125x128xf32, #tpu.memory_space<vmem>> -> memref<125x128xf32, #tpu.memory_space<vmem>>
      %dma_wait3A_606 = arith.constant 0 : i32
      %dma_wait3A_607 = tpu.memref_slice %arg6[%scan3A_599, %dma_wait3A_606] : memref<40x125xi32, #tpu.memory_space<vmem>> -> memref<1x125xi32, #tpu.memory_space<vmem>>
      %dma_wait3A_608 = tpu.memref_squeeze %dma_wait3A_607 : memref<1x125xi32, #tpu.memory_space<vmem>> -> memref<125xi32, #tpu.memory_space<vmem>>
      %dma_wait3A_609 = arith.constant 0 : i32
      %dma_wait3A_610 = arith.constant 0 : i32
      %dma_wait3A_611 = tpu.memref_slice %arg2[%add3A_300, %dma_wait3A_609, %dma_wait3A_610] : memref<4x10240x128xf32, #tpu.memory_space<hbm>> -> memref<1x10240x128xf32, #tpu.memory_space<hbm>>
      %dma_wait3A_612 = tpu.memref_squeeze %dma_wait3A_611 : memref<1x10240x128xf32, #tpu.memory_space<hbm>> -> memref<10240x128xf32, #tpu.memory_space<hbm>>
      %dma_wait3A_613 = arith.constant 0 : i32
      %dma_wait3A_614 = arith.constant 0 : i32
      %dma_wait3A_615 = tpu.memref_slice %dma_wait3A_612[%dma_wait3A_613, %dma_wait3A_614] : memref<10240x128xf32, #tpu.memory_space<hbm>> -> memref<10240x128xf32, #tpu.memory_space<hbm>>
      tpu.wait_indirect_dma semaphore(%arg10 : memref<!tpu.dma_semaphore, #tpu.memory_space<semaphore_mem>>) src(%dma_wait3A_615 : memref<10240x128xf32, #tpu.memory_space<hbm>>) dst(%dma_wait3A_605 : memref<125x128xf32, #tpu.memory_space<vmem>>)
      %sub3A = arith.constant 1 : i32
      %sub3A_616 = arith.subi %scan3A_599, %sub3A : i32
      %rem3A_617 = arith.constant 2 : i32
      %rem3A_618 = arith.remsi %sub3A_616, %rem3A_617 : i32
      %dma_wait3A_619 = arith.constant 0 : i32
      %dma_wait3A_620 = arith.constant 0 : i32
      %dma_wait3A_621 = tpu.memref_slice %arg8[%rem3A_618, %dma_wait3A_619, %dma_wait3A_620] : memref<2x125x128xf32, #tpu.memory_space<vmem>> -> memref<1x125x128xf32, #tpu.memory_space<vmem>>
      %dma_wait3A_622 = tpu.memref_squeeze %dma_wait3A_621 : memref<1x125x128xf32, #tpu.memory_space<vmem>> -> memref<125x128xf32, #tpu.memory_space<vmem>>
      %dma_wait3A_623 = arith.constant 0 : i32
      %dma_wait3A_624 = tpu.memref_slice %arg7[%sub3A_616, %dma_wait3A_623] : memref<40x125xi32, #tpu.memory_space<vmem>> -> memref<1x125xi32, #tpu.memory_space<vmem>>
      %dma_wait3A_625 = tpu.memref_squeeze %dma_wait3A_624 : memref<1x125xi32, #tpu.memory_space<vmem>> -> memref<125xi32, #tpu.memory_space<vmem>>
      %dma_wait3A_626 = arith.constant 0 : i32
      %dma_wait3A_627 = arith.constant 0 : i32
      %dma_wait3A_628 = tpu.memref_slice %arg9[%dma_wait3A_626, %dma_wait3A_627] : memref<10240x128xf32, #tpu.memory_space<vmem_shared>> -> memref<10240x128xf32, #tpu.memory_space<vmem_shared>>
      tpu.wait_indirect_dma semaphore(%arg11 : memref<!tpu.dma_semaphore, #tpu.memory_space<semaphore_mem>>) src(%dma_wait3A_622 : memref<125x128xf32, #tpu.memory_space<vmem>>) dst(%dma_wait3A_628 : memref<10240x128xf32, #tpu.memory_space<vmem_shared>>)
      %rem3A_629 = arith.constant 2 : i32
      %rem3A_630 = arith.remsi %scan3A_599, %rem3A_629 : i32
      %dma_start3A_631 = arith.constant 0 : i32
      %dma_start3A_632 = arith.constant 0 : i32
      %dma_start3A_633 = tpu.memref_slice %arg8[%rem3A_630, %dma_start3A_631, %dma_start3A_632] : memref<2x125x128xf32, #tpu.memory_space<vmem>> -> memref<1x125x128xf32, #tpu.memory_space<vmem>>
      %dma_start3A_634 = tpu.memref_squeeze %dma_start3A_633 : memref<1x125x128xf32, #tpu.memory_space<vmem>> -> memref<125x128xf32, #tpu.memory_space<vmem>>
      %dma_start3A_635 = arith.constant 0 : i32
      %dma_start3A_636 = tpu.memref_slice %arg7[%scan3A_599, %dma_start3A_635] : memref<40x125xi32, #tpu.memory_space<vmem>> -> memref<1x125xi32, #tpu.memory_space<vmem>>
      %dma_start3A_637 = tpu.memref_squeeze %dma_start3A_636 : memref<1x125xi32, #tpu.memory_space<vmem>> -> memref<125xi32, #tpu.memory_space<vmem>>
      %dma_start3A_638 = arith.constant 0 : i32
      %dma_start3A_639 = arith.constant 0 : i32
      %dma_start3A_640 = tpu.memref_slice %arg9[%dma_start3A_638, %dma_start3A_639] : memref<10240x128xf32, #tpu.memory_space<vmem_shared>> -> memref<10240x128xf32, #tpu.memory_space<vmem_shared>>
      tpu.enqueue_indirect_dma source(%dma_start3A_634 : memref<125x128xf32, #tpu.memory_space<vmem>>) target(%dma_start3A_640 : memref<10240x128xf32, #tpu.memory_space<vmem_shared>>) offsets(%dma_start3A_637 : memref<125xi32, #tpu.memory_space<vmem>>) semaphore(%arg11 : memref<!tpu.dma_semaphore, #tpu.memory_space<semaphore_mem>>) {add = true}
      %add3A_641 = arith.constant 2 : i32
      %add3A_642 = arith.addi %scan3A_599, %add3A_641 : i32
      %sub3A_643 = arith.constant 1 : i32
      %sub3A_644 = arith.subi %add3A_642, %sub3A_643 : i32
      %rem3A_645 = arith.constant 2 : i32
      %rem3A_646 = arith.remsi %sub3A_644, %rem3A_645 : i32
      %dma_start3A_647 = arith.constant 0 : i32
      %dma_start3A_648 = arith.constant 0 : i32
      %dma_start3A_649 = tpu.memref_slice %arg8[%rem3A_646, %dma_start3A_647, %dma_start3A_648] : memref<2x125x128xf32, #tpu.memory_space<vmem>> -> memref<1x125x128xf32, #tpu.memory_space<vmem>>
      %dma_start3A_650 = tpu.memref_squeeze %dma_start3A_649 : memref<1x125x128xf32, #tpu.memory_space<vmem>> -> memref<125x128xf32, #tpu.memory_space<vmem>>
      %dma_start3A_651 = arith.constant 0 : i32
      %dma_start3A_652 = tpu.memref_slice %arg6[%sub3A_644, %dma_start3A_651] : memref<40x125xi32, #tpu.memory_space<vmem>> -> memref<1x125xi32, #tpu.memory_space<vmem>>
      %dma_start3A_653 = tpu.memref_squeeze %dma_start3A_652 : memref<1x125xi32, #tpu.memory_space<vmem>> -> memref<125xi32, #tpu.memory_space<vmem>>
      %dma_start3A_654 = arith.constant 0 : i32
      %dma_start3A_655 = arith.constant 0 : i32
      %dma_start3A_656 = tpu.memref_slice %arg2[%add3A_300, %dma_start3A_654, %dma_start3A_655] : memref<4x10240x128xf32, #tpu.memory_space<hbm>> -> memref<1x10240x128xf32, #tpu.memory_space<hbm>>
      %dma_start3A_657 = tpu.memref_squeeze %dma_start3A_656 : memref<1x10240x128xf32, #tpu.memory_space<hbm>> -> memref<10240x128xf32, #tpu.memory_space<hbm>>
      %dma_start3A_658 = arith.constant 0 : i32
      %dma_start3A_659 = arith.constant 0 : i32
      %dma_start3A_660 = tpu.memref_slice %dma_start3A_657[%dma_start3A_658, %dma_start3A_659] : memref<10240x128xf32, #tpu.memory_space<hbm>> -> memref<10240x128xf32, #tpu.memory_space<hbm>>
      tpu.enqueue_indirect_dma source(%dma_start3A_660 : memref<10240x128xf32, #tpu.memory_space<hbm>>) target(%dma_start3A_650 : memref<125x128xf32, #tpu.memory_space<vmem>>) offsets(%dma_start3A_653 : memref<125xi32, #tpu.memory_space<vmem>>) semaphore(%arg10 : memref<!tpu.dma_semaphore, #tpu.memory_space<semaphore_mem>>)
    }
    %scan3A_537 = arith.constant 38 : i32
    %rem3A_538 = arith.constant 39 : i32
    %rem3A_539 = arith.constant 2 : i32
    %rem3A_540 = arith.remsi %rem3A_538, %rem3A_539 : i32
    %dma_wait3A_541 = arith.constant 39 : i32
    %dma_wait3A_542 = arith.constant 0 : i32
    %dma_wait3A_543 = arith.constant 0 : i32
    %dma_wait3A_544 = tpu.memref_slice %arg8[%rem3A_540, %dma_wait3A_542, %dma_wait3A_543] : memref<2x125x128xf32, #tpu.memory_space<vmem>> -> memref<1x125x128xf32, #tpu.memory_space<vmem>>
    %dma_wait3A_545 = tpu.memref_squeeze %dma_wait3A_544 : memref<1x125x128xf32, #tpu.memory_space<vmem>> -> memref<125x128xf32, #tpu.memory_space<vmem>>
    %dma_wait3A_546 = arith.constant 0 : i32
    %dma_wait3A_547 = tpu.memref_slice %arg6[%dma_wait3A_541, %dma_wait3A_546] : memref<40x125xi32, #tpu.memory_space<vmem>> -> memref<1x125xi32, #tpu.memory_space<vmem>>
    %dma_wait3A_548 = tpu.memref_squeeze %dma_wait3A_547 : memref<1x125xi32, #tpu.memory_space<vmem>> -> memref<125xi32, #tpu.memory_space<vmem>>
    %dma_wait3A_549 = arith.constant 0 : i32
    %dma_wait3A_550 = arith.constant 0 : i32
    %dma_wait3A_551 = tpu.memref_slice %arg2[%add3A_300, %dma_wait3A_549, %dma_wait3A_550] : memref<4x10240x128xf32, #tpu.memory_space<hbm>> -> memref<1x10240x128xf32, #tpu.memory_space<hbm>>
    %dma_wait3A_552 = tpu.memref_squeeze %dma_wait3A_551 : memref<1x10240x128xf32, #tpu.memory_space<hbm>> -> memref<10240x128xf32, #tpu.memory_space<hbm>>
    %dma_wait3A_553 = arith.constant 0 : i32
    %dma_wait3A_554 = arith.constant 0 : i32
    %dma_wait3A_555 = tpu.memref_slice %dma_wait3A_552[%dma_wait3A_553, %dma_wait3A_554] : memref<10240x128xf32, #tpu.memory_space<hbm>> -> memref<10240x128xf32, #tpu.memory_space<hbm>>
    tpu.wait_indirect_dma semaphore(%arg10 : memref<!tpu.dma_semaphore, #tpu.memory_space<semaphore_mem>>) src(%dma_wait3A_555 : memref<10240x128xf32, #tpu.memory_space<hbm>>) dst(%dma_wait3A_545 : memref<125x128xf32, #tpu.memory_space<vmem>>)
    %rem3A_556 = arith.constant 38 : i32
    %rem3A_557 = arith.constant 2 : i32
    %rem3A_558 = arith.remsi %rem3A_556, %rem3A_557 : i32
    %dma_wait3A_559 = arith.constant 38 : i32
    %dma_wait3A_560 = arith.constant 0 : i32
    %dma_wait3A_561 = arith.constant 0 : i32
    %dma_wait3A_562 = tpu.memref_slice %arg8[%rem3A_558, %dma_wait3A_560, %dma_wait3A_561] : memref<2x125x128xf32, #tpu.memory_space<vmem>> -> memref<1x125x128xf32, #tpu.memory_space<vmem>>
    %dma_wait3A_563 = tpu.memref_squeeze %dma_wait3A_562 : memref<1x125x128xf32, #tpu.memory_space<vmem>> -> memref<125x128xf32, #tpu.memory_space<vmem>>
    %dma_wait3A_564 = arith.constant 0 : i32
    %dma_wait3A_565 = tpu.memref_slice %arg7[%dma_wait3A_559, %dma_wait3A_564] : memref<40x125xi32, #tpu.memory_space<vmem>> -> memref<1x125xi32, #tpu.memory_space<vmem>>
    %dma_wait3A_566 = tpu.memref_squeeze %dma_wait3A_565 : memref<1x125xi32, #tpu.memory_space<vmem>> -> memref<125xi32, #tpu.memory_space<vmem>>
    %dma_wait3A_567 = arith.constant 0 : i32
    %dma_wait3A_568 = arith.constant 0 : i32
    %dma_wait3A_569 = tpu.memref_slice %arg9[%dma_wait3A_567, %dma_wait3A_568] : memref<10240x128xf32, #tpu.memory_space<vmem_shared>> -> memref<10240x128xf32, #tpu.memory_space<vmem_shared>>
    tpu.wait_indirect_dma semaphore(%arg11 : memref<!tpu.dma_semaphore, #tpu.memory_space<semaphore_mem>>) src(%dma_wait3A_563 : memref<125x128xf32, #tpu.memory_space<vmem>>) dst(%dma_wait3A_569 : memref<10240x128xf32, #tpu.memory_space<vmem_shared>>)
    %rem3A_570 = arith.constant 39 : i32
    %rem3A_571 = arith.constant 2 : i32
    %rem3A_572 = arith.remsi %rem3A_570, %rem3A_571 : i32
    %dma_start3A_573 = arith.constant 39 : i32
    %dma_start3A_574 = arith.constant 0 : i32
    %dma_start3A_575 = arith.constant 0 : i32
    %dma_start3A_576 = tpu.memref_slice %arg8[%rem3A_572, %dma_start3A_574, %dma_start3A_575] : memref<2x125x128xf32, #tpu.memory_space<vmem>> -> memref<1x125x128xf32, #tpu.memory_space<vmem>>
    %dma_start3A_577 = tpu.memref_squeeze %dma_start3A_576 : memref<1x125x128xf32, #tpu.memory_space<vmem>> -> memref<125x128xf32, #tpu.memory_space<vmem>>
    %dma_start3A_578 = arith.constant 0 : i32
    %dma_start3A_579 = tpu.memref_slice %arg7[%dma_start3A_573, %dma_start3A_578] : memref<40x125xi32, #tpu.memory_space<vmem>> -> memref<1x125xi32, #tpu.memory_space<vmem>>
    %dma_start3A_580 = tpu.memref_squeeze %dma_start3A_579 : memref<1x125xi32, #tpu.memory_space<vmem>> -> memref<125xi32, #tpu.memory_space<vmem>>
    %dma_start3A_581 = arith.constant 0 : i32
    %dma_start3A_582 = arith.constant 0 : i32
    %dma_start3A_583 = tpu.memref_slice %arg9[%dma_start3A_581, %dma_start3A_582] : memref<10240x128xf32, #tpu.memory_space<vmem_shared>> -> memref<10240x128xf32, #tpu.memory_space<vmem_shared>>
    tpu.enqueue_indirect_dma source(%dma_start3A_577 : memref<125x128xf32, #tpu.memory_space<vmem>>) target(%dma_start3A_583 : memref<10240x128xf32, #tpu.memory_space<vmem_shared>>) offsets(%dma_start3A_580 : memref<125xi32, #tpu.memory_space<vmem>>) semaphore(%arg11 : memref<!tpu.dma_semaphore, #tpu.memory_space<semaphore_mem>>) {add = true}
    %rem3A_584 = arith.constant 39 : i32
    %rem3A_585 = arith.constant 2 : i32
    %rem3A_586 = arith.remsi %rem3A_584, %rem3A_585 : i32
    %dma_wait3A_587 = arith.constant 39 : i32
    %dma_wait3A_588 = arith.constant 0 : i32
    %dma_wait3A_589 = arith.constant 0 : i32
    %dma_wait3A_590 = tpu.memref_slice %arg8[%rem3A_586, %dma_wait3A_588, %dma_wait3A_589] : memref<2x125x128xf32, #tpu.memory_space<vmem>> -> memref<1x125x128xf32, #tpu.memory_space<vmem>>
    %dma_wait3A_591 = tpu.memref_squeeze %dma_wait3A_590 : memref<1x125x128xf32, #tpu.memory_space<vmem>> -> memref<125x128xf32, #tpu.memory_space<vmem>>
    %dma_wait3A_592 = arith.constant 0 : i32
    %dma_wait3A_593 = tpu.memref_slice %arg7[%dma_wait3A_587, %dma_wait3A_592] : memref<40x125xi32, #tpu.memory_space<vmem>> -> memref<1x125xi32, #tpu.memory_space<vmem>>
    %dma_wait3A_594 = tpu.memref_squeeze %dma_wait3A_593 : memref<1x125xi32, #tpu.memory_space<vmem>> -> memref<125xi32, #tpu.memory_space<vmem>>
    %dma_wait3A_595 = arith.constant 0 : i32
    %dma_wait3A_596 = arith.constant 0 : i32
    %dma_wait3A_597 = tpu.memref_slice %arg9[%dma_wait3A_595, %dma_wait3A_596] : memref<10240x128xf32, #tpu.memory_space<vmem_shared>> -> memref<10240x128xf32, #tpu.memory_space<vmem_shared>>
    tpu.wait_indirect_dma semaphore(%arg11 : memref<!tpu.dma_semaphore, #tpu.memory_space<semaphore_mem>>) src(%dma_wait3A_591 : memref<125x128xf32, #tpu.memory_space<vmem>>) dst(%dma_wait3A_597 : memref<10240x128xf32, #tpu.memory_space<vmem_shared>>)
    %barrier3A_598 = arith.constant 0 : index
    tpu.barrier barrier_id(%barrier3A_598)
    "tpu.region"() ({
      %run_scoped3A_599 = tpu.sem_alloc : memref<!tpu.dma_semaphore, #tpu.memory_space<semaphore_mem>>
      %dma_start3A_600 = arith.constant 0 : i32
      %dma_start3A_601 = arith.constant 0 : i32
      %dma_start3A_602 = tpu.memref_slice %arg5[%add3A_300, %dma_start3A_600, %dma_start3A_601] : memref<4x10240x128xf32, #tpu.memory_space<hbm>> -> memref<1x10240x128xf32, #tpu.memory_space<hbm>>
      %dma_start3A_603 = tpu.memref_squeeze %dma_start3A_602 : memref<1x10240x128xf32, #tpu.memory_space<hbm>> -> memref<10240x128xf32, #tpu.memory_space<hbm>>
      %dma_start3A_604 = arith.constant 0 : i32
      %dma_start3A_605 = tpu.memref_slice %dma_start3A_603[%mul3A_0, %dma_start3A_604] : memref<10240x128xf32, #tpu.memory_space<hbm>> -> memref<640x128xf32, #tpu.memory_space<hbm>>
      %dma_start3A_606 = arith.constant 0 : i32
      %dma_start3A_607 = tpu.memref_slice %arg9[%mul3A_0, %dma_start3A_606] : memref<10240x128xf32, #tpu.memory_space<vmem_shared>> -> memref<640x128xf32, #tpu.memory_space<vmem_shared>>
      tpu.enqueue_dma source(%dma_start3A_607 : memref<640x128xf32, #tpu.memory_space<vmem_shared>>) target(%dma_start3A_605 : memref<640x128xf32, #tpu.memory_space<hbm>>) target_semaphore(%run_scoped3A_599 : memref<!tpu.dma_semaphore, #tpu.memory_space<semaphore_mem>>)
      %dma_wait3A_608 = arith.constant 0 : i32
      %dma_wait3A_609 = arith.constant 0 : i32
      %dma_wait3A_610 = tpu.memref_slice %arg5[%add3A_300, %dma_wait3A_608, %dma_wait3A_609] : memref<4x10240x128xf32, #tpu.memory_space<hbm>> -> memref<1x10240x128xf32, #tpu.memory_space<hbm>>
      %dma_wait3A_611 = tpu.memref_squeeze %dma_wait3A_610 : memref<1x10240x128xf32, #tpu.memory_space<hbm>> -> memref<10240x128xf32, #tpu.memory_space<hbm>>
      %dma_wait3A_612 = arith.constant 0 : i32
      %dma_wait3A_613 = tpu.memref_slice %dma_wait3A_611[%mul3A_0, %dma_wait3A_612] : memref<10240x128xf32, #tpu.memory_space<hbm>> -> memref<640x128xf32, #tpu.memory_space<hbm>>
      %dma_wait3A_614 = arith.constant 0 : i32
      %dma_wait3A_615 = tpu.memref_slice %arg9[%mul3A_0, %dma_wait3A_614] : memref<10240x128xf32, #tpu.memory_space<vmem_shared>> -> memref<640x128xf32, #tpu.memory_space<vmem_shared>>
      tpu.wait_dma2 semaphore(%run_scoped3A_599 : memref<!tpu.dma_semaphore, #tpu.memory_space<semaphore_mem>>) src(%dma_wait3A_615 : memref<640x128xf32, #tpu.memory_space<vmem_shared>>) dst(%dma_wait3A_613 : memref<640x128xf32, #tpu.memory_space<hbm>>)
      tpu.yield
    }) : () -> ()
    return
  }
}

#map = affine_map<(d0, d1) -> (0, 0, 0)>
module attributes {stable_mosaic.version = 14 : i64} {
  func.func @_sc_prop(%arg0: i32, %arg1: i32, %arg2: memref<2x10240x128xf32, #tpu.memory_space<hbm>>, %arg3: memref<32x40x125xi32, #tpu.memory_space<hbm>>, %arg4: memref<32x40x125xi32, #tpu.memory_space<hbm>>, %arg5: memref<2x10240x128xf32, #tpu.memory_space<hbm>>, %arg6: memref<40x125xi32, #tpu.memory_space<vmem>>, %arg7: memref<40x125xi32, #tpu.memory_space<vmem>>, %arg8: memref<2x125x128xf32, #tpu.memory_space<vmem>>, %arg9: memref<10240x128xf32, #tpu.memory_space<vmem_shared>>, %arg10: memref<!tpu.dma_semaphore, #tpu.memory_space<semaphore_mem>>, %arg11: memref<!tpu.dma_semaphore, #tpu.memory_space<semaphore_mem>>) attributes {dimension_semantics = [#tpu.dimension_semantics<core_parallel>, #tpu.dimension_semantics<subcore_parallel>], iteration_bounds = array<i64: 2, 16>, scalar_prefetch = 0 : i64, scratch_operands = 6 : i64, tpu.core_type = #tpu.core_type<sc_vector_subcore>, window_params = [{transform_indices = #map}, {transform_indices = #map}, {transform_indices = #map}, {transform_indices = #map}]} {
    %mul3A = arith.constant 640 : i32
    %mul3A_0 = arith.muli %arg1, %mul3A : i32
    %mul3A_1 = arith.constant 1 : i32
    %mul3A_2 = arith.muli %arg0, %mul3A_1 : i32
    %add3A = arith.constant 0 : i32
    %add3A_3 = arith.addi %mul3A_2, %add3A : i32
    %scan3A = arith.constant 0 : i32
    %scan3A_4 = arith.constant 0 : i32
    %scan3A_5 = arith.constant 125 : i32
    %scan3A_6 = arith.addi %scan3A_4, %scan3A_5 : i32
    %scan3A_7 = arith.constant 1 : i32
    scf.for %scan3A_296 = %scan3A_4 to %scan3A_6 step %scan3A_7  : i32 {
      %broadcast_in_dim3A = arith.constant 0.000000e+00 : f32
      %broadcast_in_dim3A_297 = vector.broadcast %broadcast_in_dim3A : f32 to vector<16xf32>
      %swap3A = arith.constant 0 : i32
      %swap3A_298 = arith.index_cast %swap3A : i32 to index
      %swap3A_299 = arith.index_cast %scan3A_296 : i32 to index
      %swap3A_300 = arith.constant 0 : index
      %swap3A_301 = tpu.vector_load %arg8[%swap3A_298, %swap3A_299, %swap3A_300] {strides = array<i32>} : memref<2x125x128xf32, #tpu.memory_space<vmem>>, vector<1x1x16xf32>,
      %swap3A_302 = vector.shape_cast %swap3A_301 : vector<1x1x16xf32> to vector<16xf32>
      %swap3A_303 = vector.shape_cast %broadcast_in_dim3A_297 : vector<16xf32> to vector<1x1x16xf32>
      tpu.vector_store %arg8[%swap3A_298, %swap3A_299, %swap3A_300], %swap3A_303 {strides = array<i32>} : memref<2x125x128xf32, #tpu.memory_space<vmem>>, vector<1x1x16xf32>,
      %broadcast_in_dim3A_304 = arith.constant 0.000000e+00 : f32
      %broadcast_in_dim3A_305 = vector.broadcast %broadcast_in_dim3A_304 : f32 to vector<16xf32>
      %swap3A_306 = arith.constant 0 : i32
      %swap3A_307 = arith.index_cast %swap3A_306 : i32 to index
      %swap3A_308 = arith.index_cast %scan3A_296 : i32 to index
      %swap3A_309 = arith.constant 16 : index
      %swap3A_310 = tpu.vector_load %arg8[%swap3A_307, %swap3A_308, %swap3A_309] {strides = array<i32>} : memref<2x125x128xf32, #tpu.memory_space<vmem>>, vector<1x1x16xf32>,
      %swap3A_311 = vector.shape_cast %swap3A_310 : vector<1x1x16xf32> to vector<16xf32>
      %swap3A_312 = vector.shape_cast %broadcast_in_dim3A_305 : vector<16xf32> to vector<1x1x16xf32>
      tpu.vector_store %arg8[%swap3A_307, %swap3A_308, %swap3A_309], %swap3A_312 {strides = array<i32>} : memref<2x125x128xf32, #tpu.memory_space<vmem>>, vector<1x1x16xf32>,
      %broadcast_in_dim3A_313 = arith.constant 0.000000e+00 : f32
      %broadcast_in_dim3A_314 = vector.broadcast %broadcast_in_dim3A_313 : f32 to vector<16xf32>
      %swap3A_315 = arith.constant 0 : i32
      %swap3A_316 = arith.index_cast %swap3A_315 : i32 to index
      %swap3A_317 = arith.index_cast %scan3A_296 : i32 to index
      %swap3A_318 = arith.constant 32 : index
      %swap3A_319 = tpu.vector_load %arg8[%swap3A_316, %swap3A_317, %swap3A_318] {strides = array<i32>} : memref<2x125x128xf32, #tpu.memory_space<vmem>>, vector<1x1x16xf32>,
      %swap3A_320 = vector.shape_cast %swap3A_319 : vector<1x1x16xf32> to vector<16xf32>
      %swap3A_321 = vector.shape_cast %broadcast_in_dim3A_314 : vector<16xf32> to vector<1x1x16xf32>
      tpu.vector_store %arg8[%swap3A_316, %swap3A_317, %swap3A_318], %swap3A_321 {strides = array<i32>} : memref<2x125x128xf32, #tpu.memory_space<vmem>>, vector<1x1x16xf32>,
      %broadcast_in_dim3A_322 = arith.constant 0.000000e+00 : f32
      %broadcast_in_dim3A_323 = vector.broadcast %broadcast_in_dim3A_322 : f32 to vector<16xf32>
      %swap3A_324 = arith.constant 0 : i32
      %swap3A_325 = arith.index_cast %swap3A_324 : i32 to index
      %swap3A_326 = arith.index_cast %scan3A_296 : i32 to index
      %swap3A_327 = arith.constant 48 : index
      %swap3A_328 = tpu.vector_load %arg8[%swap3A_325, %swap3A_326, %swap3A_327] {strides = array<i32>} : memref<2x125x128xf32, #tpu.memory_space<vmem>>, vector<1x1x16xf32>,
      %swap3A_329 = vector.shape_cast %swap3A_328 : vector<1x1x16xf32> to vector<16xf32>
      %swap3A_330 = vector.shape_cast %broadcast_in_dim3A_323 : vector<16xf32> to vector<1x1x16xf32>
      tpu.vector_store %arg8[%swap3A_325, %swap3A_326, %swap3A_327], %swap3A_330 {strides = array<i32>} : memref<2x125x128xf32, #tpu.memory_space<vmem>>, vector<1x1x16xf32>,
      %broadcast_in_dim3A_331 = arith.constant 0.000000e+00 : f32
      %broadcast_in_dim3A_332 = vector.broadcast %broadcast_in_dim3A_331 : f32 to vector<16xf32>
      %swap3A_333 = arith.constant 0 : i32
      %swap3A_334 = arith.index_cast %swap3A_333 : i32 to index
      %swap3A_335 = arith.index_cast %scan3A_296 : i32 to index
      %swap3A_336 = arith.constant 64 : index
      %swap3A_337 = tpu.vector_load %arg8[%swap3A_334, %swap3A_335, %swap3A_336] {strides = array<i32>} : memref<2x125x128xf32, #tpu.memory_space<vmem>>, vector<1x1x16xf32>,
      %swap3A_338 = vector.shape_cast %swap3A_337 : vector<1x1x16xf32> to vector<16xf32>
      %swap3A_339 = vector.shape_cast %broadcast_in_dim3A_332 : vector<16xf32> to vector<1x1x16xf32>
      tpu.vector_store %arg8[%swap3A_334, %swap3A_335, %swap3A_336], %swap3A_339 {strides = array<i32>} : memref<2x125x128xf32, #tpu.memory_space<vmem>>, vector<1x1x16xf32>,
      %broadcast_in_dim3A_340 = arith.constant 0.000000e+00 : f32
      %broadcast_in_dim3A_341 = vector.broadcast %broadcast_in_dim3A_340 : f32 to vector<16xf32>
      %swap3A_342 = arith.constant 0 : i32
      %swap3A_343 = arith.index_cast %swap3A_342 : i32 to index
      %swap3A_344 = arith.index_cast %scan3A_296 : i32 to index
      %swap3A_345 = arith.constant 80 : index
      %swap3A_346 = tpu.vector_load %arg8[%swap3A_343, %swap3A_344, %swap3A_345] {strides = array<i32>} : memref<2x125x128xf32, #tpu.memory_space<vmem>>, vector<1x1x16xf32>,
      %swap3A_347 = vector.shape_cast %swap3A_346 : vector<1x1x16xf32> to vector<16xf32>
      %swap3A_348 = vector.shape_cast %broadcast_in_dim3A_341 : vector<16xf32> to vector<1x1x16xf32>
      tpu.vector_store %arg8[%swap3A_343, %swap3A_344, %swap3A_345], %swap3A_348 {strides = array<i32>} : memref<2x125x128xf32, #tpu.memory_space<vmem>>, vector<1x1x16xf32>,
      %broadcast_in_dim3A_349 = arith.constant 0.000000e+00 : f32
      %broadcast_in_dim3A_350 = vector.broadcast %broadcast_in_dim3A_349 : f32 to vector<16xf32>
      %swap3A_351 = arith.constant 0 : i32
      %swap3A_352 = arith.index_cast %swap3A_351 : i32 to index
      %swap3A_353 = arith.index_cast %scan3A_296 : i32 to index
      %swap3A_354 = arith.constant 96 : index
      %swap3A_355 = tpu.vector_load %arg8[%swap3A_352, %swap3A_353, %swap3A_354] {strides = array<i32>} : memref<2x125x128xf32, #tpu.memory_space<vmem>>, vector<1x1x16xf32>,
      %swap3A_356 = vector.shape_cast %swap3A_355 : vector<1x1x16xf32> to vector<16xf32>
      %swap3A_357 = vector.shape_cast %broadcast_in_dim3A_350 : vector<16xf32> to vector<1x1x16xf32>
      tpu.vector_store %arg8[%swap3A_352, %swap3A_353, %swap3A_354], %swap3A_357 {strides = array<i32>} : memref<2x125x128xf32, #tpu.memory_space<vmem>>, vector<1x1x16xf32>,
      %broadcast_in_dim3A_358 = arith.constant 0.000000e+00 : f32
      %broadcast_in_dim3A_359 = vector.broadcast %broadcast_in_dim3A_358 : f32 to vector<16xf32>
      %swap3A_360 = arith.constant 0 : i32
      %swap3A_361 = arith.index_cast %swap3A_360 : i32 to index
      %swap3A_362 = arith.index_cast %scan3A_296 : i32 to index
      %swap3A_363 = arith.constant 112 : index
      %swap3A_364 = tpu.vector_load %arg8[%swap3A_361, %swap3A_362, %swap3A_363] {strides = array<i32>} : memref<2x125x128xf32, #tpu.memory_space<vmem>>, vector<1x1x16xf32>,
      %swap3A_365 = vector.shape_cast %swap3A_364 : vector<1x1x16xf32> to vector<16xf32>
      %swap3A_366 = vector.shape_cast %broadcast_in_dim3A_359 : vector<16xf32> to vector<1x1x16xf32>
      tpu.vector_store %arg8[%swap3A_361, %swap3A_362, %swap3A_363], %swap3A_366 {strides = array<i32>} : memref<2x125x128xf32, #tpu.memory_space<vmem>>, vector<1x1x16xf32>,
    }
    %scan3A_8 = arith.constant 125 : i32
    %add3A_9 = arith.constant 0 : i32
    %add3A_10 = arith.addi %mul3A_0, %add3A_9 : i32
    %run_scoped3A = arith.constant 0 : i32
    "tpu.region"() ({
      %run_scoped3A_296 = tpu.sem_alloc : memref<!tpu.dma_semaphore, #tpu.memory_space<semaphore_mem>>
      %dma_start3A_297 = arith.constant 0 : i32
      %dma_start3A_298 = arith.constant 0 : i32
      %dma_start3A_299 = tpu.memref_slice %arg8[%run_scoped3A, %dma_start3A_297, %dma_start3A_298] : memref<2x125x128xf32, #tpu.memory_space<vmem>> -> memref<1x125x128xf32, #tpu.memory_space<vmem>>
      %dma_start3A_300 = tpu.memref_squeeze %dma_start3A_299 : memref<1x125x128xf32, #tpu.memory_space<vmem>> -> memref<125x128xf32, #tpu.memory_space<vmem>>
      %dma_start3A_301 = arith.constant 0 : i32
      %dma_start3A_302 = tpu.memref_slice %arg9[%add3A_10, %dma_start3A_301] : memref<10240x128xf32, #tpu.memory_space<vmem_shared>> -> memref<125x128xf32, #tpu.memory_space<vmem_shared>>
      %dma_start3A_303 = arith.constant 0 : i32
      %dma_start3A_304 = tpu.memref_slice %arg9[%add3A_10, %dma_start3A_303] : memref<10240x128xf32, #tpu.memory_space<vmem_shared>> -> memref<125x128xf32, #tpu.memory_space<vmem_shared>>
      %dma_start3A_305 = arith.constant 0 : i32
      %dma_start3A_306 = arith.constant 0 : i32
      %dma_start3A_307 = tpu.memref_slice %arg8[%run_scoped3A, %dma_start3A_305, %dma_start3A_306] : memref<2x125x128xf32, #tpu.memory_space<vmem>> -> memref<1x125x128xf32, #tpu.memory_space<vmem>>
      %dma_start3A_308 = tpu.memref_squeeze %dma_start3A_307 : memref<1x125x128xf32, #tpu.memory_space<vmem>> -> memref<125x128xf32, #tpu.memory_space<vmem>>
      tpu.enqueue_dma source(%dma_start3A_308 : memref<125x128xf32, #tpu.memory_space<vmem>>) target(%dma_start3A_304 : memref<125x128xf32, #tpu.memory_space<vmem_shared>>) target_semaphore(%run_scoped3A_296 : memref<!tpu.dma_semaphore, #tpu.memory_space<semaphore_mem>>)
      %dma_wait3A_309 = arith.constant 0 : i32
      %dma_wait3A_310 = arith.constant 0 : i32
      %dma_wait3A_311 = tpu.memref_slice %arg8[%run_scoped3A, %dma_wait3A_309, %dma_wait3A_310] : memref<2x125x128xf32, #tpu.memory_space<vmem>> -> memref<1x125x128xf32, #tpu.memory_space<vmem>>
      %dma_wait3A_312 = tpu.memref_squeeze %dma_wait3A_311 : memref<1x125x128xf32, #tpu.memory_space<vmem>> -> memref<125x128xf32, #tpu.memory_space<vmem>>
      %dma_wait3A_313 = arith.constant 0 : i32
      %dma_wait3A_314 = tpu.memref_slice %arg9[%add3A_10, %dma_wait3A_313] : memref<10240x128xf32, #tpu.memory_space<vmem_shared>> -> memref<125x128xf32, #tpu.memory_space<vmem_shared>>
      %dma_wait3A_315 = arith.constant 0 : i32
      %dma_wait3A_316 = tpu.memref_slice %arg9[%add3A_10, %dma_wait3A_315] : memref<10240x128xf32, #tpu.memory_space<vmem_shared>> -> memref<125x128xf32, #tpu.memory_space<vmem_shared>>
      %dma_wait3A_317 = arith.constant 0 : i32
      %dma_wait3A_318 = arith.constant 0 : i32
      %dma_wait3A_319 = tpu.memref_slice %arg8[%run_scoped3A, %dma_wait3A_317, %dma_wait3A_318] : memref<2x125x128xf32, #tpu.memory_space<vmem>> -> memref<1x125x128xf32, #tpu.memory_space<vmem>>
      %dma_wait3A_320 = tpu.memref_squeeze %dma_wait3A_319 : memref<1x125x128xf32, #tpu.memory_space<vmem>> -> memref<125x128xf32, #tpu.memory_space<vmem>>
      tpu.wait_dma2 semaphore(%run_scoped3A_296 : memref<!tpu.dma_semaphore, #tpu.memory_space<semaphore_mem>>) src(%dma_wait3A_320 : memref<125x128xf32, #tpu.memory_space<vmem>>) dst(%dma_wait3A_316 : memref<125x128xf32, #tpu.memory_space<vmem_shared>>)
      tpu.yield
    }) : () -> ()
    %add3A_11 = arith.constant 125 : i32
    %add3A_12 = arith.addi %mul3A_0, %add3A_11 : i32
    %run_scoped3A_13 = arith.constant 0 : i32
    "tpu.region"() ({
      %run_scoped3A_296 = tpu.sem_alloc : memref<!tpu.dma_semaphore, #tpu.memory_space<semaphore_mem>>
      %dma_start3A_297 = arith.constant 0 : i32
      %dma_start3A_298 = arith.constant 0 : i32
      %dma_start3A_299 = tpu.memref_slice %arg8[%run_scoped3A_13, %dma_start3A_297, %dma_start3A_298] : memref<2x125x128xf32, #tpu.memory_space<vmem>> -> memref<1x125x128xf32, #tpu.memory_space<vmem>>
      %dma_start3A_300 = tpu.memref_squeeze %dma_start3A_299 : memref<1x125x128xf32, #tpu.memory_space<vmem>> -> memref<125x128xf32, #tpu.memory_space<vmem>>
      %dma_start3A_301 = arith.constant 0 : i32
      %dma_start3A_302 = tpu.memref_slice %arg9[%add3A_12, %dma_start3A_301] : memref<10240x128xf32, #tpu.memory_space<vmem_shared>> -> memref<125x128xf32, #tpu.memory_space<vmem_shared>>
      %dma_start3A_303 = arith.constant 0 : i32
      %dma_start3A_304 = tpu.memref_slice %arg9[%add3A_12, %dma_start3A_303] : memref<10240x128xf32, #tpu.memory_space<vmem_shared>> -> memref<125x128xf32, #tpu.memory_space<vmem_shared>>
      %dma_start3A_305 = arith.constant 0 : i32
      %dma_start3A_306 = arith.constant 0 : i32
      %dma_start3A_307 = tpu.memref_slice %arg8[%run_scoped3A_13, %dma_start3A_305, %dma_start3A_306] : memref<2x125x128xf32, #tpu.memory_space<vmem>> -> memref<1x125x128xf32, #tpu.memory_space<vmem>>
      %dma_start3A_308 = tpu.memref_squeeze %dma_start3A_307 : memref<1x125x128xf32, #tpu.memory_space<vmem>> -> memref<125x128xf32, #tpu.memory_space<vmem>>
      tpu.enqueue_dma source(%dma_start3A_308 : memref<125x128xf32, #tpu.memory_space<vmem>>) target(%dma_start3A_304 : memref<125x128xf32, #tpu.memory_space<vmem_shared>>) target_semaphore(%run_scoped3A_296 : memref<!tpu.dma_semaphore, #tpu.memory_space<semaphore_mem>>)
      %dma_wait3A_309 = arith.constant 0 : i32
      %dma_wait3A_310 = arith.constant 0 : i32
      %dma_wait3A_311 = tpu.memref_slice %arg8[%run_scoped3A_13, %dma_wait3A_309, %dma_wait3A_310] : memref<2x125x128xf32, #tpu.memory_space<vmem>> -> memref<1x125x128xf32, #tpu.memory_space<vmem>>
      %dma_wait3A_312 = tpu.memref_squeeze %dma_wait3A_311 : memref<1x125x128xf32, #tpu.memory_space<vmem>> -> memref<125x128xf32, #tpu.memory_space<vmem>>
      %dma_wait3A_313 = arith.constant 0 : i32
      %dma_wait3A_314 = tpu.memref_slice %arg9[%add3A_12, %dma_wait3A_313] : memref<10240x128xf32, #tpu.memory_space<vmem_shared>> -> memref<125x128xf32, #tpu.memory_space<vmem_shared>>
      %dma_wait3A_315 = arith.constant 0 : i32
      %dma_wait3A_316 = tpu.memref_slice %arg9[%add3A_12, %dma_wait3A_315] : memref<10240x128xf32, #tpu.memory_space<vmem_shared>> -> memref<125x128xf32, #tpu.memory_space<vmem_shared>>
      %dma_wait3A_317 = arith.constant 0 : i32
      %dma_wait3A_318 = arith.constant 0 : i32
      %dma_wait3A_319 = tpu.memref_slice %arg8[%run_scoped3A_13, %dma_wait3A_317, %dma_wait3A_318] : memref<2x125x128xf32, #tpu.memory_space<vmem>> -> memref<1x125x128xf32, #tpu.memory_space<vmem>>
      %dma_wait3A_320 = tpu.memref_squeeze %dma_wait3A_319 : memref<1x125x128xf32, #tpu.memory_space<vmem>> -> memref<125x128xf32, #tpu.memory_space<vmem>>
      tpu.wait_dma2 semaphore(%run_scoped3A_296 : memref<!tpu.dma_semaphore, #tpu.memory_space<semaphore_mem>>) src(%dma_wait3A_320 : memref<125x128xf32, #tpu.memory_space<vmem>>) dst(%dma_wait3A_316 : memref<125x128xf32, #tpu.memory_space<vmem_shared>>)
      tpu.yield
    }) : () -> ()
    %add3A_14 = arith.constant 250 : i32
    %add3A_15 = arith.addi %mul3A_0, %add3A_14 : i32
    %run_scoped3A_16 = arith.constant 0 : i32
    "tpu.region"() ({
      %run_scoped3A_296 = tpu.sem_alloc : memref<!tpu.dma_semaphore, #tpu.memory_space<semaphore_mem>>
      %dma_start3A_297 = arith.constant 0 : i32
      %dma_start3A_298 = arith.constant 0 : i32
      %dma_start3A_299 = tpu.memref_slice %arg8[%run_scoped3A_16, %dma_start3A_297, %dma_start3A_298] : memref<2x125x128xf32, #tpu.memory_space<vmem>> -> memref<1x125x128xf32, #tpu.memory_space<vmem>>
      %dma_start3A_300 = tpu.memref_squeeze %dma_start3A_299 : memref<1x125x128xf32, #tpu.memory_space<vmem>> -> memref<125x128xf32, #tpu.memory_space<vmem>>
      %dma_start3A_301 = arith.constant 0 : i32
      %dma_start3A_302 = tpu.memref_slice %arg9[%add3A_15, %dma_start3A_301] : memref<10240x128xf32, #tpu.memory_space<vmem_shared>> -> memref<125x128xf32, #tpu.memory_space<vmem_shared>>
      %dma_start3A_303 = arith.constant 0 : i32
      %dma_start3A_304 = tpu.memref_slice %arg9[%add3A_15, %dma_start3A_303] : memref<10240x128xf32, #tpu.memory_space<vmem_shared>> -> memref<125x128xf32, #tpu.memory_space<vmem_shared>>
      %dma_start3A_305 = arith.constant 0 : i32
      %dma_start3A_306 = arith.constant 0 : i32
      %dma_start3A_307 = tpu.memref_slice %arg8[%run_scoped3A_16, %dma_start3A_305, %dma_start3A_306] : memref<2x125x128xf32, #tpu.memory_space<vmem>> -> memref<1x125x128xf32, #tpu.memory_space<vmem>>
      %dma_start3A_308 = tpu.memref_squeeze %dma_start3A_307 : memref<1x125x128xf32, #tpu.memory_space<vmem>> -> memref<125x128xf32, #tpu.memory_space<vmem>>
      tpu.enqueue_dma source(%dma_start3A_308 : memref<125x128xf32, #tpu.memory_space<vmem>>) target(%dma_start3A_304 : memref<125x128xf32, #tpu.memory_space<vmem_shared>>) target_semaphore(%run_scoped3A_296 : memref<!tpu.dma_semaphore, #tpu.memory_space<semaphore_mem>>)
      %dma_wait3A_309 = arith.constant 0 : i32
      %dma_wait3A_310 = arith.constant 0 : i32
      %dma_wait3A_311 = tpu.memref_slice %arg8[%run_scoped3A_16, %dma_wait3A_309, %dma_wait3A_310] : memref<2x125x128xf32, #tpu.memory_space<vmem>> -> memref<1x125x128xf32, #tpu.memory_space<vmem>>
      %dma_wait3A_312 = tpu.memref_squeeze %dma_wait3A_311 : memref<1x125x128xf32, #tpu.memory_space<vmem>> -> memref<125x128xf32, #tpu.memory_space<vmem>>
      %dma_wait3A_313 = arith.constant 0 : i32
      %dma_wait3A_314 = tpu.memref_slice %arg9[%add3A_15, %dma_wait3A_313] : memref<10240x128xf32, #tpu.memory_space<vmem_shared>> -> memref<125x128xf32, #tpu.memory_space<vmem_shared>>
      %dma_wait3A_315 = arith.constant 0 : i32
      %dma_wait3A_316 = tpu.memref_slice %arg9[%add3A_15, %dma_wait3A_315] : memref<10240x128xf32, #tpu.memory_space<vmem_shared>> -> memref<125x128xf32, #tpu.memory_space<vmem_shared>>
      %dma_wait3A_317 = arith.constant 0 : i32
      %dma_wait3A_318 = arith.constant 0 : i32
      %dma_wait3A_319 = tpu.memref_slice %arg8[%run_scoped3A_16, %dma_wait3A_317, %dma_wait3A_318] : memref<2x125x128xf32, #tpu.memory_space<vmem>> -> memref<1x125x128xf32, #tpu.memory_space<vmem>>
      %dma_wait3A_320 = tpu.memref_squeeze %dma_wait3A_319 : memref<1x125x128xf32, #tpu.memory_space<vmem>> -> memref<125x128xf32, #tpu.memory_space<vmem>>
      tpu.wait_dma2 semaphore(%run_scoped3A_296 : memref<!tpu.dma_semaphore, #tpu.memory_space<semaphore_mem>>) src(%dma_wait3A_320 : memref<125x128xf32, #tpu.memory_space<vmem>>) dst(%dma_wait3A_316 : memref<125x128xf32, #tpu.memory_space<vmem_shared>>)
      tpu.yield
    }) : () -> ()
    %add3A_17 = arith.constant 375 : i32
    %add3A_18 = arith.addi %mul3A_0, %add3A_17 : i32
    %run_scoped3A_19 = arith.constant 0 : i32
    "tpu.region"() ({
      %run_scoped3A_296 = tpu.sem_alloc : memref<!tpu.dma_semaphore, #tpu.memory_space<semaphore_mem>>
      %dma_start3A_297 = arith.constant 0 : i32
      %dma_start3A_298 = arith.constant 0 : i32
      %dma_start3A_299 = tpu.memref_slice %arg8[%run_scoped3A_19, %dma_start3A_297, %dma_start3A_298] : memref<2x125x128xf32, #tpu.memory_space<vmem>> -> memref<1x125x128xf32, #tpu.memory_space<vmem>>
      %dma_start3A_300 = tpu.memref_squeeze %dma_start3A_299 : memref<1x125x128xf32, #tpu.memory_space<vmem>> -> memref<125x128xf32, #tpu.memory_space<vmem>>
      %dma_start3A_301 = arith.constant 0 : i32
      %dma_start3A_302 = tpu.memref_slice %arg9[%add3A_18, %dma_start3A_301] : memref<10240x128xf32, #tpu.memory_space<vmem_shared>> -> memref<125x128xf32, #tpu.memory_space<vmem_shared>>
      %dma_start3A_303 = arith.constant 0 : i32
      %dma_start3A_304 = tpu.memref_slice %arg9[%add3A_18, %dma_start3A_303] : memref<10240x128xf32, #tpu.memory_space<vmem_shared>> -> memref<125x128xf32, #tpu.memory_space<vmem_shared>>
      %dma_start3A_305 = arith.constant 0 : i32
      %dma_start3A_306 = arith.constant 0 : i32
      %dma_start3A_307 = tpu.memref_slice %arg8[%run_scoped3A_19, %dma_start3A_305, %dma_start3A_306] : memref<2x125x128xf32, #tpu.memory_space<vmem>> -> memref<1x125x128xf32, #tpu.memory_space<vmem>>
      %dma_start3A_308 = tpu.memref_squeeze %dma_start3A_307 : memref<1x125x128xf32, #tpu.memory_space<vmem>> -> memref<125x128xf32, #tpu.memory_space<vmem>>
      tpu.enqueue_dma source(%dma_start3A_308 : memref<125x128xf32, #tpu.memory_space<vmem>>) target(%dma_start3A_304 : memref<125x128xf32, #tpu.memory_space<vmem_shared>>) target_semaphore(%run_scoped3A_296 : memref<!tpu.dma_semaphore, #tpu.memory_space<semaphore_mem>>)
      %dma_wait3A_309 = arith.constant 0 : i32
      %dma_wait3A_310 = arith.constant 0 : i32
      %dma_wait3A_311 = tpu.memref_slice %arg8[%run_scoped3A_19, %dma_wait3A_309, %dma_wait3A_310] : memref<2x125x128xf32, #tpu.memory_space<vmem>> -> memref<1x125x128xf32, #tpu.memory_space<vmem>>
      %dma_wait3A_312 = tpu.memref_squeeze %dma_wait3A_311 : memref<1x125x128xf32, #tpu.memory_space<vmem>> -> memref<125x128xf32, #tpu.memory_space<vmem>>
      %dma_wait3A_313 = arith.constant 0 : i32
      %dma_wait3A_314 = tpu.memref_slice %arg9[%add3A_18, %dma_wait3A_313] : memref<10240x128xf32, #tpu.memory_space<vmem_shared>> -> memref<125x128xf32, #tpu.memory_space<vmem_shared>>
      %dma_wait3A_315 = arith.constant 0 : i32
      %dma_wait3A_316 = tpu.memref_slice %arg9[%add3A_18, %dma_wait3A_315] : memref<10240x128xf32, #tpu.memory_space<vmem_shared>> -> memref<125x128xf32, #tpu.memory_space<vmem_shared>>
      %dma_wait3A_317 = arith.constant 0 : i32
      %dma_wait3A_318 = arith.constant 0 : i32
      %dma_wait3A_319 = tpu.memref_slice %arg8[%run_scoped3A_19, %dma_wait3A_317, %dma_wait3A_318] : memref<2x125x128xf32, #tpu.memory_space<vmem>> -> memref<1x125x128xf32, #tpu.memory_space<vmem>>
      %dma_wait3A_320 = tpu.memref_squeeze %dma_wait3A_319 : memref<1x125x128xf32, #tpu.memory_space<vmem>> -> memref<125x128xf32, #tpu.memory_space<vmem>>
      tpu.wait_dma2 semaphore(%run_scoped3A_296 : memref<!tpu.dma_semaphore, #tpu.memory_space<semaphore_mem>>) src(%dma_wait3A_320 : memref<125x128xf32, #tpu.memory_space<vmem>>) dst(%dma_wait3A_316 : memref<125x128xf32, #tpu.memory_space<vmem_shared>>)
      tpu.yield
    }) : () -> ()
    %add3A_20 = arith.constant 500 : i32
    %add3A_21 = arith.addi %mul3A_0, %add3A_20 : i32
    %run_scoped3A_22 = arith.constant 0 : i32
    "tpu.region"() ({
      %run_scoped3A_296 = tpu.sem_alloc : memref<!tpu.dma_semaphore, #tpu.memory_space<semaphore_mem>>
      %dma_start3A_297 = arith.constant 0 : i32
      %dma_start3A_298 = arith.constant 0 : i32
      %dma_start3A_299 = tpu.memref_slice %arg8[%run_scoped3A_22, %dma_start3A_297, %dma_start3A_298] : memref<2x125x128xf32, #tpu.memory_space<vmem>> -> memref<1x125x128xf32, #tpu.memory_space<vmem>>
      %dma_start3A_300 = tpu.memref_squeeze %dma_start3A_299 : memref<1x125x128xf32, #tpu.memory_space<vmem>> -> memref<125x128xf32, #tpu.memory_space<vmem>>
      %dma_start3A_301 = arith.constant 0 : i32
      %dma_start3A_302 = tpu.memref_slice %arg9[%add3A_21, %dma_start3A_301] : memref<10240x128xf32, #tpu.memory_space<vmem_shared>> -> memref<125x128xf32, #tpu.memory_space<vmem_shared>>
      %dma_start3A_303 = arith.constant 0 : i32
      %dma_start3A_304 = tpu.memref_slice %arg9[%add3A_21, %dma_start3A_303] : memref<10240x128xf32, #tpu.memory_space<vmem_shared>> -> memref<125x128xf32, #tpu.memory_space<vmem_shared>>
      %dma_start3A_305 = arith.constant 0 : i32
      %dma_start3A_306 = arith.constant 0 : i32
      %dma_start3A_307 = tpu.memref_slice %arg8[%run_scoped3A_22, %dma_start3A_305, %dma_start3A_306] : memref<2x125x128xf32, #tpu.memory_space<vmem>> -> memref<1x125x128xf32, #tpu.memory_space<vmem>>
      %dma_start3A_308 = tpu.memref_squeeze %dma_start3A_307 : memref<1x125x128xf32, #tpu.memory_space<vmem>> -> memref<125x128xf32, #tpu.memory_space<vmem>>
      tpu.enqueue_dma source(%dma_start3A_308 : memref<125x128xf32, #tpu.memory_space<vmem>>) target(%dma_start3A_304 : memref<125x128xf32, #tpu.memory_space<vmem_shared>>) target_semaphore(%run_scoped3A_296 : memref<!tpu.dma_semaphore, #tpu.memory_space<semaphore_mem>>)
      %dma_wait3A_309 = arith.constant 0 : i32
      %dma_wait3A_310 = arith.constant 0 : i32
      %dma_wait3A_311 = tpu.memref_slice %arg8[%run_scoped3A_22, %dma_wait3A_309, %dma_wait3A_310] : memref<2x125x128xf32, #tpu.memory_space<vmem>> -> memref<1x125x128xf32, #tpu.memory_space<vmem>>
      %dma_wait3A_312 = tpu.memref_squeeze %dma_wait3A_311 : memref<1x125x128xf32, #tpu.memory_space<vmem>> -> memref<125x128xf32, #tpu.memory_space<vmem>>
      %dma_wait3A_313 = arith.constant 0 : i32
      %dma_wait3A_314 = tpu.memref_slice %arg9[%add3A_21, %dma_wait3A_313] : memref<10240x128xf32, #tpu.memory_space<vmem_shared>> -> memref<125x128xf32, #tpu.memory_space<vmem_shared>>
      %dma_wait3A_315 = arith.constant 0 : i32
      %dma_wait3A_316 = tpu.memref_slice %arg9[%add3A_21, %dma_wait3A_315] : memref<10240x128xf32, #tpu.memory_space<vmem_shared>> -> memref<125x128xf32, #tpu.memory_space<vmem_shared>>
      %dma_wait3A_317 = arith.constant 0 : i32
      %dma_wait3A_318 = arith.constant 0 : i32
      %dma_wait3A_319 = tpu.memref_slice %arg8[%run_scoped3A_22, %dma_wait3A_317, %dma_wait3A_318] : memref<2x125x128xf32, #tpu.memory_space<vmem>> -> memref<1x125x128xf32, #tpu.memory_space<vmem>>
      %dma_wait3A_320 = tpu.memref_squeeze %dma_wait3A_319 : memref<1x125x128xf32, #tpu.memory_space<vmem>> -> memref<125x128xf32, #tpu.memory_space<vmem>>
      tpu.wait_dma2 semaphore(%run_scoped3A_296 : memref<!tpu.dma_semaphore, #tpu.memory_space<semaphore_mem>>) src(%dma_wait3A_320 : memref<125x128xf32, #tpu.memory_space<vmem>>) dst(%dma_wait3A_316 : memref<125x128xf32, #tpu.memory_space<vmem_shared>>)
      tpu.yield
    }) : () -> ()
    %add3A_23 = arith.constant 625 : i32
    %add3A_24 = arith.addi %mul3A_0, %add3A_23 : i32
    %run_scoped3A_25 = arith.constant 0 : i32
    "tpu.region"() ({
      %run_scoped3A_296 = tpu.sem_alloc : memref<!tpu.dma_semaphore, #tpu.memory_space<semaphore_mem>>
      %dma_start3A_297 = arith.constant 0 : i32
      %dma_start3A_298 = arith.constant 0 : i32
      %dma_start3A_299 = tpu.memref_slice %arg8[%run_scoped3A_25, %dma_start3A_297, %dma_start3A_298] : memref<2x125x128xf32, #tpu.memory_space<vmem>> -> memref<1x15x128xf32, #tpu.memory_space<vmem>>
      %dma_start3A_300 = tpu.memref_squeeze %dma_start3A_299 : memref<1x15x128xf32, #tpu.memory_space<vmem>> -> memref<15x128xf32, #tpu.memory_space<vmem>>
      %dma_start3A_301 = arith.constant 0 : i32
      %dma_start3A_302 = tpu.memref_slice %arg9[%add3A_24, %dma_start3A_301] : memref<10240x128xf32, #tpu.memory_space<vmem_shared>> -> memref<15x128xf32, #tpu.memory_space<vmem_shared>>
      %dma_start3A_303 = arith.constant 0 : i32
      %dma_start3A_304 = tpu.memref_slice %arg9[%add3A_24, %dma_start3A_303] : memref<10240x128xf32, #tpu.memory_space<vmem_shared>> -> memref<15x128xf32, #tpu.memory_space<vmem_shared>>
      %dma_start3A_305 = arith.constant 0 : i32
      %dma_start3A_306 = arith.constant 0 : i32
      %dma_start3A_307 = tpu.memref_slice %arg8[%run_scoped3A_25, %dma_start3A_305, %dma_start3A_306] : memref<2x125x128xf32, #tpu.memory_space<vmem>> -> memref<1x15x128xf32, #tpu.memory_space<vmem>>
      %dma_start3A_308 = tpu.memref_squeeze %dma_start3A_307 : memref<1x15x128xf32, #tpu.memory_space<vmem>> -> memref<15x128xf32, #tpu.memory_space<vmem>>
      tpu.enqueue_dma source(%dma_start3A_308 : memref<15x128xf32, #tpu.memory_space<vmem>>) target(%dma_start3A_304 : memref<15x128xf32, #tpu.memory_space<vmem_shared>>) target_semaphore(%run_scoped3A_296 : memref<!tpu.dma_semaphore, #tpu.memory_space<semaphore_mem>>)
      %dma_wait3A_309 = arith.constant 0 : i32
      %dma_wait3A_310 = arith.constant 0 : i32
      %dma_wait3A_311 = tpu.memref_slice %arg8[%run_scoped3A_25, %dma_wait3A_309, %dma_wait3A_310] : memref<2x125x128xf32, #tpu.memory_space<vmem>> -> memref<1x15x128xf32, #tpu.memory_space<vmem>>
      %dma_wait3A_312 = tpu.memref_squeeze %dma_wait3A_311 : memref<1x15x128xf32, #tpu.memory_space<vmem>> -> memref<15x128xf32, #tpu.memory_space<vmem>>
      %dma_wait3A_313 = arith.constant 0 : i32
      %dma_wait3A_314 = tpu.memref_slice %arg9[%add3A_24, %dma_wait3A_313] : memref<10240x128xf32, #tpu.memory_space<vmem_shared>> -> memref<15x128xf32, #tpu.memory_space<vmem_shared>>
      %dma_wait3A_315 = arith.constant 0 : i32
      %dma_wait3A_316 = tpu.memref_slice %arg9[%add3A_24, %dma_wait3A_315] : memref<10240x128xf32, #tpu.memory_space<vmem_shared>> -> memref<15x128xf32, #tpu.memory_space<vmem_shared>>
      %dma_wait3A_317 = arith.constant 0 : i32
      %dma_wait3A_318 = arith.constant 0 : i32
      %dma_wait3A_319 = tpu.memref_slice %arg8[%run_scoped3A_25, %dma_wait3A_317, %dma_wait3A_318] : memref<2x125x128xf32, #tpu.memory_space<vmem>> -> memref<1x15x128xf32, #tpu.memory_space<vmem>>
      %dma_wait3A_320 = tpu.memref_squeeze %dma_wait3A_319 : memref<1x15x128xf32, #tpu.memory_space<vmem>> -> memref<15x128xf32, #tpu.memory_space<vmem>>
      tpu.wait_dma2 semaphore(%run_scoped3A_296 : memref<!tpu.dma_semaphore, #tpu.memory_space<semaphore_mem>>) src(%dma_wait3A_320 : memref<15x128xf32, #tpu.memory_space<vmem>>) dst(%dma_wait3A_316 : memref<15x128xf32, #tpu.memory_space<vmem_shared>>)
      tpu.yield
    }) : () -> ()
    %barrier3A = arith.constant 0 : index
    tpu.barrier barrier_id(%barrier3A)
    %add3A_26 = arith.constant 0 : i32
    %add3A_27 = arith.addi %arg1, %add3A_26 : i32
    "tpu.region"() ({
      %run_scoped3A_296 = tpu.sem_alloc : memref<!tpu.dma_semaphore, #tpu.memory_space<semaphore_mem>>
      %dma_start3A_297 = arith.constant 0 : i32
      %dma_start3A_298 = arith.constant 0 : i32
      %dma_start3A_299 = tpu.memref_slice %arg3[%add3A_27, %dma_start3A_297, %dma_start3A_298] : memref<32x40x125xi32, #tpu.memory_space<hbm>> -> memref<1x40x125xi32, #tpu.memory_space<hbm>>
      %dma_start3A_300 = tpu.memref_squeeze %dma_start3A_299 : memref<1x40x125xi32, #tpu.memory_space<hbm>> -> memref<40x125xi32, #tpu.memory_space<hbm>>
      %dma_start3A_301 = arith.constant 0 : i32
      %dma_start3A_302 = arith.constant 0 : i32
      %dma_start3A_303 = tpu.memref_slice %arg3[%add3A_27, %dma_start3A_301, %dma_start3A_302] : memref<32x40x125xi32, #tpu.memory_space<hbm>> -> memref<1x40x125xi32, #tpu.memory_space<hbm>>
      %dma_start3A_304 = tpu.memref_squeeze %dma_start3A_303 : memref<1x40x125xi32, #tpu.memory_space<hbm>> -> memref<40x125xi32, #tpu.memory_space<hbm>>
      tpu.enqueue_dma source(%dma_start3A_304 : memref<40x125xi32, #tpu.memory_space<hbm>>) target(%arg6 : memref<40x125xi32, #tpu.memory_space<vmem>>) target_semaphore(%run_scoped3A_296 : memref<!tpu.dma_semaphore, #tpu.memory_space<semaphore_mem>>)
      %dma_wait3A_305 = arith.constant 0 : i32
      %dma_wait3A_306 = arith.constant 0 : i32
      %dma_wait3A_307 = tpu.memref_slice %arg3[%add3A_27, %dma_wait3A_305, %dma_wait3A_306] : memref<32x40x125xi32, #tpu.memory_space<hbm>> -> memref<1x40x125xi32, #tpu.memory_space<hbm>>
      %dma_wait3A_308 = tpu.memref_squeeze %dma_wait3A_307 : memref<1x40x125xi32, #tpu.memory_space<hbm>> -> memref<40x125xi32, #tpu.memory_space<hbm>>
      %dma_wait3A_309 = arith.constant 0 : i32
      %dma_wait3A_310 = arith.constant 0 : i32
      %dma_wait3A_311 = tpu.memref_slice %arg3[%add3A_27, %dma_wait3A_309, %dma_wait3A_310] : memref<32x40x125xi32, #tpu.memory_space<hbm>> -> memref<1x40x125xi32, #tpu.memory_space<hbm>>
      %dma_wait3A_312 = tpu.memref_squeeze %dma_wait3A_311 : memref<1x40x125xi32, #tpu.memory_space<hbm>> -> memref<40x125xi32, #tpu.memory_space<hbm>>
      tpu.wait_dma2 semaphore(%run_scoped3A_296 : memref<!tpu.dma_semaphore, #tpu.memory_space<semaphore_mem>>) src(%dma_wait3A_312 : memref<40x125xi32, #tpu.memory_space<hbm>>) dst(%arg6 : memref<40x125xi32, #tpu.memory_space<vmem>>)
      tpu.yield
    }) : () -> ()
    "tpu.region"() ({
      %run_scoped3A_296 = tpu.sem_alloc : memref<!tpu.dma_semaphore, #tpu.memory_space<semaphore_mem>>
      %dma_start3A_297 = arith.constant 0 : i32
      %dma_start3A_298 = arith.constant 0 : i32
      %dma_start3A_299 = tpu.memref_slice %arg4[%add3A_27, %dma_start3A_297, %dma_start3A_298] : memref<32x40x125xi32, #tpu.memory_space<hbm>> -> memref<1x40x125xi32, #tpu.memory_space<hbm>>
      %dma_start3A_300 = tpu.memref_squeeze %dma_start3A_299 : memref<1x40x125xi32, #tpu.memory_space<hbm>> -> memref<40x125xi32, #tpu.memory_space<hbm>>
      %dma_start3A_301 = arith.constant 0 : i32
      %dma_start3A_302 = arith.constant 0 : i32
      %dma_start3A_303 = tpu.memref_slice %arg4[%add3A_27, %dma_start3A_301, %dma_start3A_302] : memref<32x40x125xi32, #tpu.memory_space<hbm>> -> memref<1x40x125xi32, #tpu.memory_space<hbm>>
      %dma_start3A_304 = tpu.memref_squeeze %dma_start3A_303 : memref<1x40x125xi32, #tpu.memory_space<hbm>> -> memref<40x125xi32, #tpu.memory_space<hbm>>
      tpu.enqueue_dma source(%dma_start3A_304 : memref<40x125xi32, #tpu.memory_space<hbm>>) target(%arg7 : memref<40x125xi32, #tpu.memory_space<vmem>>) target_semaphore(%run_scoped3A_296 : memref<!tpu.dma_semaphore, #tpu.memory_space<semaphore_mem>>)
      %dma_wait3A_305 = arith.constant 0 : i32
      %dma_wait3A_306 = arith.constant 0 : i32
      %dma_wait3A_307 = tpu.memref_slice %arg4[%add3A_27, %dma_wait3A_305, %dma_wait3A_306] : memref<32x40x125xi32, #tpu.memory_space<hbm>> -> memref<1x40x125xi32, #tpu.memory_space<hbm>>
      %dma_wait3A_308 = tpu.memref_squeeze %dma_wait3A_307 : memref<1x40x125xi32, #tpu.memory_space<hbm>> -> memref<40x125xi32, #tpu.memory_space<hbm>>
      %dma_wait3A_309 = arith.constant 0 : i32
      %dma_wait3A_310 = arith.constant 0 : i32
      %dma_wait3A_311 = tpu.memref_slice %arg4[%add3A_27, %dma_wait3A_309, %dma_wait3A_310] : memref<32x40x125xi32, #tpu.memory_space<hbm>> -> memref<1x40x125xi32, #tpu.memory_space<hbm>>
      %dma_wait3A_312 = tpu.memref_squeeze %dma_wait3A_311 : memref<1x40x125xi32, #tpu.memory_space<hbm>> -> memref<40x125xi32, #tpu.memory_space<hbm>>
      tpu.wait_dma2 semaphore(%run_scoped3A_296 : memref<!tpu.dma_semaphore, #tpu.memory_space<semaphore_mem>>) src(%dma_wait3A_312 : memref<40x125xi32, #tpu.memory_space<hbm>>) dst(%arg7 : memref<40x125xi32, #tpu.memory_space<vmem>>)
      tpu.yield
    }) : () -> ()
    %rem3A = arith.constant 0 : i32
    %rem3A_28 = arith.constant 2 : i32
    %rem3A_29 = arith.remsi %rem3A, %rem3A_28 : i32
    %dma_start3A = arith.constant 0 : i32
    %dma_start3A_30 = arith.constant 0 : i32
    %dma_start3A_31 = arith.constant 0 : i32
    %dma_start3A_32 = tpu.memref_slice %arg8[%rem3A_29, %dma_start3A_30, %dma_start3A_31] : memref<2x125x128xf32, #tpu.memory_space<vmem>> -> memref<1x125x128xf32, #tpu.memory_space<vmem>>
    %dma_start3A_33 = tpu.memref_squeeze %dma_start3A_32 : memref<1x125x128xf32, #tpu.memory_space<vmem>> -> memref<125x128xf32, #tpu.memory_space<vmem>>
    %dma_start3A_34 = arith.constant 0 : i32
    %dma_start3A_35 = tpu.memref_slice %arg6[%dma_start3A, %dma_start3A_34] : memref<40x125xi32, #tpu.memory_space<vmem>> -> memref<1x125xi32, #tpu.memory_space<vmem>>
    %dma_start3A_36 = tpu.memref_squeeze %dma_start3A_35 : memref<1x125xi32, #tpu.memory_space<vmem>> -> memref<125xi32, #tpu.memory_space<vmem>>
    %dma_start3A_37 = arith.constant 0 : i32
    %dma_start3A_38 = arith.constant 0 : i32
    %dma_start3A_39 = tpu.memref_slice %arg2[%add3A_3, %dma_start3A_37, %dma_start3A_38] : memref<2x10240x128xf32, #tpu.memory_space<hbm>> -> memref<1x10240x128xf32, #tpu.memory_space<hbm>>
    %dma_start3A_40 = tpu.memref_squeeze %dma_start3A_39 : memref<1x10240x128xf32, #tpu.memory_space<hbm>> -> memref<10240x128xf32, #tpu.memory_space<hbm>>
    %dma_start3A_41 = arith.constant 0 : i32
    %dma_start3A_42 = arith.constant 0 : i32
    %dma_start3A_43 = tpu.memref_slice %dma_start3A_40[%dma_start3A_41, %dma_start3A_42] : memref<10240x128xf32, #tpu.memory_space<hbm>> -> memref<10240x128xf32, #tpu.memory_space<hbm>>
    tpu.enqueue_indirect_dma source(%dma_start3A_43 : memref<10240x128xf32, #tpu.memory_space<hbm>>) target(%dma_start3A_33 : memref<125x128xf32, #tpu.memory_space<vmem>>) offsets(%dma_start3A_36 : memref<125xi32, #tpu.memory_space<vmem>>) semaphore(%arg10 : memref<!tpu.dma_semaphore, #tpu.memory_space<semaphore_mem>>)
    %rem3A_44 = arith.constant 0 : i32
    %rem3A_45 = arith.constant 2 : i32
    %rem3A_46 = arith.remsi %rem3A_44, %rem3A_45 : i32
    %dma_wait3A = arith.constant 0 : i32
    %dma_wait3A_47 = arith.constant 0 : i32
    %dma_wait3A_48 = arith.constant 0 : i32
    %dma_wait3A_49 = tpu.memref_slice %arg8[%rem3A_46, %dma_wait3A_47, %dma_wait3A_48] : memref<2x125x128xf32, #tpu.memory_space<vmem>> -> memref<1x125x128xf32, #tpu.memory_space<vmem>>
    %dma_wait3A_50 = tpu.memref_squeeze %dma_wait3A_49 : memref<1x125x128xf32, #tpu.memory_space<vmem>> -> memref<125x128xf32, #tpu.memory_space<vmem>>
    %dma_wait3A_51 = arith.constant 0 : i32
    %dma_wait3A_52 = tpu.memref_slice %arg6[%dma_wait3A, %dma_wait3A_51] : memref<40x125xi32, #tpu.memory_space<vmem>> -> memref<1x125xi32, #tpu.memory_space<vmem>>
    %dma_wait3A_53 = tpu.memref_squeeze %dma_wait3A_52 : memref<1x125xi32, #tpu.memory_space<vmem>> -> memref<125xi32, #tpu.memory_space<vmem>>
    %dma_wait3A_54 = arith.constant 0 : i32
    %dma_wait3A_55 = arith.constant 0 : i32
    %dma_wait3A_56 = tpu.memref_slice %arg2[%add3A_3, %dma_wait3A_54, %dma_wait3A_55] : memref<2x10240x128xf32, #tpu.memory_space<hbm>> -> memref<1x10240x128xf32, #tpu.memory_space<hbm>>
    %dma_wait3A_57 = tpu.memref_squeeze %dma_wait3A_56 : memref<1x10240x128xf32, #tpu.memory_space<hbm>> -> memref<10240x128xf32, #tpu.memory_space<hbm>>
    %dma_wait3A_58 = arith.constant 0 : i32
    %dma_wait3A_59 = arith.constant 0 : i32
    %dma_wait3A_60 = tpu.memref_slice %dma_wait3A_57[%dma_wait3A_58, %dma_wait3A_59] : memref<10240x128xf32, #tpu.memory_space<hbm>> -> memref<10240x128xf32, #tpu.memory_space<hbm>>
    tpu.wait_indirect_dma semaphore(%arg10 : memref<!tpu.dma_semaphore, #tpu.memory_space<semaphore_mem>>) src(%dma_wait3A_60 : memref<10240x128xf32, #tpu.memory_space<hbm>>) dst(%dma_wait3A_50 : memref<125x128xf32, #tpu.memory_space<vmem>>)
    %rem3A_61 = arith.constant 0 : i32
    %rem3A_62 = arith.constant 2 : i32
    %rem3A_63 = arith.remsi %rem3A_61, %rem3A_62 : i32
    %dma_start3A_64 = arith.constant 0 : i32
    %dma_start3A_65 = arith.constant 0 : i32
    %dma_start3A_66 = arith.constant 0 : i32
    %dma_start3A_67 = tpu.memref_slice %arg8[%rem3A_63, %dma_start3A_65, %dma_start3A_66] : memref<2x125x128xf32, #tpu.memory_space<vmem>> -> memref<1x125x128xf32, #tpu.memory_space<vmem>>
    %dma_start3A_68 = tpu.memref_squeeze %dma_start3A_67 : memref<1x125x128xf32, #tpu.memory_space<vmem>> -> memref<125x128xf32, #tpu.memory_space<vmem>>
    %dma_start3A_69 = arith.constant 0 : i32
    %dma_start3A_70 = tpu.memref_slice %arg7[%dma_start3A_64, %dma_start3A_69] : memref<40x125xi32, #tpu.memory_space<vmem>> -> memref<1x125xi32, #tpu.memory_space<vmem>>
    %dma_start3A_71 = tpu.memref_squeeze %dma_start3A_70 : memref<1x125xi32, #tpu.memory_space<vmem>> -> memref<125xi32, #tpu.memory_space<vmem>>
    %dma_start3A_72 = arith.constant 0 : i32
    %dma_start3A_73 = arith.constant 0 : i32
    %dma_start3A_74 = tpu.memref_slice %arg9[%dma_start3A_72, %dma_start3A_73] : memref<10240x128xf32, #tpu.memory_space<vmem_shared>> -> memref<10240x128xf32, #tpu.memory_space<vmem_shared>>
    tpu.enqueue_indirect_dma source(%dma_start3A_68 : memref<125x128xf32, #tpu.memory_space<vmem>>) target(%dma_start3A_74 : memref<10240x128xf32, #tpu.memory_space<vmem_shared>>) offsets(%dma_start3A_71 : memref<125xi32, #tpu.memory_space<vmem>>) semaphore(%arg11 : memref<!tpu.dma_semaphore, #tpu.memory_space<semaphore_mem>>) {add = true}
    %rem3A_75 = arith.constant 1 : i32
    %rem3A_76 = arith.constant 2 : i32
    %rem3A_77 = arith.remsi %rem3A_75, %rem3A_76 : i32
    %dma_start3A_78 = arith.constant 1 : i32
    %dma_start3A_79 = arith.constant 0 : i32
    %dma_start3A_80 = arith.constant 0 : i32
    %dma_start3A_81 = tpu.memref_slice %arg8[%rem3A_77, %dma_start3A_79, %dma_start3A_80] : memref<2x125x128xf32, #tpu.memory_space<vmem>> -> memref<1x125x128xf32, #tpu.memory_space<vmem>>
    %dma_start3A_82 = tpu.memref_squeeze %dma_start3A_81 : memref<1x125x128xf32, #tpu.memory_space<vmem>> -> memref<125x128xf32, #tpu.memory_space<vmem>>
    %dma_start3A_83 = arith.constant 0 : i32
    %dma_start3A_84 = tpu.memref_slice %arg6[%dma_start3A_78, %dma_start3A_83] : memref<40x125xi32, #tpu.memory_space<vmem>> -> memref<1x125xi32, #tpu.memory_space<vmem>>
    %dma_start3A_85 = tpu.memref_squeeze %dma_start3A_84 : memref<1x125xi32, #tpu.memory_space<vmem>> -> memref<125xi32, #tpu.memory_space<vmem>>
    %dma_start3A_86 = arith.constant 0 : i32
    %dma_start3A_87 = arith.constant 0 : i32
    %dma_start3A_88 = tpu.memref_slice %arg2[%add3A_3, %dma_start3A_86, %dma_start3A_87] : memref<2x10240x128xf32, #tpu.memory_space<hbm>> -> memref<1x10240x128xf32, #tpu.memory_space<hbm>>
    %dma_start3A_89 = tpu.memref_squeeze %dma_start3A_88 : memref<1x10240x128xf32, #tpu.memory_space<hbm>> -> memref<10240x128xf32, #tpu.memory_space<hbm>>
    %dma_start3A_90 = arith.constant 0 : i32
    %dma_start3A_91 = arith.constant 0 : i32
    %dma_start3A_92 = tpu.memref_slice %dma_start3A_89[%dma_start3A_90, %dma_start3A_91] : memref<10240x128xf32, #tpu.memory_space<hbm>> -> memref<10240x128xf32, #tpu.memory_space<hbm>>
    tpu.enqueue_indirect_dma source(%dma_start3A_92 : memref<10240x128xf32, #tpu.memory_space<hbm>>) target(%dma_start3A_82 : memref<125x128xf32, #tpu.memory_space<vmem>>) offsets(%dma_start3A_85 : memref<125xi32, #tpu.memory_space<vmem>>) semaphore(%arg10 : memref<!tpu.dma_semaphore, #tpu.memory_space<semaphore_mem>>)
    %scan3A_93 = arith.constant 0 : i32
    %scan3A_94 = arith.constant 1 : i32
    %scan3A_95 = arith.constant 38 : i32
    %scan3A_96 = arith.addi %scan3A_94, %scan3A_95 : i32
    %scan3A_97 = arith.constant 1 : i32
    scf.for %scan3A_296 = %scan3A_94 to %scan3A_96 step %scan3A_97  : i32 {
      %rem3A_297 = arith.constant 2 : i32
      %rem3A_298 = arith.remsi %scan3A_296, %rem3A_297 : i32
      %dma_wait3A_299 = arith.constant 0 : i32
      %dma_wait3A_300 = arith.constant 0 : i32
      %dma_wait3A_301 = tpu.memref_slice %arg8[%rem3A_298, %dma_wait3A_299, %dma_wait3A_300] : memref<2x125x128xf32, #tpu.memory_space<vmem>> -> memref<1x125x128xf32, #tpu.memory_space<vmem>>
      %dma_wait3A_302 = tpu.memref_squeeze %dma_wait3A_301 : memref<1x125x128xf32, #tpu.memory_space<vmem>> -> memref<125x128xf32, #tpu.memory_space<vmem>>
      %dma_wait3A_303 = arith.constant 0 : i32
      %dma_wait3A_304 = tpu.memref_slice %arg6[%scan3A_296, %dma_wait3A_303] : memref<40x125xi32, #tpu.memory_space<vmem>> -> memref<1x125xi32, #tpu.memory_space<vmem>>
      %dma_wait3A_305 = tpu.memref_squeeze %dma_wait3A_304 : memref<1x125xi32, #tpu.memory_space<vmem>> -> memref<125xi32, #tpu.memory_space<vmem>>
      %dma_wait3A_306 = arith.constant 0 : i32
      %dma_wait3A_307 = arith.constant 0 : i32
      %dma_wait3A_308 = tpu.memref_slice %arg2[%add3A_3, %dma_wait3A_306, %dma_wait3A_307] : memref<2x10240x128xf32, #tpu.memory_space<hbm>> -> memref<1x10240x128xf32, #tpu.memory_space<hbm>>
      %dma_wait3A_309 = tpu.memref_squeeze %dma_wait3A_308 : memref<1x10240x128xf32, #tpu.memory_space<hbm>> -> memref<10240x128xf32, #tpu.memory_space<hbm>>
      %dma_wait3A_310 = arith.constant 0 : i32
      %dma_wait3A_311 = arith.constant 0 : i32
      %dma_wait3A_312 = tpu.memref_slice %dma_wait3A_309[%dma_wait3A_310, %dma_wait3A_311] : memref<10240x128xf32, #tpu.memory_space<hbm>> -> memref<10240x128xf32, #tpu.memory_space<hbm>>
      tpu.wait_indirect_dma semaphore(%arg10 : memref<!tpu.dma_semaphore, #tpu.memory_space<semaphore_mem>>) src(%dma_wait3A_312 : memref<10240x128xf32, #tpu.memory_space<hbm>>) dst(%dma_wait3A_302 : memref<125x128xf32, #tpu.memory_space<vmem>>)
      %sub3A = arith.constant 1 : i32
      %sub3A_313 = arith.subi %scan3A_296, %sub3A : i32
      %rem3A_314 = arith.constant 2 : i32
      %rem3A_315 = arith.remsi %sub3A_313, %rem3A_314 : i32
      %dma_wait3A_316 = arith.constant 0 : i32
      %dma_wait3A_317 = arith.constant 0 : i32
      %dma_wait3A_318 = tpu.memref_slice %arg8[%rem3A_315, %dma_wait3A_316, %dma_wait3A_317] : memref<2x125x128xf32, #tpu.memory_space<vmem>> -> memref<1x125x128xf32, #tpu.memory_space<vmem>>
      %dma_wait3A_319 = tpu.memref_squeeze %dma_wait3A_318 : memref<1x125x128xf32, #tpu.memory_space<vmem>> -> memref<125x128xf32, #tpu.memory_space<vmem>>
      %dma_wait3A_320 = arith.constant 0 : i32
      %dma_wait3A_321 = tpu.memref_slice %arg7[%sub3A_313, %dma_wait3A_320] : memref<40x125xi32, #tpu.memory_space<vmem>> -> memref<1x125xi32, #tpu.memory_space<vmem>>
      %dma_wait3A_322 = tpu.memref_squeeze %dma_wait3A_321 : memref<1x125xi32, #tpu.memory_space<vmem>> -> memref<125xi32, #tpu.memory_space<vmem>>
      %dma_wait3A_323 = arith.constant 0 : i32
      %dma_wait3A_324 = arith.constant 0 : i32
      %dma_wait3A_325 = tpu.memref_slice %arg9[%dma_wait3A_323, %dma_wait3A_324] : memref<10240x128xf32, #tpu.memory_space<vmem_shared>> -> memref<10240x128xf32, #tpu.memory_space<vmem_shared>>
      tpu.wait_indirect_dma semaphore(%arg11 : memref<!tpu.dma_semaphore, #tpu.memory_space<semaphore_mem>>) src(%dma_wait3A_319 : memref<125x128xf32, #tpu.memory_space<vmem>>) dst(%dma_wait3A_325 : memref<10240x128xf32, #tpu.memory_space<vmem_shared>>)
      %rem3A_326 = arith.constant 2 : i32
      %rem3A_327 = arith.remsi %scan3A_296, %rem3A_326 : i32
      %dma_start3A_328 = arith.constant 0 : i32
      %dma_start3A_329 = arith.constant 0 : i32
      %dma_start3A_330 = tpu.memref_slice %arg8[%rem3A_327, %dma_start3A_328, %dma_start3A_329] : memref<2x125x128xf32, #tpu.memory_space<vmem>> -> memref<1x125x128xf32, #tpu.memory_space<vmem>>
      %dma_start3A_331 = tpu.memref_squeeze %dma_start3A_330 : memref<1x125x128xf32, #tpu.memory_space<vmem>> -> memref<125x128xf32, #tpu.memory_space<vmem>>
      %dma_start3A_332 = arith.constant 0 : i32
      %dma_start3A_333 = tpu.memref_slice %arg7[%scan3A_296, %dma_start3A_332] : memref<40x125xi32, #tpu.memory_space<vmem>> -> memref<1x125xi32, #tpu.memory_space<vmem>>
      %dma_start3A_334 = tpu.memref_squeeze %dma_start3A_333 : memref<1x125xi32, #tpu.memory_space<vmem>> -> memref<125xi32, #tpu.memory_space<vmem>>
      %dma_start3A_335 = arith.constant 0 : i32
      %dma_start3A_336 = arith.constant 0 : i32
      %dma_start3A_337 = tpu.memref_slice %arg9[%dma_start3A_335, %dma_start3A_336] : memref<10240x128xf32, #tpu.memory_space<vmem_shared>> -> memref<10240x128xf32, #tpu.memory_space<vmem_shared>>
      tpu.enqueue_indirect_dma source(%dma_start3A_331 : memref<125x128xf32, #tpu.memory_space<vmem>>) target(%dma_start3A_337 : memref<10240x128xf32, #tpu.memory_space<vmem_shared>>) offsets(%dma_start3A_334 : memref<125xi32, #tpu.memory_space<vmem>>) semaphore(%arg11 : memref<!tpu.dma_semaphore, #tpu.memory_space<semaphore_mem>>) {add = true}
      %add3A_338 = arith.constant 2 : i32
      %add3A_339 = arith.addi %scan3A_296, %add3A_338 : i32
      %sub3A_340 = arith.constant 1 : i32
      %sub3A_341 = arith.subi %add3A_339, %sub3A_340 : i32
      %rem3A_342 = arith.constant 2 : i32
      %rem3A_343 = arith.remsi %sub3A_341, %rem3A_342 : i32
      %dma_start3A_344 = arith.constant 0 : i32
      %dma_start3A_345 = arith.constant 0 : i32
      %dma_start3A_346 = tpu.memref_slice %arg8[%rem3A_343, %dma_start3A_344, %dma_start3A_345] : memref<2x125x128xf32, #tpu.memory_space<vmem>> -> memref<1x125x128xf32, #tpu.memory_space<vmem>>
      %dma_start3A_347 = tpu.memref_squeeze %dma_start3A_346 : memref<1x125x128xf32, #tpu.memory_space<vmem>> -> memref<125x128xf32, #tpu.memory_space<vmem>>
      %dma_start3A_348 = arith.constant 0 : i32
      %dma_start3A_349 = tpu.memref_slice %arg6[%sub3A_341, %dma_start3A_348] : memref<40x125xi32, #tpu.memory_space<vmem>> -> memref<1x125xi32, #tpu.memory_space<vmem>>
      %dma_start3A_350 = tpu.memref_squeeze %dma_start3A_349 : memref<1x125xi32, #tpu.memory_space<vmem>> -> memref<125xi32, #tpu.memory_space<vmem>>
      %dma_start3A_351 = arith.constant 0 : i32
      %dma_start3A_352 = arith.constant 0 : i32
      %dma_start3A_353 = tpu.memref_slice %arg2[%add3A_3, %dma_start3A_351, %dma_start3A_352] : memref<2x10240x128xf32, #tpu.memory_space<hbm>> -> memref<1x10240x128xf32, #tpu.memory_space<hbm>>
      %dma_start3A_354 = tpu.memref_squeeze %dma_start3A_353 : memref<1x10240x128xf32, #tpu.memory_space<hbm>> -> memref<10240x128xf32, #tpu.memory_space<hbm>>
      %dma_start3A_355 = arith.constant 0 : i32
      %dma_start3A_356 = arith.constant 0 : i32
      %dma_start3A_357 = tpu.memref_slice %dma_start3A_354[%dma_start3A_355, %dma_start3A_356] : memref<10240x128xf32, #tpu.memory_space<hbm>> -> memref<10240x128xf32, #tpu.memory_space<hbm>>
      tpu.enqueue_indirect_dma source(%dma_start3A_357 : memref<10240x128xf32, #tpu.memory_space<hbm>>) target(%dma_start3A_347 : memref<125x128xf32, #tpu.memory_space<vmem>>) offsets(%dma_start3A_350 : memref<125xi32, #tpu.memory_space<vmem>>) semaphore(%arg10 : memref<!tpu.dma_semaphore, #tpu.memory_space<semaphore_mem>>)
    }
    %scan3A_98 = arith.constant 38 : i32
    %rem3A_99 = arith.constant 39 : i32
    %rem3A_100 = arith.constant 2 : i32
    %rem3A_101 = arith.remsi %rem3A_99, %rem3A_100 : i32
    %dma_wait3A_102 = arith.constant 39 : i32
    %dma_wait3A_103 = arith.constant 0 : i32
    %dma_wait3A_104 = arith.constant 0 : i32
    %dma_wait3A_105 = tpu.memref_slice %arg8[%rem3A_101, %dma_wait3A_103, %dma_wait3A_104] : memref<2x125x128xf32, #tpu.memory_space<vmem>> -> memref<1x125x128xf32, #tpu.memory_space<vmem>>
    %dma_wait3A_106 = tpu.memref_squeeze %dma_wait3A_105 : memref<1x125x128xf32, #tpu.memory_space<vmem>> -> memref<125x128xf32, #tpu.memory_space<vmem>>
    %dma_wait3A_107 = arith.constant 0 : i32
    %dma_wait3A_108 = tpu.memref_slice %arg6[%dma_wait3A_102, %dma_wait3A_107] : memref<40x125xi32, #tpu.memory_space<vmem>> -> memref<1x125xi32, #tpu.memory_space<vmem>>
    %dma_wait3A_109 = tpu.memref_squeeze %dma_wait3A_108 : memref<1x125xi32, #tpu.memory_space<vmem>> -> memref<125xi32, #tpu.memory_space<vmem>>
    %dma_wait3A_110 = arith.constant 0 : i32
    %dma_wait3A_111 = arith.constant 0 : i32
    %dma_wait3A_112 = tpu.memref_slice %arg2[%add3A_3, %dma_wait3A_110, %dma_wait3A_111] : memref<2x10240x128xf32, #tpu.memory_space<hbm>> -> memref<1x10240x128xf32, #tpu.memory_space<hbm>>
    %dma_wait3A_113 = tpu.memref_squeeze %dma_wait3A_112 : memref<1x10240x128xf32, #tpu.memory_space<hbm>> -> memref<10240x128xf32, #tpu.memory_space<hbm>>
    %dma_wait3A_114 = arith.constant 0 : i32
    %dma_wait3A_115 = arith.constant 0 : i32
    %dma_wait3A_116 = tpu.memref_slice %dma_wait3A_113[%dma_wait3A_114, %dma_wait3A_115] : memref<10240x128xf32, #tpu.memory_space<hbm>> -> memref<10240x128xf32, #tpu.memory_space<hbm>>
    tpu.wait_indirect_dma semaphore(%arg10 : memref<!tpu.dma_semaphore, #tpu.memory_space<semaphore_mem>>) src(%dma_wait3A_116 : memref<10240x128xf32, #tpu.memory_space<hbm>>) dst(%dma_wait3A_106 : memref<125x128xf32, #tpu.memory_space<vmem>>)
    %rem3A_117 = arith.constant 38 : i32
    %rem3A_118 = arith.constant 2 : i32
    %rem3A_119 = arith.remsi %rem3A_117, %rem3A_118 : i32
    %dma_wait3A_120 = arith.constant 38 : i32
    %dma_wait3A_121 = arith.constant 0 : i32
    %dma_wait3A_122 = arith.constant 0 : i32
    %dma_wait3A_123 = tpu.memref_slice %arg8[%rem3A_119, %dma_wait3A_121, %dma_wait3A_122] : memref<2x125x128xf32, #tpu.memory_space<vmem>> -> memref<1x125x128xf32, #tpu.memory_space<vmem>>
    %dma_wait3A_124 = tpu.memref_squeeze %dma_wait3A_123 : memref<1x125x128xf32, #tpu.memory_space<vmem>> -> memref<125x128xf32, #tpu.memory_space<vmem>>
    %dma_wait3A_125 = arith.constant 0 : i32
    %dma_wait3A_126 = tpu.memref_slice %arg7[%dma_wait3A_120, %dma_wait3A_125] : memref<40x125xi32, #tpu.memory_space<vmem>> -> memref<1x125xi32, #tpu.memory_space<vmem>>
    %dma_wait3A_127 = tpu.memref_squeeze %dma_wait3A_126 : memref<1x125xi32, #tpu.memory_space<vmem>> -> memref<125xi32, #tpu.memory_space<vmem>>
    %dma_wait3A_128 = arith.constant 0 : i32
    %dma_wait3A_129 = arith.constant 0 : i32
    %dma_wait3A_130 = tpu.memref_slice %arg9[%dma_wait3A_128, %dma_wait3A_129] : memref<10240x128xf32, #tpu.memory_space<vmem_shared>> -> memref<10240x128xf32, #tpu.memory_space<vmem_shared>>
    tpu.wait_indirect_dma semaphore(%arg11 : memref<!tpu.dma_semaphore, #tpu.memory_space<semaphore_mem>>) src(%dma_wait3A_124 : memref<125x128xf32, #tpu.memory_space<vmem>>) dst(%dma_wait3A_130 : memref<10240x128xf32, #tpu.memory_space<vmem_shared>>)
    %rem3A_131 = arith.constant 39 : i32
    %rem3A_132 = arith.constant 2 : i32
    %rem3A_133 = arith.remsi %rem3A_131, %rem3A_132 : i32
    %dma_start3A_134 = arith.constant 39 : i32
    %dma_start3A_135 = arith.constant 0 : i32
    %dma_start3A_136 = arith.constant 0 : i32
    %dma_start3A_137 = tpu.memref_slice %arg8[%rem3A_133, %dma_start3A_135, %dma_start3A_136] : memref<2x125x128xf32, #tpu.memory_space<vmem>> -> memref<1x125x128xf32, #tpu.memory_space<vmem>>
    %dma_start3A_138 = tpu.memref_squeeze %dma_start3A_137 : memref<1x125x128xf32, #tpu.memory_space<vmem>> -> memref<125x128xf32, #tpu.memory_space<vmem>>
    %dma_start3A_139 = arith.constant 0 : i32
    %dma_start3A_140 = tpu.memref_slice %arg7[%dma_start3A_134, %dma_start3A_139] : memref<40x125xi32, #tpu.memory_space<vmem>> -> memref<1x125xi32, #tpu.memory_space<vmem>>
    %dma_start3A_141 = tpu.memref_squeeze %dma_start3A_140 : memref<1x125xi32, #tpu.memory_space<vmem>> -> memref<125xi32, #tpu.memory_space<vmem>>
    %dma_start3A_142 = arith.constant 0 : i32
    %dma_start3A_143 = arith.constant 0 : i32
    %dma_start3A_144 = tpu.memref_slice %arg9[%dma_start3A_142, %dma_start3A_143] : memref<10240x128xf32, #tpu.memory_space<vmem_shared>> -> memref<10240x128xf32, #tpu.memory_space<vmem_shared>>
    tpu.enqueue_indirect_dma source(%dma_start3A_138 : memref<125x128xf32, #tpu.memory_space<vmem>>) target(%dma_start3A_144 : memref<10240x128xf32, #tpu.memory_space<vmem_shared>>) offsets(%dma_start3A_141 : memref<125xi32, #tpu.memory_space<vmem>>) semaphore(%arg11 : memref<!tpu.dma_semaphore, #tpu.memory_space<semaphore_mem>>) {add = true}
    %rem3A_145 = arith.constant 39 : i32
    %rem3A_146 = arith.constant 2 : i32
    %rem3A_147 = arith.remsi %rem3A_145, %rem3A_146 : i32
    %dma_wait3A_148 = arith.constant 39 : i32
    %dma_wait3A_149 = arith.constant 0 : i32
    %dma_wait3A_150 = arith.constant 0 : i32
    %dma_wait3A_151 = tpu.memref_slice %arg8[%rem3A_147, %dma_wait3A_149, %dma_wait3A_150] : memref<2x125x128xf32, #tpu.memory_space<vmem>> -> memref<1x125x128xf32, #tpu.memory_space<vmem>>
    %dma_wait3A_152 = tpu.memref_squeeze %dma_wait3A_151 : memref<1x125x128xf32, #tpu.memory_space<vmem>> -> memref<125x128xf32, #tpu.memory_space<vmem>>
    %dma_wait3A_153 = arith.constant 0 : i32
    %dma_wait3A_154 = tpu.memref_slice %arg7[%dma_wait3A_148, %dma_wait3A_153] : memref<40x125xi32, #tpu.memory_space<vmem>> -> memref<1x125xi32, #tpu.memory_space<vmem>>
    %dma_wait3A_155 = tpu.memref_squeeze %dma_wait3A_154 : memref<1x125xi32, #tpu.memory_space<vmem>> -> memref<125xi32, #tpu.memory_space<vmem>>
    %dma_wait3A_156 = arith.constant 0 : i32
    %dma_wait3A_157 = arith.constant 0 : i32
    %dma_wait3A_158 = tpu.memref_slice %arg9[%dma_wait3A_156, %dma_wait3A_157] : memref<10240x128xf32, #tpu.memory_space<vmem_shared>> -> memref<10240x128xf32, #tpu.memory_space<vmem_shared>>
    tpu.wait_indirect_dma semaphore(%arg11 : memref<!tpu.dma_semaphore, #tpu.memory_space<semaphore_mem>>) src(%dma_wait3A_152 : memref<125x128xf32, #tpu.memory_space<vmem>>) dst(%dma_wait3A_158 : memref<10240x128xf32, #tpu.memory_space<vmem_shared>>)
    %add3A_159 = arith.constant 16 : i32
    %add3A_160 = arith.addi %arg1, %add3A_159 : i32
    "tpu.region"() ({
      %run_scoped3A_296 = tpu.sem_alloc : memref<!tpu.dma_semaphore, #tpu.memory_space<semaphore_mem>>
      %dma_start3A_297 = arith.constant 0 : i32
      %dma_start3A_298 = arith.constant 0 : i32
      %dma_start3A_299 = tpu.memref_slice %arg3[%add3A_160, %dma_start3A_297, %dma_start3A_298] : memref<32x40x125xi32, #tpu.memory_space<hbm>> -> memref<1x40x125xi32, #tpu.memory_space<hbm>>
      %dma_start3A_300 = tpu.memref_squeeze %dma_start3A_299 : memref<1x40x125xi32, #tpu.memory_space<hbm>> -> memref<40x125xi32, #tpu.memory_space<hbm>>
      %dma_start3A_301 = arith.constant 0 : i32
      %dma_start3A_302 = arith.constant 0 : i32
      %dma_start3A_303 = tpu.memref_slice %arg3[%add3A_160, %dma_start3A_301, %dma_start3A_302] : memref<32x40x125xi32, #tpu.memory_space<hbm>> -> memref<1x40x125xi32, #tpu.memory_space<hbm>>
      %dma_start3A_304 = tpu.memref_squeeze %dma_start3A_303 : memref<1x40x125xi32, #tpu.memory_space<hbm>> -> memref<40x125xi32, #tpu.memory_space<hbm>>
      tpu.enqueue_dma source(%dma_start3A_304 : memref<40x125xi32, #tpu.memory_space<hbm>>) target(%arg6 : memref<40x125xi32, #tpu.memory_space<vmem>>) target_semaphore(%run_scoped3A_296 : memref<!tpu.dma_semaphore, #tpu.memory_space<semaphore_mem>>)
      %dma_wait3A_305 = arith.constant 0 : i32
      %dma_wait3A_306 = arith.constant 0 : i32
      %dma_wait3A_307 = tpu.memref_slice %arg3[%add3A_160, %dma_wait3A_305, %dma_wait3A_306] : memref<32x40x125xi32, #tpu.memory_space<hbm>> -> memref<1x40x125xi32, #tpu.memory_space<hbm>>
      %dma_wait3A_308 = tpu.memref_squeeze %dma_wait3A_307 : memref<1x40x125xi32, #tpu.memory_space<hbm>> -> memref<40x125xi32, #tpu.memory_space<hbm>>
      %dma_wait3A_309 = arith.constant 0 : i32
      %dma_wait3A_310 = arith.constant 0 : i32
      %dma_wait3A_311 = tpu.memref_slice %arg3[%add3A_160, %dma_wait3A_309, %dma_wait3A_310] : memref<32x40x125xi32, #tpu.memory_space<hbm>> -> memref<1x40x125xi32, #tpu.memory_space<hbm>>
      %dma_wait3A_312 = tpu.memref_squeeze %dma_wait3A_311 : memref<1x40x125xi32, #tpu.memory_space<hbm>> -> memref<40x125xi32, #tpu.memory_space<hbm>>
      tpu.wait_dma2 semaphore(%run_scoped3A_296 : memref<!tpu.dma_semaphore, #tpu.memory_space<semaphore_mem>>) src(%dma_wait3A_312 : memref<40x125xi32, #tpu.memory_space<hbm>>) dst(%arg6 : memref<40x125xi32, #tpu.memory_space<vmem>>)
      tpu.yield
    }) : () -> ()
    "tpu.region"() ({
      %run_scoped3A_296 = tpu.sem_alloc : memref<!tpu.dma_semaphore, #tpu.memory_space<semaphore_mem>>
      %dma_start3A_297 = arith.constant 0 : i32
      %dma_start3A_298 = arith.constant 0 : i32
      %dma_start3A_299 = tpu.memref_slice %arg4[%add3A_160, %dma_start3A_297, %dma_start3A_298] : memref<32x40x125xi32, #tpu.memory_space<hbm>> -> memref<1x40x125xi32, #tpu.memory_space<hbm>>
      %dma_start3A_300 = tpu.memref_squeeze %dma_start3A_299 : memref<1x40x125xi32, #tpu.memory_space<hbm>> -> memref<40x125xi32, #tpu.memory_space<hbm>>
      %dma_start3A_301 = arith.constant 0 : i32
      %dma_start3A_302 = arith.constant 0 : i32
      %dma_start3A_303 = tpu.memref_slice %arg4[%add3A_160, %dma_start3A_301, %dma_start3A_302] : memref<32x40x125xi32, #tpu.memory_space<hbm>> -> memref<1x40x125xi32, #tpu.memory_space<hbm>>
      %dma_start3A_304 = tpu.memref_squeeze %dma_start3A_303 : memref<1x40x125xi32, #tpu.memory_space<hbm>> -> memref<40x125xi32, #tpu.memory_space<hbm>>
      tpu.enqueue_dma source(%dma_start3A_304 : memref<40x125xi32, #tpu.memory_space<hbm>>) target(%arg7 : memref<40x125xi32, #tpu.memory_space<vmem>>) target_semaphore(%run_scoped3A_296 : memref<!tpu.dma_semaphore, #tpu.memory_space<semaphore_mem>>)
      %dma_wait3A_305 = arith.constant 0 : i32
      %dma_wait3A_306 = arith.constant 0 : i32
      %dma_wait3A_307 = tpu.memref_slice %arg4[%add3A_160, %dma_wait3A_305, %dma_wait3A_306] : memref<32x40x125xi32, #tpu.memory_space<hbm>> -> memref<1x40x125xi32, #tpu.memory_space<hbm>>
      %dma_wait3A_308 = tpu.memref_squeeze %dma_wait3A_307 : memref<1x40x125xi32, #tpu.memory_space<hbm>> -> memref<40x125xi32, #tpu.memory_space<hbm>>
      %dma_wait3A_309 = arith.constant 0 : i32
      %dma_wait3A_310 = arith.constant 0 : i32
      %dma_wait3A_311 = tpu.memref_slice %arg4[%add3A_160, %dma_wait3A_309, %dma_wait3A_310] : memref<32x40x125xi32, #tpu.memory_space<hbm>> -> memref<1x40x125xi32, #tpu.memory_space<hbm>>
      %dma_wait3A_312 = tpu.memref_squeeze %dma_wait3A_311 : memref<1x40x125xi32, #tpu.memory_space<hbm>> -> memref<40x125xi32, #tpu.memory_space<hbm>>
      tpu.wait_dma2 semaphore(%run_scoped3A_296 : memref<!tpu.dma_semaphore, #tpu.memory_space<semaphore_mem>>) src(%dma_wait3A_312 : memref<40x125xi32, #tpu.memory_space<hbm>>) dst(%arg7 : memref<40x125xi32, #tpu.memory_space<vmem>>)
      tpu.yield
    }) : () -> ()
    %rem3A_161 = arith.constant 0 : i32
    %rem3A_162 = arith.constant 2 : i32
    %rem3A_163 = arith.remsi %rem3A_161, %rem3A_162 : i32
    %dma_start3A_164 = arith.constant 0 : i32
    %dma_start3A_165 = arith.constant 0 : i32
    %dma_start3A_166 = arith.constant 0 : i32
    %dma_start3A_167 = tpu.memref_slice %arg8[%rem3A_163, %dma_start3A_165, %dma_start3A_166] : memref<2x125x128xf32, #tpu.memory_space<vmem>> -> memref<1x125x128xf32, #tpu.memory_space<vmem>>
    %dma_start3A_168 = tpu.memref_squeeze %dma_start3A_167 : memref<1x125x128xf32, #tpu.memory_space<vmem>> -> memref<125x128xf32, #tpu.memory_space<vmem>>
    %dma_start3A_169 = arith.constant 0 : i32
    %dma_start3A_170 = tpu.memref_slice %arg6[%dma_start3A_164, %dma_start3A_169] : memref<40x125xi32, #tpu.memory_space<vmem>> -> memref<1x125xi32, #tpu.memory_space<vmem>>
    %dma_start3A_171 = tpu.memref_squeeze %dma_start3A_170 : memref<1x125xi32, #tpu.memory_space<vmem>> -> memref<125xi32, #tpu.memory_space<vmem>>
    %dma_start3A_172 = arith.constant 0 : i32
    %dma_start3A_173 = arith.constant 0 : i32
    %dma_start3A_174 = tpu.memref_slice %arg2[%add3A_3, %dma_start3A_172, %dma_start3A_173] : memref<2x10240x128xf32, #tpu.memory_space<hbm>> -> memref<1x10240x128xf32, #tpu.memory_space<hbm>>
    %dma_start3A_175 = tpu.memref_squeeze %dma_start3A_174 : memref<1x10240x128xf32, #tpu.memory_space<hbm>> -> memref<10240x128xf32, #tpu.memory_space<hbm>>
    %dma_start3A_176 = arith.constant 0 : i32
    %dma_start3A_177 = arith.constant 0 : i32
    %dma_start3A_178 = tpu.memref_slice %dma_start3A_175[%dma_start3A_176, %dma_start3A_177] : memref<10240x128xf32, #tpu.memory_space<hbm>> -> memref<10240x128xf32, #tpu.memory_space<hbm>>
    tpu.enqueue_indirect_dma source(%dma_start3A_178 : memref<10240x128xf32, #tpu.memory_space<hbm>>) target(%dma_start3A_168 : memref<125x128xf32, #tpu.memory_space<vmem>>) offsets(%dma_start3A_171 : memref<125xi32, #tpu.memory_space<vmem>>) semaphore(%arg10 : memref<!tpu.dma_semaphore, #tpu.memory_space<semaphore_mem>>)
    %rem3A_179 = arith.constant 0 : i32
    %rem3A_180 = arith.constant 2 : i32
    %rem3A_181 = arith.remsi %rem3A_179, %rem3A_180 : i32
    %dma_wait3A_182 = arith.constant 0 : i32
    %dma_wait3A_183 = arith.constant 0 : i32
    %dma_wait3A_184 = arith.constant 0 : i32
    %dma_wait3A_185 = tpu.memref_slice %arg8[%rem3A_181, %dma_wait3A_183, %dma_wait3A_184] : memref<2x125x128xf32, #tpu.memory_space<vmem>> -> memref<1x125x128xf32, #tpu.memory_space<vmem>>
    %dma_wait3A_186 = tpu.memref_squeeze %dma_wait3A_185 : memref<1x125x128xf32, #tpu.memory_space<vmem>> -> memref<125x128xf32, #tpu.memory_space<vmem>>
    %dma_wait3A_187 = arith.constant 0 : i32
    %dma_wait3A_188 = tpu.memref_slice %arg6[%dma_wait3A_182, %dma_wait3A_187] : memref<40x125xi32, #tpu.memory_space<vmem>> -> memref<1x125xi32, #tpu.memory_space<vmem>>
    %dma_wait3A_189 = tpu.memref_squeeze %dma_wait3A_188 : memref<1x125xi32, #tpu.memory_space<vmem>> -> memref<125xi32, #tpu.memory_space<vmem>>
    %dma_wait3A_190 = arith.constant 0 : i32
    %dma_wait3A_191 = arith.constant 0 : i32
    %dma_wait3A_192 = tpu.memref_slice %arg2[%add3A_3, %dma_wait3A_190, %dma_wait3A_191] : memref<2x10240x128xf32, #tpu.memory_space<hbm>> -> memref<1x10240x128xf32, #tpu.memory_space<hbm>>
    %dma_wait3A_193 = tpu.memref_squeeze %dma_wait3A_192 : memref<1x10240x128xf32, #tpu.memory_space<hbm>> -> memref<10240x128xf32, #tpu.memory_space<hbm>>
    %dma_wait3A_194 = arith.constant 0 : i32
    %dma_wait3A_195 = arith.constant 0 : i32
    %dma_wait3A_196 = tpu.memref_slice %dma_wait3A_193[%dma_wait3A_194, %dma_wait3A_195] : memref<10240x128xf32, #tpu.memory_space<hbm>> -> memref<10240x128xf32, #tpu.memory_space<hbm>>
    tpu.wait_indirect_dma semaphore(%arg10 : memref<!tpu.dma_semaphore, #tpu.memory_space<semaphore_mem>>) src(%dma_wait3A_196 : memref<10240x128xf32, #tpu.memory_space<hbm>>) dst(%dma_wait3A_186 : memref<125x128xf32, #tpu.memory_space<vmem>>)
    %rem3A_197 = arith.constant 0 : i32
    %rem3A_198 = arith.constant 2 : i32
    %rem3A_199 = arith.remsi %rem3A_197, %rem3A_198 : i32
    %dma_start3A_200 = arith.constant 0 : i32
    %dma_start3A_201 = arith.constant 0 : i32
    %dma_start3A_202 = arith.constant 0 : i32
    %dma_start3A_203 = tpu.memref_slice %arg8[%rem3A_199, %dma_start3A_201, %dma_start3A_202] : memref<2x125x128xf32, #tpu.memory_space<vmem>> -> memref<1x125x128xf32, #tpu.memory_space<vmem>>
    %dma_start3A_204 = tpu.memref_squeeze %dma_start3A_203 : memref<1x125x128xf32, #tpu.memory_space<vmem>> -> memref<125x128xf32, #tpu.memory_space<vmem>>
    %dma_start3A_205 = arith.constant 0 : i32
    %dma_start3A_206 = tpu.memref_slice %arg7[%dma_start3A_200, %dma_start3A_205] : memref<40x125xi32, #tpu.memory_space<vmem>> -> memref<1x125xi32, #tpu.memory_space<vmem>>
    %dma_start3A_207 = tpu.memref_squeeze %dma_start3A_206 : memref<1x125xi32, #tpu.memory_space<vmem>> -> memref<125xi32, #tpu.memory_space<vmem>>
    %dma_start3A_208 = arith.constant 0 : i32
    %dma_start3A_209 = arith.constant 0 : i32
    %dma_start3A_210 = tpu.memref_slice %arg9[%dma_start3A_208, %dma_start3A_209] : memref<10240x128xf32, #tpu.memory_space<vmem_shared>> -> memref<10240x128xf32, #tpu.memory_space<vmem_shared>>
    tpu.enqueue_indirect_dma source(%dma_start3A_204 : memref<125x128xf32, #tpu.memory_space<vmem>>) target(%dma_start3A_210 : memref<10240x128xf32, #tpu.memory_space<vmem_shared>>) offsets(%dma_start3A_207 : memref<125xi32, #tpu.memory_space<vmem>>) semaphore(%arg11 : memref<!tpu.dma_semaphore, #tpu.memory_space<semaphore_mem>>) {add = true}
    %rem3A_211 = arith.constant 1 : i32
    %rem3A_212 = arith.constant 2 : i32
    %rem3A_213 = arith.remsi %rem3A_211, %rem3A_212 : i32
    %dma_start3A_214 = arith.constant 1 : i32
    %dma_start3A_215 = arith.constant 0 : i32
    %dma_start3A_216 = arith.constant 0 : i32
    %dma_start3A_217 = tpu.memref_slice %arg8[%rem3A_213, %dma_start3A_215, %dma_start3A_216] : memref<2x125x128xf32, #tpu.memory_space<vmem>> -> memref<1x125x128xf32, #tpu.memory_space<vmem>>
    %dma_start3A_218 = tpu.memref_squeeze %dma_start3A_217 : memref<1x125x128xf32, #tpu.memory_space<vmem>> -> memref<125x128xf32, #tpu.memory_space<vmem>>
    %dma_start3A_219 = arith.constant 0 : i32
    %dma_start3A_220 = tpu.memref_slice %arg6[%dma_start3A_214, %dma_start3A_219] : memref<40x125xi32, #tpu.memory_space<vmem>> -> memref<1x125xi32, #tpu.memory_space<vmem>>
    %dma_start3A_221 = tpu.memref_squeeze %dma_start3A_220 : memref<1x125xi32, #tpu.memory_space<vmem>> -> memref<125xi32, #tpu.memory_space<vmem>>
    %dma_start3A_222 = arith.constant 0 : i32
    %dma_start3A_223 = arith.constant 0 : i32
    %dma_start3A_224 = tpu.memref_slice %arg2[%add3A_3, %dma_start3A_222, %dma_start3A_223] : memref<2x10240x128xf32, #tpu.memory_space<hbm>> -> memref<1x10240x128xf32, #tpu.memory_space<hbm>>
    %dma_start3A_225 = tpu.memref_squeeze %dma_start3A_224 : memref<1x10240x128xf32, #tpu.memory_space<hbm>> -> memref<10240x128xf32, #tpu.memory_space<hbm>>
    %dma_start3A_226 = arith.constant 0 : i32
    %dma_start3A_227 = arith.constant 0 : i32
    %dma_start3A_228 = tpu.memref_slice %dma_start3A_225[%dma_start3A_226, %dma_start3A_227] : memref<10240x128xf32, #tpu.memory_space<hbm>> -> memref<10240x128xf32, #tpu.memory_space<hbm>>
    tpu.enqueue_indirect_dma source(%dma_start3A_228 : memref<10240x128xf32, #tpu.memory_space<hbm>>) target(%dma_start3A_218 : memref<125x128xf32, #tpu.memory_space<vmem>>) offsets(%dma_start3A_221 : memref<125xi32, #tpu.memory_space<vmem>>) semaphore(%arg10 : memref<!tpu.dma_semaphore, #tpu.memory_space<semaphore_mem>>)
    %scan3A_229 = arith.constant 0 : i32
    %scan3A_230 = arith.constant 1 : i32
    %scan3A_231 = arith.constant 38 : i32
    %scan3A_232 = arith.addi %scan3A_230, %scan3A_231 : i32
    %scan3A_233 = arith.constant 1 : i32
    scf.for %scan3A_296 = %scan3A_230 to %scan3A_232 step %scan3A_233  : i32 {
      %rem3A_297 = arith.constant 2 : i32
      %rem3A_298 = arith.remsi %scan3A_296, %rem3A_297 : i32
      %dma_wait3A_299 = arith.constant 0 : i32
      %dma_wait3A_300 = arith.constant 0 : i32
      %dma_wait3A_301 = tpu.memref_slice %arg8[%rem3A_298, %dma_wait3A_299, %dma_wait3A_300] : memref<2x125x128xf32, #tpu.memory_space<vmem>> -> memref<1x125x128xf32, #tpu.memory_space<vmem>>
      %dma_wait3A_302 = tpu.memref_squeeze %dma_wait3A_301 : memref<1x125x128xf32, #tpu.memory_space<vmem>> -> memref<125x128xf32, #tpu.memory_space<vmem>>
      %dma_wait3A_303 = arith.constant 0 : i32
      %dma_wait3A_304 = tpu.memref_slice %arg6[%scan3A_296, %dma_wait3A_303] : memref<40x125xi32, #tpu.memory_space<vmem>> -> memref<1x125xi32, #tpu.memory_space<vmem>>
      %dma_wait3A_305 = tpu.memref_squeeze %dma_wait3A_304 : memref<1x125xi32, #tpu.memory_space<vmem>> -> memref<125xi32, #tpu.memory_space<vmem>>
      %dma_wait3A_306 = arith.constant 0 : i32
      %dma_wait3A_307 = arith.constant 0 : i32
      %dma_wait3A_308 = tpu.memref_slice %arg2[%add3A_3, %dma_wait3A_306, %dma_wait3A_307] : memref<2x10240x128xf32, #tpu.memory_space<hbm>> -> memref<1x10240x128xf32, #tpu.memory_space<hbm>>
      %dma_wait3A_309 = tpu.memref_squeeze %dma_wait3A_308 : memref<1x10240x128xf32, #tpu.memory_space<hbm>> -> memref<10240x128xf32, #tpu.memory_space<hbm>>
      %dma_wait3A_310 = arith.constant 0 : i32
      %dma_wait3A_311 = arith.constant 0 : i32
      %dma_wait3A_312 = tpu.memref_slice %dma_wait3A_309[%dma_wait3A_310, %dma_wait3A_311] : memref<10240x128xf32, #tpu.memory_space<hbm>> -> memref<10240x128xf32, #tpu.memory_space<hbm>>
      tpu.wait_indirect_dma semaphore(%arg10 : memref<!tpu.dma_semaphore, #tpu.memory_space<semaphore_mem>>) src(%dma_wait3A_312 : memref<10240x128xf32, #tpu.memory_space<hbm>>) dst(%dma_wait3A_302 : memref<125x128xf32, #tpu.memory_space<vmem>>)
      %sub3A = arith.constant 1 : i32
      %sub3A_313 = arith.subi %scan3A_296, %sub3A : i32
      %rem3A_314 = arith.constant 2 : i32
      %rem3A_315 = arith.remsi %sub3A_313, %rem3A_314 : i32
      %dma_wait3A_316 = arith.constant 0 : i32
      %dma_wait3A_317 = arith.constant 0 : i32
      %dma_wait3A_318 = tpu.memref_slice %arg8[%rem3A_315, %dma_wait3A_316, %dma_wait3A_317] : memref<2x125x128xf32, #tpu.memory_space<vmem>> -> memref<1x125x128xf32, #tpu.memory_space<vmem>>
      %dma_wait3A_319 = tpu.memref_squeeze %dma_wait3A_318 : memref<1x125x128xf32, #tpu.memory_space<vmem>> -> memref<125x128xf32, #tpu.memory_space<vmem>>
      %dma_wait3A_320 = arith.constant 0 : i32
      %dma_wait3A_321 = tpu.memref_slice %arg7[%sub3A_313, %dma_wait3A_320] : memref<40x125xi32, #tpu.memory_space<vmem>> -> memref<1x125xi32, #tpu.memory_space<vmem>>
      %dma_wait3A_322 = tpu.memref_squeeze %dma_wait3A_321 : memref<1x125xi32, #tpu.memory_space<vmem>> -> memref<125xi32, #tpu.memory_space<vmem>>
      %dma_wait3A_323 = arith.constant 0 : i32
      %dma_wait3A_324 = arith.constant 0 : i32
      %dma_wait3A_325 = tpu.memref_slice %arg9[%dma_wait3A_323, %dma_wait3A_324] : memref<10240x128xf32, #tpu.memory_space<vmem_shared>> -> memref<10240x128xf32, #tpu.memory_space<vmem_shared>>
      tpu.wait_indirect_dma semaphore(%arg11 : memref<!tpu.dma_semaphore, #tpu.memory_space<semaphore_mem>>) src(%dma_wait3A_319 : memref<125x128xf32, #tpu.memory_space<vmem>>) dst(%dma_wait3A_325 : memref<10240x128xf32, #tpu.memory_space<vmem_shared>>)
      %rem3A_326 = arith.constant 2 : i32
      %rem3A_327 = arith.remsi %scan3A_296, %rem3A_326 : i32
      %dma_start3A_328 = arith.constant 0 : i32
      %dma_start3A_329 = arith.constant 0 : i32
      %dma_start3A_330 = tpu.memref_slice %arg8[%rem3A_327, %dma_start3A_328, %dma_start3A_329] : memref<2x125x128xf32, #tpu.memory_space<vmem>> -> memref<1x125x128xf32, #tpu.memory_space<vmem>>
      %dma_start3A_331 = tpu.memref_squeeze %dma_start3A_330 : memref<1x125x128xf32, #tpu.memory_space<vmem>> -> memref<125x128xf32, #tpu.memory_space<vmem>>
      %dma_start3A_332 = arith.constant 0 : i32
      %dma_start3A_333 = tpu.memref_slice %arg7[%scan3A_296, %dma_start3A_332] : memref<40x125xi32, #tpu.memory_space<vmem>> -> memref<1x125xi32, #tpu.memory_space<vmem>>
      %dma_start3A_334 = tpu.memref_squeeze %dma_start3A_333 : memref<1x125xi32, #tpu.memory_space<vmem>> -> memref<125xi32, #tpu.memory_space<vmem>>
      %dma_start3A_335 = arith.constant 0 : i32
      %dma_start3A_336 = arith.constant 0 : i32
      %dma_start3A_337 = tpu.memref_slice %arg9[%dma_start3A_335, %dma_start3A_336] : memref<10240x128xf32, #tpu.memory_space<vmem_shared>> -> memref<10240x128xf32, #tpu.memory_space<vmem_shared>>
      tpu.enqueue_indirect_dma source(%dma_start3A_331 : memref<125x128xf32, #tpu.memory_space<vmem>>) target(%dma_start3A_337 : memref<10240x128xf32, #tpu.memory_space<vmem_shared>>) offsets(%dma_start3A_334 : memref<125xi32, #tpu.memory_space<vmem>>) semaphore(%arg11 : memref<!tpu.dma_semaphore, #tpu.memory_space<semaphore_mem>>) {add = true}
      %add3A_338 = arith.constant 2 : i32
      %add3A_339 = arith.addi %scan3A_296, %add3A_338 : i32
      %sub3A_340 = arith.constant 1 : i32
      %sub3A_341 = arith.subi %add3A_339, %sub3A_340 : i32
      %rem3A_342 = arith.constant 2 : i32
      %rem3A_343 = arith.remsi %sub3A_341, %rem3A_342 : i32
      %dma_start3A_344 = arith.constant 0 : i32
      %dma_start3A_345 = arith.constant 0 : i32
      %dma_start3A_346 = tpu.memref_slice %arg8[%rem3A_343, %dma_start3A_344, %dma_start3A_345] : memref<2x125x128xf32, #tpu.memory_space<vmem>> -> memref<1x125x128xf32, #tpu.memory_space<vmem>>
      %dma_start3A_347 = tpu.memref_squeeze %dma_start3A_346 : memref<1x125x128xf32, #tpu.memory_space<vmem>> -> memref<125x128xf32, #tpu.memory_space<vmem>>
      %dma_start3A_348 = arith.constant 0 : i32
      %dma_start3A_349 = tpu.memref_slice %arg6[%sub3A_341, %dma_start3A_348] : memref<40x125xi32, #tpu.memory_space<vmem>> -> memref<1x125xi32, #tpu.memory_space<vmem>>
      %dma_start3A_350 = tpu.memref_squeeze %dma_start3A_349 : memref<1x125xi32, #tpu.memory_space<vmem>> -> memref<125xi32, #tpu.memory_space<vmem>>
      %dma_start3A_351 = arith.constant 0 : i32
      %dma_start3A_352 = arith.constant 0 : i32
      %dma_start3A_353 = tpu.memref_slice %arg2[%add3A_3, %dma_start3A_351, %dma_start3A_352] : memref<2x10240x128xf32, #tpu.memory_space<hbm>> -> memref<1x10240x128xf32, #tpu.memory_space<hbm>>
      %dma_start3A_354 = tpu.memref_squeeze %dma_start3A_353 : memref<1x10240x128xf32, #tpu.memory_space<hbm>> -> memref<10240x128xf32, #tpu.memory_space<hbm>>
      %dma_start3A_355 = arith.constant 0 : i32
      %dma_start3A_356 = arith.constant 0 : i32
      %dma_start3A_357 = tpu.memref_slice %dma_start3A_354[%dma_start3A_355, %dma_start3A_356] : memref<10240x128xf32, #tpu.memory_space<hbm>> -> memref<10240x128xf32, #tpu.memory_space<hbm>>
      tpu.enqueue_indirect_dma source(%dma_start3A_357 : memref<10240x128xf32, #tpu.memory_space<hbm>>) target(%dma_start3A_347 : memref<125x128xf32, #tpu.memory_space<vmem>>) offsets(%dma_start3A_350 : memref<125xi32, #tpu.memory_space<vmem>>) semaphore(%arg10 : memref<!tpu.dma_semaphore, #tpu.memory_space<semaphore_mem>>)
    }
    %scan3A_234 = arith.constant 38 : i32
    %rem3A_235 = arith.constant 39 : i32
    %rem3A_236 = arith.constant 2 : i32
    %rem3A_237 = arith.remsi %rem3A_235, %rem3A_236 : i32
    %dma_wait3A_238 = arith.constant 39 : i32
    %dma_wait3A_239 = arith.constant 0 : i32
    %dma_wait3A_240 = arith.constant 0 : i32
    %dma_wait3A_241 = tpu.memref_slice %arg8[%rem3A_237, %dma_wait3A_239, %dma_wait3A_240] : memref<2x125x128xf32, #tpu.memory_space<vmem>> -> memref<1x125x128xf32, #tpu.memory_space<vmem>>
    %dma_wait3A_242 = tpu.memref_squeeze %dma_wait3A_241 : memref<1x125x128xf32, #tpu.memory_space<vmem>> -> memref<125x128xf32, #tpu.memory_space<vmem>>
    %dma_wait3A_243 = arith.constant 0 : i32
    %dma_wait3A_244 = tpu.memref_slice %arg6[%dma_wait3A_238, %dma_wait3A_243] : memref<40x125xi32, #tpu.memory_space<vmem>> -> memref<1x125xi32, #tpu.memory_space<vmem>>
    %dma_wait3A_245 = tpu.memref_squeeze %dma_wait3A_244 : memref<1x125xi32, #tpu.memory_space<vmem>> -> memref<125xi32, #tpu.memory_space<vmem>>
    %dma_wait3A_246 = arith.constant 0 : i32
    %dma_wait3A_247 = arith.constant 0 : i32
    %dma_wait3A_248 = tpu.memref_slice %arg2[%add3A_3, %dma_wait3A_246, %dma_wait3A_247] : memref<2x10240x128xf32, #tpu.memory_space<hbm>> -> memref<1x10240x128xf32, #tpu.memory_space<hbm>>
    %dma_wait3A_249 = tpu.memref_squeeze %dma_wait3A_248 : memref<1x10240x128xf32, #tpu.memory_space<hbm>> -> memref<10240x128xf32, #tpu.memory_space<hbm>>
    %dma_wait3A_250 = arith.constant 0 : i32
    %dma_wait3A_251 = arith.constant 0 : i32
    %dma_wait3A_252 = tpu.memref_slice %dma_wait3A_249[%dma_wait3A_250, %dma_wait3A_251] : memref<10240x128xf32, #tpu.memory_space<hbm>> -> memref<10240x128xf32, #tpu.memory_space<hbm>>
    tpu.wait_indirect_dma semaphore(%arg10 : memref<!tpu.dma_semaphore, #tpu.memory_space<semaphore_mem>>) src(%dma_wait3A_252 : memref<10240x128xf32, #tpu.memory_space<hbm>>) dst(%dma_wait3A_242 : memref<125x128xf32, #tpu.memory_space<vmem>>)
    %rem3A_253 = arith.constant 38 : i32
    %rem3A_254 = arith.constant 2 : i32
    %rem3A_255 = arith.remsi %rem3A_253, %rem3A_254 : i32
    %dma_wait3A_256 = arith.constant 38 : i32
    %dma_wait3A_257 = arith.constant 0 : i32
    %dma_wait3A_258 = arith.constant 0 : i32
    %dma_wait3A_259 = tpu.memref_slice %arg8[%rem3A_255, %dma_wait3A_257, %dma_wait3A_258] : memref<2x125x128xf32, #tpu.memory_space<vmem>> -> memref<1x125x128xf32, #tpu.memory_space<vmem>>
    %dma_wait3A_260 = tpu.memref_squeeze %dma_wait3A_259 : memref<1x125x128xf32, #tpu.memory_space<vmem>> -> memref<125x128xf32, #tpu.memory_space<vmem>>
    %dma_wait3A_261 = arith.constant 0 : i32
    %dma_wait3A_262 = tpu.memref_slice %arg7[%dma_wait3A_256, %dma_wait3A_261] : memref<40x125xi32, #tpu.memory_space<vmem>> -> memref<1x125xi32, #tpu.memory_space<vmem>>
    %dma_wait3A_263 = tpu.memref_squeeze %dma_wait3A_262 : memref<1x125xi32, #tpu.memory_space<vmem>> -> memref<125xi32, #tpu.memory_space<vmem>>
    %dma_wait3A_264 = arith.constant 0 : i32
    %dma_wait3A_265 = arith.constant 0 : i32
    %dma_wait3A_266 = tpu.memref_slice %arg9[%dma_wait3A_264, %dma_wait3A_265] : memref<10240x128xf32, #tpu.memory_space<vmem_shared>> -> memref<10240x128xf32, #tpu.memory_space<vmem_shared>>
    tpu.wait_indirect_dma semaphore(%arg11 : memref<!tpu.dma_semaphore, #tpu.memory_space<semaphore_mem>>) src(%dma_wait3A_260 : memref<125x128xf32, #tpu.memory_space<vmem>>) dst(%dma_wait3A_266 : memref<10240x128xf32, #tpu.memory_space<vmem_shared>>)
    %rem3A_267 = arith.constant 39 : i32
    %rem3A_268 = arith.constant 2 : i32
    %rem3A_269 = arith.remsi %rem3A_267, %rem3A_268 : i32
    %dma_start3A_270 = arith.constant 39 : i32
    %dma_start3A_271 = arith.constant 0 : i32
    %dma_start3A_272 = arith.constant 0 : i32
    %dma_start3A_273 = tpu.memref_slice %arg8[%rem3A_269, %dma_start3A_271, %dma_start3A_272] : memref<2x125x128xf32, #tpu.memory_space<vmem>> -> memref<1x125x128xf32, #tpu.memory_space<vmem>>
    %dma_start3A_274 = tpu.memref_squeeze %dma_start3A_273 : memref<1x125x128xf32, #tpu.memory_space<vmem>> -> memref<125x128xf32, #tpu.memory_space<vmem>>
    %dma_start3A_275 = arith.constant 0 : i32
    %dma_start3A_276 = tpu.memref_slice %arg7[%dma_start3A_270, %dma_start3A_275] : memref<40x125xi32, #tpu.memory_space<vmem>> -> memref<1x125xi32, #tpu.memory_space<vmem>>
    %dma_start3A_277 = tpu.memref_squeeze %dma_start3A_276 : memref<1x125xi32, #tpu.memory_space<vmem>> -> memref<125xi32, #tpu.memory_space<vmem>>
    %dma_start3A_278 = arith.constant 0 : i32
    %dma_start3A_279 = arith.constant 0 : i32
    %dma_start3A_280 = tpu.memref_slice %arg9[%dma_start3A_278, %dma_start3A_279] : memref<10240x128xf32, #tpu.memory_space<vmem_shared>> -> memref<10240x128xf32, #tpu.memory_space<vmem_shared>>
    tpu.enqueue_indirect_dma source(%dma_start3A_274 : memref<125x128xf32, #tpu.memory_space<vmem>>) target(%dma_start3A_280 : memref<10240x128xf32, #tpu.memory_space<vmem_shared>>) offsets(%dma_start3A_277 : memref<125xi32, #tpu.memory_space<vmem>>) semaphore(%arg11 : memref<!tpu.dma_semaphore, #tpu.memory_space<semaphore_mem>>) {add = true}
    %rem3A_281 = arith.constant 39 : i32
    %rem3A_282 = arith.constant 2 : i32
    %rem3A_283 = arith.remsi %rem3A_281, %rem3A_282 : i32
    %dma_wait3A_284 = arith.constant 39 : i32
    %dma_wait3A_285 = arith.constant 0 : i32
    %dma_wait3A_286 = arith.constant 0 : i32
    %dma_wait3A_287 = tpu.memref_slice %arg8[%rem3A_283, %dma_wait3A_285, %dma_wait3A_286] : memref<2x125x128xf32, #tpu.memory_space<vmem>> -> memref<1x125x128xf32, #tpu.memory_space<vmem>>
    %dma_wait3A_288 = tpu.memref_squeeze %dma_wait3A_287 : memref<1x125x128xf32, #tpu.memory_space<vmem>> -> memref<125x128xf32, #tpu.memory_space<vmem>>
    %dma_wait3A_289 = arith.constant 0 : i32
    %dma_wait3A_290 = tpu.memref_slice %arg7[%dma_wait3A_284, %dma_wait3A_289] : memref<40x125xi32, #tpu.memory_space<vmem>> -> memref<1x125xi32, #tpu.memory_space<vmem>>
    %dma_wait3A_291 = tpu.memref_squeeze %dma_wait3A_290 : memref<1x125xi32, #tpu.memory_space<vmem>> -> memref<125xi32, #tpu.memory_space<vmem>>
    %dma_wait3A_292 = arith.constant 0 : i32
    %dma_wait3A_293 = arith.constant 0 : i32
    %dma_wait3A_294 = tpu.memref_slice %arg9[%dma_wait3A_292, %dma_wait3A_293] : memref<10240x128xf32, #tpu.memory_space<vmem_shared>> -> memref<10240x128xf32, #tpu.memory_space<vmem_shared>>
    tpu.wait_indirect_dma semaphore(%arg11 : memref<!tpu.dma_semaphore, #tpu.memory_space<semaphore_mem>>) src(%dma_wait3A_288 : memref<125x128xf32, #tpu.memory_space<vmem>>) dst(%dma_wait3A_294 : memref<10240x128xf32, #tpu.memory_space<vmem_shared>>)
    %barrier3A_295 = arith.constant 0 : index
    tpu.barrier barrier_id(%barrier3A_295)
    "tpu.region"() ({
      %run_scoped3A_296 = tpu.sem_alloc : memref<!tpu.dma_semaphore, #tpu.memory_space<semaphore_mem>>
      %dma_start3A_297 = arith.constant 0 : i32
      %dma_start3A_298 = arith.constant 0 : i32
      %dma_start3A_299 = tpu.memref_slice %arg5[%add3A_3, %dma_start3A_297, %dma_start3A_298] : memref<2x10240x128xf32, #tpu.memory_space<hbm>> -> memref<1x10240x128xf32, #tpu.memory_space<hbm>>
      %dma_start3A_300 = tpu.memref_squeeze %dma_start3A_299 : memref<1x10240x128xf32, #tpu.memory_space<hbm>> -> memref<10240x128xf32, #tpu.memory_space<hbm>>
      %dma_start3A_301 = arith.constant 0 : i32
      %dma_start3A_302 = tpu.memref_slice %dma_start3A_300[%mul3A_0, %dma_start3A_301] : memref<10240x128xf32, #tpu.memory_space<hbm>> -> memref<640x128xf32, #tpu.memory_space<hbm>>
      %dma_start3A_303 = arith.constant 0 : i32
      %dma_start3A_304 = tpu.memref_slice %arg9[%mul3A_0, %dma_start3A_303] : memref<10240x128xf32, #tpu.memory_space<vmem_shared>> -> memref<640x128xf32, #tpu.memory_space<vmem_shared>>
      tpu.enqueue_dma source(%dma_start3A_304 : memref<640x128xf32, #tpu.memory_space<vmem_shared>>) target(%dma_start3A_302 : memref<640x128xf32, #tpu.memory_space<hbm>>) target_semaphore(%run_scoped3A_296 : memref<!tpu.dma_semaphore, #tpu.memory_space<semaphore_mem>>)
      %dma_wait3A_305 = arith.constant 0 : i32
      %dma_wait3A_306 = arith.constant 0 : i32
      %dma_wait3A_307 = tpu.memref_slice %arg5[%add3A_3, %dma_wait3A_305, %dma_wait3A_306] : memref<2x10240x128xf32, #tpu.memory_space<hbm>> -> memref<1x10240x128xf32, #tpu.memory_space<hbm>>
      %dma_wait3A_308 = tpu.memref_squeeze %dma_wait3A_307 : memref<1x10240x128xf32, #tpu.memory_space<hbm>> -> memref<10240x128xf32, #tpu.memory_space<hbm>>
      %dma_wait3A_309 = arith.constant 0 : i32
      %dma_wait3A_310 = tpu.memref_slice %dma_wait3A_308[%mul3A_0, %dma_wait3A_309] : memref<10240x128xf32, #tpu.memory_space<hbm>> -> memref<640x128xf32, #tpu.memory_space<hbm>>
      %dma_wait3A_311 = arith.constant 0 : i32
      %dma_wait3A_312 = tpu.memref_slice %arg9[%mul3A_0, %dma_wait3A_311] : memref<10240x128xf32, #tpu.memory_space<vmem_shared>> -> memref<640x128xf32, #tpu.memory_space<vmem_shared>>
      tpu.wait_dma2 semaphore(%run_scoped3A_296 : memref<!tpu.dma_semaphore, #tpu.memory_space<semaphore_mem>>) src(%dma_wait3A_312 : memref<640x128xf32, #tpu.memory_space<vmem_shared>>) dst(%dma_wait3A_310 : memref<640x128xf32, #tpu.memory_space<hbm>>)
      tpu.yield
    }) : () -> ()
    return
  }
}

module attributes {stable_mosaic.version = 14 : i64} {
  func.func @_tc_prep_body(%arg0: i32, %arg1: memref<2x1024x1xf32, #tpu.memory_space<vmem>>, %arg2: memref<1024x256xf32, #tpu.memory_space<vmem>>, %arg3: memref<1024x1xf32, #tpu.memory_space<vmem>>, %arg4: memref<2x1024x128xf32, #tpu.memory_space<vmem>>) attributes {dimension_semantics = [#tpu.dimension_semantics<arbitrary>], iteration_bounds = array<i64: 10>, scalar_prefetch = 0 : i64, scratch_operands = 0 : i64, tpu.core_type = #tpu.core_type<tc>, window_params = [{transform_indices = @transform_0, window_bounds = array<i64: 2, 1024, 1>}, {transform_indices = @transform_1, window_bounds = array<i64: 1024, 256>}, {transform_indices = @transform_2, window_bounds = array<i64: 1024, 1>}, {transform_indices = @transform_3, window_bounds = array<i64: 2, 1024, 128>}]} {
    %get3A = arith.constant 0 : index
    %get3A_0 = arith.constant 0 : index
    %get3A_1 = arith.constant 0 : index
    %get3A_2 = vector.load %arg1[%get3A, %get3A_0, %get3A_1] : memref<2x1024x1xf32, #tpu.memory_space<vmem>>, vector<1x1024x1xf32>
    %get3A_3 = vector.shape_cast %get3A_2 : vector<1x1024x1xf32> to vector<1024x1xf32>
    %get3A_4 = arith.constant 1 : index
    %get3A_5 = arith.constant 0 : index
    %get3A_6 = arith.constant 0 : index
    %get3A_7 = vector.load %arg1[%get3A_4, %get3A_5, %get3A_6] : memref<2x1024x1xf32, #tpu.memory_space<vmem>>, vector<1x1024x1xf32>
    %get3A_8 = vector.shape_cast %get3A_7 : vector<1x1024x1xf32> to vector<1024x1xf32>
    %add3A = arith.addf %get3A_3, %get3A_8 : vector<1024x1xf32>
    %add3A_9 = arith.constant 1.000000e+00 : f32
    %add3A_10 = vector.broadcast %add3A_9 : f32 to vector<1024x1xf32>
    %add3A_11 = arith.addf %add3A, %add3A_10 : vector<1024x1xf32>
    %rsqrt3A = math.rsqrt %add3A_11 : vector<1024x1xf32>
    %swap3A = arith.constant 0 : index
    %swap3A_12 = arith.constant 0 : index
    %swap3A_13 = vector.load %arg3[%swap3A, %swap3A_12] : memref<1024x1xf32, #tpu.memory_space<vmem>>, vector<1024x1xf32>
    tpu.vector_store %arg3[%swap3A, %swap3A_12], %rsqrt3A {strides = array<i32>} : memref<1024x1xf32, #tpu.memory_space<vmem>>, vector<1024x1xf32>,
    %get3A_14 = arith.constant 0 : index
    %get3A_15 = arith.constant 0 : index
    %get3A_16 = vector.load %arg2[%get3A_14, %get3A_15] : memref<1024x256xf32, #tpu.memory_space<vmem>>, vector<1024x128xf32>
    %mul3A = vector.broadcast %rsqrt3A : vector<1024x1xf32> to vector<1024x128xf32>
    %mul3A_17 = arith.mulf %mul3A, %get3A_16 : vector<1024x128xf32>
    %swap3A_18 = arith.constant 0 : index
    %swap3A_19 = arith.constant 0 : index
    %swap3A_20 = arith.constant 0 : index
    %swap3A_21 = vector.load %arg4[%swap3A_18, %swap3A_19, %swap3A_20] : memref<2x1024x128xf32, #tpu.memory_space<vmem>>, vector<1x1024x128xf32>
    %swap3A_22 = vector.shape_cast %swap3A_21 : vector<1x1024x128xf32> to vector<1024x128xf32>
    %swap3A_23 = vector.shape_cast %mul3A_17 : vector<1024x128xf32> to vector<1x1024x128xf32>
    tpu.vector_store %arg4[%swap3A_18, %swap3A_19, %swap3A_20], %swap3A_23 {strides = array<i32>} : memref<2x1024x128xf32, #tpu.memory_space<vmem>>, vector<1x1024x128xf32>,
    %get3A_24 = arith.constant 0 : index
    %get3A_25 = arith.constant 128 : index
    %get3A_26 = vector.load %arg2[%get3A_24, %get3A_25] : memref<1024x256xf32, #tpu.memory_space<vmem>>, vector<1024x128xf32>
    %mul3A_27 = vector.broadcast %rsqrt3A : vector<1024x1xf32> to vector<1024x128xf32>
    %mul3A_28 = arith.mulf %mul3A_27, %get3A_26 : vector<1024x128xf32>
    %swap3A_29 = arith.constant 1 : index
    %swap3A_30 = arith.constant 0 : index
    %swap3A_31 = arith.constant 0 : index
    %swap3A_32 = vector.load %arg4[%swap3A_29, %swap3A_30, %swap3A_31] : memref<2x1024x128xf32, #tpu.memory_space<vmem>>, vector<1x1024x128xf32>
    %swap3A_33 = vector.shape_cast %swap3A_32 : vector<1x1024x128xf32> to vector<1024x128xf32>
    %swap3A_34 = vector.shape_cast %mul3A_28 : vector<1024x128xf32> to vector<1x1024x128xf32>
    tpu.vector_store %arg4[%swap3A_29, %swap3A_30, %swap3A_31], %swap3A_34 {strides = array<i32>} : memref<2x1024x128xf32, #tpu.memory_space<vmem>>, vector<1x1024x128xf32>,
    return
  }
  func.func @transform_0(%arg0: i32) -> (i32, i32, i32) {
    %c0_i32 = arith.constant 0 : i32
    %c0_i32_0 = arith.constant 0 : i32
    %c0_i32_1 = arith.constant 0 : i32
    return %c0_i32, %arg0, %c0_i32_0 : i32, i32, i32
  }
  func.func @transform_1(%arg0: i32) -> (i32, i32) {
    %c0_i32 = arith.constant 0 : i32
    %c0_i32_0 = arith.constant 0 : i32
    return %arg0, %c0_i32 : i32, i32
  }
  func.func @transform_2(%arg0: i32) -> (i32, i32) {
    %c0_i32 = arith.constant 0 : i32
    %c0_i32_0 = arith.constant 0 : i32
    return %arg0, %c0_i32 : i32, i32
  }
  func.func @transform_3(%arg0: i32) -> (i32, i32, i32) {
    %c0_i32 = arith.constant 0 : i32
    %c0_i32_0 = arith.constant 0 : i32
    %c0_i32_1 = arith.constant 0 : i32
    return %c0_i32, %arg0, %c0_i32_0 : i32, i32, i32
  }
}

module attributes {stable_mosaic.version = 14 : i64} {
  func.func @_tc_gcn1_body(%arg0: i32, %arg1: memref<2x1024x128xf32, #tpu.memory_space<vmem>>, %arg2: memref<2x1024x128xf32, #tpu.memory_space<vmem>>, %arg3: memref<1024x1xf32, #tpu.memory_space<vmem>>, %arg4: memref<2x128x512xf32, #tpu.memory_space<vmem>>, %arg5: memref<1x512xf32, #tpu.memory_space<vmem>>, %arg6: memref<4x1024x128xf32, #tpu.memory_space<vmem>>) attributes {dimension_semantics = [#tpu.dimension_semantics<arbitrary>], iteration_bounds = array<i64: 10>, scalar_prefetch = 0 : i64, scratch_operands = 0 : i64, tpu.core_type = #tpu.core_type<tc>, window_params = [{transform_indices = @transform_0, window_bounds = array<i64: 2, 1024, 128>}, {transform_indices = @transform_1, window_bounds = array<i64: 2, 1024, 128>}, {transform_indices = @transform_2, window_bounds = array<i64: 1024, 1>}, {pipeline_mode = #tpu.pipeline_mode<synchronous>, transform_indices = @transform_3, window_bounds = array<i64: 2, 128, 512>}, {pipeline_mode = #tpu.pipeline_mode<synchronous>, transform_indices = @transform_4, window_bounds = array<i64: 1, 512>}, {transform_indices = @transform_5, window_bounds = array<i64: 4, 1024, 128>}]} {
    %get3A = arith.constant 0 : index
    %get3A_0 = arith.constant 0 : index
    %get3A_1 = vector.load %arg3[%get3A, %get3A_0] : memref<1024x1xf32, #tpu.memory_space<vmem>>, vector<1024x1xf32>
    %get3A_2 = arith.constant 0 : index
    %get3A_3 = arith.constant 0 : index
    %get3A_4 = vector.load %arg5[%get3A_2, %get3A_3] : memref<1x512xf32, #tpu.memory_space<vmem>>, vector<1x512xf32>
    %get3A_5 = arith.constant 0 : index
    %get3A_6 = arith.constant 0 : index
    %get3A_7 = arith.constant 0 : index
    %get3A_8 = vector.load %arg1[%get3A_5, %get3A_6, %get3A_7] : memref<2x1024x128xf32, #tpu.memory_space<vmem>>, vector<1x1024x128xf32>
    %get3A_9 = vector.shape_cast %get3A_8 : vector<1x1024x128xf32> to vector<1024x128xf32>
    %get3A_10 = arith.constant 0 : index
    %get3A_11 = arith.constant 0 : index
    %get3A_12 = arith.constant 0 : index
    %get3A_13 = vector.load %arg2[%get3A_10, %get3A_11, %get3A_12] : memref<2x1024x128xf32, #tpu.memory_space<vmem>>, vector<1x1024x128xf32>
    %get3A_14 = vector.shape_cast %get3A_13 : vector<1x1024x128xf32> to vector<1024x128xf32>
    %add3A = arith.addf %get3A_9, %get3A_14 : vector<1024x128xf32>
    %mul3A = vector.broadcast %get3A_1 : vector<1024x1xf32> to vector<1024x128xf32>
    %mul3A_15 = arith.mulf %mul3A, %add3A : vector<1024x128xf32>
    %get3A_16 = arith.constant 0 : index
    %get3A_17 = arith.constant 0 : index
    %get3A_18 = arith.constant 0 : index
    %get3A_19 = vector.load %arg4[%get3A_16, %get3A_17, %get3A_18] : memref<2x128x512xf32, #tpu.memory_space<vmem>>, vector<1x128x512xf32>
    %get3A_20 = vector.shape_cast %get3A_19 : vector<1x128x512xf32> to vector<128x512xf32>
    %dot_general3A = arith.constant dense<0.000000e+00> : vector<1024x512xf32>
    %dot_general3A_21 = tpu.matmul %mul3A_15, %get3A_20, %dot_general3A {dimension_numbers = #tpu.dot_dimension_numbers<[1], [0], [0], [1], [0, 0, 1, 1], [], []>, transpose_lhs_hint = false} : vector<1024x128xf32>, vector<128x512xf32>, vector<1024x512xf32> -> vector<1024x512xf32>
    %add3A_22 = vector.broadcast %get3A_4 : vector<1x512xf32> to vector<1024x512xf32>
    %add3A_23 = arith.addf %add3A_22, %dot_general3A_21 : vector<1024x512xf32>
    %get3A_24 = arith.constant 1 : index
    %get3A_25 = arith.constant 0 : index
    %get3A_26 = arith.constant 0 : index
    %get3A_27 = vector.load %arg1[%get3A_24, %get3A_25, %get3A_26] : memref<2x1024x128xf32, #tpu.memory_space<vmem>>, vector<1x1024x128xf32>
    %get3A_28 = vector.shape_cast %get3A_27 : vector<1x1024x128xf32> to vector<1024x128xf32>
    %get3A_29 = arith.constant 1 : index
    %get3A_30 = arith.constant 0 : index
    %get3A_31 = arith.constant 0 : index
    %get3A_32 = vector.load %arg2[%get3A_29, %get3A_30, %get3A_31] : memref<2x1024x128xf32, #tpu.memory_space<vmem>>, vector<1x1024x128xf32>
    %get3A_33 = vector.shape_cast %get3A_32 : vector<1x1024x128xf32> to vector<1024x128xf32>
    %add3A_34 = arith.addf %get3A_28, %get3A_33 : vector<1024x128xf32>
    %mul3A_35 = vector.broadcast %get3A_1 : vector<1024x1xf32> to vector<1024x128xf32>
    %mul3A_36 = arith.mulf %mul3A_35, %add3A_34 : vector<1024x128xf32>
    %get3A_37 = arith.constant 1 : index
    %get3A_38 = arith.constant 0 : index
    %get3A_39 = arith.constant 0 : index
    %get3A_40 = vector.load %arg4[%get3A_37, %get3A_38, %get3A_39] : memref<2x128x512xf32, #tpu.memory_space<vmem>>, vector<1x128x512xf32>
    %get3A_41 = vector.shape_cast %get3A_40 : vector<1x128x512xf32> to vector<128x512xf32>
    %dot_general3A_42 = arith.constant dense<0.000000e+00> : vector<1024x512xf32>
    %dot_general3A_43 = tpu.matmul %mul3A_36, %get3A_41, %dot_general3A_42 {dimension_numbers = #tpu.dot_dimension_numbers<[1], [0], [0], [1], [0, 0, 1, 1], [], []>, transpose_lhs_hint = false} : vector<1024x128xf32>, vector<128x512xf32>, vector<1024x512xf32> -> vector<1024x512xf32>
    %add3A_44 = arith.addf %add3A_23, %dot_general3A_43 : vector<1024x512xf32>
    %max3A = arith.constant 0.000000e+00 : f32
    %max3A_45 = vector.broadcast %max3A : f32 to vector<1024x512xf32>
    %max3A_46 = arith.maximumf %add3A_44, %max3A_45 : vector<1024x512xf32>
    %mul3A_47 = vector.broadcast %get3A_1 : vector<1024x1xf32> to vector<1024x512xf32>
    %mul3A_48 = arith.mulf %mul3A_47, %max3A_46 : vector<1024x512xf32>
    %slice3A = vector.extract_strided_slice %mul3A_48 {offsets = [0, 0], sizes = [1024, 128], strides = [1, 1]} : vector<1024x512xf32> to vector<1024x128xf32>
    %swap3A = arith.constant 0 : index
    %swap3A_49 = arith.constant 0 : index
    %swap3A_50 = arith.constant 0 : index
    %swap3A_51 = vector.load %arg6[%swap3A, %swap3A_49, %swap3A_50] : memref<4x1024x128xf32, #tpu.memory_space<vmem>>, vector<1x1024x128xf32>
    %swap3A_52 = vector.shape_cast %swap3A_51 : vector<1x1024x128xf32> to vector<1024x128xf32>
    %swap3A_53 = vector.shape_cast %slice3A : vector<1024x128xf32> to vector<1x1024x128xf32>
    tpu.vector_store %arg6[%swap3A, %swap3A_49, %swap3A_50], %swap3A_53 {strides = array<i32>} : memref<4x1024x128xf32, #tpu.memory_space<vmem>>, vector<1x1024x128xf32>,
    %slice3A_54 = vector.extract_strided_slice %mul3A_48 {offsets = [0, 128], sizes = [1024, 128], strides = [1, 1]} : vector<1024x512xf32> to vector<1024x128xf32>
    %swap3A_55 = arith.constant 1 : index
    %swap3A_56 = arith.constant 0 : index
    %swap3A_57 = arith.constant 0 : index
    %swap3A_58 = vector.load %arg6[%swap3A_55, %swap3A_56, %swap3A_57] : memref<4x1024x128xf32, #tpu.memory_space<vmem>>, vector<1x1024x128xf32>
    %swap3A_59 = vector.shape_cast %swap3A_58 : vector<1x1024x128xf32> to vector<1024x128xf32>
    %swap3A_60 = vector.shape_cast %slice3A_54 : vector<1024x128xf32> to vector<1x1024x128xf32>
    tpu.vector_store %arg6[%swap3A_55, %swap3A_56, %swap3A_57], %swap3A_60 {strides = array<i32>} : memref<4x1024x128xf32, #tpu.memory_space<vmem>>, vector<1x1024x128xf32>,
    %slice3A_61 = vector.extract_strided_slice %mul3A_48 {offsets = [0, 256], sizes = [1024, 128], strides = [1, 1]} : vector<1024x512xf32> to vector<1024x128xf32>
    %swap3A_62 = arith.constant 2 : index
    %swap3A_63 = arith.constant 0 : index
    %swap3A_64 = arith.constant 0 : index
    %swap3A_65 = vector.load %arg6[%swap3A_62, %swap3A_63, %swap3A_64] : memref<4x1024x128xf32, #tpu.memory_space<vmem>>, vector<1x1024x128xf32>
    %swap3A_66 = vector.shape_cast %swap3A_65 : vector<1x1024x128xf32> to vector<1024x128xf32>
    %swap3A_67 = vector.shape_cast %slice3A_61 : vector<1024x128xf32> to vector<1x1024x128xf32>
    tpu.vector_store %arg6[%swap3A_62, %swap3A_63, %swap3A_64], %swap3A_67 {strides = array<i32>} : memref<4x1024x128xf32, #tpu.memory_space<vmem>>, vector<1x1024x128xf32>,
    %slice3A_68 = vector.extract_strided_slice %mul3A_48 {offsets = [0, 384], sizes = [1024, 128], strides = [1, 1]} : vector<1024x512xf32> to vector<1024x128xf32>
    %swap3A_69 = arith.constant 3 : index
    %swap3A_70 = arith.constant 0 : index
    %swap3A_71 = arith.constant 0 : index
    %swap3A_72 = vector.load %arg6[%swap3A_69, %swap3A_70, %swap3A_71] : memref<4x1024x128xf32, #tpu.memory_space<vmem>>, vector<1x1024x128xf32>
    %swap3A_73 = vector.shape_cast %swap3A_72 : vector<1x1024x128xf32> to vector<1024x128xf32>
    %swap3A_74 = vector.shape_cast %slice3A_68 : vector<1024x128xf32> to vector<1x1024x128xf32>
    tpu.vector_store %arg6[%swap3A_69, %swap3A_70, %swap3A_71], %swap3A_74 {strides = array<i32>} : memref<4x1024x128xf32, #tpu.memory_space<vmem>>, vector<1x1024x128xf32>,
    return
  }
  func.func @transform_0(%arg0: i32) -> (i32, i32, i32) {
    %c0_i32 = arith.constant 0 : i32
    %c0_i32_0 = arith.constant 0 : i32
    %c0_i32_1 = arith.constant 0 : i32
    return %c0_i32, %arg0, %c0_i32_0 : i32, i32, i32
  }
  func.func @transform_1(%arg0: i32) -> (i32, i32, i32) {
    %c0_i32 = arith.constant 0 : i32
    %c0_i32_0 = arith.constant 0 : i32
    %c0_i32_1 = arith.constant 0 : i32
    return %c0_i32, %arg0, %c0_i32_0 : i32, i32, i32
  }
  func.func @transform_2(%arg0: i32) -> (i32, i32) {
    %c0_i32 = arith.constant 0 : i32
    %c0_i32_0 = arith.constant 0 : i32
    return %arg0, %c0_i32 : i32, i32
  }
  func.func @transform_3(%arg0: i32) -> (i32, i32, i32) {
    %c0_i32 = arith.constant 0 : i32
    %c0_i32_0 = arith.constant 0 : i32
    %c0_i32_1 = arith.constant 0 : i32
    %c0_i32_2 = arith.constant 0 : i32
    return %c0_i32, %c0_i32_0, %c0_i32_1 : i32, i32, i32
  }
  func.func @transform_4(%arg0: i32) -> (i32, i32) {
    %c0_i32 = arith.constant 0 : i32
    %c0_i32_0 = arith.constant 0 : i32
    %c0_i32_1 = arith.constant 0 : i32
    return %c0_i32, %c0_i32_0 : i32, i32
  }
  func.func @transform_5(%arg0: i32) -> (i32, i32, i32) {
    %c0_i32 = arith.constant 0 : i32
    %c0_i32_0 = arith.constant 0 : i32
    %c0_i32_1 = arith.constant 0 : i32
    return %c0_i32, %arg0, %c0_i32_0 : i32, i32, i32
  }
}

module attributes {stable_mosaic.version = 14 : i64} {
  func.func @_tc_tail_body(%arg0: i32, %arg1: memref<4x1024x128xf32, #tpu.memory_space<vmem>>, %arg2: memref<4x1024x128xf32, #tpu.memory_space<vmem>>, %arg3: memref<1024x1xf32, #tpu.memory_space<vmem>>, %arg4: memref<1024x1xi32, #tpu.memory_space<vmem>>, %arg5: memref<4x128x512xf32, #tpu.memory_space<vmem>>, %arg6: memref<1x512xf32, #tpu.memory_space<vmem>>, %arg7: memref<512x512xf32, #tpu.memory_space<vmem>>, %arg8: memref<1x512xf32, #tpu.memory_space<vmem>>, %arg9: memref<512x256xf32, #tpu.memory_space<vmem>>, %arg10: memref<1x256xf32, #tpu.memory_space<vmem>>, %arg11: memref<256x128xf32, #tpu.memory_space<vmem>>, %arg12: memref<1x128xf32, #tpu.memory_space<vmem>>, %arg13: memref<64x128xf32, #tpu.memory_space<vmem>>, %arg14: memref<128x256xf32, #tpu.memory_space<vmem>>, %arg15: memref<128x1xf32, #tpu.memory_space<vmem>>) attributes {dimension_semantics = [#tpu.dimension_semantics<arbitrary>], iteration_bounds = array<i64: 10>, scalar_prefetch = 0 : i64, scratch_operands = 2 : i64, tpu.core_type = #tpu.core_type<tc>, window_params = [{transform_indices = @transform_0, window_bounds = array<i64: 4, 1024, 128>}, {transform_indices = @transform_1, window_bounds = array<i64: 4, 1024, 128>}, {transform_indices = @transform_2, window_bounds = array<i64: 1024, 1>}, {transform_indices = @transform_3, window_bounds = array<i64: 1024, 1>}, {pipeline_mode = #tpu.pipeline_mode<synchronous>, transform_indices = @transform_4, window_bounds = array<i64: 4, 128, 512>}, {pipeline_mode = #tpu.pipeline_mode<synchronous>, transform_indices = @transform_5, window_bounds = array<i64: 1, 512>}, {pipeline_mode = #tpu.pipeline_mode<synchronous>, transform_indices = @transform_6, window_bounds = array<i64: 512, 512>}, {pipeline_mode = #tpu.pipeline_mode<synchronous>, transform_indices = @transform_7, window_bounds = array<i64: 1, 512>}, {pipeline_mode = #tpu.pipeline_mode<synchronous>, transform_indices = @transform_8, window_bounds = array<i64: 512, 256>}, {pipeline_mode = #tpu.pipeline_mode<synchronous>, transform_indices = @transform_9, window_bounds = array<i64: 1, 256>}, {pipeline_mode = #tpu.pipeline_mode<synchronous>, transform_indices = @transform_10, window_bounds = array<i64: 256, 128>}, {pipeline_mode = #tpu.pipeline_mode<synchronous>, transform_indices = @transform_11, window_bounds = array<i64: 1, 128>}, {pipeline_mode = #tpu.pipeline_mode<synchronous>, transform_indices = @transform_12, window_bounds = array<i64: 64, 128>}]} {
    %eq3A = arith.constant 0 : i32
    %eq3A_0 = arith.cmpi eq, %arg0, %eq3A : i32
    %convert_element_type3A = arith.extui %eq3A_0 : i1 to i32
    %cond3A = arith.constant 0 : i32
    %cond3A_1 = arith.cmpi ne, %convert_element_type3A, %cond3A : i32
    scf.if %cond3A_1 {
      %broadcast_in_dim3A_147 = arith.constant 0.000000e+00 : f32
      %broadcast_in_dim3A_148 = vector.broadcast %broadcast_in_dim3A_147 : f32 to vector<128x256xf32>
      %swap3A_149 = arith.constant 0 : index
      %swap3A_150 = arith.constant 0 : index
      %swap3A_151 = vector.load %arg14[%swap3A_149, %swap3A_150] : memref<128x256xf32, #tpu.memory_space<vmem>>, vector<128x256xf32>
      tpu.vector_store %arg14[%swap3A_149, %swap3A_150], %broadcast_in_dim3A_148 {strides = array<i32>} : memref<128x256xf32, #tpu.memory_space<vmem>>, vector<128x256xf32>,
      %broadcast_in_dim3A_152 = arith.constant 0.000000e+00 : f32
      %broadcast_in_dim3A_153 = vector.broadcast %broadcast_in_dim3A_152 : f32 to vector<128x1xf32>
      %swap3A_154 = arith.constant 0 : index
      %swap3A_155 = arith.constant 0 : index
      %swap3A_156 = vector.load %arg15[%swap3A_154, %swap3A_155] : memref<128x1xf32, #tpu.memory_space<vmem>>, vector<128x1xf32>
      tpu.vector_store %arg15[%swap3A_154, %swap3A_155], %broadcast_in_dim3A_153 {strides = array<i32>} : memref<128x1xf32, #tpu.memory_space<vmem>>, vector<128x1xf32>,
    } else {
    }
    %get3A = arith.constant 0 : index
    %get3A_2 = arith.constant 0 : index
    %get3A_3 = vector.load %arg3[%get3A, %get3A_2] : memref<1024x1xf32, #tpu.memory_space<vmem>>, vector<1024x1xf32>
    %get3A_4 = arith.constant 0 : index
    %get3A_5 = arith.constant 0 : index
    %get3A_6 = vector.load %arg6[%get3A_4, %get3A_5] : memref<1x512xf32, #tpu.memory_space<vmem>>, vector<1x512xf32>
    %get3A_7 = arith.constant 0 : index
    %get3A_8 = arith.constant 0 : index
    %get3A_9 = arith.constant 0 : index
    %get3A_10 = vector.load %arg1[%get3A_7, %get3A_8, %get3A_9] : memref<4x1024x128xf32, #tpu.memory_space<vmem>>, vector<1x1024x128xf32>
    %get3A_11 = vector.shape_cast %get3A_10 : vector<1x1024x128xf32> to vector<1024x128xf32>
    %get3A_12 = arith.constant 0 : index
    %get3A_13 = arith.constant 0 : index
    %get3A_14 = arith.constant 0 : index
    %get3A_15 = vector.load %arg2[%get3A_12, %get3A_13, %get3A_14] : memref<4x1024x128xf32, #tpu.memory_space<vmem>>, vector<1x1024x128xf32>
    %get3A_16 = vector.shape_cast %get3A_15 : vector<1x1024x128xf32> to vector<1024x128xf32>
    %add3A = arith.addf %get3A_11, %get3A_16 : vector<1024x128xf32>
    %mul3A = vector.broadcast %get3A_3 : vector<1024x1xf32> to vector<1024x128xf32>
    %mul3A_17 = arith.mulf %mul3A, %add3A : vector<1024x128xf32>
    %get3A_18 = arith.constant 0 : index
    %get3A_19 = arith.constant 0 : index
    %get3A_20 = arith.constant 0 : index
    %get3A_21 = vector.load %arg5[%get3A_18, %get3A_19, %get3A_20] : memref<4x128x512xf32, #tpu.memory_space<vmem>>, vector<1x128x512xf32>
    %get3A_22 = vector.shape_cast %get3A_21 : vector<1x128x512xf32> to vector<128x512xf32>
    %dot_general3A = arith.constant dense<0.000000e+00> : vector<1024x512xf32>
    %dot_general3A_23 = tpu.matmul %mul3A_17, %get3A_22, %dot_general3A {dimension_numbers = #tpu.dot_dimension_numbers<[1], [0], [0], [1], [0, 0, 1, 1], [], []>, transpose_lhs_hint = false} : vector<1024x128xf32>, vector<128x512xf32>, vector<1024x512xf32> -> vector<1024x512xf32>
    %add3A_24 = vector.broadcast %get3A_6 : vector<1x512xf32> to vector<1024x512xf32>
    %add3A_25 = arith.addf %add3A_24, %dot_general3A_23 : vector<1024x512xf32>
    %get3A_26 = arith.constant 1 : index
    %get3A_27 = arith.constant 0 : index
    %get3A_28 = arith.constant 0 : index
    %get3A_29 = vector.load %arg1[%get3A_26, %get3A_27, %get3A_28] : memref<4x1024x128xf32, #tpu.memory_space<vmem>>, vector<1x1024x128xf32>
    %get3A_30 = vector.shape_cast %get3A_29 : vector<1x1024x128xf32> to vector<1024x128xf32>
    %get3A_31 = arith.constant 1 : index
    %get3A_32 = arith.constant 0 : index
    %get3A_33 = arith.constant 0 : index
    %get3A_34 = vector.load %arg2[%get3A_31, %get3A_32, %get3A_33] : memref<4x1024x128xf32, #tpu.memory_space<vmem>>, vector<1x1024x128xf32>
    %get3A_35 = vector.shape_cast %get3A_34 : vector<1x1024x128xf32> to vector<1024x128xf32>
    %add3A_36 = arith.addf %get3A_30, %get3A_35 : vector<1024x128xf32>
    %mul3A_37 = vector.broadcast %get3A_3 : vector<1024x1xf32> to vector<1024x128xf32>
    %mul3A_38 = arith.mulf %mul3A_37, %add3A_36 : vector<1024x128xf32>
    %get3A_39 = arith.constant 1 : index
    %get3A_40 = arith.constant 0 : index
    %get3A_41 = arith.constant 0 : index
    %get3A_42 = vector.load %arg5[%get3A_39, %get3A_40, %get3A_41] : memref<4x128x512xf32, #tpu.memory_space<vmem>>, vector<1x128x512xf32>
    %get3A_43 = vector.shape_cast %get3A_42 : vector<1x128x512xf32> to vector<128x512xf32>
    %dot_general3A_44 = arith.constant dense<0.000000e+00> : vector<1024x512xf32>
    %dot_general3A_45 = tpu.matmul %mul3A_38, %get3A_43, %dot_general3A_44 {dimension_numbers = #tpu.dot_dimension_numbers<[1], [0], [0], [1], [0, 0, 1, 1], [], []>, transpose_lhs_hint = false} : vector<1024x128xf32>, vector<128x512xf32>, vector<1024x512xf32> -> vector<1024x512xf32>
    %add3A_46 = arith.addf %add3A_25, %dot_general3A_45 : vector<1024x512xf32>
    %get3A_47 = arith.constant 2 : index
    %get3A_48 = arith.constant 0 : index
    %get3A_49 = arith.constant 0 : index
    %get3A_50 = vector.load %arg1[%get3A_47, %get3A_48, %get3A_49] : memref<4x1024x128xf32, #tpu.memory_space<vmem>>, vector<1x1024x128xf32>
    %get3A_51 = vector.shape_cast %get3A_50 : vector<1x1024x128xf32> to vector<1024x128xf32>
    %get3A_52 = arith.constant 2 : index
    %get3A_53 = arith.constant 0 : index
    %get3A_54 = arith.constant 0 : index
    %get3A_55 = vector.load %arg2[%get3A_52, %get3A_53, %get3A_54] : memref<4x1024x128xf32, #tpu.memory_space<vmem>>, vector<1x1024x128xf32>
    %get3A_56 = vector.shape_cast %get3A_55 : vector<1x1024x128xf32> to vector<1024x128xf32>
    %add3A_57 = arith.addf %get3A_51, %get3A_56 : vector<1024x128xf32>
    %mul3A_58 = vector.broadcast %get3A_3 : vector<1024x1xf32> to vector<1024x128xf32>
    %mul3A_59 = arith.mulf %mul3A_58, %add3A_57 : vector<1024x128xf32>
    %get3A_60 = arith.constant 2 : index
    %get3A_61 = arith.constant 0 : index
    %get3A_62 = arith.constant 0 : index
    %get3A_63 = vector.load %arg5[%get3A_60, %get3A_61, %get3A_62] : memref<4x128x512xf32, #tpu.memory_space<vmem>>, vector<1x128x512xf32>
    %get3A_64 = vector.shape_cast %get3A_63 : vector<1x128x512xf32> to vector<128x512xf32>
    %dot_general3A_65 = arith.constant dense<0.000000e+00> : vector<1024x512xf32>
    %dot_general3A_66 = tpu.matmul %mul3A_59, %get3A_64, %dot_general3A_65 {dimension_numbers = #tpu.dot_dimension_numbers<[1], [0], [0], [1], [0, 0, 1, 1], [], []>, transpose_lhs_hint = false} : vector<1024x128xf32>, vector<128x512xf32>, vector<1024x512xf32> -> vector<1024x512xf32>
    %add3A_67 = arith.addf %add3A_46, %dot_general3A_66 : vector<1024x512xf32>
    %get3A_68 = arith.constant 3 : index
    %get3A_69 = arith.constant 0 : index
    %get3A_70 = arith.constant 0 : index
    %get3A_71 = vector.load %arg1[%get3A_68, %get3A_69, %get3A_70] : memref<4x1024x128xf32, #tpu.memory_space<vmem>>, vector<1x1024x128xf32>
    %get3A_72 = vector.shape_cast %get3A_71 : vector<1x1024x128xf32> to vector<1024x128xf32>
    %get3A_73 = arith.constant 3 : index
    %get3A_74 = arith.constant 0 : index
    %get3A_75 = arith.constant 0 : index
    %get3A_76 = vector.load %arg2[%get3A_73, %get3A_74, %get3A_75] : memref<4x1024x128xf32, #tpu.memory_space<vmem>>, vector<1x1024x128xf32>
    %get3A_77 = vector.shape_cast %get3A_76 : vector<1x1024x128xf32> to vector<1024x128xf32>
    %add3A_78 = arith.addf %get3A_72, %get3A_77 : vector<1024x128xf32>
    %mul3A_79 = vector.broadcast %get3A_3 : vector<1024x1xf32> to vector<1024x128xf32>
    %mul3A_80 = arith.mulf %mul3A_79, %add3A_78 : vector<1024x128xf32>
    %get3A_81 = arith.constant 3 : index
    %get3A_82 = arith.constant 0 : index
    %get3A_83 = arith.constant 0 : index
    %get3A_84 = vector.load %arg5[%get3A_81, %get3A_82, %get3A_83] : memref<4x128x512xf32, #tpu.memory_space<vmem>>, vector<1x128x512xf32>
    %get3A_85 = vector.shape_cast %get3A_84 : vector<1x128x512xf32> to vector<128x512xf32>
    %dot_general3A_86 = arith.constant dense<0.000000e+00> : vector<1024x512xf32>
    %dot_general3A_87 = tpu.matmul %mul3A_80, %get3A_85, %dot_general3A_86 {dimension_numbers = #tpu.dot_dimension_numbers<[1], [0], [0], [1], [0, 0, 1, 1], [], []>, transpose_lhs_hint = false} : vector<1024x128xf32>, vector<128x512xf32>, vector<1024x512xf32> -> vector<1024x512xf32>
    %add3A_88 = arith.addf %add3A_67, %dot_general3A_87 : vector<1024x512xf32>
    %max3A = arith.constant 0.000000e+00 : f32
    %max3A_89 = vector.broadcast %max3A : f32 to vector<1024x512xf32>
    %max3A_90 = arith.maximumf %add3A_88, %max3A_89 : vector<1024x512xf32>
    %get3A_91 = arith.constant 0 : index
    %get3A_92 = arith.constant 0 : index
    %get3A_93 = vector.load %arg7[%get3A_91, %get3A_92] : memref<512x512xf32, #tpu.memory_space<vmem>>, vector<512x512xf32>
    %dot_general3A_94 = arith.constant dense<0.000000e+00> : vector<1024x512xf32>
    %dot_general3A_95 = tpu.matmul %max3A_90, %get3A_93, %dot_general3A_94 {dimension_numbers = #tpu.dot_dimension_numbers<[1], [0], [0], [1], [0, 0, 1, 1], [], []>, transpose_lhs_hint = false} : vector<1024x512xf32>, vector<512x512xf32>, vector<1024x512xf32> -> vector<1024x512xf32>
    %get3A_96 = arith.constant 0 : index
    %get3A_97 = arith.constant 0 : index
    %get3A_98 = vector.load %arg8[%get3A_96, %get3A_97] : memref<1x512xf32, #tpu.memory_space<vmem>>, vector<1x512xf32>
    %add3A_99 = vector.broadcast %get3A_98 : vector<1x512xf32> to vector<1024x512xf32>
    %add3A_100 = arith.addf %dot_general3A_95, %add3A_99 : vector<1024x512xf32>
    %max3A_101 = arith.constant 0.000000e+00 : f32
    %max3A_102 = vector.broadcast %max3A_101 : f32 to vector<1024x512xf32>
    %max3A_103 = arith.maximumf %add3A_100, %max3A_102 : vector<1024x512xf32>
    %get3A_104 = arith.constant 0 : index
    %get3A_105 = arith.constant 0 : index
    %get3A_106 = vector.load %arg9[%get3A_104, %get3A_105] : memref<512x256xf32, #tpu.memory_space<vmem>>, vector<512x256xf32>
    %dot_general3A_107 = arith.constant dense<0.000000e+00> : vector<1024x256xf32>
    %dot_general3A_108 = tpu.matmul %max3A_103, %get3A_106, %dot_general3A_107 {dimension_numbers = #tpu.dot_dimension_numbers<[1], [0], [0], [1], [0, 0, 1, 1], [], []>, transpose_lhs_hint = false} : vector<1024x512xf32>, vector<512x256xf32>, vector<1024x256xf32> -> vector<1024x256xf32>
    %get3A_109 = arith.constant 0 : index
    %get3A_110 = arith.constant 0 : index
    %get3A_111 = vector.load %arg10[%get3A_109, %get3A_110] : memref<1x256xf32, #tpu.memory_space<vmem>>, vector<1x256xf32>
    %add3A_112 = vector.broadcast %get3A_111 : vector<1x256xf32> to vector<1024x256xf32>
    %add3A_113 = arith.addf %dot_general3A_108, %add3A_112 : vector<1024x256xf32>
    %max3A_114 = arith.constant 0.000000e+00 : f32
    %max3A_115 = vector.broadcast %max3A_114 : f32 to vector<1024x256xf32>
    %max3A_116 = arith.maximumf %add3A_113, %max3A_115 : vector<1024x256xf32>
    %iota3A = tpu.iota {dimensions = array<i32: 1>} : vector<1024x128xi32>
    %get3A_117 = arith.constant 0 : index
    %get3A_118 = arith.constant 0 : index
    %get3A_119 = vector.load %arg4[%get3A_117, %get3A_118] : memref<1024x1xi32, #tpu.memory_space<vmem>>, vector<1024x1xi32>
    %eq3A_120 = vector.broadcast %get3A_119 : vector<1024x1xi32> to vector<1024x128xi32>
    %eq3A_121 = arith.cmpi eq, %eq3A_120, %iota3A : vector<1024x128xi32>
    %convert_element_type3A_122 = arith.extui %eq3A_121 : vector<1024x128xi1> to vector<1024x128xi32>
    %convert_element_type3A_123 = arith.sitofp %convert_element_type3A_122 : vector<1024x128xi32> to vector<1024x128xf32>
    %get3A_124 = arith.constant 0 : index
    %get3A_125 = arith.constant 0 : index
    %get3A_126 = vector.load %arg14[%get3A_124, %get3A_125] : memref<128x256xf32, #tpu.memory_space<vmem>>, vector<128x256xf32>
    %dot_general3A_127 = arith.constant dense<0.000000e+00> : vector<128x256xf32>
    %dot_general3A_128 = tpu.matmul %convert_element_type3A_123, %max3A_116, %dot_general3A_127 {dimension_numbers = #tpu.dot_dimension_numbers<[0], [0], [1], [1], [0, 1, 1, 1], [], []>, transpose_lhs_hint = false} : vector<1024x128xf32>, vector<1024x256xf32>, vector<128x256xf32> -> vector<128x256xf32>
    %add3A_129 = arith.addf %get3A_126, %dot_general3A_128 : vector<128x256xf32>
    %swap3A = arith.constant 0 : index
    %swap3A_130 = arith.constant 0 : index
    %swap3A_131 = vector.load %arg14[%swap3A, %swap3A_130] : memref<128x256xf32, #tpu.memory_space<vmem>>, vector<128x256xf32>
    tpu.vector_store %arg14[%swap3A, %swap3A_130], %add3A_129 {strides = array<i32>} : memref<128x256xf32, #tpu.memory_space<vmem>>, vector<128x256xf32>,
    %get3A_132 = arith.constant 0 : index
    %get3A_133 = arith.constant 0 : index
    %get3A_134 = vector.load %arg15[%get3A_132, %get3A_133] : memref<128x1xf32, #tpu.memory_space<vmem>>, vector<128x1xf32>
    %broadcast_in_dim3A = arith.constant 1.000000e+00 : f32
    %broadcast_in_dim3A_135 = vector.broadcast %broadcast_in_dim3A : f32 to vector<1024x1xf32>
    %dot_general3A_136 = arith.constant dense<0.000000e+00> : vector<128x1xf32>
    %dot_general3A_137 = tpu.matmul %convert_element_type3A_123, %broadcast_in_dim3A_135, %dot_general3A_136 {dimension_numbers = #tpu.dot_dimension_numbers<[0], [0], [1], [1], [0, 1, 1, 1], [], []>, transpose_lhs_hint = false} : vector<1024x128xf32>, vector<1024x1xf32>, vector<128x1xf32> -> vector<128x1xf32>
    %add3A_138 = arith.addf %get3A_134, %dot_general3A_137 : vector<128x1xf32>
    %swap3A_139 = arith.constant 0 : index
    %swap3A_140 = arith.constant 0 : index
    %swap3A_141 = vector.load %arg15[%swap3A_139, %swap3A_140] : memref<128x1xf32, #tpu.memory_space<vmem>>, vector<128x1xf32>
    tpu.vector_store %arg15[%swap3A_139, %swap3A_140], %add3A_138 {strides = array<i32>} : memref<128x1xf32, #tpu.memory_space<vmem>>, vector<128x1xf32>,
    %eq3A_142 = arith.constant 9 : i32
    %eq3A_143 = arith.cmpi eq, %arg0, %eq3A_142 : i32
    %convert_element_type3A_144 = arith.extui %eq3A_143 : i1 to i32
    %cond3A_145 = arith.constant 0 : i32
    %cond3A_146 = arith.cmpi ne, %convert_element_type3A_144, %cond3A_145 : i32
    scf.if %cond3A_146 {
      %get3A_147 = arith.constant 0 : index
      %get3A_148 = arith.constant 0 : index
      %get3A_149 = vector.load %arg14[%get3A_147, %get3A_148] : memref<128x256xf32, #tpu.memory_space<vmem>>, vector<64x256xf32>
      %get3A_150 = arith.constant 0 : index
      %get3A_151 = arith.constant 0 : index
      %get3A_152 = vector.load %arg15[%get3A_150, %get3A_151] : memref<128x1xf32, #tpu.memory_space<vmem>>, vector<64x1xf32>
      %max3A_153 = arith.constant 1.000000e+00 : f32
      %max3A_154 = vector.broadcast %max3A_153 : f32 to vector<64x1xf32>
      %max3A_155 = arith.maximumf %get3A_152, %max3A_154 : vector<64x1xf32>
      %div3A = vector.broadcast %max3A_155 : vector<64x1xf32> to vector<64x256xf32>
      %div3A_156 = arith.divf %get3A_149, %div3A : vector<64x256xf32>
      %get3A_157 = arith.constant 0 : index
      %get3A_158 = arith.constant 0 : index
      %get3A_159 = vector.load %arg11[%get3A_157, %get3A_158] : memref<256x128xf32, #tpu.memory_space<vmem>>, vector<256x128xf32>
      %dot_general3A_160 = arith.constant dense<0.000000e+00> : vector<64x128xf32>
      %dot_general3A_161 = tpu.matmul %div3A_156, %get3A_159, %dot_general3A_160 {dimension_numbers = #tpu.dot_dimension_numbers<[1], [0], [0], [1], [0, 0, 1, 1], [], []>, transpose_lhs_hint = false} : vector<64x256xf32>, vector<256x128xf32>, vector<64x128xf32> -> vector<64x128xf32>
      %get3A_162 = arith.constant 0 : index
      %get3A_163 = arith.constant 0 : index
      %get3A_164 = vector.load %arg12[%get3A_162, %get3A_163] : memref<1x128xf32, #tpu.memory_space<vmem>>, vector<1x128xf32>
      %add3A_165 = vector.broadcast %get3A_164 : vector<1x128xf32> to vector<64x128xf32>
      %add3A_166 = arith.addf %dot_general3A_161, %add3A_165 : vector<64x128xf32>
      %swap3A_167 = arith.constant 0 : index
      %swap3A_168 = arith.constant 0 : index
      %swap3A_169 = vector.load %arg13[%swap3A_167, %swap3A_168] : memref<64x128xf32, #tpu.memory_space<vmem>>, vector<64x128xf32>
      tpu.vector_store %arg13[%swap3A_167, %swap3A_168], %add3A_166 {strides = array<i32>} : memref<64x128xf32, #tpu.memory_space<vmem>>, vector<64x128xf32>,
    } else {
    }
    return
  }
  func.func @transform_0(%arg0: i32) -> (i32, i32, i32) {
    %c0_i32 = arith.constant 0 : i32
    %c0_i32_0 = arith.constant 0 : i32
    %c0_i32_1 = arith.constant 0 : i32
    return %c0_i32, %arg0, %c0_i32_0 : i32, i32, i32
  }
  func.func @transform_1(%arg0: i32) -> (i32, i32, i32) {
    %c0_i32 = arith.constant 0 : i32
    %c0_i32_0 = arith.constant 0 : i32
    %c0_i32_1 = arith.constant 0 : i32
    return %c0_i32, %arg0, %c0_i32_0 : i32, i32, i32
  }
  func.func @transform_2(%arg0: i32) -> (i32, i32) {
    %c0_i32 = arith.constant 0 : i32
    %c0_i32_0 = arith.constant 0 : i32
    return %arg0, %c0_i32 : i32, i32
  }
  func.func @transform_3(%arg0: i32) -> (i32, i32) {
    %c0_i32 = arith.constant 0 : i32
    %c0_i32_0 = arith.constant 0 : i32
    return %arg0, %c0_i32 : i32, i32
  }
  func.func @transform_4(%arg0: i32) -> (i32, i32, i32) {
    %c0_i32 = arith.constant 0 : i32
    %c0_i32_0 = arith.constant 0 : i32
    %c0_i32_1 = arith.constant 0 : i32
    %c0_i32_2 = arith.constant 0 : i32
    return %c0_i32, %c0_i32_0, %c0_i32_1 : i32, i32, i32
  }
  func.func @transform_5(%arg0: i32) -> (i32, i32) {
    %c0_i32 = arith.constant 0 : i32
    %c0_i32_0 = arith.constant 0 : i32
    %c0_i32_1 = arith.constant 0 : i32
    return %c0_i32, %c0_i32_0 : i32, i32
  }
  func.func @transform_6(%arg0: i32) -> (i32, i32) {
    %c0_i32 = arith.constant 0 : i32
    %c0_i32_0 = arith.constant 0 : i32
    %c0_i32_1 = arith.constant 0 : i32
    return %c0_i32, %c0_i32_0 : i32, i32
  }
  func.func @transform_7(%arg0: i32) -> (i32, i32) {
    %c0_i32 = arith.constant 0 : i32
    %c0_i32_0 = arith.constant 0 : i32
    %c0_i32_1 = arith.constant 0 : i32
    return %c0_i32, %c0_i32_0 : i32, i32
  }
  func.func @transform_8(%arg0: i32) -> (i32, i32) {
    %c0_i32 = arith.constant 0 : i32
    %c0_i32_0 = arith.constant 0 : i32
    %c0_i32_1 = arith.constant 0 : i32
    return %c0_i32, %c0_i32_0 : i32, i32
  }
  func.func @transform_9(%arg0: i32) -> (i32, i32) {
    %c0_i32 = arith.constant 0 : i32
    %c0_i32_0 = arith.constant 0 : i32
    %c0_i32_1 = arith.constant 0 : i32
    return %c0_i32, %c0_i32_0 : i32, i32
  }
  func.func @transform_10(%arg0: i32) -> (i32, i32) {
    %c0_i32 = arith.constant 0 : i32
    %c0_i32_0 = arith.constant 0 : i32
    %c0_i32_1 = arith.constant 0 : i32
    return %c0_i32, %c0_i32_0 : i32, i32
  }
  func.func @transform_11(%arg0: i32) -> (i32, i32) {
    %c0_i32 = arith.constant 0 : i32
    %c0_i32_0 = arith.constant 0 : i32
    %c0_i32_1 = arith.constant 0 : i32
    return %c0_i32, %c0_i32_0 : i32, i32
  }
  func.func @transform_12(%arg0: i32) -> (i32, i32) {
    %c0_i32 = arith.constant 0 : i32
    %c0_i32_0 = arith.constant 0 : i32
    %c0_i32_1 = arith.constant 0 : i32
    return %c0_i32, %c0_i32_0 : i32, i32
  }
}

</mosaic_0001>

<sc_bundles>
// kernel: kernel.11.cloned.1.call-start
scs
__scs_entry_jumppad:
0x0: {  	(pc) =	sbr.rel $0x88, $3  }
0x1: {  	(tag) =	ssettag $0x0;
	lr =	simm.s32 $0x1  }
0x2: {  	[smem:$0x3F94] =	sst lr;
	_ =	strace $0xD0000000  }
0x3: {  	_ = 	snop  }
0x4: {  	_ = 	snop  }
0x5: {  	_ = 	snop  }
0x6: {  	_ = 	snop  }
0x7: {  	_ = 	snop  }
__scs_overlays_trampoline_lowered:
0x8: {  	[smem:$0x3FA3] =	sst s0  }
0x9: {  	[smem:$0x3FA4] =	sst s1  }
0xa: {  	[smem:$0x3FA5] =	sst s2  }
0xb: {  	[smem:$0x3FA6] =	sst s3  }
0xc: {  	[smem:$0x3FA7] =	sst s4  }
0xd: {  	[smem:$0x3FA8] =	sst s5  }
0xe: {  	[smem:$0x3FA9] =	sst s6  }
0xf: {  	[smem:$0x3FAA] =	sst s7  }
0x10: {  	[smem:$0x3FAB] =	sst s8  }
0x11: {  	[smem:$0x3FAC] =	sst s9;
	s0 =	simm.s32 @!p0 $0x0  }
0x12: {  	s1 =	sld [smem:$0x3F92];
	s0 =	simm.s32 @p0 $0x1  }
0x13: {  	[smem:$0x3FAD] =	sst s0;
	s0 =	simm.s32 @!p1 $0x0  }
0x14: {  	s2 =	sld [smem:$0x3F91];
	s0 =	simm.s32 @p1 $0x1  }
0x15: {  	[smem:$0x3FAE] =	sst s0;
	s0 =	simm.s32 @!p2 $0x0  }
0x16: {  	s3 =	sld [smem:$0x3FDB];
	s0 =	simm.s32 @p2 $0x1  }
0x17: {  	s4 =	simm.s32 $0x1BF5;
	[smem:$0x3FB0] =	sst s0  }
0x18: {  	s0 =	sld [smem:$0x3F93];
	_ =	swait.ge [sflag:s4], $0x0  }
0x19: {  	s7 =	sld [smem:$0x3F94]  }
0x1a: {  	s8 =	sadd.s32 $0xFFFFE003, lr  }
0x1b: {  	s9 =	sadd.s32 $0xFFFFFEF7, lr;
	s5 =	simm.s32 $0xFFFFFFFF;
	p2 =	slt.u32 s8, $0xFFFFF086  }
0x1c: {  	p1 =	slt.u32 s9, $0xF7A;
	s5 =	simm.s32 @!p2 $0x0  }
0x1d: {  	s5 =	simm.s32 @p1 $0x1;
	p0 =	seq.s32 s7, s2  }
0x1e: {  	s7 =	smul.u32 @!p0 $0xF7A, s2;
	p2 =	seq.s32 @!p0 s5, $0x0  }
0x1f: {  	s9 =	smul.u32 $0xF7A, s1;
	s8 =	simm.s32 @!p0 $0x1BF5;
	p2 =	por !p2, p0  }
0x20: {  	[sflag:s8] =	ssyncset.s32 @!p0 $0xFFFFF086;
	s6 =	sadd.s32 @!p0 s3, s7;
	s7 =	simm.s32 @!p0 $0x108  }
0x21: {  	s3 =	sadd.s32 s3, s9;
	s6 =	sadd.s32 @!p0 $0x88, s6;
	s7 =	simm.s32 @p2 $0x1082  }
0x22: {  	[simem:s7], [sflag:s8] =	dma.local @!p0 [hbm:s6], $0xF7A  }
0x23: {  	s9 =	sor.u32 $0xD0000000, s2;
	s6 =	simm.s32 $0x108;
	_ =	swait.ge @!p0 [sflag:s8], $0x0  }
0x24: {  	s3 =	sadd.s32 $0x88, s3;
	s6 =	simm.s32 @!p1 $0x1082;
	[sflag:s4] =	ssyncset.s32 $0xFFFFF086  }
0x25: {  	[simem:s6], [sflag:s4] =	dma.local [hbm:s3], $0xF7A  }
0x26: {  	[smem:$0x3F94] =	sst s1;
	(tag) =	ssettag s2;
	_ =	strace s9  }
0x27: {  	s1 =	sld [smem:$0x3FA4]  }
0x28: {  	s2 =	sld [smem:$0x3FA5]  }
0x29: {  	s4 =	sld [smem:$0x3FA7]  }
0x2a: {  	p0 =	seq.s32 s5, $0x0;
	s5 =	sld [smem:$0x3FA8]  }
0x2b: {  	s6 =	sld [smem:$0x3FA9]  }
0x2c: {  	s7 =	sld [smem:$0x3FAA]  }
0x2d: {  	s3 =	simm.s32 $0x108;
	s8 =	sld [smem:$0x3FAB]  }
0x2e: {  	s3 =	simm.s32 @!p0 $0x1082;
	s9 =	sld [smem:$0x3FAC]  }
0x2f: {  	lr =	sadd.s32 s0, s3;
	s0 =	sld [smem:$0x3FA3]  }
0x30: {  	s3 =	sld [smem:$0x3FA6]  }
0x31: {  	[smem:$0x3FAF] =	sst s10  }
0x32: {  	s10 =	sld [smem:$0x3FAD];
	_ =	sdelay $0x3  }
0x33: {  	p0 =	seq.s32 s10, $0x1;
	s10 =	sld [smem:$0x3FAF];
	_ =	sdelay $0x3  }
0x34: {  	[smem:$0x3FAF] =	sst s10  }
0x35: {  	s10 =	sld [smem:$0x3FAE];
	_ =	sdelay $0x3  }
0x36: {  	p1 =	seq.s32 s10, $0x1;
	s10 =	sld [smem:$0x3FAF];
	_ =	sdelay $0x3  }
0x37: {  	[smem:$0x3FAF] =	sst s10  }
0x38: {  	s10 =	sld [smem:$0x3FB0]  }
0x39: {  	_ = 	snop;
	(pc) =	sbr.ind lr, $3  }
0x3a: {  	_ = 	snop  }
0x3b: {  	_ = 	snop  }
0x3c: {  	p2 =	seq.s32 s10, $0x1;
	s10 =	sld [smem:$0x3FAF]  }
0x3d: {  	_ =	shalt  }
0x3e: {  	_ =	shalt  }
0x3f: {  	_ =	shalt  }
0x40: {  	_ =	shalt  }
0x41: {  	_ =	shalt  }
0x42: {  	_ =	shalt  }
0x43: {  	_ =	shalt  }
0x44: {  	_ =	shalt  }
0x45: {  	_ =	shalt  }
0x46: {  	_ =	shalt  }
0x47: {  	_ =	shalt  }
0x48: {  	_ =	shalt  }
0x49: {  	_ =	shalt  }
0x4a: {  	_ =	shalt  }
0x4b: {  	_ =	shalt  }
0x4c: {  	_ =	shalt  }
0x4d: {  	_ =	shalt  }
0x4e: {  	_ =	shalt  }
0x4f: {  	_ =	shalt  }
0x50: {  	_ =	shalt  }
0x51: {  	_ =	shalt  }
0x52: {  	_ =	shalt  }
0x53: {  	_ =	shalt  }
0x54: {  	_ =	shalt  }
0x55: {  	_ =	shalt  }
0x56: {  	_ =	shalt  }
0x57: {  	_ =	shalt  }
0x58: {  	_ =	shalt  }
0x59: {  	_ =	shalt  }
0x5a: {  	_ =	shalt  }
0x5b: {  	_ =	shalt  }
0x5c: {  	_ =	shalt  }
0x5d: {  	_ =	shalt  }
0x5e: {  	_ =	shalt  }
0x5f: {  	_ =	shalt  }
0x60: {  	_ =	shalt  }
0x61: {  	_ =	shalt  }
0x62: {  	_ =	shalt  }
0x63: {  	_ =	shalt  }
0x64: {  	_ =	shalt  }
0x65: {  	_ =	shalt  }
0x66: {  	_ =	shalt  }
0x67: {  	_ =	shalt  }
0x68: {  	_ =	shalt  }
0x69: {  	_ =	shalt  }
0x6a: {  	_ =	shalt  }
0x6b: {  	_ =	shalt  }
0x6c: {  	_ =	shalt  }
0x6d: {  	_ =	shalt  }
0x6e: {  	_ =	shalt  }
0x6f: {  	_ =	shalt  }
0x70: {  	_ =	shalt  }
0x71: {  	_ =	shalt  }
0x72: {  	_ =	shalt  }
0x73: {  	_ =	shalt  }
0x74: {  	_ =	shalt  }
0x75: {  	_ =	shalt  }
0x76: {  	_ =	shalt  }
0x77: {  	_ =	shalt  }
0x78: {  	_ =	shalt  }
0x79: {  	_ =	shalt  }
0x7a: {  	_ =	shalt  }
0x7b: {  	_ =	shalt  }
0x7c: {  	_ =	shalt  }
0x7d: {  	_ =	shalt  }
0x7e: {  	_ =	shalt  }
0x7f: {  	_ =	shalt  }
0x80: {  	_ =	shalt  }
0x81: {  	_ =	shalt  }
0x82: {  	_ =	shalt  }
0x83: {  	_ =	shalt  }
0x84: {  	_ =	shalt  }
0x85: {  	_ =	shalt  }
0x86: {  	_ =	shalt  }
0x87: {  	_ =	shalt  }
.Lfunc_end0:
.L_simem_size_0:
called_computation.1_lowered:
.L_overlay_start_0:
0x88: {  	s2 =	sld [smem:$0x3FD9]  }
0x89: {  	s3 =	sld [smem:$0x3FFE];
	_ =	sdelay $0x1  }
0x8a: {  	s1 =	srdreg.scid  }
0x8b: {  	s0 =	sand.u32 $0x1, s1  }
0x8c: {  	s16 =	sshll.u32 s0, $0xA;
	s2 =	sadd.s32 s3, s2  }
0x8d: {  	s2 =	sadd.s32 s2, s16  }
0x8e: {  	[smem:$0x3FBB] =	sst s2  }
0x8f: {  	_ = 	snop  }
0x90: {  	(tm) =	ssettm $0x1  }
0x91: {  	s17 =	sld [smem:$0x3FFB];
	_ =	sdelay $0x3  }
0x92: {  	_ =	strace s17  }
0x93: {  	s2 =	sld [smem:$0x3FFC];
	_ =	sdelay $0x3  }
0x94: {  	_ =	strace s2  }
0x95: {  	s2 =	sld [smem:$0x3FFD];
	_ =	sdelay $0x3  }
0x96: {  	_ =	strace s2  }
0x97: {  	_ =	strace $0x8FFFFFFF  }
0x98: {  	s18 =	sld [smem:$0x3FDB];
	_ =	sdelay $0x1  }
0x99: {  	s19 =	simm.s32 $_scs_section_size  }
0x9a: {  	s4 =	simm.s32 $_size__tile_overlayer_lowered;
	s5 =	simm.s32 $_tile_overlayer_lowered  }
0x9b: {  	s22 =	simm.s32 $0x1BFF;
	s21 =	sshll.u32 s5, $0x1;
	s2 =	sadd.s32 s19, s18  }
0x9c: {  	s6 =	simm.s32 $0x0;
	s20 =	sshll.u32 s4, $0x1;
	s4 =	sadd.s32 s21, s2  }
0x9d: {  	[timem:s6], [sflag:s22] =	dma.local [hbm:s4], s20  }
0x9e: {  	_ =	swait.ge [sflag:s22], s20  }
0x9f: {  	s3 =	ssub.s32 $0x0, s20;
	[sflag:s22] =	ssyncset.done $0x0  }
0xa0: {  	[sflag:s22] =	ssyncadd.s32 s3;
	_ =	sdelay $0x1  }
0xa1: {  	s23 =	simm.s32 $0x1B8B  }
0xa2: {  	_ =	swait.ge [sflag:s23], $0x1  }
0xa3: {  	[sflag:s23] =	ssyncset.done $0x0  }
0xa4: {  	s25 =	simm.s32 $0x1B8E;
	s24 =	sld [smem:$0x3FFE];
	[sflag:s23] =	ssyncadd.s32 $0xFFFFFFFF  }
0xa5: {  	s26 =	simm.s32 $execute0_lowered;
	[smem:$0x3FD2] =	sst s25  }
0xa6: {  	s4 =	sshll.u32 s26, $0x1;
	_ =	strace $0x80000049;
	[dreg:$0x1] =	wrdreg $0xFFFFFFFF  }
0xa7: {  	s28 =	simm.s32 $_size_execute0_lowered;
	s2 =	sadd.s32 s2, s4;
	[dreg:$0x0] =	wrdreg $0x0  }
0xa8: {  	s4 =	sshll.u32 s28, $0x1;
	[dreg:$0x2] =	wrdreg s2  }
0xa9: {  	[dreg:$0x3] =	wrdreg s4  }
0xaa: {  	[dreg:$0x4] =	wrdreg $0xC0  }
0xab: {  	_ =	task [dreg:s6], $0x5FFFF  }
0xac: {  	[dreg:$0x1] =	wrdreg $0xFFFFFFFF  }
0xad: {  	[dreg:$0x0] =	wrdreg $0x60  }
0xae: {  	[dreg:$0x2] =	wrdreg s24  }
0xaf: {  	[dreg:$0x3] =	wrdreg $0xA8000  }
0xb0: {  	[dreg:$0x4] =	wrdreg $0x9  }
0xb1: {  	_ =	task.clear_ibuf [dreg:s6], $0x5FFFF;
	_ =	strace $0x90000049  }
0xb2: {  	s29 =	simm.s32 $0x9;
	_ =	strace $0x8000004B  }
0xb3: {  	_ =	swait.ge [sflag:s29], $0x1  }
0xb4: {  	[sflag:s29] =	ssyncadd.s32 $0xFFFFFFFF  }
0xb5: {  	_ =	strace $0x9000004B  }
0xb6: {  	_ =	sfence  }
0xb7: {  	s30 =	sld [smem:$0x0];
	_ =	sdelay $0x2  }
0xb8: {  	s31 =	sshll.u32 s1, $0xD;
	s1 =	sshrl.u32 s1, $0x2  }
0xb9: {  	s3 =	sand.u32 $0x4000, s31;
	s1 =	sadd.s32 s1, s30  }
0xba: {  	s0 =	sor.u32 s3, s0;
	s1 =	sshll.u32 s1, $0x11  }
0xbb: {  	s0 =	sor.u32 s1, s0  }
0xbc: {  	s0 =	sadd.s32 $0x8F2B, s0  }
0xbd: {  	[sflag:s0] =	ssyncadd.remote.s32 $0x1  }
0xbe: {  	_ =	sfence.sel $0xFFFF  }
0xbf: {  	[dreg:$0x0] =	wrdreg $0xFFFFFFFF;
	(pc) =	sbr.abs _section_cstart, $3  }
0xc0: {  	[dreg:$0x1] =	wrdreg $0xFFFFFFFF  }
0xc1: {  	_ =	task.clear_ibuf [dreg:s6], $0x2FFFF;
	_ =	strace $0x9FFFFFFF  }
0xc2: {  	(tm) =	ssettm $0x7FFFFFFF  }
0xc3: {  	_ =	shalt  }
tec
execute0_lowered:
.L_overlay_start_1:
0x0: {  	(tag) =	ssettag $0x1  }
0x1: {  	s0 =	rddreg [dreg:$0x0]  }
0x2: {  	s1 =	rddreg [dreg:$0x1]  }
0x3: {  	s2 =	simm.s32 $0x0;
	s3 =	srdreg.scid;
	s29 =	stileid.u32  }
0x4: {  	s17 =	simm.s32 $0x3;
	s18 =	simm.s32 $0x1400;
	s19 =	simm.s32 $0x7D  }
0x5: {  	s20 =	simm.s32 $0x1;
	s21 =	simm.s32 $0x80;
	s22 =	simm.s32 $0x6800  }
0x6: {  	s23 =	simm.s32 $0x2;
	s25 =	simm.s32 $0x2780;
	s6 =	smul.u32 $0x50000, s29  }
0x7: {  	s26 =	simm.s32 $0x0;
	[smem:$0x7FF] =	sst s2;
	s9 =	smul.u32 $0x1400, s29  }
0x8: {  	s4 =	sand.u32 $0x1, s3;
	s13 =	sadd.s32 $0x7A00, s0;
	s11 =	smul.u32 $0x280, s29  }
0x9: {  	s14 =	sadd.s32 $0x2000, s0;
	s5 =	smul.u32 $0x28000, s4;
	s4 =	ssub.s32 $0x2, s4  }
0xa: {  	s24 =	smul.u32 $0x2800, s29;
	_ =	strace $0x8000004A;
	s30 =	sshrl.u32 s4, $0x1  }
0xb: {  	s6 =	sshrl.u32 s6, $0x2;
	s12 =	sshrl.u32 s9, $0x3;
	s10 =	sadd.s32 s13, s11  }
0xc: {  	s11 =	sadd.s32 s14, s11;
	s15 =	ssub.s32 s4, s30;
	s4 =	sadd.s32 s6, s1  }
0xd: {  	s0 =	sadd.s32 s5, s0;
	s16 =	sadd.s32 $0x2800, s12;
	s31 =	sadd.s32 $0x3E80, s4  }
0xe: {  	s6 =	sadd.s32 $0x7D00, s4;
	s7 =	sadd.s32 $0xBB80, s4;
	s8 =	sadd.s32 $0xFA00, s4  }
0xf: {  	s9 =	sadd.s32 $0x13880, s4;
	s12 =	sadd.s32 $0xCA00, s0;
	s13 =	sadd.s32 s13, s16  }
0x10: {  	s14 =	sadd.s32 s14, s16;
	s0 =	sadd.s32 $0x5CA00, s0;
	s15 =	smax.u32 s15, $0x1  }
0x11: {  	v0 =	vimm.f32 $0.0e+00;
	s16 =	simm.s32 $0x2800;
	[dreg:$0x3] =	wrdreg s31;
	s24 =	sadd.s32 s24, s0  }
.LBB2_1:
0x12: {  	s28 =	simm.s32 $0x0;
	s29 =	simm.s32 $0x200  }
.LBB2_2:
0x13: {  	p0 =	sne.s32 s29, $0xF800;
	[tilespmem:s28+$0x2870] =	vst v0  }
0x14: {  	[tilespmem:s28+$0x2800] =	vst v0  }
0x15: {  	[tilespmem:s28+$0x2810] =	vst v0  }
.Ltmp0:
0x16: {  	[tilespmem:s28+$0x2820] =	vst v0;
	(pc) =	sbr.rel @p0 .LBB2_2-.Ltmp0, $4  }
0x17: {  	[tilespmem:s28+$0x2830] =	vst v0  }
0x18: {  	[tilespmem:s28+$0x2840] =	vst v0  }
0x19: {  	[tilespmem:s28+$0x2850] =	vst v0  }
0x1a: {  	[tilespmem:s28+$0x2860] =	vst v0;
	s28 =	sshra.s32 s29, $0x2;
	s29 =	sadd.s32 $0x200, s29  }
0x1b: {  	[tilespmem:s28+$0x2870] =	vst v0  }
0x1c: {  	[tilespmem:s28+$0x2800] =	vst v0  }
0x1d: {  	[tilespmem:s28+$0x2810] =	vst v0  }
0x1e: {  	[tilespmem:s28+$0x2820] =	vst v0  }
0x1f: {  	[tilespmem:s28+$0x2830] =	vst v0  }
0x20: {  	[tilespmem:s28+$0x2840] =	vst v0  }
0x21: {  	[tilespmem:s28+$0x2850] =	vst v0  }
0x22: {  	[tilespmem:s28+$0x2860] =	vst v0  }
0x23: {  	[spmem:s4] =	stream.linear.scatter [tilespmem:s16], [sflag:$0x3], $0x3E80, $0x38;
	[tilespmem:$0x1E800] =	vst v63  }
0x24: {  	_ =	swait.ge [sflag:s17], $0x3E80  }
0x25: {  	[sflag:s17] =	ssyncset.done $0x0  }
0x26: {  	s0 =	rddreg [dreg:$0x3];
	[sflag:s17] =	ssyncadd.s32 $0xFFFFC180  }
0x27: {  	[spmem:s0] =	stream.linear.scatter [tilespmem:s16], [sflag:$0x3], $0x3E80, $0x38;
	[tilespmem:$0x1E800] =	vst v63  }
0x28: {  	_ =	swait.ge [sflag:s17], $0x3E80  }
0x29: {  	[sflag:s17] =	ssyncset.done $0x0  }
0x2a: {  	[sflag:s17] =	ssyncadd.s32 $0xFFFFC180  }
0x2b: {  	[spmem:s6] =	stream.linear.scatter [tilespmem:s16], [sflag:$0x3], $0x3E80, $0x38;
	[tilespmem:$0x1E800] =	vst v63  }
0x2c: {  	_ =	swait.ge [sflag:s17], $0x3E80  }
0x2d: {  	[sflag:s17] =	ssyncset.done $0x0  }
0x2e: {  	[sflag:s17] =	ssyncadd.s32 $0xFFFFC180  }
0x2f: {  	[spmem:s7] =	stream.linear.scatter [tilespmem:s16], [sflag:$0x3], $0x3E80, $0x38;
	[tilespmem:$0x1E800] =	vst v63  }
0x30: {  	_ =	swait.ge [sflag:s17], $0x3E80  }
0x31: {  	[sflag:s17] =	ssyncset.done $0x0  }
0x32: {  	[sflag:s17] =	ssyncadd.s32 $0xFFFFC180  }
0x33: {  	[spmem:s8] =	stream.linear.scatter [tilespmem:s16], [sflag:$0x3], $0x3E80, $0x38;
	[tilespmem:$0x1E800] =	vst v63  }
0x34: {  	_ =	swait.ge [sflag:s17], $0x3E80  }
0x35: {  	[sflag:s17] =	ssyncset.done $0x0  }
0x36: {  	[sflag:s17] =	ssyncadd.s32 $0xFFFFC180  }
0x37: {  	[spmem:s9] =	stream.linear.scatter [tilespmem:s16], [sflag:$0x3], $0x780, $0x38;
	[tilespmem:$0x1E800] =	vst v63  }
0x38: {  	_ =	swait.ge [sflag:s17], $0x780  }
0x39: {  	[sflag:s17] =	ssyncset.done $0x0  }
0x3a: {  	[sflag:s17] =	ssyncadd.s32 $0xFFFFF880  }
0x3b: {  	[bflag:$0x0] =	sbarrier.arrive $0xFFFF  }
0x3c: {  	[tilespmem:s2], [sflag:$0x3] =	stream.linear.gather [hbm4b:s10+s2], $0x1400, $0x38;
	[tilespmem:$0x1E800] =	vst v63  }
0x3d: {  	_ =	swait.ge [sflag:s17], $0x1400  }
0x3e: {  	[sflag:s17] =	ssyncset.done $0x0  }
0x3f: {  	[sflag:s17] =	ssyncadd.s32 $0xFFFFEC00  }
0x40: {  	[tilespmem:s18], [sflag:$0x3] =	stream.linear.gather [hbm4b:s11+s2], $0x1400, $0x38;
	[tilespmem:$0x1E800] =	vst v63  }
0x41: {  	_ =	swait.ge [sflag:s17], $0x1400  }
0x42: {  	[sflag:s17] =	ssyncset.done $0x0  }
0x43: {  	[sflag:s17] =	ssyncadd.s32 $0xFFFFEC00  }
0x44: {  	[tilespmem:s16], [sflag:$0x1] =	stream.indirect.gather [hbm4b:s12+s19], $0x80, s2, s19, $0xb8;
	[tilespmem:$0x1E800] =	vst v63  }
0x45: {  	_ =	swait.ge [sflag:s20], $0x3E80  }
0x46: {  	[sflag:s20] =	ssyncset.done $0x0  }
0x47: {  	[sflag:s20] =	ssyncadd.s32 $0xFFFFC180  }
0x48: {  	[spmem:s1] =	stream.indirect.scatter.add.f32 [tilespmem:s16], [sflag:$0x2], $0x80, s18, s19, $0xb8;
	[tilespmem:$0x1E800] =	vst v63  }
0x49: {  	_ = 	snop  }
0x4a: {  	[tilespmem:s22], [sflag:$0x1] =	stream.indirect.gather [hbm4b:s12+s19], $0x80, s21, s19, $0xb8;
	[tilespmem:$0x1E800] =	vst v63  }
0x4b: {  	_ =	swait.ge [sflag:s20], $0x3E80  }
0x4c: {  	[sflag:s20] =	ssyncset.done $0x0  }
0x4d: {  	s3 =	simm.s32 $0x10000;
	s30 =	simm.s32 $0x20000;
	[sflag:s20] =	ssyncadd.s32 $0xFFFFC180  }
0x4e: {  	s28 =	simm.s32 $0x1480;
	s0 =	sand.u32 $0x10000, s3;
	_ =	swait.ge [sflag:s23], $0x3E80  }
0x4f: {  	s29 =	simm.s32 $0x100;
	s0 =	sshrl.u32 s0, $0x2;
	[sflag:s23] =	ssyncset.done $0x0  }
0x50: {  	s5 =	sand.u32 $0x10000, s30;
	s0 =	sor.u32 $0x2800, s0;
	[sflag:s23] =	ssyncadd.s32 $0xFFFFC180  }
0x51: {  	[spmem:s1] =	stream.indirect.scatter.add.f32 [tilespmem:s0], [sflag:$0x2], $0x80, s28, s19, $0xb8;
	[tilespmem:$0x1E800] =	vst v63  }
0x52: {  	s31 =	simm.s32 $0x100;
	s30 =	simm.s32 $0x30000;
	s0 =	sshrl.u32 s5, $0x2  }
.LBB2_4:
0x53: {  	s0 =	sor.u32 $0x2800, s0  }
0x54: {  	s29 =	sadd.s32 $0x80, s29;
	s28 =	sadd.s32 $0x80, s28;
	s3 =	smov.u32 s30  }
0x55: {  	[tilespmem:s0], [sflag:$0x1] =	stream.indirect.gather [hbm4b:s12+s19], $0x80, s31, s19, $0xb8;
	[tilespmem:$0x1E800] =	vst v63  }
0x56: {  	p0 =	sne.s32 s30, $0x270000;
	s30 =	sadd.s32 $0x10000, s30;
	_ =	swait.ge [sflag:s20], $0x3E80  }
0x57: {  	s0 =	sadd.s32 $0xFFFF0000, s3;
	s31 =	smov.u32 s29;
	[sflag:s20] =	ssyncset.done $0x0  }
.Ltmp1:
0x58: {  	s0 =	sand.u32 $0x10000, s0;
	[sflag:s20] =	ssyncadd.s32 $0xFFFFC180;
	(pc) =	sbr.rel @p0 .LBB2_4-.Ltmp1, $4  }
0x59: {  	s0 =	sshrl.u32 s0, $0x2;
	_ =	swait.ge [sflag:s23], $0x3E80  }
0x5a: {  	s5 =	sor.u32 $0x2800, s0;
	s0 =	sand.u32 $0x10000, s3;
	[sflag:s23] =	ssyncset.done $0x0  }
0x5b: {  	s0 =	sshrl.u32 s0, $0x2;
	[sflag:s23] =	ssyncadd.s32 $0xFFFFC180  }
0x5c: {  	[spmem:s1] =	stream.indirect.scatter.add.f32 [tilespmem:s5], [sflag:$0x2], $0x80, s28, s19, $0xb8;
	[tilespmem:$0x1E800] =	vst v63  }
0x5d: {  	s0 =	sor.u32 $0x2800, s0  }
0x5e: {  	[tilespmem:s0], [sflag:$0x1] =	stream.indirect.gather [hbm4b:s12+s19], $0x80, s31, s19, $0xb8;
	[tilespmem:$0x1E800] =	vst v63  }
0x5f: {  	_ =	swait.ge [sflag:s20], $0x3E80  }
0x60: {  	[sflag:s20] =	ssyncset.done $0x0  }
0x61: {  	[sflag:s20] =	ssyncadd.s32 $0xFFFFC180  }
0x62: {  	_ =	swait.ge [sflag:s23], $0x3E80  }
0x63: {  	[sflag:s23] =	ssyncset.done $0x0  }
0x64: {  	[sflag:s23] =	ssyncadd.s32 $0xFFFFC180  }
0x65: {  	[spmem:s1] =	stream.indirect.scatter.add.f32 [tilespmem:s22], [sflag:$0x2], $0x80, s25, s19, $0xb8;
	[tilespmem:$0x1E800] =	vst v63  }
0x66: {  	_ =	swait.ge [sflag:s23], $0x3E80  }
0x67: {  	[sflag:s23] =	ssyncset.done $0x0  }
0x68: {  	[sflag:s23] =	ssyncadd.s32 $0xFFFFC180  }
0x69: {  	[tilespmem:s2], [sflag:$0x3] =	stream.linear.gather [hbm4b:s13+s2], $0x1400, $0x38;
	[tilespmem:$0x1E800] =	vst v63  }
0x6a: {  	_ =	swait.ge [sflag:s17], $0x1400  }
0x6b: {  	[sflag:s17] =	ssyncset.done $0x0  }
0x6c: {  	[sflag:s17] =	ssyncadd.s32 $0xFFFFEC00  }
0x6d: {  	[tilespmem:s18], [sflag:$0x3] =	stream.linear.gather [hbm4b:s14+s2], $0x1400, $0x38;
	[tilespmem:$0x1E800] =	vst v63  }
0x6e: {  	_ =	swait.ge [sflag:s17], $0x1400  }
0x6f: {  	[sflag:s17] =	ssyncset.done $0x0  }
0x70: {  	[sflag:s17] =	ssyncadd.s32 $0xFFFFEC00  }
0x71: {  	[tilespmem:s16], [sflag:$0x1] =	stream.indirect.gather [hbm4b:s12+s19], $0x80, s2, s19, $0xb8;
	[tilespmem:$0x1E800] =	vst v63  }
0x72: {  	_ =	swait.ge [sflag:s20], $0x3E80  }
0x73: {  	[sflag:s20] =	ssyncset.done $0x0  }
0x74: {  	[sflag:s20] =	ssyncadd.s32 $0xFFFFC180  }
0x75: {  	[spmem:s1] =	stream.indirect.scatter.add.f32 [tilespmem:s16], [sflag:$0x2], $0x80, s18, s19, $0xb8;
	[tilespmem:$0x1E800] =	vst v63  }
0x76: {  	_ = 	snop  }
0x77: {  	[tilespmem:s22], [sflag:$0x1] =	stream.indirect.gather [hbm4b:s12+s19], $0x80, s21, s19, $0xb8;
	[tilespmem:$0x1E800] =	vst v63  }
0x78: {  	_ =	swait.ge [sflag:s20], $0x3E80  }
0x79: {  	[sflag:s20] =	ssyncset.done $0x0  }
0x7a: {  	s3 =	simm.s32 $0x10000;
	s28 =	simm.s32 $0x1480;
	[sflag:s20] =	ssyncadd.s32 $0xFFFFC180  }
0x7b: {  	s29 =	simm.s32 $0x100;
	s0 =	sand.u32 $0x10000, s3;
	_ =	swait.ge [sflag:s23], $0x3E80  }
0x7c: {  	s3 =	simm.s32 $0x20000;
	s0 =	sshrl.u32 s0, $0x2;
	[sflag:s23] =	ssyncset.done $0x0  }
0x7d: {  	s5 =	sand.u32 $0x10000, s3;
	s0 =	sor.u32 $0x2800, s0;
	[sflag:s23] =	ssyncadd.s32 $0xFFFFC180  }
0x7e: {  	[spmem:s1] =	stream.indirect.scatter.add.f32 [tilespmem:s0], [sflag:$0x2], $0x80, s28, s19, $0xb8;
	[tilespmem:$0x1E800] =	vst v63  }
0x7f: {  	s30 =	simm.s32 $0x30000;
	s31 =	simm.s32 $0x100;
	s0 =	sshrl.u32 s5, $0x2  }
.LBB2_6:
0x80: {  	s0 =	sor.u32 $0x2800, s0  }
0x81: {  	s29 =	sadd.s32 $0x80, s29;
	s28 =	sadd.s32 $0x80, s28;
	s3 =	smov.u32 s30  }
0x82: {  	[tilespmem:s0], [sflag:$0x1] =	stream.indirect.gather [hbm4b:s12+s19], $0x80, s31, s19, $0xb8;
	[tilespmem:$0x1E800] =	vst v63  }
0x83: {  	p0 =	sne.s32 s30, $0x270000;
	s30 =	sadd.s32 $0x10000, s30;
	_ =	swait.ge [sflag:s20], $0x3E80  }
0x84: {  	s0 =	sadd.s32 $0xFFFF0000, s3;
	s31 =	smov.u32 s29;
	[sflag:s20] =	ssyncset.done $0x0  }
.Ltmp2:
0x85: {  	s0 =	sand.u32 $0x10000, s0;
	[sflag:s20] =	ssyncadd.s32 $0xFFFFC180;
	(pc) =	sbr.rel @p0 .LBB2_6-.Ltmp2, $4  }
0x86: {  	s0 =	sshrl.u32 s0, $0x2;
	_ =	swait.ge [sflag:s23], $0x3E80  }
0x87: {  	s5 =	sor.u32 $0x2800, s0;
	s0 =	sand.u32 $0x10000, s3;
	[sflag:s23] =	ssyncset.done $0x0  }
0x88: {  	s0 =	sshrl.u32 s0, $0x2;
	[sflag:s23] =	ssyncadd.s32 $0xFFFFC180  }
0x89: {  	[spmem:s1] =	stream.indirect.scatter.add.f32 [tilespmem:s5], [sflag:$0x2], $0x80, s28, s19, $0xb8;
	[tilespmem:$0x1E800] =	vst v63  }
0x8a: {  	s0 =	sor.u32 $0x2800, s0  }
0x8b: {  	[tilespmem:s0], [sflag:$0x1] =	stream.indirect.gather [hbm4b:s12+s19], $0x80, s31, s19, $0xb8;
	[tilespmem:$0x1E800] =	vst v63  }
0x8c: {  	_ =	swait.ge [sflag:s20], $0x3E80  }
0x8d: {  	[sflag:s20] =	ssyncset.done $0x0  }
0x8e: {  	[sflag:s20] =	ssyncadd.s32 $0xFFFFC180  }
0x8f: {  	_ =	swait.ge [sflag:s23], $0x3E80  }
0x90: {  	[sflag:s23] =	ssyncset.done $0x0  }
0x91: {  	[sflag:s23] =	ssyncadd.s32 $0xFFFFC180  }
0x92: {  	[spmem:s1] =	stream.indirect.scatter.add.f32 [tilespmem:s22], [sflag:$0x2], $0x80, s25, s19, $0xb8;
	[tilespmem:$0x1E800] =	vst v63  }
0x93: {  	s3 =	sshrl.u32 s4, $0x3;
	_ =	swait.ge [sflag:s23], $0x3E80  }
0x94: {  	s26 =	sadd.s32 $0x1, s26;
	s31 =	stileid.u32;
	[sflag:s23] =	ssyncset.done $0x0  }
0x95: {  	p0 =	sne.s32 s26, s15;
	s0 =	sshll.u32 s31, $0x6;
	[sflag:s23] =	ssyncadd.s32 $0xFFFFC180  }
.Ltmp3:
0x96: {  	s0 =	sor.u32 $0x1C03, s0;
	[bflag:$0x0] =	sbarrier.arrive $0xFFFF;
	(pc) =	sbr.rel @p0 .LBB2_1-.Ltmp3, $4  }
0x97: {  	[hbm:s24], [sflag:s0] =	dma.local [spmem:s3], $0x2800  }
0x98: {  	_ =	swait.ge [sflag:s17], $0x2800  }
0x99: {  	[sflag:s17] =	ssyncset.done $0x0  }
0x9a: {  	[sflag:s17] =	ssyncadd.s32 $0xFFFFD800  }
0x9b: {  	_ =	sfence.sel $0x180000  }
0x9c: {  	[bflag:$0x0] =	sbarrier.arrive $0xFFFF  }
0x9d: {  	_ =	strace $0x9000004A  }
0x9e: {  	s0 =	stileid.u32;
	[bflag:$0x2] =	sbarrier.arrive $0xFFFF  }
0x9f: {  	p0 =	sne.s32 s0, $0x0;
	s0 =	rddreg [dreg:$0x2]  }
0xa0: {  	s0 =	sadd.s32 @!p0 $0x100000, s0  }
0xa1: {  	[sflag:s0] =	ssyncadd.tile.s32 @!p0 $0x1;
	_ =	shalt  }
.Lfunc_end2:
_tile_overlayer_lowered:
.L_overlay_start_2:
0xa2: {  	(tag) =	ssettag $0x2  }
0xa3: {  	s0 =	rddreg [dreg:$0x0];
	s2 =	stileid.u32  }
0xa4: {  	s1 =	rddreg [dreg:$0x1];
	p0 =	sne.s32 s2, $0x0  }
0xa5: {  	s3 =	rddreg [dreg:$0x2];
	[bflag:$0x3] =	sbarrier.arrive $0xFFFF;
	s2 =	simm.s32 @!p0 $0x1C03  }
0xa6: {  	[timem:s3], [sflag:s2] =	dma.local @!p0 [hbm:s0], s1  }
0xa7: {  	s0 =	simm.s32 @!p0 $0x3  }
0xa8: {  	_ =	swait.ge @!p0 [sflag:s0], s1  }
0xa9: {  	s1 =	ssub.s32 @!p0 $0x0, s1;
	[sflag:s0] =	ssyncset.done @!p0 $0x0  }
0xaa: {  	[sflag:s0] =	ssyncadd.s32 @!p0 s1  }
0xab: {  	[bflag:$0x3] =	sbarrier.arrive $0xFFFF  }
0xac: {  	_ =	shalt  }

// kernel: kernel.14.cloned.1.call-start
scs
__scs_entry_jumppad:
0x0: {  	(pc) =	sbr.rel $0x88, $3  }
0x1: {  	(tag) =	ssettag $0x0;
	lr =	simm.s32 $0x1  }
0x2: {  	[smem:$0x3F94] =	sst lr;
	_ =	strace $0xD0000000  }
0x3: {  	_ = 	snop  }
0x4: {  	_ = 	snop  }
0x5: {  	_ = 	snop  }
0x6: {  	_ = 	snop  }
0x7: {  	_ = 	snop  }
__scs_overlays_trampoline_lowered:
0x8: {  	[smem:$0x3FA3] =	sst s0  }
0x9: {  	[smem:$0x3FA4] =	sst s1  }
0xa: {  	[smem:$0x3FA5] =	sst s2  }
0xb: {  	[smem:$0x3FA6] =	sst s3  }
0xc: {  	[smem:$0x3FA7] =	sst s4  }
0xd: {  	[smem:$0x3FA8] =	sst s5  }
0xe: {  	[smem:$0x3FA9] =	sst s6  }
0xf: {  	[smem:$0x3FAA] =	sst s7  }
0x10: {  	[smem:$0x3FAB] =	sst s8  }
0x11: {  	[smem:$0x3FAC] =	sst s9;
	s0 =	simm.s32 @!p0 $0x0  }
0x12: {  	s1 =	sld [smem:$0x3F92];
	s0 =	simm.s32 @p0 $0x1  }
0x13: {  	[smem:$0x3FAD] =	sst s0;
	s0 =	simm.s32 @!p1 $0x0  }
0x14: {  	s2 =	sld [smem:$0x3F91];
	s0 =	simm.s32 @p1 $0x1  }
0x15: {  	[smem:$0x3FAE] =	sst s0;
	s0 =	simm.s32 @!p2 $0x0  }
0x16: {  	s3 =	sld [smem:$0x3FDB];
	s0 =	simm.s32 @p2 $0x1  }
0x17: {  	s4 =	simm.s32 $0x1BF5;
	[smem:$0x3FB0] =	sst s0  }
0x18: {  	s0 =	sld [smem:$0x3F93];
	_ =	swait.ge [sflag:s4], $0x0  }
0x19: {  	s7 =	sld [smem:$0x3F94]  }
0x1a: {  	s8 =	sadd.s32 $0xFFFFE003, lr  }
0x1b: {  	s9 =	sadd.s32 $0xFFFFFEF7, lr;
	s5 =	simm.s32 $0xFFFFFFFF;
	p2 =	slt.u32 s8, $0xFFFFF086  }
0x1c: {  	p1 =	slt.u32 s9, $0xF7A;
	s5 =	simm.s32 @!p2 $0x0  }
0x1d: {  	s5 =	simm.s32 @p1 $0x1;
	p0 =	seq.s32 s7, s2  }
0x1e: {  	s7 =	smul.u32 @!p0 $0xF7A, s2;
	p2 =	seq.s32 @!p0 s5, $0x0  }
0x1f: {  	s9 =	smul.u32 $0xF7A, s1;
	s8 =	simm.s32 @!p0 $0x1BF5;
	p2 =	por !p2, p0  }
0x20: {  	[sflag:s8] =	ssyncset.s32 @!p0 $0xFFFFF086;
	s6 =	sadd.s32 @!p0 s3, s7;
	s7 =	simm.s32 @!p0 $0x108  }
0x21: {  	s3 =	sadd.s32 s3, s9;
	s6 =	sadd.s32 @!p0 $0x88, s6;
	s7 =	simm.s32 @p2 $0x1082  }
0x22: {  	[simem:s7], [sflag:s8] =	dma.local @!p0 [hbm:s6], $0xF7A  }
0x23: {  	s9 =	sor.u32 $0xD0000000, s2;
	s6 =	simm.s32 $0x108;
	_ =	swait.ge @!p0 [sflag:s8], $0x0  }
0x24: {  	s3 =	sadd.s32 $0x88, s3;
	s6 =	simm.s32 @!p1 $0x1082;
	[sflag:s4] =	ssyncset.s32 $0xFFFFF086  }
0x25: {  	[simem:s6], [sflag:s4] =	dma.local [hbm:s3], $0xF7A  }
0x26: {  	[smem:$0x3F94] =	sst s1;
	(tag) =	ssettag s2;
	_ =	strace s9  }
0x27: {  	s1 =	sld [smem:$0x3FA4]  }
0x28: {  	s2 =	sld [smem:$0x3FA5]  }
0x29: {  	s4 =	sld [smem:$0x3FA7]  }
0x2a: {  	p0 =	seq.s32 s5, $0x0;
	s5 =	sld [smem:$0x3FA8]  }
0x2b: {  	s6 =	sld [smem:$0x3FA9]  }
0x2c: {  	s7 =	sld [smem:$0x3FAA]  }
0x2d: {  	s3 =	simm.s32 $0x108;
	s8 =	sld [smem:$0x3FAB]  }
0x2e: {  	s3 =	simm.s32 @!p0 $0x1082;
	s9 =	sld [smem:$0x3FAC]  }
0x2f: {  	lr =	sadd.s32 s0, s3;
	s0 =	sld [smem:$0x3FA3]  }
0x30: {  	s3 =	sld [smem:$0x3FA6]  }
0x31: {  	[smem:$0x3FAF] =	sst s10  }
0x32: {  	s10 =	sld [smem:$0x3FAD];
	_ =	sdelay $0x3  }
0x33: {  	p0 =	seq.s32 s10, $0x1;
	s10 =	sld [smem:$0x3FAF];
	_ =	sdelay $0x3  }
0x34: {  	[smem:$0x3FAF] =	sst s10  }
0x35: {  	s10 =	sld [smem:$0x3FAE];
	_ =	sdelay $0x3  }
0x36: {  	p1 =	seq.s32 s10, $0x1;
	s10 =	sld [smem:$0x3FAF];
	_ =	sdelay $0x3  }
0x37: {  	[smem:$0x3FAF] =	sst s10  }
0x38: {  	s10 =	sld [smem:$0x3FB0]  }
0x39: {  	_ = 	snop;
	(pc) =	sbr.ind lr, $3  }
0x3a: {  	_ = 	snop  }
0x3b: {  	_ = 	snop  }
0x3c: {  	p2 =	seq.s32 s10, $0x1;
	s10 =	sld [smem:$0x3FAF]  }
0x3d: {  	_ =	shalt  }
0x3e: {  	_ =	shalt  }
0x3f: {  	_ =	shalt  }
0x40: {  	_ =	shalt  }
0x41: {  	_ =	shalt  }
0x42: {  	_ =	shalt  }
0x43: {  	_ =	shalt  }
0x44: {  	_ =	shalt  }
0x45: {  	_ =	shalt  }
0x46: {  	_ =	shalt  }
0x47: {  	_ =	shalt  }
0x48: {  	_ =	shalt  }
0x49: {  	_ =	shalt  }
0x4a: {  	_ =	shalt  }
0x4b: {  	_ =	shalt  }
0x4c: {  	_ =	shalt  }
0x4d: {  	_ =	shalt  }
0x4e: {  	_ =	shalt  }
0x4f: {  	_ =	shalt  }
0x50: {  	_ =	shalt  }
0x51: {  	_ =	shalt  }
0x52: {  	_ =	shalt  }
0x53: {  	_ =	shalt  }
0x54: {  	_ =	shalt  }
0x55: {  	_ =	shalt  }
0x56: {  	_ =	shalt  }
0x57: {  	_ =	shalt  }
0x58: {  	_ =	shalt  }
0x59: {  	_ =	shalt  }
0x5a: {  	_ =	shalt  }
0x5b: {  	_ =	shalt  }
0x5c: {  	_ =	shalt  }
0x5d: {  	_ =	shalt  }
0x5e: {  	_ =	shalt  }
0x5f: {  	_ =	shalt  }
0x60: {  	_ =	shalt  }
0x61: {  	_ =	shalt  }
0x62: {  	_ =	shalt  }
0x63: {  	_ =	shalt  }
0x64: {  	_ =	shalt  }
0x65: {  	_ =	shalt  }
0x66: {  	_ =	shalt  }
0x67: {  	_ =	shalt  }
0x68: {  	_ =	shalt  }
0x69: {  	_ =	shalt  }
0x6a: {  	_ =	shalt  }
0x6b: {  	_ =	shalt  }
0x6c: {  	_ =	shalt  }
0x6d: {  	_ =	shalt  }
0x6e: {  	_ =	shalt  }
0x6f: {  	_ =	shalt  }
0x70: {  	_ =	shalt  }
0x71: {  	_ =	shalt  }
0x72: {  	_ =	shalt  }
0x73: {  	_ =	shalt  }
0x74: {  	_ =	shalt  }
0x75: {  	_ =	shalt  }
0x76: {  	_ =	shalt  }
0x77: {  	_ =	shalt  }
0x78: {  	_ =	shalt  }
0x79: {  	_ =	shalt  }
0x7a: {  	_ =	shalt  }
0x7b: {  	_ =	shalt  }
0x7c: {  	_ =	shalt  }
0x7d: {  	_ =	shalt  }
0x7e: {  	_ =	shalt  }
0x7f: {  	_ =	shalt  }
0x80: {  	_ =	shalt  }
0x81: {  	_ =	shalt  }
0x82: {  	_ =	shalt  }
0x83: {  	_ =	shalt  }
0x84: {  	_ =	shalt  }
0x85: {  	_ =	shalt  }
0x86: {  	_ =	shalt  }
0x87: {  	_ =	shalt  }
.Lfunc_end0:
.L_simem_size_0:
called_computation.2_lowered:
.L_overlay_start_0:
0x88: {  	s2 =	sld [smem:$0x3FD9]  }
0x89: {  	s3 =	sld [smem:$0x3FFE];
	_ =	sdelay $0x1  }
0x8a: {  	s1 =	srdreg.scid  }
0x8b: {  	s0 =	sand.u32 $0x1, s1  }
0x8c: {  	s16 =	sshll.u32 s0, $0xA;
	s2 =	sadd.s32 s3, s2  }
0x8d: {  	s2 =	sadd.s32 s2, s16  }
0x8e: {  	[smem:$0x3FBB] =	sst s2  }
0x8f: {  	_ = 	snop  }
0x90: {  	(tm) =	ssettm $0x1  }
0x91: {  	s17 =	sld [smem:$0x3FFB];
	_ =	sdelay $0x3  }
0x92: {  	_ =	strace s17  }
0x93: {  	s2 =	sld [smem:$0x3FFC];
	_ =	sdelay $0x3  }
0x94: {  	_ =	strace s2  }
0x95: {  	s2 =	sld [smem:$0x3FFD];
	_ =	sdelay $0x3  }
0x96: {  	_ =	strace s2  }
0x97: {  	_ =	strace $0x8FFFFFFF  }
0x98: {  	s18 =	sld [smem:$0x3FDB];
	_ =	sdelay $0x1  }
0x99: {  	s19 =	simm.s32 $_scs_section_size  }
0x9a: {  	s4 =	simm.s32 $_size__tile_overlayer_lowered;
	s5 =	simm.s32 $_tile_overlayer_lowered  }
0x9b: {  	s22 =	simm.s32 $0x1BFF;
	s21 =	sshll.u32 s5, $0x1;
	s2 =	sadd.s32 s19, s18  }
0x9c: {  	s6 =	simm.s32 $0x0;
	s20 =	sshll.u32 s4, $0x1;
	s4 =	sadd.s32 s21, s2  }
0x9d: {  	[timem:s6], [sflag:s22] =	dma.local [hbm:s4], s20  }
0x9e: {  	_ =	swait.ge [sflag:s22], s20  }
0x9f: {  	s3 =	ssub.s32 $0x0, s20;
	[sflag:s22] =	ssyncset.done $0x0  }
0xa0: {  	[sflag:s22] =	ssyncadd.s32 s3;
	_ =	sdelay $0x1  }
0xa1: {  	s23 =	simm.s32 $0x1B8B  }
0xa2: {  	_ =	swait.ge [sflag:s23], $0x1  }
0xa3: {  	[sflag:s23] =	ssyncset.done $0x0  }
0xa4: {  	s25 =	simm.s32 $0x1B8E;
	s24 =	sld [smem:$0x3FFE];
	[sflag:s23] =	ssyncadd.s32 $0xFFFFFFFF  }
0xa5: {  	s26 =	simm.s32 $execute0_lowered;
	[smem:$0x3FD2] =	sst s25  }
0xa6: {  	s4 =	sshll.u32 s26, $0x1;
	_ =	strace $0x8000004C;
	[dreg:$0x1] =	wrdreg $0xFFFFFFFF  }
0xa7: {  	s28 =	simm.s32 $_size_execute0_lowered;
	s2 =	sadd.s32 s2, s4;
	[dreg:$0x0] =	wrdreg $0x0  }
0xa8: {  	s4 =	sshll.u32 s28, $0x1;
	[dreg:$0x2] =	wrdreg s2  }
0xa9: {  	[dreg:$0x3] =	wrdreg s4  }
0xaa: {  	[dreg:$0x4] =	wrdreg $0xC0  }
0xab: {  	_ =	task [dreg:s6], $0x5FFFF  }
0xac: {  	[dreg:$0x1] =	wrdreg $0xFFFFFFFF  }
0xad: {  	[dreg:$0x0] =	wrdreg $0x60  }
0xae: {  	[dreg:$0x2] =	wrdreg s24  }
0xaf: {  	[dreg:$0x3] =	wrdreg $0xA8000  }
0xb0: {  	[dreg:$0x4] =	wrdreg $0x9  }
0xb1: {  	_ =	task.clear_ibuf [dreg:s6], $0x5FFFF;
	_ =	strace $0x9000004C  }
0xb2: {  	s29 =	simm.s32 $0x9;
	_ =	strace $0x8000004E  }
0xb3: {  	_ =	swait.ge [sflag:s29], $0x1  }
0xb4: {  	[sflag:s29] =	ssyncadd.s32 $0xFFFFFFFF  }
0xb5: {  	_ =	strace $0x9000004E  }
0xb6: {  	_ =	sfence  }
0xb7: {  	s30 =	sld [smem:$0x0];
	_ =	sdelay $0x2  }
0xb8: {  	s31 =	sshll.u32 s1, $0xD;
	s1 =	sshrl.u32 s1, $0x2  }
0xb9: {  	s3 =	sand.u32 $0x4000, s31;
	s1 =	sadd.s32 s1, s30  }
0xba: {  	s0 =	sor.u32 s3, s0;
	s1 =	sshll.u32 s1, $0x11  }
0xbb: {  	s0 =	sor.u32 s1, s0  }
0xbc: {  	s0 =	sadd.s32 $0x8F2B, s0  }
0xbd: {  	[sflag:s0] =	ssyncadd.remote.s32 $0x1  }
0xbe: {  	_ =	sfence.sel $0xFFFF  }
0xbf: {  	[dreg:$0x0] =	wrdreg $0xFFFFFFFF;
	(pc) =	sbr.abs _section_cstart, $3  }
0xc0: {  	[dreg:$0x1] =	wrdreg $0xFFFFFFFF  }
0xc1: {  	_ =	task.clear_ibuf [dreg:s6], $0x2FFFF;
	_ =	strace $0x9FFFFFFF  }
0xc2: {  	(tm) =	ssettm $0x7FFFFFFF  }
0xc3: {  	_ =	shalt  }
tec
execute0_lowered:
.L_overlay_start_1:
0x0: {  	(tag) =	ssettag $0x1  }
0x1: {  	s0 =	rddreg [dreg:$0x0]  }
0x2: {  	s2 =	rddreg [dreg:$0x1];
	s3 =	simm.s32 $0x0;
	s19 =	stileid.u32  }
0x3: {  	s1 =	srdreg.scid;
	s20 =	simm.s32 $0x7D;
	s21 =	simm.s32 $0x1  }
0x4: {  	s22 =	simm.s32 $0x80;
	s25 =	simm.s32 $0x6800;
	s28 =	simm.s32 $0x2780  }
0x5: {  	s29 =	simm.s32 $0x0;
	[smem:$0x7FF] =	sst s3;
	s4 =	smul.u32 $0x50000, s19  }
0x6: {  	s15 =	sadd.s32 $0x5CA00, s0;
	s13 =	sadd.s32 $0x7A00, s0;
	s11 =	smul.u32 $0x280, s19  }
0x7: {  	s1 =	sand.u32 $0x1, s1;
	s14 =	sadd.s32 $0x2000, s0;
	s12 =	smul.u32 $0x1400, s19  }
0x8: {  	s0 =	sadd.s32 $0xFCA00, s0;
	s24 =	smul.u32 $0x2800, s19;
	s19 =	simm.s32 $0x1400  }
0x9: {  	_ =	strace $0x8000004D;
	s5 =	ssub.s32 $0x2, s1;
	s17 =	smul.u32 $0x50000, s1  }
0xa: {  	s1 =	smul.u32 $0x280000, s1;
	s4 =	sshrl.u32 s4, $0x2;
	s6 =	sshrl.u32 s5, $0x1  }
0xb: {  	s10 =	sadd.s32 s13, s11;
	s18 =	sshrl.u32 s12, $0x3;
	s11 =	sadd.s32 s14, s11  }
0xc: {  	s4 =	sadd.s32 s4, s2;
	s16 =	ssub.s32 s5, s6;
	s12 =	sadd.s32 s15, s17  }
0xd: {  	s18 =	sadd.s32 $0x2800, s18;
	s1 =	sshrl.u32 s1, $0x3;
	s23 =	sadd.s32 s0, s17  }
0xe: {  	s17 =	simm.s32 $0x2800;
	s5 =	sadd.s32 $0x3E80, s4;
	s6 =	sadd.s32 $0x7D00, s4  }
0xf: {  	s7 =	sadd.s32 $0xBB80, s4;
	s26 =	sadd.s32 $0xFA00, s4;
	s9 =	sadd.s32 $0x13880, s4  }
0x10: {  	s13 =	sadd.s32 s13, s18;
	s14 =	sadd.s32 s14, s18;
	[dreg:$0x3] =	wrdreg s7  }
0x11: {  	s1 =	sadd.s32 $0x28000, s1;
	s30 =	smax.u32 s16, $0x1;
	[dreg:$0x4] =	wrdreg s26  }
0x12: {  	s31 =	sadd.s32 s24, s23;
	s0 =	sadd.s32 s0, s1;
	[dreg:$0x5] =	wrdreg s30  }
0x13: {  	s18 =	simm.s32 $0x3;
	[dreg:$0x6] =	wrdreg s31;
	s0 =	sadd.s32 s24, s0  }
0x14: {  	v0 =	vimm.f32 $0.0e+00;
	s15 =	sadd.s32 s15, s1;
	s26 =	simm.s32 $0x2;
	[dreg:$0x7] =	wrdreg s0  }
.LBB2_1:
0x15: {  	s0 =	simm.s32 $0x0;
	s1 =	simm.s32 $0x200  }
.LBB2_2:
0x16: {  	p0 =	sne.s32 s1, $0xF800;
	[tilespmem:s0+$0x2870] =	vst v0  }
0x17: {  	[tilespmem:s0+$0x2800] =	vst v0  }
0x18: {  	[tilespmem:s0+$0x2810] =	vst v0  }
.Ltmp0:
0x19: {  	[tilespmem:s0+$0x2820] =	vst v0;
	(pc) =	sbr.rel @p0 .LBB2_2-.Ltmp0, $4  }
0x1a: {  	[tilespmem:s0+$0x2830] =	vst v0  }
0x1b: {  	[tilespmem:s0+$0x2840] =	vst v0  }
0x1c: {  	[tilespmem:s0+$0x2850] =	vst v0  }
0x1d: {  	[tilespmem:s0+$0x2860] =	vst v0;
	s0 =	sshra.s32 s1, $0x2;
	s1 =	sadd.s32 $0x200, s1  }
0x1e: {  	[tilespmem:s0+$0x2870] =	vst v0  }
0x1f: {  	[tilespmem:s0+$0x2800] =	vst v0  }
0x20: {  	[tilespmem:s0+$0x2810] =	vst v0  }
0x21: {  	[tilespmem:s0+$0x2820] =	vst v0  }
0x22: {  	[tilespmem:s0+$0x2830] =	vst v0  }
0x23: {  	[tilespmem:s0+$0x2840] =	vst v0  }
0x24: {  	[tilespmem:s0+$0x2850] =	vst v0  }
0x25: {  	[tilespmem:s0+$0x2860] =	vst v0  }
0x26: {  	[spmem:s4] =	stream.linear.scatter [tilespmem:s17], [sflag:$0x3], $0x3E80, $0x38;
	[tilespmem:$0x1E800] =	vst v63  }
0x27: {  	_ =	swait.ge [sflag:s18], $0x3E80  }
0x28: {  	[sflag:s18] =	ssyncset.done $0x0  }
0x29: {  	[sflag:s18] =	ssyncadd.s32 $0xFFFFC180  }
0x2a: {  	[spmem:s5] =	stream.linear.scatter [tilespmem:s17], [sflag:$0x3], $0x3E80, $0x38;
	[tilespmem:$0x1E800] =	vst v63  }
0x2b: {  	_ =	swait.ge [sflag:s18], $0x3E80  }
0x2c: {  	[sflag:s18] =	ssyncset.done $0x0  }
0x2d: {  	[sflag:s18] =	ssyncadd.s32 $0xFFFFC180  }
0x2e: {  	[spmem:s6] =	stream.linear.scatter [tilespmem:s17], [sflag:$0x3], $0x3E80, $0x38;
	[tilespmem:$0x1E800] =	vst v63  }
0x2f: {  	_ =	swait.ge [sflag:s18], $0x3E80  }
0x30: {  	[sflag:s18] =	ssyncset.done $0x0  }
0x31: {  	s23 =	rddreg [dreg:$0x3];
	[sflag:s18] =	ssyncadd.s32 $0xFFFFC180  }
0x32: {  	[spmem:s23] =	stream.linear.scatter [tilespmem:s17], [sflag:$0x3], $0x3E80, $0x38;
	[tilespmem:$0x1E800] =	vst v63  }
0x33: {  	_ =	swait.ge [sflag:s18], $0x3E80  }
0x34: {  	[sflag:s18] =	ssyncset.done $0x0  }
0x35: {  	s24 =	rddreg [dreg:$0x4];
	[sflag:s18] =	ssyncadd.s32 $0xFFFFC180  }
0x36: {  	[spmem:s24] =	stream.linear.scatter [tilespmem:s17], [sflag:$0x3], $0x3E80, $0x38;
	[tilespmem:$0x1E800] =	vst v63  }
0x37: {  	_ =	swait.ge [sflag:s18], $0x3E80  }
0x38: {  	[sflag:s18] =	ssyncset.done $0x0  }
0x39: {  	[sflag:s18] =	ssyncadd.s32 $0xFFFFC180  }
0x3a: {  	[spmem:s9] =	stream.linear.scatter [tilespmem:s17], [sflag:$0x3], $0x780, $0x38;
	[tilespmem:$0x1E800] =	vst v63  }
0x3b: {  	_ =	swait.ge [sflag:s18], $0x780  }
0x3c: {  	[sflag:s18] =	ssyncset.done $0x0  }
0x3d: {  	[sflag:s18] =	ssyncadd.s32 $0xFFFFF880  }
0x3e: {  	[bflag:$0x0] =	sbarrier.arrive $0xFFFF  }
0x3f: {  	[tilespmem:s3], [sflag:$0x3] =	stream.linear.gather [hbm4b:s10+s3], $0x1400, $0x38;
	[tilespmem:$0x1E800] =	vst v63  }
0x40: {  	_ =	swait.ge [sflag:s18], $0x1400  }
0x41: {  	[sflag:s18] =	ssyncset.done $0x0  }
0x42: {  	[sflag:s18] =	ssyncadd.s32 $0xFFFFEC00  }
0x43: {  	[tilespmem:s19], [sflag:$0x3] =	stream.linear.gather [hbm4b:s11+s3], $0x1400, $0x38;
	[tilespmem:$0x1E800] =	vst v63  }
0x44: {  	_ =	swait.ge [sflag:s18], $0x1400  }
0x45: {  	[sflag:s18] =	ssyncset.done $0x0  }
0x46: {  	[sflag:s18] =	ssyncadd.s32 $0xFFFFEC00  }
0x47: {  	[tilespmem:s17], [sflag:$0x1] =	stream.indirect.gather [hbm4b:s12+s20], $0x80, s3, s20, $0xb8;
	[tilespmem:$0x1E800] =	vst v63  }
0x48: {  	_ =	swait.ge [sflag:s21], $0x3E80  }
0x49: {  	[sflag:s21] =	ssyncset.done $0x0  }
0x4a: {  	[sflag:s21] =	ssyncadd.s32 $0xFFFFC180  }
0x4b: {  	[spmem:s2] =	stream.indirect.scatter.add.f32 [tilespmem:s17], [sflag:$0x2], $0x80, s19, s20, $0xb8;
	[tilespmem:$0x1E800] =	vst v63  }
0x4c: {  	_ = 	snop  }
0x4d: {  	[tilespmem:s25], [sflag:$0x1] =	stream.indirect.gather [hbm4b:s12+s20], $0x80, s22, s20, $0xb8;
	[tilespmem:$0x1E800] =	vst v63  }
0x4e: {  	_ =	swait.ge [sflag:s21], $0x3E80  }
0x4f: {  	[sflag:s21] =	ssyncset.done $0x0  }
0x50: {  	s31 =	simm.s32 $0x10000;
	s1 =	simm.s32 $0x20000;
	[sflag:s21] =	ssyncadd.s32 $0xFFFFC180  }
0x51: {  	s30 =	simm.s32 $0x1480;
	s0 =	sand.u32 $0x10000, s31;
	_ =	swait.ge [sflag:s26], $0x3E80  }
0x52: {  	s16 =	sand.u32 $0x10000, s1;
	s0 =	sshrl.u32 s0, $0x2;
	[sflag:s26] =	ssyncset.done $0x0  }
0x53: {  	s1 =	simm.s32 $0x30000;
	s0 =	sor.u32 $0x2800, s0;
	[sflag:s26] =	ssyncadd.s32 $0xFFFFC180  }
0x54: {  	[spmem:s2] =	stream.indirect.scatter.add.f32 [tilespmem:s0], [sflag:$0x2], $0x80, s30, s20, $0xb8;
	[tilespmem:$0x1E800] =	vst v63  }
0x55: {  	s23 =	sshrl.u32 s16, $0x2;
	s16 =	simm.s32 $0x100;
	s0 =	simm.s32 $0x100  }
.LBB2_4:
0x56: {  	s23 =	sor.u32 $0x2800, s23  }
0x57: {  	s0 =	sadd.s32 $0x80, s0;
	s30 =	sadd.s32 $0x80, s30;
	s24 =	smov.u32 s1  }
0x58: {  	[tilespmem:s23], [sflag:$0x1] =	stream.indirect.gather [hbm4b:s12+s20], $0x80, s16, s20, $0xb8;
	[tilespmem:$0x1E800] =	vst v63  }
0x59: {  	p0 =	sne.s32 s1, $0x270000;
	s1 =	sadd.s32 $0x10000, s1;
	_ =	swait.ge [sflag:s21], $0x3E80  }
0x5a: {  	s23 =	sadd.s32 $0xFFFF0000, s24;
	s16 =	smov.u32 s0;
	[sflag:s21] =	ssyncset.done $0x0  }
.Ltmp1:
0x5b: {  	s23 =	sand.u32 $0x10000, s23;
	[sflag:s21] =	ssyncadd.s32 $0xFFFFC180;
	(pc) =	sbr.rel @p0 .LBB2_4-.Ltmp1, $4  }
0x5c: {  	s23 =	sshrl.u32 s23, $0x2;
	_ =	swait.ge [sflag:s26], $0x3E80  }
0x5d: {  	s31 =	sor.u32 $0x2800, s23;
	s23 =	sand.u32 $0x10000, s24;
	[sflag:s26] =	ssyncset.done $0x0  }
0x5e: {  	s23 =	sshrl.u32 s23, $0x2;
	[sflag:s26] =	ssyncadd.s32 $0xFFFFC180  }
0x5f: {  	[spmem:s2] =	stream.indirect.scatter.add.f32 [tilespmem:s31], [sflag:$0x2], $0x80, s30, s20, $0xb8;
	[tilespmem:$0x1E800] =	vst v63  }
0x60: {  	s0 =	sor.u32 $0x2800, s23  }
0x61: {  	[tilespmem:s0], [sflag:$0x1] =	stream.indirect.gather [hbm4b:s12+s20], $0x80, s16, s20, $0xb8;
	[tilespmem:$0x1E800] =	vst v63  }
0x62: {  	_ =	swait.ge [sflag:s21], $0x3E80  }
0x63: {  	[sflag:s21] =	ssyncset.done $0x0  }
0x64: {  	[sflag:s21] =	ssyncadd.s32 $0xFFFFC180  }
0x65: {  	_ =	swait.ge [sflag:s26], $0x3E80  }
0x66: {  	[sflag:s26] =	ssyncset.done $0x0  }
0x67: {  	[sflag:s26] =	ssyncadd.s32 $0xFFFFC180  }
0x68: {  	[spmem:s2] =	stream.indirect.scatter.add.f32 [tilespmem:s25], [sflag:$0x2], $0x80, s28, s20, $0xb8;
	[tilespmem:$0x1E800] =	vst v63  }
0x69: {  	_ =	swait.ge [sflag:s26], $0x3E80  }
0x6a: {  	[sflag:s26] =	ssyncset.done $0x0  }
0x6b: {  	[sflag:s26] =	ssyncadd.s32 $0xFFFFC180  }
0x6c: {  	[tilespmem:s3], [sflag:$0x3] =	stream.linear.gather [hbm4b:s13+s3], $0x1400, $0x38;
	[tilespmem:$0x1E800] =	vst v63  }
0x6d: {  	_ =	swait.ge [sflag:s18], $0x1400  }
0x6e: {  	[sflag:s18] =	ssyncset.done $0x0  }
0x6f: {  	[sflag:s18] =	ssyncadd.s32 $0xFFFFEC00  }
0x70: {  	[tilespmem:s19], [sflag:$0x3] =	stream.linear.gather [hbm4b:s14+s3], $0x1400, $0x38;
	[tilespmem:$0x1E800] =	vst v63  }
0x71: {  	_ =	swait.ge [sflag:s18], $0x1400  }
0x72: {  	[sflag:s18] =	ssyncset.done $0x0  }
0x73: {  	[sflag:s18] =	ssyncadd.s32 $0xFFFFEC00  }
0x74: {  	[tilespmem:s17], [sflag:$0x1] =	stream.indirect.gather [hbm4b:s12+s20], $0x80, s3, s20, $0xb8;
	[tilespmem:$0x1E800] =	vst v63  }
0x75: {  	_ =	swait.ge [sflag:s21], $0x3E80  }
0x76: {  	[sflag:s21] =	ssyncset.done $0x0  }
0x77: {  	[sflag:s21] =	ssyncadd.s32 $0xFFFFC180  }
0x78: {  	[spmem:s2] =	stream.indirect.scatter.add.f32 [tilespmem:s17], [sflag:$0x2], $0x80, s19, s20, $0xb8;
	[tilespmem:$0x1E800] =	vst v63  }
0x79: {  	_ = 	snop  }
0x7a: {  	[tilespmem:s25], [sflag:$0x1] =	stream.indirect.gather [hbm4b:s12+s20], $0x80, s22, s20, $0xb8;
	[tilespmem:$0x1E800] =	vst v63  }
0x7b: {  	_ =	swait.ge [sflag:s21], $0x3E80  }
0x7c: {  	[sflag:s21] =	ssyncset.done $0x0  }
0x7d: {  	s24 =	simm.s32 $0x10000;
	s1 =	simm.s32 $0x20000;
	[sflag:s21] =	ssyncadd.s32 $0xFFFFC180  }
0x7e: {  	s30 =	simm.s32 $0x1480;
	s0 =	sand.u32 $0x10000, s24;
	_ =	swait.ge [sflag:s26], $0x3E80  }
0x7f: {  	s31 =	sand.u32 $0x10000, s1;
	s0 =	sshrl.u32 s0, $0x2;
	[sflag:s26] =	ssyncset.done $0x0  }
0x80: {  	s1 =	simm.s32 $0x30000;
	s0 =	sor.u32 $0x2800, s0;
	[sflag:s26] =	ssyncadd.s32 $0xFFFFC180  }
0x81: {  	[spmem:s2] =	stream.indirect.scatter.add.f32 [tilespmem:s0], [sflag:$0x2], $0x80, s30, s20, $0xb8;
	[tilespmem:$0x1E800] =	vst v63  }
0x82: {  	s16 =	simm.s32 $0x100;
	s23 =	sshrl.u32 s31, $0x2;
	s0 =	simm.s32 $0x100  }
.LBB2_6:
0x83: {  	s23 =	sor.u32 $0x2800, s23  }
0x84: {  	s0 =	sadd.s32 $0x80, s0;
	s30 =	sadd.s32 $0x80, s30;
	s24 =	smov.u32 s1  }
0x85: {  	[tilespmem:s23], [sflag:$0x1] =	stream.indirect.gather [hbm4b:s12+s20], $0x80, s16, s20, $0xb8;
	[tilespmem:$0x1E800] =	vst v63  }
0x86: {  	p0 =	sne.s32 s1, $0x270000;
	s1 =	sadd.s32 $0x10000, s1;
	_ =	swait.ge [sflag:s21], $0x3E80  }
0x87: {  	s23 =	sadd.s32 $0xFFFF0000, s24;
	s16 =	smov.u32 s0;
	[sflag:s21] =	ssyncset.done $0x0  }
.Ltmp2:
0x88: {  	s23 =	sand.u32 $0x10000, s23;
	[sflag:s21] =	ssyncadd.s32 $0xFFFFC180;
	(pc) =	sbr.rel @p0 .LBB2_6-.Ltmp2, $4  }
0x89: {  	s23 =	sshrl.u32 s23, $0x2;
	_ =	swait.ge [sflag:s26], $0x3E80  }
0x8a: {  	s31 =	sor.u32 $0x2800, s23;
	s23 =	sand.u32 $0x10000, s24;
	[sflag:s26] =	ssyncset.done $0x0  }
0x8b: {  	s23 =	sshrl.u32 s23, $0x2;
	[sflag:s26] =	ssyncadd.s32 $0xFFFFC180  }
0x8c: {  	[spmem:s2] =	stream.indirect.scatter.add.f32 [tilespmem:s31], [sflag:$0x2], $0x80, s30, s20, $0xb8;
	[tilespmem:$0x1E800] =	vst v63  }
0x8d: {  	s0 =	sor.u32 $0x2800, s23  }
0x8e: {  	[tilespmem:s0], [sflag:$0x1] =	stream.indirect.gather [hbm4b:s12+s20], $0x80, s16, s20, $0xb8;
	[tilespmem:$0x1E800] =	vst v63  }
0x8f: {  	_ =	swait.ge [sflag:s21], $0x3E80  }
0x90: {  	[sflag:s21] =	ssyncset.done $0x0  }
0x91: {  	[sflag:s21] =	ssyncadd.s32 $0xFFFFC180  }
0x92: {  	_ =	swait.ge [sflag:s26], $0x3E80  }
0x93: {  	[sflag:s26] =	ssyncset.done $0x0  }
0x94: {  	[sflag:s26] =	ssyncadd.s32 $0xFFFFC180  }
0x95: {  	[spmem:s2] =	stream.indirect.scatter.add.f32 [tilespmem:s25], [sflag:$0x2], $0x80, s28, s20, $0xb8;
	[tilespmem:$0x1E800] =	vst v63  }
0x96: {  	_ =	swait.ge [sflag:s26], $0x3E80  }
0x97: {  	[sflag:s26] =	ssyncset.done $0x0  }
0x98: {  	s23 =	stileid.u32;
	[sflag:s26] =	ssyncadd.s32 $0xFFFFC180  }
0x99: {  	s0 =	sshll.u32 s23, $0x6;
	[bflag:$0x0] =	sbarrier.arrive $0xFFFF  }
0x9a: {  	s31 =	sshrl.u32 s4, $0x3;
	s30 =	sor.u32 $0x1C03, s0;
	s24 =	rddreg [dreg:$0x6]  }
0x9b: {  	[hbm:s24], [sflag:s30] =	dma.local [spmem:s31], $0x2800  }
0x9c: {  	_ =	swait.ge [sflag:s18], $0x2800  }
0x9d: {  	[sflag:s18] =	ssyncset.done $0x0  }
0x9e: {  	[sflag:s18] =	ssyncadd.s32 $0xFFFFD800  }
0x9f: {  	s1 =	simm.s32 $0x200;
	s0 =	simm.s32 $0x0;
	[bflag:$0x0] =	sbarrier.arrive $0xFFFF  }
.LBB2_8:
0xa0: {  	p0 =	sne.s32 s1, $0xF800;
	[tilespmem:s0+$0x2870] =	vst v0  }
0xa1: {  	[tilespmem:s0+$0x2800] =	vst v0  }
0xa2: {  	[tilespmem:s0+$0x2810] =	vst v0  }
.Ltmp3:
0xa3: {  	[tilespmem:s0+$0x2820] =	vst v0;
	(pc) =	sbr.rel @p0 .LBB2_8-.Ltmp3, $4  }
0xa4: {  	[tilespmem:s0+$0x2830] =	vst v0  }
0xa5: {  	[tilespmem:s0+$0x2840] =	vst v0  }
0xa6: {  	[tilespmem:s0+$0x2850] =	vst v0  }
0xa7: {  	[tilespmem:s0+$0x2860] =	vst v0;
	s0 =	sshra.s32 s1, $0x2;
	s1 =	sadd.s32 $0x200, s1  }
0xa8: {  	[tilespmem:s0+$0x2870] =	vst v0  }
0xa9: {  	[tilespmem:s0+$0x2800] =	vst v0  }
0xaa: {  	[tilespmem:s0+$0x2810] =	vst v0  }
0xab: {  	[tilespmem:s0+$0x2820] =	vst v0  }
0xac: {  	[tilespmem:s0+$0x2830] =	vst v0  }
0xad: {  	[tilespmem:s0+$0x2840] =	vst v0  }
0xae: {  	[tilespmem:s0+$0x2850] =	vst v0  }
0xaf: {  	[tilespmem:s0+$0x2860] =	vst v0  }
0xb0: {  	[spmem:s4] =	stream.linear.scatter [tilespmem:s17], [sflag:$0x3], $0x3E80, $0x38;
	[tilespmem:$0x1E800] =	vst v63  }
0xb1: {  	_ =	swait.ge [sflag:s18], $0x3E80  }
0xb2: {  	[sflag:s18] =	ssyncset.done $0x0  }
0xb3: {  	[sflag:s18] =	ssyncadd.s32 $0xFFFFC180  }
0xb4: {  	[spmem:s5] =	stream.linear.scatter [tilespmem:s17], [sflag:$0x3], $0x3E80, $0x38;
	[tilespmem:$0x1E800] =	vst v63  }
0xb5: {  	_ =	swait.ge [sflag:s18], $0x3E80  }
0xb6: {  	[sflag:s18] =	ssyncset.done $0x0  }
0xb7: {  	[sflag:s18] =	ssyncadd.s32 $0xFFFFC180  }
0xb8: {  	[spmem:s6] =	stream.linear.scatter [tilespmem:s17], [sflag:$0x3], $0x3E80, $0x38;
	[tilespmem:$0x1E800] =	vst v63  }
0xb9: {  	_ =	swait.ge [sflag:s18], $0x3E80  }
0xba: {  	[sflag:s18] =	ssyncset.done $0x0  }
0xbb: {  	s16 =	rddreg [dreg:$0x3];
	[sflag:s18] =	ssyncadd.s32 $0xFFFFC180  }
0xbc: {  	[spmem:s16] =	stream.linear.scatter [tilespmem:s17], [sflag:$0x3], $0x3E80, $0x38;
	[tilespmem:$0x1E800] =	vst v63  }
0xbd: {  	_ =	swait.ge [sflag:s18], $0x3E80  }
0xbe: {  	[sflag:s18] =	ssyncset.done $0x0  }
0xbf: {  	s23 =	rddreg [dreg:$0x4];
	[sflag:s18] =	ssyncadd.s32 $0xFFFFC180  }
0xc0: {  	[spmem:s23] =	stream.linear.scatter [tilespmem:s17], [sflag:$0x3], $0x3E80, $0x38;
	[tilespmem:$0x1E800] =	vst v63  }
0xc1: {  	_ =	swait.ge [sflag:s18], $0x3E80  }
0xc2: {  	[sflag:s18] =	ssyncset.done $0x0  }
0xc3: {  	[sflag:s18] =	ssyncadd.s32 $0xFFFFC180  }
0xc4: {  	[spmem:s9] =	stream.linear.scatter [tilespmem:s17], [sflag:$0x3], $0x780, $0x38;
	[tilespmem:$0x1E800] =	vst v63  }
0xc5: {  	_ =	swait.ge [sflag:s18], $0x780  }
0xc6: {  	[sflag:s18] =	ssyncset.done $0x0  }
0xc7: {  	[sflag:s18] =	ssyncadd.s32 $0xFFFFF880  }
0xc8: {  	[bflag:$0x0] =	sbarrier.arrive $0xFFFF  }
0xc9: {  	[tilespmem:s3], [sflag:$0x3] =	stream.linear.gather [hbm4b:s10+s3], $0x1400, $0x38;
	[tilespmem:$0x1E800] =	vst v63  }
0xca: {  	_ =	swait.ge [sflag:s18], $0x1400  }
0xcb: {  	[sflag:s18] =	ssyncset.done $0x0  }
0xcc: {  	[sflag:s18] =	ssyncadd.s32 $0xFFFFEC00  }
0xcd: {  	[tilespmem:s19], [sflag:$0x3] =	stream.linear.gather [hbm4b:s11+s3], $0x1400, $0x38;
	[tilespmem:$0x1E800] =	vst v63  }
0xce: {  	_ =	swait.ge [sflag:s18], $0x1400  }
0xcf: {  	[sflag:s18] =	ssyncset.done $0x0  }
0xd0: {  	[sflag:s18] =	ssyncadd.s32 $0xFFFFEC00  }
0xd1: {  	[tilespmem:s17], [sflag:$0x1] =	stream.indirect.gather [hbm4b:s15+s20], $0x80, s3, s20, $0xb8;
	[tilespmem:$0x1E800] =	vst v63  }
0xd2: {  	_ =	swait.ge [sflag:s21], $0x3E80  }
0xd3: {  	[sflag:s21] =	ssyncset.done $0x0  }
0xd4: {  	[sflag:s21] =	ssyncadd.s32 $0xFFFFC180  }
0xd5: {  	[spmem:s2] =	stream.indirect.scatter.add.f32 [tilespmem:s17], [sflag:$0x2], $0x80, s19, s20, $0xb8;
	[tilespmem:$0x1E800] =	vst v63  }
0xd6: {  	_ = 	snop  }
0xd7: {  	[tilespmem:s25], [sflag:$0x1] =	stream.indirect.gather [hbm4b:s15+s20], $0x80, s22, s20, $0xb8;
	[tilespmem:$0x1E800] =	vst v63  }
0xd8: {  	_ =	swait.ge [sflag:s21], $0x3E80  }
0xd9: {  	s7 =	smov.u32 s5;
	s24 =	simm.s32 $0x10000;
	[sflag:s21] =	ssyncset.done $0x0  }
0xda: {  	s8 =	smov.u32 s6;
	s0 =	sand.u32 $0x10000, s24;
	[sflag:s21] =	ssyncadd.s32 $0xFFFFC180  }
0xdb: {  	s1 =	sshrl.u32 s0, $0x2;
	s0 =	simm.s32 $0x1480;
	_ =	swait.ge [sflag:s26], $0x3E80  }
0xdc: {  	s1 =	sor.u32 $0x2800, s1;
	s16 =	simm.s32 $0x20000;
	[sflag:s26] =	ssyncset.done $0x0  }
0xdd: {  	s23 =	sand.u32 $0x10000, s16;
	s16 =	simm.s32 $0x30000;
	[sflag:s26] =	ssyncadd.s32 $0xFFFFC180  }
0xde: {  	[spmem:s2] =	stream.indirect.scatter.add.f32 [tilespmem:s1], [sflag:$0x2], $0x80, s0, s20, $0xb8;
	[tilespmem:$0x1E800] =	vst v63  }
0xdf: {  	s24 =	sshrl.u32 s23, $0x2;
	s23 =	simm.s32 $0x100;
	s1 =	simm.s32 $0x100  }
.LBB2_10:
0xe0: {  	s24 =	sor.u32 $0x2800, s24  }
0xe1: {  	s1 =	sadd.s32 $0x80, s1;
	s0 =	sadd.s32 $0x80, s0;
	s5 =	smov.u32 s16  }
0xe2: {  	[tilespmem:s24], [sflag:$0x1] =	stream.indirect.gather [hbm4b:s15+s20], $0x80, s23, s20, $0xb8;
	[tilespmem:$0x1E800] =	vst v63  }
0xe3: {  	p0 =	sne.s32 s16, $0x270000;
	s16 =	sadd.s32 $0x10000, s16;
	_ =	swait.ge [sflag:s21], $0x3E80  }
0xe4: {  	s24 =	sadd.s32 $0xFFFF0000, s5;
	s23 =	smov.u32 s1;
	[sflag:s21] =	ssyncset.done $0x0  }
.Ltmp4:
0xe5: {  	s24 =	sand.u32 $0x10000, s24;
	[sflag:s21] =	ssyncadd.s32 $0xFFFFC180;
	(pc) =	sbr.rel @p0 .LBB2_10-.Ltmp4, $4  }
0xe6: {  	s24 =	sshrl.u32 s24, $0x2;
	_ =	swait.ge [sflag:s26], $0x3E80  }
0xe7: {  	s5 =	sand.u32 $0x10000, s5;
	s6 =	sor.u32 $0x2800, s24;
	[sflag:s26] =	ssyncset.done $0x0  }
0xe8: {  	s24 =	sshrl.u32 s5, $0x2;
	[sflag:s26] =	ssyncadd.s32 $0xFFFFC180  }
0xe9: {  	[spmem:s2] =	stream.indirect.scatter.add.f32 [tilespmem:s6], [sflag:$0x2], $0x80, s0, s20, $0xb8;
	[tilespmem:$0x1E800] =	vst v63  }
0xea: {  	s0 =	sor.u32 $0x2800, s24  }
0xeb: {  	[tilespmem:s0], [sflag:$0x1] =	stream.indirect.gather [hbm4b:s15+s20], $0x80, s23, s20, $0xb8;
	[tilespmem:$0x1E800] =	vst v63  }
0xec: {  	_ =	swait.ge [sflag:s21], $0x3E80  }
0xed: {  	[sflag:s21] =	ssyncset.done $0x0  }
0xee: {  	[sflag:s21] =	ssyncadd.s32 $0xFFFFC180  }
0xef: {  	_ =	swait.ge [sflag:s26], $0x3E80  }
0xf0: {  	[sflag:s26] =	ssyncset.done $0x0  }
0xf1: {  	[sflag:s26] =	ssyncadd.s32 $0xFFFFC180  }
0xf2: {  	[spmem:s2] =	stream.indirect.scatter.add.f32 [tilespmem:s25], [sflag:$0x2], $0x80, s28, s20, $0xb8;
	[tilespmem:$0x1E800] =	vst v63  }
0xf3: {  	_ =	swait.ge [sflag:s26], $0x3E80  }
0xf4: {  	[sflag:s26] =	ssyncset.done $0x0  }
0xf5: {  	[sflag:s26] =	ssyncadd.s32 $0xFFFFC180  }
0xf6: {  	[tilespmem:s3], [sflag:$0x3] =	stream.linear.gather [hbm4b:s13+s3], $0x1400, $0x38;
	[tilespmem:$0x1E800] =	vst v63  }
0xf7: {  	_ =	swait.ge [sflag:s18], $0x1400  }
0xf8: {  	[sflag:s18] =	ssyncset.done $0x0  }
0xf9: {  	[sflag:s18] =	ssyncadd.s32 $0xFFFFEC00  }
0xfa: {  	[tilespmem:s19], [sflag:$0x3] =	stream.linear.gather [hbm4b:s14+s3], $0x1400, $0x38;
	[tilespmem:$0x1E800] =	vst v63  }
0xfb: {  	_ =	swait.ge [sflag:s18], $0x1400  }
0xfc: {  	[sflag:s18] =	ssyncset.done $0x0  }
0xfd: {  	[sflag:s18] =	ssyncadd.s32 $0xFFFFEC00  }
0xfe: {  	[tilespmem:s17], [sflag:$0x1] =	stream.indirect.gather [hbm4b:s15+s20], $0x80, s3, s20, $0xb8;
	[tilespmem:$0x1E800] =	vst v63  }
0xff: {  	_ =	swait.ge [sflag:s21], $0x3E80  }
0x100: {  	[sflag:s21] =	ssyncset.done $0x0  }
0x101: {  	[sflag:s21] =	ssyncadd.s32 $0xFFFFC180  }
0x102: {  	[spmem:s2] =	stream.indirect.scatter.add.f32 [tilespmem:s17], [sflag:$0x2], $0x80, s19, s20, $0xb8;
	[tilespmem:$0x1E800] =	vst v63  }
0x103: {  	_ = 	snop  }
0x104: {  	[tilespmem:s25], [sflag:$0x1] =	stream.indirect.gather [hbm4b:s15+s20], $0x80, s22, s20, $0xb8;
	[tilespmem:$0x1E800] =	vst v63  }
0x105: {  	_ =	swait.ge [sflag:s21], $0x3E80  }
0x106: {  	[sflag:s21] =	ssyncset.done $0x0  }
0x107: {  	s24 =	simm.s32 $0x10000;
	s5 =	simm.s32 $0x20000;
	[sflag:s21] =	ssyncadd.s32 $0xFFFFC180  }
0x108: {  	s16 =	simm.s32 $0x30000;
	s0 =	sand.u32 $0x10000, s24;
	_ =	swait.ge [sflag:s26], $0x3E80  }
0x109: {  	s5 =	sand.u32 $0x10000, s5;
	s1 =	sshrl.u32 s0, $0x2;
	[sflag:s26] =	ssyncset.done $0x0  }
0x10a: {  	s0 =	simm.s32 $0x1480;
	s1 =	sor.u32 $0x2800, s1;
	[sflag:s26] =	ssyncadd.s32 $0xFFFFC180  }
0x10b: {  	[spmem:s2] =	stream.indirect.scatter.add.f32 [tilespmem:s1], [sflag:$0x2], $0x80, s0, s20, $0xb8;
	[tilespmem:$0x1E800] =	vst v63  }
0x10c: {  	s23 =	simm.s32 $0x100;
	s24 =	sshrl.u32 s5, $0x2;
	s1 =	simm.s32 $0x100  }
.LBB2_12:
0x10d: {  	s5 =	sor.u32 $0x2800, s24  }
0x10e: {  	s1 =	sadd.s32 $0x80, s1;
	s0 =	sadd.s32 $0x80, s0;
	s6 =	smov.u32 s16  }
0x10f: {  	[tilespmem:s5], [sflag:$0x1] =	stream.indirect.gather [hbm4b:s15+s20], $0x80, s23, s20, $0xb8;
	[tilespmem:$0x1E800] =	vst v63  }
0x110: {  	p0 =	sne.s32 s16, $0x270000;
	s16 =	sadd.s32 $0x10000, s16;
	_ =	swait.ge [sflag:s21], $0x3E80  }
0x111: {  	s5 =	sadd.s32 $0xFFFF0000, s6;
	s23 =	smov.u32 s1;
	[sflag:s21] =	ssyncset.done $0x0  }
.Ltmp5:
0x112: {  	s5 =	sand.u32 $0x10000, s5;
	[sflag:s21] =	ssyncadd.s32 $0xFFFFC180;
	(pc) =	sbr.rel @p0 .LBB2_12-.Ltmp5, $4  }
0x113: {  	s5 =	sshrl.u32 s5, $0x2;
	_ =	swait.ge [sflag:s26], $0x3E80  }
0x114: {  	s6 =	sand.u32 $0x10000, s6;
	s5 =	sor.u32 $0x2800, s5;
	[sflag:s26] =	ssyncset.done $0x0  }
0x115: {  	s24 =	sshrl.u32 s6, $0x2;
	[sflag:s26] =	ssyncadd.s32 $0xFFFFC180  }
0x116: {  	[spmem:s2] =	stream.indirect.scatter.add.f32 [tilespmem:s5], [sflag:$0x2], $0x80, s0, s20, $0xb8;
	[tilespmem:$0x1E800] =	vst v63  }
0x117: {  	s0 =	sor.u32 $0x2800, s24  }
0x118: {  	[tilespmem:s0], [sflag:$0x1] =	stream.indirect.gather [hbm4b:s15+s20], $0x80, s23, s20, $0xb8;
	[tilespmem:$0x1E800] =	vst v63  }
0x119: {  	_ =	swait.ge [sflag:s21], $0x3E80  }
0x11a: {  	[sflag:s21] =	ssyncset.done $0x0  }
0x11b: {  	[sflag:s21] =	ssyncadd.s32 $0xFFFFC180  }
0x11c: {  	_ =	swait.ge [sflag:s26], $0x3E80  }
0x11d: {  	[sflag:s26] =	ssyncset.done $0x0  }
0x11e: {  	[sflag:s26] =	ssyncadd.s32 $0xFFFFC180  }
0x11f: {  	[spmem:s2] =	stream.indirect.scatter.add.f32 [tilespmem:s25], [sflag:$0x2], $0x80, s28, s20, $0xb8;
	[tilespmem:$0x1E800] =	vst v63  }
0x120: {  	_ =	swait.ge [sflag:s26], $0x3E80  }
0x121: {  	[sflag:s26] =	ssyncset.done $0x0  }
0x122: {  	[sflag:s26] =	ssyncadd.s32 $0xFFFFC180  }
0x123: {  	[bflag:$0x0] =	sbarrier.arrive $0xFFFF  }
0x124: {  	s24 =	rddreg [dreg:$0x7]  }
0x125: {  	[hbm:s24], [sflag:s30] =	dma.local [spmem:s31], $0x2800  }
0x126: {  	_ =	swait.ge [sflag:s18], $0x2800  }
0x127: {  	s29 =	sadd.s32 $0x1, s29;
	s31 =	rddreg [dreg:$0x5]  }
0x128: {  	p0 =	sne.s32 s29, s31  }
.Ltmp6:
0x129: {  	_ = 	snop;
	(pc) =	sbr.rel @p0 .LBB2_1-.Ltmp6, $3  }
0x12a: {  	_ =	sdelay $0x1  }
0x12b: {  	[sflag:s18] =	ssyncset.done $0x0  }
0x12c: {  	s5 =	smov.u32 s7;
	s6 =	smov.u32 s8;
	[sflag:s18] =	ssyncadd.s32 $0xFFFFD800  }
0x12d: {  	_ =	sfence.sel $0x180000  }
0x12e: {  	[bflag:$0x0] =	sbarrier.arrive $0xFFFF  }
0x12f: {  	_ =	strace $0x9000004D  }
0x130: {  	s0 =	stileid.u32;
	[bflag:$0x2] =	sbarrier.arrive $0xFFFF  }
0x131: {  	p0 =	sne.s32 s0, $0x0;
	s0 =	rddreg [dreg:$0x2]  }
0x132: {  	s0 =	sadd.s32 @!p0 $0x100000, s0  }
0x133: {  	[sflag:s0] =	ssyncadd.tile.s32 @!p0 $0x1;
	_ =	shalt  }
.Lfunc_end2:
_tile_overlayer_lowered:
.L_overlay_start_2:
0x134: {  	(tag) =	ssettag $0x2  }
0x135: {  	s0 =	rddreg [dreg:$0x0];
	s2 =	stileid.u32  }
0x136: {  	s1 =	rddreg [dreg:$0x1];
	p0 =	sne.s32 s2, $0x0  }
0x137: {  	s3 =	rddreg [dreg:$0x2];
	[bflag:$0x3] =	sbarrier.arrive $0xFFFF;
	s2 =	simm.s32 @!p0 $0x1C03  }
0x138: {  	[timem:s3], [sflag:s2] =	dma.local @!p0 [hbm:s0], s1  }
0x139: {  	s0 =	simm.s32 @!p0 $0x3  }
0x13a: {  	_ =	swait.ge @!p0 [sflag:s0], s1  }
0x13b: {  	s1 =	ssub.s32 @!p0 $0x0, s1;
	[sflag:s0] =	ssyncset.done @!p0 $0x0  }
0x13c: {  	[sflag:s0] =	ssyncadd.s32 @!p0 s1  }
0x13d: {  	[bflag:$0x3] =	sbarrier.arrive $0xFFFF  }
0x13e: {  	_ =	shalt  }

// kernel: kernel.8.cloned.1.call-start
scs
__scs_entry_jumppad:
0x0: {  	(pc) =	sbr.rel $0x88, $3  }
0x1: {  	(tag) =	ssettag $0x0;
	lr =	simm.s32 $0x1  }
0x2: {  	[smem:$0x3F94] =	sst lr;
	_ =	strace $0xD0000000  }
0x3: {  	_ = 	snop  }
0x4: {  	_ = 	snop  }
0x5: {  	_ = 	snop  }
0x6: {  	_ = 	snop  }
0x7: {  	_ = 	snop  }
__scs_overlays_trampoline_lowered:
0x8: {  	[smem:$0x3FA3] =	sst s0  }
0x9: {  	[smem:$0x3FA4] =	sst s1  }
0xa: {  	[smem:$0x3FA5] =	sst s2  }
0xb: {  	[smem:$0x3FA6] =	sst s3  }
0xc: {  	[smem:$0x3FA7] =	sst s4  }
0xd: {  	[smem:$0x3FA8] =	sst s5  }
0xe: {  	[smem:$0x3FA9] =	sst s6  }
0xf: {  	[smem:$0x3FAA] =	sst s7  }
0x10: {  	[smem:$0x3FAB] =	sst s8  }
0x11: {  	[smem:$0x3FAC] =	sst s9;
	s0 =	simm.s32 @!p0 $0x0  }
0x12: {  	s1 =	sld [smem:$0x3F92];
	s0 =	simm.s32 @p0 $0x1  }
0x13: {  	[smem:$0x3FAD] =	sst s0;
	s0 =	simm.s32 @!p1 $0x0  }
0x14: {  	s2 =	sld [smem:$0x3F91];
	s0 =	simm.s32 @p1 $0x1  }
0x15: {  	[smem:$0x3FAE] =	sst s0;
	s0 =	simm.s32 @!p2 $0x0  }
0x16: {  	s3 =	sld [smem:$0x3FDB];
	s0 =	simm.s32 @p2 $0x1  }
0x17: {  	s4 =	simm.s32 $0x1BF5;
	[smem:$0x3FB0] =	sst s0  }
0x18: {  	s0 =	sld [smem:$0x3F93];
	_ =	swait.ge [sflag:s4], $0x0  }
0x19: {  	s7 =	sld [smem:$0x3F94]  }
0x1a: {  	s8 =	sadd.s32 $0xFFFFE003, lr  }
0x1b: {  	s9 =	sadd.s32 $0xFFFFFEF7, lr;
	s5 =	simm.s32 $0xFFFFFFFF;
	p2 =	slt.u32 s8, $0xFFFFF086  }
0x1c: {  	p1 =	slt.u32 s9, $0xF7A;
	s5 =	simm.s32 @!p2 $0x0  }
0x1d: {  	s5 =	simm.s32 @p1 $0x1;
	p0 =	seq.s32 s7, s2  }
0x1e: {  	s7 =	smul.u32 @!p0 $0xF7A, s2;
	p2 =	seq.s32 @!p0 s5, $0x0  }
0x1f: {  	s9 =	smul.u32 $0xF7A, s1;
	s8 =	simm.s32 @!p0 $0x1BF5;
	p2 =	por !p2, p0  }
0x20: {  	[sflag:s8] =	ssyncset.s32 @!p0 $0xFFFFF086;
	s6 =	sadd.s32 @!p0 s3, s7;
	s7 =	simm.s32 @!p0 $0x108  }
0x21: {  	s3 =	sadd.s32 s3, s9;
	s6 =	sadd.s32 @!p0 $0x88, s6;
	s7 =	simm.s32 @p2 $0x1082  }
0x22: {  	[simem:s7], [sflag:s8] =	dma.local @!p0 [hbm:s6], $0xF7A  }
0x23: {  	s9 =	sor.u32 $0xD0000000, s2;
	s6 =	simm.s32 $0x108;
	_ =	swait.ge @!p0 [sflag:s8], $0x0  }
0x24: {  	s3 =	sadd.s32 $0x88, s3;
	s6 =	simm.s32 @!p1 $0x1082;
	[sflag:s4] =	ssyncset.s32 $0xFFFFF086  }
0x25: {  	[simem:s6], [sflag:s4] =	dma.local [hbm:s3], $0xF7A  }
0x26: {  	[smem:$0x3F94] =	sst s1;
	(tag) =	ssettag s2;
	_ =	strace s9  }
0x27: {  	s1 =	sld [smem:$0x3FA4]  }
0x28: {  	s2 =	sld [smem:$0x3FA5]  }
0x29: {  	s4 =	sld [smem:$0x3FA7]  }
0x2a: {  	p0 =	seq.s32 s5, $0x0;
	s5 =	sld [smem:$0x3FA8]  }
0x2b: {  	s6 =	sld [smem:$0x3FA9]  }
0x2c: {  	s7 =	sld [smem:$0x3FAA]  }
0x2d: {  	s3 =	simm.s32 $0x108;
	s8 =	sld [smem:$0x3FAB]  }
0x2e: {  	s3 =	simm.s32 @!p0 $0x1082;
	s9 =	sld [smem:$0x3FAC]  }
0x2f: {  	lr =	sadd.s32 s0, s3;
	s0 =	sld [smem:$0x3FA3]  }
0x30: {  	s3 =	sld [smem:$0x3FA6]  }
0x31: {  	[smem:$0x3FAF] =	sst s10  }
0x32: {  	s10 =	sld [smem:$0x3FAD];
	_ =	sdelay $0x3  }
0x33: {  	p0 =	seq.s32 s10, $0x1;
	s10 =	sld [smem:$0x3FAF];
	_ =	sdelay $0x3  }
0x34: {  	[smem:$0x3FAF] =	sst s10  }
0x35: {  	s10 =	sld [smem:$0x3FAE];
	_ =	sdelay $0x3  }
0x36: {  	p1 =	seq.s32 s10, $0x1;
	s10 =	sld [smem:$0x3FAF];
	_ =	sdelay $0x3  }
0x37: {  	[smem:$0x3FAF] =	sst s10  }
0x38: {  	s10 =	sld [smem:$0x3FB0]  }
0x39: {  	_ = 	snop;
	(pc) =	sbr.ind lr, $3  }
0x3a: {  	_ = 	snop  }
0x3b: {  	_ = 	snop  }
0x3c: {  	p2 =	seq.s32 s10, $0x1;
	s10 =	sld [smem:$0x3FAF]  }
0x3d: {  	_ =	shalt  }
0x3e: {  	_ =	shalt  }
0x3f: {  	_ =	shalt  }
0x40: {  	_ =	shalt  }
0x41: {  	_ =	shalt  }
0x42: {  	_ =	shalt  }
0x43: {  	_ =	shalt  }
0x44: {  	_ =	shalt  }
0x45: {  	_ =	shalt  }
0x46: {  	_ =	shalt  }
0x47: {  	_ =	shalt  }
0x48: {  	_ =	shalt  }
0x49: {  	_ =	shalt  }
0x4a: {  	_ =	shalt  }
0x4b: {  	_ =	shalt  }
0x4c: {  	_ =	shalt  }
0x4d: {  	_ =	shalt  }
0x4e: {  	_ =	shalt  }
0x4f: {  	_ =	shalt  }
0x50: {  	_ =	shalt  }
0x51: {  	_ =	shalt  }
0x52: {  	_ =	shalt  }
0x53: {  	_ =	shalt  }
0x54: {  	_ =	shalt  }
0x55: {  	_ =	shalt  }
0x56: {  	_ =	shalt  }
0x57: {  	_ =	shalt  }
0x58: {  	_ =	shalt  }
0x59: {  	_ =	shalt  }
0x5a: {  	_ =	shalt  }
0x5b: {  	_ =	shalt  }
0x5c: {  	_ =	shalt  }
0x5d: {  	_ =	shalt  }
0x5e: {  	_ =	shalt  }
0x5f: {  	_ =	shalt  }
0x60: {  	_ =	shalt  }
0x61: {  	_ =	shalt  }
0x62: {  	_ =	shalt  }
0x63: {  	_ =	shalt  }
0x64: {  	_ =	shalt  }
0x65: {  	_ =	shalt  }
0x66: {  	_ =	shalt  }
0x67: {  	_ =	shalt  }
0x68: {  	_ =	shalt  }
0x69: {  	_ =	shalt  }
0x6a: {  	_ =	shalt  }
0x6b: {  	_ =	shalt  }
0x6c: {  	_ =	shalt  }
0x6d: {  	_ =	shalt  }
0x6e: {  	_ =	shalt  }
0x6f: {  	_ =	shalt  }
0x70: {  	_ =	shalt  }
0x71: {  	_ =	shalt  }
0x72: {  	_ =	shalt  }
0x73: {  	_ =	shalt  }
0x74: {  	_ =	shalt  }
0x75: {  	_ =	shalt  }
0x76: {  	_ =	shalt  }
0x77: {  	_ =	shalt  }
0x78: {  	_ =	shalt  }
0x79: {  	_ =	shalt  }
0x7a: {  	_ =	shalt  }
0x7b: {  	_ =	shalt  }
0x7c: {  	_ =	shalt  }
0x7d: {  	_ =	shalt  }
0x7e: {  	_ =	shalt  }
0x7f: {  	_ =	shalt  }
0x80: {  	_ =	shalt  }
0x81: {  	_ =	shalt  }
0x82: {  	_ =	shalt  }
0x83: {  	_ =	shalt  }
0x84: {  	_ =	shalt  }
0x85: {  	_ =	shalt  }
0x86: {  	_ =	shalt  }
0x87: {  	_ =	shalt  }
.Lfunc_end0:
.L_simem_size_0:
called_computation_lowered:
.L_overlay_start_0:
0x88: {  	s2 =	sld [smem:$0x3FD9]  }
0x89: {  	s3 =	sld [smem:$0x3FFE];
	_ =	sdelay $0x1  }
0x8a: {  	s1 =	srdreg.scid  }
0x8b: {  	s0 =	sand.u32 $0x1, s1  }
0x8c: {  	s17 =	sshll.u32 s0, $0xA;
	s2 =	sadd.s32 s3, s2  }
0x8d: {  	s2 =	sadd.s32 s2, s17  }
0x8e: {  	[smem:$0x3FBB] =	sst s2  }
0x8f: {  	_ = 	snop  }
0x90: {  	s2 =	sld [smem:$0x3FD0];
	(tm) =	ssettm $0x1  }
0x91: {  	s18 =	sld [smem:$0x3FFB];
	_ =	sdelay $0x3  }
0x92: {  	_ =	strace s18  }
0x93: {  	s3 =	sld [smem:$0x3FFC];
	_ =	sdelay $0x3  }
0x94: {  	_ =	strace s3  }
0x95: {  	s3 =	sld [smem:$0x3FFD];
	_ =	sdelay $0x3  }
0x96: {  	_ =	strace s3  }
0x97: {  	_ =	strace $0x8FFFFFFF  }
0x98: {  	s19 =	sld [smem:$0x3FDB];
	_ =	sdelay $0x1  }
0x99: {  	s4 =	simm.s32 $_scs_section_size  }
0x9a: {  	s5 =	simm.s32 $_size__tile_overlayer_lowered;
	s6 =	simm.s32 $_tile_overlayer_lowered  }
0x9b: {  	s22 =	simm.s32 $0x1BFF;
	s21 =	sshll.u32 s6, $0x1;
	s3 =	sadd.s32 s4, s19  }
0x9c: {  	s7 =	simm.s32 $0x0;
	s20 =	sshll.u32 s5, $0x1;
	s5 =	sadd.s32 s21, s3  }
0x9d: {  	[timem:s7], [sflag:s22] =	dma.local [hbm:s5], s20  }
0x9e: {  	_ =	swait.ge [sflag:s22], s20  }
0x9f: {  	s4 =	ssub.s32 $0x0, s20;
	[sflag:s22] =	ssyncset.done $0x0  }
0xa0: {  	[sflag:s22] =	ssyncadd.s32 s4;
	_ =	sdelay $0x1  }
0xa1: {  	s23 =	simm.s32 $0x1B8B  }
0xa2: {  	_ =	swait.ge [sflag:s23], $0x1  }
0xa3: {  	[sflag:s23] =	ssyncset.done $0x0  }
0xa4: {  	s25 =	simm.s32 $0x1B8E;
	s24 =	sld [smem:$0x3FFE];
	[sflag:s23] =	ssyncadd.s32 $0xFFFFFFFF  }
0xa5: {  	s26 =	simm.s32 $execute0_lowered;
	[smem:$0x3FD2] =	sst s25  }
0xa6: {  	s5 =	sshll.u32 s26, $0x1;
	_ =	strace $0x80000046;
	[dreg:$0x1] =	wrdreg $0xFFFFFFFF  }
0xa7: {  	s28 =	simm.s32 $_size_execute0_lowered;
	s3 =	sadd.s32 s3, s5;
	[dreg:$0x0] =	wrdreg $0x0  }
0xa8: {  	s5 =	sshll.u32 s28, $0x1;
	[dreg:$0x2] =	wrdreg s3  }
0xa9: {  	[dreg:$0x3] =	wrdreg s5  }
0xaa: {  	[dreg:$0x4] =	wrdreg $0xC0  }
0xab: {  	_ =	task [dreg:s7], $0x5FFFF  }
0xac: {  	[dreg:$0x1] =	wrdreg $0xFFFFFFFF  }
0xad: {  	[dreg:$0x0] =	wrdreg $0x60  }
0xae: {  	[dreg:$0x2] =	wrdreg s24  }
0xaf: {  	[dreg:$0x3] =	wrdreg s2  }
0xb0: {  	[dreg:$0x4] =	wrdreg $0x14800  }
0xb1: {  	[dreg:$0x5] =	wrdreg $0x9  }
0xb2: {  	_ =	task.clear_ibuf [dreg:s7], $0x6FFFF;
	_ =	strace $0x90000046  }
0xb3: {  	s29 =	simm.s32 $0x9;
	_ =	strace $0x80000048  }
0xb4: {  	_ =	swait.ge [sflag:s29], $0x1  }
0xb5: {  	[sflag:s29] =	ssyncadd.s32 $0xFFFFFFFF  }
0xb6: {  	_ =	strace $0x90000048  }
0xb7: {  	_ =	sfence  }
0xb8: {  	s30 =	sld [smem:$0x0];
	_ =	sdelay $0x2  }
0xb9: {  	s31 =	sshll.u32 s1, $0xD;
	s1 =	sshrl.u32 s1, $0x2  }
0xba: {  	s3 =	sand.u32 $0x4000, s31;
	s1 =	sadd.s32 s1, s30  }
0xbb: {  	s0 =	sor.u32 s3, s0;
	s1 =	sshll.u32 s1, $0x11  }
0xbc: {  	s0 =	sor.u32 s1, s0  }
0xbd: {  	s0 =	sadd.s32 $0x8F2B, s0  }
0xbe: {  	[sflag:s0] =	ssyncadd.remote.s32 $0x1  }
0xbf: {  	_ =	sfence.sel $0xFFFF  }
0xc0: {  	[dreg:$0x0] =	wrdreg $0xFFFFFFFF;
	(pc) =	sbr.abs _section_cstart, $3  }
0xc1: {  	[dreg:$0x1] =	wrdreg $0xFFFFFFFF  }
0xc2: {  	_ =	task.clear_ibuf [dreg:s7], $0x2FFFF;
	_ =	strace $0x9FFFFFFF  }
0xc3: {  	(tm) =	ssettm $0x7FFFFFFF  }
tec
execute0_lowered:
.L_overlay_start_1:
0x0: {  	(tag) =	ssettag $0x1  }
0x1: {  	s5 =	rddreg [dreg:$0x0]  }
0x2: {  	s0 =	srdreg.scid;
	s2 =	rddreg [dreg:$0x1]  }
0x3: {  	s3 =	rddreg [dreg:$0x2];
	s1 =	stileid.u32  }
0x4: {  	s4 =	simm.s32 $0x0;
	s14 =	simm.s32 $0x10;
	s15 =	simm.s32 $0x0  }
0x5: {  	s6 =	sand.u32 $0x1, s0;
	s0 =	rddreg [dreg:$0x3];
	s9 =	smul.u32 $0xA00, s1  }
0x6: {  	[smem:$0x7FF] =	sst s4;
	s10 =	sshll.u32 s1, $0x6;
	s13 =	smul.u32 $0xA0, s1  }
0x7: {  	s7 =	sshll.u32 s6, $0x4;
	_ =	strace $0x80000047;
	s31 =	ssub.s32 $0x2, s6  }
0x8: {  	s8 =	sor.u32 s1, s7;
	s7 =	sadd.s32 s7, s5;
	s6 =	sshrl.u32 s31, $0x1  }
0x9: {  	s9 =	sshrl.u32 s9, $0x2;
	s8 =	smul.u32 $0x280, s8;
	s11 =	ssub.s32 s31, s6  }
0xa: {  	s9 =	sadd.s32 s9, s3;
	s12 =	sadd.s32 $0x7000, s7;
	s7 =	smax.u32 s11, $0x1  }
0xb: {  	s11 =	simm.s32 $0x1400;
	s12 =	sadd.s32 s13, s12;
	s13 =	simm.s32 $0x20  }
0xc: {  	s8 =	sadd.s32 s8, s5;
	s5 =	sor.u32 $0x1C01, s10;
	s10 =	simm.s32 $0x7D  }
0xd: {  	v0 =	vimm.f32 $1.000000000e+00;
	s6 =	sadd.s32 $0x2000, s8;
	s8 =	sshrl.u32 s9, $0x3;
	s9 =	simm.s32 $0x1  }
.LBB2_1:
0xe: {  	[tilespmem:$0x1400] =	vst v0  }
0xf: {  	[tilespmem:$0x1410] =	vst v0  }
0x10: {  	[tilespmem:$0x1420] =	vst v0  }
0x11: {  	[tilespmem:$0x1430] =	vst v0  }
0x12: {  	[tilespmem:$0x1440] =	vst v0  }
0x13: {  	[tilespmem:$0x1450] =	vst v0  }
0x14: {  	[tilespmem:$0x1460] =	vst v0  }
0x15: {  	[tilespmem:$0x146D] =	vst v0  }
0x16: {  	[spmem:s8], [sflag:s5] =	dma.local [hbm:s2], $0x50  }
0x17: {  	_ =	swait.ge [sflag:s9], $0x50  }
0x18: {  	[sflag:s9] =	ssyncset.done $0x0  }
0x19: {  	[sflag:s9] =	ssyncadd.s32 $0xFFFFFFB0  }
0x1a: {  	[bflag:$0x0] =	sbarrier.arrive $0xFFFF  }
0x1b: {  	[tilespmem:s4], [sflag:$0x1] =	stream.linear.gather [hbm4b:s6+s4], $0x1400, $0x38;
	[tilespmem:$0x1700] =	vst v63  }
0x1c: {  	_ =	swait.ge [sflag:s9], $0x1400  }
0x1d: {  	[sflag:s9] =	ssyncset.done $0x0  }
0x1e: {  	s16 =	simm.s32 $0x0;
	[sflag:s9] =	ssyncadd.s32 $0xFFFFEC00  }
0x1f: {  	[spmem:s3] =	stream.indirect.scatter.add.f32 [tilespmem:s11], [sflag:$0x1], $0x1, s16, s10, $0xb8;
	[tilespmem:$0x1700] =	vst v63  }
0x20: {  	_ =	swait.ge [sflag:s9], $0x7D  }
0x21: {  	s16 =	simm.s32 $0x200;
	[sflag:s9] =	ssyncset.done $0x0  }
.LBB2_2:
0x22: {  	s17 =	sshra.s32 s16, $0x2;
	[sflag:s9] =	ssyncadd.s32 $0xFFFFFF83;
	p0 =	sne.s32 s16, $0x4E00  }
0x23: {  	[spmem:s3] =	stream.indirect.scatter.add.f32 [tilespmem:s11], [sflag:$0x1], $0x1, s17, s10, $0xb8;
	[tilespmem:$0x1700] =	vst v63  }
.Ltmp0:
0x24: {  	_ = 	snop;
	(pc) =	sbr.rel @p0 .LBB2_2-.Ltmp0, $4  }
0x25: {  	_ = 	snop  }
0x26: {  	s16 =	sadd.s32 $0x200, s16  }
0x27: {  	_ =	swait.ge [sflag:s9], $0x7D  }
0x28: {  	[sflag:s9] =	ssyncset.done $0x0  }
0x29: {  	s15 =	sadd.s32 $0x1, s15  }
0x2a: {  	[sflag:s9] =	ssyncadd.s32 $0xFFFFFF83;
	p0 =	sne.s32 s15, s7  }
.Ltmp1:
0x2b: {  	[bflag:$0x0] =	sbarrier.arrive $0xFFFF;
	(pc) =	sbr.rel @p0 .LBB2_1-.Ltmp1, $4  }
0x2c: {  	[hbm:s12@s13], [sflag:s5] =	dma.strided [spmem:s8@s14], $0x50, s9, $0x10   }
0x2d: {  	_ =	swait.ge [sflag:s9], $0x50  }
0x2e: {  	[sflag:s9] =	ssyncset.done $0x0  }
0x2f: {  	[sflag:s9] =	ssyncadd.s32 $0xFFFFFFB0  }
0x30: {  	_ =	sfence.sel $0x180000  }
0x31: {  	[bflag:$0x0] =	sbarrier.arrive $0xFFFF  }
0x32: {  	p0 =	sne.s32 s1, $0x0;
	_ =	strace $0x90000047  }
0x33: {  	s0 =	sadd.s32 @!p0 $0x100000, s0;
	[bflag:$0x2] =	sbarrier.arrive $0xFFFF  }
0x34: {  	[sflag:s0] =	ssyncadd.tile.s32 @!p0 $0x1;
	_ =	shalt  }
.Lfunc_end2:
_tile_overlayer_lowered:
.L_overlay_start_2:
0x35: {  	(tag) =	ssettag $0x2  }
0x36: {  	s0 =	rddreg [dreg:$0x0];
	s2 =	stileid.u32  }
0x37: {  	s1 =	rddreg [dreg:$0x1];
	p0 =	sne.s32 s2, $0x0  }
0x38: {  	s3 =	rddreg [dreg:$0x2];
	[bflag:$0x3] =	sbarrier.arrive $0xFFFF;
	s2 =	simm.s32 @!p0 $0x1C01  }
0x39: {  	[timem:s3], [sflag:s2] =	dma.local @!p0 [hbm:s0], s1  }
0x3a: {  	s0 =	simm.s32 @!p0 $0x1  }
0x3b: {  	_ =	swait.ge @!p0 [sflag:s0], s1  }
0x3c: {  	s1 =	ssub.s32 @!p0 $0x0, s1;
	[sflag:s0] =	ssyncset.done @!p0 $0x0  }
0x3d: {  	[sflag:s0] =	ssyncadd.s32 @!p0 s1  }
0x3e: {  	[bflag:$0x3] =	sbarrier.arrive $0xFFFF  }
0x3f: {  	_ =	shalt  }

</sc_bundles>
